<compile_context>
chip_gen: v7x
topology: tpu7x:2x2x1
jax: 0.10.2.dev20260603
libtpu: 0.0.44.dev20260713+nightly
codegen_flags: <defaults>
</compile_context>

<pallas_src>
import functools

import jax
import jax.numpy as jnp
from jax import lax
from jax.experimental import pallas as pl
from jax.experimental.pallas import tpu as pltpu
from jax.experimental.pallas import tpu_sc as plsc

_NC = 2
_NS = 16
_NW = _NC * _NS
_L = 16

_R = 16384
_C = 200
_N = _R * _C

_RB = 128
_CT = _C // 8
_BLK = _RB * _C
_R_PER_W = _R // _NW
_NBLK = _R_PER_W // _RB


def _vgather(src, idx):
    dn = lax.GatherDimensionNumbers(
        offset_dims=(), collapsed_slice_dims=(0,), start_index_map=(0,))
    return lax.gather(src, idx.reshape(_L, 1), dn, (1,),
                      mode=lax.GatherScatterMode.PROMISE_IN_BOUNDS)


def _bcast(src, lane):
    return _vgather(src, jnp.full((_L,), lane, jnp.int32))


@functools.partial(
    pl.kernel,
    mesh=plsc.VectorSubcoreMesh(core_axis_name="c", subcore_axis_name="s"),
    out_type=jax.ShapeDtypeStruct((_N,), jnp.int32),
    scratch_types=[
        pltpu.VMEM((_CT, 8, _RB), jnp.uint32),
        pltpu.VMEM((_CT, 8, _RB), jnp.uint32),
        pltpu.VMEM((_BLK,), jnp.int32),
        pltpu.VMEM((_BLK,), jnp.int32),
        pltpu.VMEM((_L,), jnp.int32),
        pltpu.SemaphoreType.DMA,
        pltpu.SemaphoreType.DMA,
    ],
    compiler_params=pltpu.CompilerParams(
        use_tc_tiling_on_sc=True, needs_layout_passes=False),
)
def _lookup(words_hbm, tbl_hbm, lo_hbm, in_a, in_b, out_a, out_b, tblv,
            sem_in, sem_out):
    wid = lax.axis_index("s") * jnp.int32(_NC) + lax.axis_index("c")
    base_r = wid * jnp.int32(_R_PER_W)

    pltpu.sync_copy(tbl_hbm, tblv)
    t = tblv[...]
    k0 = _bcast(t, 0)
    k1 = _bcast(t, 1)
    v0 = _bcast(t, 2)
    v1 = _bcast(t, 3)
    neg1 = jnp.full((_L,), -1, jnp.int32)
    iota_c = lax.iota(jnp.int32, _L) * jnp.int32(_C)
    pats = [iota_c + jnp.int32(lv * _L * _C) for lv in range(8)]

    in_bufs = (in_a, in_b)
    out_bufs = (out_a, out_b)
    pending_in = [None, None]
    pending_out = [None, None]

    def fire_in(blk, sel):
        r0 = base_r + jnp.int32(blk * _RB)
        pending_in[sel] = [
            pltpu.async_copy(
                words_hbm.at[pl.ds(jnp.int32(8 * a), 8), pl.ds(r0, _RB)],
                in_bufs[sel].at[jnp.int32(a)], sem_in)
            for a in range(_CT)
        ]

    fire_in(0, 0)
    for blk in range(_NBLK):
        sel = blk & 1
        in_buf = in_bufs[sel]
        out_buf = out_bufs[sel]
        for h in pending_in[sel]:
            h.wait()
        if blk + 1 < _NBLK:
            fire_in(blk + 1, sel ^ 1)
        if pending_out[sel] is not None:
            pending_out[sel].wait()

        @plsc.parallel_loop(jnp.int32(0), jnp.int32(_CT * 8),
                            jnp.int32(1), unroll=2)
        def do_col(n, in_buf=in_buf, out_buf=out_buf):
            a = n >> jnp.int32(3)
            s = n & jnp.int32(7)
            c = (a << jnp.int32(3)) + s
            for lv in range(8):
                x_u = in_buf[a, s, pl.ds(jnp.int32(lv * _L), _L)]
                x = plsc.bitcast(x_u, jnp.int32)
                m0 = x == k0
                m1 = x == k1
                lo = jnp.where(m0, v0, jnp.where(m1, v1, neg1))
                plsc.store_scatter(out_buf, [c + pats[lv]], lo)

        off = (base_r + jnp.int32(blk * _RB)) * jnp.int32(_C)
        pending_out[sel] = pltpu.async_copy(
            out_buf, lo_hbm.at[pl.ds(off, _BLK)], sem_out)
    for p in pending_out:
        if p is not None:
            p.wait()


def kernel(names, table_keys, table_values):
    words_t = names.T.astype(jnp.uint32)
    tk = table_keys.astype(jnp.int32)
    tv = table_values.astype(jnp.int32)
    tbl = jnp.concatenate([tk, tv, jnp.zeros((_L - 4,), jnp.int32)])
    out_lo = _lookup(words_t, tbl)
    return out_lo.astype(jnp.int64)

# --- scband reference (transcript-rebuilt; emitter-appended) ---
"""Pipeline reference for scband-lookup-11879879543903 (READ-ONLY COPY).

The authoritative reference and input builder live on the scoring server;
editing this copy changes nothing except your own understanding.
"""

import jax
jax.config.update("jax_enable_x64", True)
import jax.numpy as jnp
import numpy as np


def setup_inputs(seed: int = 0) -> dict:
    key = jax.random.key(seed)
    # names: integer-encoded string keys. 0 == 'a', 1 == 'b'; values 2,3 miss the table.
    names = jax.random.randint(key, (16384, 200), 0, 4, dtype=jnp.int64)
    # StaticHashTable contents: {'a': 1, 'b': 2}, default -1
    table_keys = jnp.array([0, 1], dtype=jnp.int64)
    table_values = jnp.array([1, 2], dtype=jnp.int64)
    return {"names": names, "table_keys": table_keys, "table_values": table_values}


def reference(names, table_keys, table_values):
    # Faithful translation of tf.lookup.StaticHashTable.lookup(tf.reshape(names, [-1]))
    flat = jnp.reshape(names, (-1,))
    # match each query against every table key (table is tiny: 2 entries)
    matches = flat[:, None] == table_keys[None, :]
    found = jnp.any(matches, axis=1)
    idx = jnp.argmax(matches, axis=1)
    gathered = jnp.take(table_values, idx, axis=0)
    out = jnp.where(found, gathered, jnp.int64(-1))
    return out

if __name__ == "__main__":
    import jax
    _d = setup_inputs()
    print(jax.jit(kernel)(*tuple(_d.values())))

</pallas_src>

<mosaic_0001>
#map = affine_map<(d0, d1) -> (0, 0)>
#map1 = affine_map<(d0, d1) -> (0)>
module attributes {stable_mosaic.version = 14 : i64} {
  func.func @_lookup(%arg0: i32, %arg1: i32, %arg2: memref<200x16384xi32, #tpu.memory_space<hbm>>, %arg3: memref<16xi32, #tpu.memory_space<hbm>>, %arg4: memref<3276800xi32, #tpu.memory_space<hbm>>, %arg5: memref<25x8x128xi32, #tpu.memory_space<vmem>>, %arg6: memref<25x8x128xi32, #tpu.memory_space<vmem>>, %arg7: memref<25600xi32, #tpu.memory_space<vmem>>, %arg8: memref<25600xi32, #tpu.memory_space<vmem>>, %arg9: memref<16xi32, #tpu.memory_space<vmem>>, %arg10: memref<!tpu.dma_semaphore, #tpu.memory_space<semaphore_mem>>, %arg11: memref<!tpu.dma_semaphore, #tpu.memory_space<semaphore_mem>>) attributes {dimension_semantics = [#tpu.dimension_semantics<core_parallel>, #tpu.dimension_semantics<subcore_parallel>], iteration_bounds = array<i64: 2, 16>, scalar_prefetch = 0 : i64, scratch_operands = 7 : i64, tpu.core_type = #tpu.core_type<sc_vector_subcore>, window_params = [{transform_indices = #map}, {transform_indices = #map1}, {transform_indices = #map1}]} {
    %mul3A = arith.constant 2 : i32
    %mul3A_0 = arith.muli %arg1, %mul3A : i32
    %add3A = arith.addi %mul3A_0, %arg0 : i32
    %mul3A_1 = arith.constant 512 : i32
    %mul3A_2 = arith.muli %add3A, %mul3A_1 : i32
    "tpu.region"() ({
      %run_scoped3A = tpu.sem_alloc : memref<!tpu.dma_semaphore, #tpu.memory_space<semaphore_mem>>
      tpu.enqueue_dma source(%arg3 : memref<16xi32, #tpu.memory_space<hbm>>) target(%arg9 : memref<16xi32, #tpu.memory_space<vmem>>) target_semaphore(%run_scoped3A : memref<!tpu.dma_semaphore, #tpu.memory_space<semaphore_mem>>)
      tpu.wait_dma2 semaphore(%run_scoped3A : memref<!tpu.dma_semaphore, #tpu.memory_space<semaphore_mem>>) src(%arg3 : memref<16xi32, #tpu.memory_space<hbm>>) dst(%arg9 : memref<16xi32, #tpu.memory_space<vmem>>)
      tpu.yield
    }) : () -> ()
    %get3A = arith.constant 0 : index
    %get3A_3 = tpu.vector_load %arg9[%get3A] {strides = array<i32>} : memref<16xi32, #tpu.memory_space<vmem>>, vector<16xi32>,
    %broadcast_in_dim3A = arith.constant 0 : i32
    %broadcast_in_dim3A_4 = vector.broadcast %broadcast_in_dim3A : i32 to vector<16xi32>
    %reshape3A = vector.shape_cast %broadcast_in_dim3A_4 : vector<16xi32> to vector<16x1xi32>
    %gather3A = vector.shape_cast %reshape3A : vector<16x1xi32> to vector<16xi32>
    %gather3A_5 = tpu.dynamic_gather %get3A_3[%gather3A] in [0] : vector<16xi32>, vector<16xi32> -> vector<16xi32>
    %broadcast_in_dim3A_6 = arith.constant 1 : i32
    %broadcast_in_dim3A_7 = vector.broadcast %broadcast_in_dim3A_6 : i32 to vector<16xi32>
    %reshape3A_8 = vector.shape_cast %broadcast_in_dim3A_7 : vector<16xi32> to vector<16x1xi32>
    %gather3A_9 = vector.shape_cast %reshape3A_8 : vector<16x1xi32> to vector<16xi32>
    %gather3A_10 = tpu.dynamic_gather %get3A_3[%gather3A_9] in [0] : vector<16xi32>, vector<16xi32> -> vector<16xi32>
    %broadcast_in_dim3A_11 = arith.constant 2 : i32
    %broadcast_in_dim3A_12 = vector.broadcast %broadcast_in_dim3A_11 : i32 to vector<16xi32>
    %reshape3A_13 = vector.shape_cast %broadcast_in_dim3A_12 : vector<16xi32> to vector<16x1xi32>
    %gather3A_14 = vector.shape_cast %reshape3A_13 : vector<16x1xi32> to vector<16xi32>
    %gather3A_15 = tpu.dynamic_gather %get3A_3[%gather3A_14] in [0] : vector<16xi32>, vector<16xi32> -> vector<16xi32>
    %broadcast_in_dim3A_16 = arith.constant 3 : i32
    %broadcast_in_dim3A_17 = vector.broadcast %broadcast_in_dim3A_16 : i32 to vector<16xi32>
    %reshape3A_18 = vector.shape_cast %broadcast_in_dim3A_17 : vector<16xi32> to vector<16x1xi32>
    %gather3A_19 = vector.shape_cast %reshape3A_18 : vector<16x1xi32> to vector<16xi32>
    %gather3A_20 = tpu.dynamic_gather %get3A_3[%gather3A_19] in [0] : vector<16xi32>, vector<16xi32> -> vector<16xi32>
    %broadcast_in_dim3A_21 = arith.constant -1 : i32
    %broadcast_in_dim3A_22 = vector.broadcast %broadcast_in_dim3A_21 : i32 to vector<16xi32>
    %iota3A = tpu.iota {dimensions = array<i32: 0>} : vector<16xi32>
    %mul3A_23 = arith.constant 200 : i32
    %mul3A_24 = vector.broadcast %mul3A_23 : i32 to vector<16xi32>
    %mul3A_25 = arith.muli %iota3A, %mul3A_24 : vector<16xi32>
    %add3A_26 = arith.constant 0 : i32
    %add3A_27 = vector.broadcast %add3A_26 : i32 to vector<16xi32>
    %add3A_28 = arith.addi %mul3A_25, %add3A_27 : vector<16xi32>
    %add3A_29 = arith.constant 3200 : i32
    %add3A_30 = vector.broadcast %add3A_29 : i32 to vector<16xi32>
    %add3A_31 = arith.addi %mul3A_25, %add3A_30 : vector<16xi32>
    %add3A_32 = arith.constant 6400 : i32
    %add3A_33 = vector.broadcast %add3A_32 : i32 to vector<16xi32>
    %add3A_34 = arith.addi %mul3A_25, %add3A_33 : vector<16xi32>
    %add3A_35 = arith.constant 9600 : i32
    %add3A_36 = vector.broadcast %add3A_35 : i32 to vector<16xi32>
    %add3A_37 = arith.addi %mul3A_25, %add3A_36 : vector<16xi32>
    %add3A_38 = arith.constant 12800 : i32
    %add3A_39 = vector.broadcast %add3A_38 : i32 to vector<16xi32>
    %add3A_40 = arith.addi %mul3A_25, %add3A_39 : vector<16xi32>
    %add3A_41 = arith.constant 16000 : i32
    %add3A_42 = vector.broadcast %add3A_41 : i32 to vector<16xi32>
    %add3A_43 = arith.addi %mul3A_25, %add3A_42 : vector<16xi32>
    %add3A_44 = arith.constant 19200 : i32
    %add3A_45 = vector.broadcast %add3A_44 : i32 to vector<16xi32>
    %add3A_46 = arith.addi %mul3A_25, %add3A_45 : vector<16xi32>
    %add3A_47 = arith.constant 22400 : i32
    %add3A_48 = vector.broadcast %add3A_47 : i32 to vector<16xi32>
    %add3A_49 = arith.addi %mul3A_25, %add3A_48 : vector<16xi32>
    %add3A_50 = arith.constant 0 : i32
    %add3A_51 = arith.addi %mul3A_2, %add3A_50 : i32
    %dma_start3A = arith.constant 0 : i32
    %dma_start3A_52 = arith.constant 0 : i32
    %dma_start3A_53 = arith.constant 0 : i32
    %dma_start3A_54 = arith.constant 0 : i32
    %dma_start3A_55 = tpu.memref_slice %arg5[%dma_start3A_52, %dma_start3A_53, %dma_start3A_54] : memref<25x8x128xi32, #tpu.memory_space<vmem>> -> memref<1x8x128xi32, #tpu.memory_space<vmem>>
    %dma_start3A_56 = tpu.memref_squeeze %dma_start3A_55 : memref<1x8x128xi32, #tpu.memory_space<vmem>> -> memref<8x128xi32, #tpu.memory_space<vmem>>
    %dma_start3A_57 = tpu.memref_slice %arg2[%dma_start3A, %add3A_51] : memref<200x16384xi32, #tpu.memory_space<hbm>> -> memref<8x128xi32, #tpu.memory_space<hbm>>
    %dma_start3A_58 = arith.constant 0 : i32
    %dma_start3A_59 = arith.constant 0 : i32
    %dma_start3A_60 = tpu.memref_slice %arg5[%dma_start3A_52, %dma_start3A_58, %dma_start3A_59] : memref<25x8x128xi32, #tpu.memory_space<vmem>> -> memref<1x8x128xi32, #tpu.memory_space<vmem>>
    %dma_start3A_61 = tpu.memref_squeeze %dma_start3A_60 : memref<1x8x128xi32, #tpu.memory_space<vmem>> -> memref<8x128xi32, #tpu.memory_space<vmem>>
    %dma_start3A_62 = tpu.memref_slice %arg2[%dma_start3A, %add3A_51] : memref<200x16384xi32, #tpu.memory_space<hbm>> -> memref<8x128xi32, #tpu.memory_space<hbm>>
    tpu.enqueue_dma source(%dma_start3A_62 : memref<8x128xi32, #tpu.memory_space<hbm>>) target(%dma_start3A_61 : memref<8x128xi32, #tpu.memory_space<vmem>>) target_semaphore(%arg10 : memref<!tpu.dma_semaphore, #tpu.memory_space<semaphore_mem>>)
    %dma_start3A_63 = arith.constant 8 : i32
    %dma_start3A_64 = arith.constant 1 : i32
    %dma_start3A_65 = arith.constant 0 : i32
    %dma_start3A_66 = arith.constant 0 : i32
    %dma_start3A_67 = tpu.memref_slice %arg5[%dma_start3A_64, %dma_start3A_65, %dma_start3A_66] : memref<25x8x128xi32, #tpu.memory_space<vmem>> -> memref<1x8x128xi32, #tpu.memory_space<vmem>>
    %dma_start3A_68 = tpu.memref_squeeze %dma_start3A_67 : memref<1x8x128xi32, #tpu.memory_space<vmem>> -> memref<8x128xi32, #tpu.memory_space<vmem>>
    %dma_start3A_69 = tpu.memref_slice %arg2[%dma_start3A_63, %add3A_51] : memref<200x16384xi32, #tpu.memory_space<hbm>> -> memref<8x128xi32, #tpu.memory_space<hbm>>
    %dma_start3A_70 = arith.constant 0 : i32
    %dma_start3A_71 = arith.constant 0 : i32
    %dma_start3A_72 = tpu.memref_slice %arg5[%dma_start3A_64, %dma_start3A_70, %dma_start3A_71] : memref<25x8x128xi32, #tpu.memory_space<vmem>> -> memref<1x8x128xi32, #tpu.memory_space<vmem>>
    %dma_start3A_73 = tpu.memref_squeeze %dma_start3A_72 : memref<1x8x128xi32, #tpu.memory_space<vmem>> -> memref<8x128xi32, #tpu.memory_space<vmem>>
    %dma_start3A_74 = tpu.memref_slice %arg2[%dma_start3A_63, %add3A_51] : memref<200x16384xi32, #tpu.memory_space<hbm>> -> memref<8x128xi32, #tpu.memory_space<hbm>>
    tpu.enqueue_dma source(%dma_start3A_74 : memref<8x128xi32, #tpu.memory_space<hbm>>) target(%dma_start3A_73 : memref<8x128xi32, #tpu.memory_space<vmem>>) target_semaphore(%arg10 : memref<!tpu.dma_semaphore, #tpu.memory_space<semaphore_mem>>)
    %dma_start3A_75 = arith.constant 16 : i32
    %dma_start3A_76 = arith.constant 2 : i32
    %dma_start3A_77 = arith.constant 0 : i32
    %dma_start3A_78 = arith.constant 0 : i32
    %dma_start3A_79 = tpu.memref_slice %arg5[%dma_start3A_76, %dma_start3A_77, %dma_start3A_78] : memref<25x8x128xi32, #tpu.memory_space<vmem>> -> memref<1x8x128xi32, #tpu.memory_space<vmem>>
    %dma_start3A_80 = tpu.memref_squeeze %dma_start3A_79 : memref<1x8x128xi32, #tpu.memory_space<vmem>> -> memref<8x128xi32, #tpu.memory_space<vmem>>
    %dma_start3A_81 = tpu.memref_slice %arg2[%dma_start3A_75, %add3A_51] : memref<200x16384xi32, #tpu.memory_space<hbm>> -> memref<8x128xi32, #tpu.memory_space<hbm>>
    %dma_start3A_82 = arith.constant 0 : i32
    %dma_start3A_83 = arith.constant 0 : i32
    %dma_start3A_84 = tpu.memref_slice %arg5[%dma_start3A_76, %dma_start3A_82, %dma_start3A_83] : memref<25x8x128xi32, #tpu.memory_space<vmem>> -> memref<1x8x128xi32, #tpu.memory_space<vmem>>
    %dma_start3A_85 = tpu.memref_squeeze %dma_start3A_84 : memref<1x8x128xi32, #tpu.memory_space<vmem>> -> memref<8x128xi32, #tpu.memory_space<vmem>>
    %dma_start3A_86 = tpu.memref_slice %arg2[%dma_start3A_75, %add3A_51] : memref<200x16384xi32, #tpu.memory_space<hbm>> -> memref<8x128xi32, #tpu.memory_space<hbm>>
    tpu.enqueue_dma source(%dma_start3A_86 : memref<8x128xi32, #tpu.memory_space<hbm>>) target(%dma_start3A_85 : memref<8x128xi32, #tpu.memory_space<vmem>>) target_semaphore(%arg10 : memref<!tpu.dma_semaphore, #tpu.memory_space<semaphore_mem>>)
    %dma_start3A_87 = arith.constant 24 : i32
    %dma_start3A_88 = arith.constant 3 : i32
    %dma_start3A_89 = arith.constant 0 : i32
    %dma_start3A_90 = arith.constant 0 : i32
    %dma_start3A_91 = tpu.memref_slice %arg5[%dma_start3A_88, %dma_start3A_89, %dma_start3A_90] : memref<25x8x128xi32, #tpu.memory_space<vmem>> -> memref<1x8x128xi32, #tpu.memory_space<vmem>>
    %dma_start3A_92 = tpu.memref_squeeze %dma_start3A_91 : memref<1x8x128xi32, #tpu.memory_space<vmem>> -> memref<8x128xi32, #tpu.memory_space<vmem>>
    %dma_start3A_93 = tpu.memref_slice %arg2[%dma_start3A_87, %add3A_51] : memref<200x16384xi32, #tpu.memory_space<hbm>> -> memref<8x128xi32, #tpu.memory_space<hbm>>
    %dma_start3A_94 = arith.constant 0 : i32
    %dma_start3A_95 = arith.constant 0 : i32
    %dma_start3A_96 = tpu.memref_slice %arg5[%dma_start3A_88, %dma_start3A_94, %dma_start3A_95] : memref<25x8x128xi32, #tpu.memory_space<vmem>> -> memref<1x8x128xi32, #tpu.memory_space<vmem>>
    %dma_start3A_97 = tpu.memref_squeeze %dma_start3A_96 : memref<1x8x128xi32, #tpu.memory_space<vmem>> -> memref<8x128xi32, #tpu.memory_space<vmem>>
    %dma_start3A_98 = tpu.memref_slice %arg2[%dma_start3A_87, %add3A_51] : memref<200x16384xi32, #tpu.memory_space<hbm>> -> memref<8x128xi32, #tpu.memory_space<hbm>>
    tpu.enqueue_dma source(%dma_start3A_98 : memref<8x128xi32, #tpu.memory_space<hbm>>) target(%dma_start3A_97 : memref<8x128xi32, #tpu.memory_space<vmem>>) target_semaphore(%arg10 : memref<!tpu.dma_semaphore, #tpu.memory_space<semaphore_mem>>)
    %dma_start3A_99 = arith.constant 32 : i32
    %dma_start3A_100 = arith.constant 4 : i32
    %dma_start3A_101 = arith.constant 0 : i32
    %dma_start3A_102 = arith.constant 0 : i32
    %dma_start3A_103 = tpu.memref_slice %arg5[%dma_start3A_100, %dma_start3A_101, %dma_start3A_102] : memref<25x8x128xi32, #tpu.memory_space<vmem>> -> memref<1x8x128xi32, #tpu.memory_space<vmem>>
    %dma_start3A_104 = tpu.memref_squeeze %dma_start3A_103 : memref<1x8x128xi32, #tpu.memory_space<vmem>> -> memref<8x128xi32, #tpu.memory_space<vmem>>
    %dma_start3A_105 = tpu.memref_slice %arg2[%dma_start3A_99, %add3A_51] : memref<200x16384xi32, #tpu.memory_space<hbm>> -> memref<8x128xi32, #tpu.memory_space<hbm>>
    %dma_start3A_106 = arith.constant 0 : i32
    %dma_start3A_107 = arith.constant 0 : i32
    %dma_start3A_108 = tpu.memref_slice %arg5[%dma_start3A_100, %dma_start3A_106, %dma_start3A_107] : memref<25x8x128xi32, #tpu.memory_space<vmem>> -> memref<1x8x128xi32, #tpu.memory_space<vmem>>
    %dma_start3A_109 = tpu.memref_squeeze %dma_start3A_108 : memref<1x8x128xi32, #tpu.memory_space<vmem>> -> memref<8x128xi32, #tpu.memory_space<vmem>>
    %dma_start3A_110 = tpu.memref_slice %arg2[%dma_start3A_99, %add3A_51] : memref<200x16384xi32, #tpu.memory_space<hbm>> -> memref<8x128xi32, #tpu.memory_space<hbm>>
    tpu.enqueue_dma source(%dma_start3A_110 : memref<8x128xi32, #tpu.memory_space<hbm>>) target(%dma_start3A_109 : memref<8x128xi32, #tpu.memory_space<vmem>>) target_semaphore(%arg10 : memref<!tpu.dma_semaphore, #tpu.memory_space<semaphore_mem>>)
    %dma_start3A_111 = arith.constant 40 : i32
    %dma_start3A_112 = arith.constant 5 : i32
    %dma_start3A_113 = arith.constant 0 : i32
    %dma_start3A_114 = arith.constant 0 : i32
    %dma_start3A_115 = tpu.memref_slice %arg5[%dma_start3A_112, %dma_start3A_113, %dma_start3A_114] : memref<25x8x128xi32, #tpu.memory_space<vmem>> -> memref<1x8x128xi32, #tpu.memory_space<vmem>>
    %dma_start3A_116 = tpu.memref_squeeze %dma_start3A_115 : memref<1x8x128xi32, #tpu.memory_space<vmem>> -> memref<8x128xi32, #tpu.memory_space<vmem>>
    %dma_start3A_117 = tpu.memref_slice %arg2[%dma_start3A_111, %add3A_51] : memref<200x16384xi32, #tpu.memory_space<hbm>> -> memref<8x128xi32, #tpu.memory_space<hbm>>
    %dma_start3A_118 = arith.constant 0 : i32
    %dma_start3A_119 = arith.constant 0 : i32
    %dma_start3A_120 = tpu.memref_slice %arg5[%dma_start3A_112, %dma_start3A_118, %dma_start3A_119] : memref<25x8x128xi32, #tpu.memory_space<vmem>> -> memref<1x8x128xi32, #tpu.memory_space<vmem>>
    %dma_start3A_121 = tpu.memref_squeeze %dma_start3A_120 : memref<1x8x128xi32, #tpu.memory_space<vmem>> -> memref<8x128xi32, #tpu.memory_space<vmem>>
    %dma_start3A_122 = tpu.memref_slice %arg2[%dma_start3A_111, %add3A_51] : memref<200x16384xi32, #tpu.memory_space<hbm>> -> memref<8x128xi32, #tpu.memory_space<hbm>>
    tpu.enqueue_dma source(%dma_start3A_122 : memref<8x128xi32, #tpu.memory_space<hbm>>) target(%dma_start3A_121 : memref<8x128xi32, #tpu.memory_space<vmem>>) target_semaphore(%arg10 : memref<!tpu.dma_semaphore, #tpu.memory_space<semaphore_mem>>)
    %dma_start3A_123 = arith.constant 48 : i32
    %dma_start3A_124 = arith.constant 6 : i32
    %dma_start3A_125 = arith.constant 0 : i32
    %dma_start3A_126 = arith.constant 0 : i32
    %dma_start3A_127 = tpu.memref_slice %arg5[%dma_start3A_124, %dma_start3A_125, %dma_start3A_126] : memref<25x8x128xi32, #tpu.memory_space<vmem>> -> memref<1x8x128xi32, #tpu.memory_space<vmem>>
    %dma_start3A_128 = tpu.memref_squeeze %dma_start3A_127 : memref<1x8x128xi32, #tpu.memory_space<vmem>> -> memref<8x128xi32, #tpu.memory_space<vmem>>
    %dma_start3A_129 = tpu.memref_slice %arg2[%dma_start3A_123, %add3A_51] : memref<200x16384xi32, #tpu.memory_space<hbm>> -> memref<8x128xi32, #tpu.memory_space<hbm>>
    %dma_start3A_130 = arith.constant 0 : i32
    %dma_start3A_131 = arith.constant 0 : i32
    %dma_start3A_132 = tpu.memref_slice %arg5[%dma_start3A_124, %dma_start3A_130, %dma_start3A_131] : memref<25x8x128xi32, #tpu.memory_space<vmem>> -> memref<1x8x128xi32, #tpu.memory_space<vmem>>
    %dma_start3A_133 = tpu.memref_squeeze %dma_start3A_132 : memref<1x8x128xi32, #tpu.memory_space<vmem>> -> memref<8x128xi32, #tpu.memory_space<vmem>>
    %dma_start3A_134 = tpu.memref_slice %arg2[%dma_start3A_123, %add3A_51] : memref<200x16384xi32, #tpu.memory_space<hbm>> -> memref<8x128xi32, #tpu.memory_space<hbm>>
    tpu.enqueue_dma source(%dma_start3A_134 : memref<8x128xi32, #tpu.memory_space<hbm>>) target(%dma_start3A_133 : memref<8x128xi32, #tpu.memory_space<vmem>>) target_semaphore(%arg10 : memref<!tpu.dma_semaphore, #tpu.memory_space<semaphore_mem>>)
    %dma_start3A_135 = arith.constant 56 : i32
    %dma_start3A_136 = arith.constant 7 : i32
    %dma_start3A_137 = arith.constant 0 : i32
    %dma_start3A_138 = arith.constant 0 : i32
    %dma_start3A_139 = tpu.memref_slice %arg5[%dma_start3A_136, %dma_start3A_137, %dma_start3A_138] : memref<25x8x128xi32, #tpu.memory_space<vmem>> -> memref<1x8x128xi32, #tpu.memory_space<vmem>>
    %dma_start3A_140 = tpu.memref_squeeze %dma_start3A_139 : memref<1x8x128xi32, #tpu.memory_space<vmem>> -> memref<8x128xi32, #tpu.memory_space<vmem>>
    %dma_start3A_141 = tpu.memref_slice %arg2[%dma_start3A_135, %add3A_51] : memref<200x16384xi32, #tpu.memory_space<hbm>> -> memref<8x128xi32, #tpu.memory_space<hbm>>
    %dma_start3A_142 = arith.constant 0 : i32
    %dma_start3A_143 = arith.constant 0 : i32
    %dma_start3A_144 = tpu.memref_slice %arg5[%dma_start3A_136, %dma_start3A_142, %dma_start3A_143] : memref<25x8x128xi32, #tpu.memory_space<vmem>> -> memref<1x8x128xi32, #tpu.memory_space<vmem>>
    %dma_start3A_145 = tpu.memref_squeeze %dma_start3A_144 : memref<1x8x128xi32, #tpu.memory_space<vmem>> -> memref<8x128xi32, #tpu.memory_space<vmem>>
    %dma_start3A_146 = tpu.memref_slice %arg2[%dma_start3A_135, %add3A_51] : memref<200x16384xi32, #tpu.memory_space<hbm>> -> memref<8x128xi32, #tpu.memory_space<hbm>>
    tpu.enqueue_dma source(%dma_start3A_146 : memref<8x128xi32, #tpu.memory_space<hbm>>) target(%dma_start3A_145 : memref<8x128xi32, #tpu.memory_space<vmem>>) target_semaphore(%arg10 : memref<!tpu.dma_semaphore, #tpu.memory_space<semaphore_mem>>)
    %dma_start3A_147 = arith.constant 64 : i32
    %dma_start3A_148 = arith.constant 8 : i32
    %dma_start3A_149 = arith.constant 0 : i32
    %dma_start3A_150 = arith.constant 0 : i32
    %dma_start3A_151 = tpu.memref_slice %arg5[%dma_start3A_148, %dma_start3A_149, %dma_start3A_150] : memref<25x8x128xi32, #tpu.memory_space<vmem>> -> memref<1x8x128xi32, #tpu.memory_space<vmem>>
    %dma_start3A_152 = tpu.memref_squeeze %dma_start3A_151 : memref<1x8x128xi32, #tpu.memory_space<vmem>> -> memref<8x128xi32, #tpu.memory_space<vmem>>
    %dma_start3A_153 = tpu.memref_slice %arg2[%dma_start3A_147, %add3A_51] : memref<200x16384xi32, #tpu.memory_space<hbm>> -> memref<8x128xi32, #tpu.memory_space<hbm>>
    %dma_start3A_154 = arith.constant 0 : i32
    %dma_start3A_155 = arith.constant 0 : i32
    %dma_start3A_156 = tpu.memref_slice %arg5[%dma_start3A_148, %dma_start3A_154, %dma_start3A_155] : memref<25x8x128xi32, #tpu.memory_space<vmem>> -> memref<1x8x128xi32, #tpu.memory_space<vmem>>
    %dma_start3A_157 = tpu.memref_squeeze %dma_start3A_156 : memref<1x8x128xi32, #tpu.memory_space<vmem>> -> memref<8x128xi32, #tpu.memory_space<vmem>>
    %dma_start3A_158 = tpu.memref_slice %arg2[%dma_start3A_147, %add3A_51] : memref<200x16384xi32, #tpu.memory_space<hbm>> -> memref<8x128xi32, #tpu.memory_space<hbm>>
    tpu.enqueue_dma source(%dma_start3A_158 : memref<8x128xi32, #tpu.memory_space<hbm>>) target(%dma_start3A_157 : memref<8x128xi32, #tpu.memory_space<vmem>>) target_semaphore(%arg10 : memref<!tpu.dma_semaphore, #tpu.memory_space<semaphore_mem>>)
    %dma_start3A_159 = arith.constant 72 : i32
    %dma_start3A_160 = arith.constant 9 : i32
    %dma_start3A_161 = arith.constant 0 : i32
    %dma_start3A_162 = arith.constant 0 : i32
    %dma_start3A_163 = tpu.memref_slice %arg5[%dma_start3A_160, %dma_start3A_161, %dma_start3A_162] : memref<25x8x128xi32, #tpu.memory_space<vmem>> -> memref<1x8x128xi32, #tpu.memory_space<vmem>>
    %dma_start3A_164 = tpu.memref_squeeze %dma_start3A_163 : memref<1x8x128xi32, #tpu.memory_space<vmem>> -> memref<8x128xi32, #tpu.memory_space<vmem>>
    %dma_start3A_165 = tpu.memref_slice %arg2[%dma_start3A_159, %add3A_51] : memref<200x16384xi32, #tpu.memory_space<hbm>> -> memref<8x128xi32, #tpu.memory_space<hbm>>
    %dma_start3A_166 = arith.constant 0 : i32
    %dma_start3A_167 = arith.constant 0 : i32
    %dma_start3A_168 = tpu.memref_slice %arg5[%dma_start3A_160, %dma_start3A_166, %dma_start3A_167] : memref<25x8x128xi32, #tpu.memory_space<vmem>> -> memref<1x8x128xi32, #tpu.memory_space<vmem>>
    %dma_start3A_169 = tpu.memref_squeeze %dma_start3A_168 : memref<1x8x128xi32, #tpu.memory_space<vmem>> -> memref<8x128xi32, #tpu.memory_space<vmem>>
    %dma_start3A_170 = tpu.memref_slice %arg2[%dma_start3A_159, %add3A_51] : memref<200x16384xi32, #tpu.memory_space<hbm>> -> memref<8x128xi32, #tpu.memory_space<hbm>>
    tpu.enqueue_dma source(%dma_start3A_170 : memref<8x128xi32, #tpu.memory_space<hbm>>) target(%dma_start3A_169 : memref<8x128xi32, #tpu.memory_space<vmem>>) target_semaphore(%arg10 : memref<!tpu.dma_semaphore, #tpu.memory_space<semaphore_mem>>)
    %dma_start3A_171 = arith.constant 80 : i32
    %dma_start3A_172 = arith.constant 10 : i32
    %dma_start3A_173 = arith.constant 0 : i32
    %dma_start3A_174 = arith.constant 0 : i32
    %dma_start3A_175 = tpu.memref_slice %arg5[%dma_start3A_172, %dma_start3A_173, %dma_start3A_174] : memref<25x8x128xi32, #tpu.memory_space<vmem>> -> memref<1x8x128xi32, #tpu.memory_space<vmem>>
    %dma_start3A_176 = tpu.memref_squeeze %dma_start3A_175 : memref<1x8x128xi32, #tpu.memory_space<vmem>> -> memref<8x128xi32, #tpu.memory_space<vmem>>
    %dma_start3A_177 = tpu.memref_slice %arg2[%dma_start3A_171, %add3A_51] : memref<200x16384xi32, #tpu.memory_space<hbm>> -> memref<8x128xi32, #tpu.memory_space<hbm>>
    %dma_start3A_178 = arith.constant 0 : i32
    %dma_start3A_179 = arith.constant 0 : i32
    %dma_start3A_180 = tpu.memref_slice %arg5[%dma_start3A_172, %dma_start3A_178, %dma_start3A_179] : memref<25x8x128xi32, #tpu.memory_space<vmem>> -> memref<1x8x128xi32, #tpu.memory_space<vmem>>
    %dma_start3A_181 = tpu.memref_squeeze %dma_start3A_180 : memref<1x8x128xi32, #tpu.memory_space<vmem>> -> memref<8x128xi32, #tpu.memory_space<vmem>>
    %dma_start3A_182 = tpu.memref_slice %arg2[%dma_start3A_171, %add3A_51] : memref<200x16384xi32, #tpu.memory_space<hbm>> -> memref<8x128xi32, #tpu.memory_space<hbm>>
    tpu.enqueue_dma source(%dma_start3A_182 : memref<8x128xi32, #tpu.memory_space<hbm>>) target(%dma_start3A_181 : memref<8x128xi32, #tpu.memory_space<vmem>>) target_semaphore(%arg10 : memref<!tpu.dma_semaphore, #tpu.memory_space<semaphore_mem>>)
    %dma_start3A_183 = arith.constant 88 : i32
    %dma_start3A_184 = arith.constant 11 : i32
    %dma_start3A_185 = arith.constant 0 : i32
    %dma_start3A_186 = arith.constant 0 : i32
    %dma_start3A_187 = tpu.memref_slice %arg5[%dma_start3A_184, %dma_start3A_185, %dma_start3A_186] : memref<25x8x128xi32, #tpu.memory_space<vmem>> -> memref<1x8x128xi32, #tpu.memory_space<vmem>>
    %dma_start3A_188 = tpu.memref_squeeze %dma_start3A_187 : memref<1x8x128xi32, #tpu.memory_space<vmem>> -> memref<8x128xi32, #tpu.memory_space<vmem>>
    %dma_start3A_189 = tpu.memref_slice %arg2[%dma_start3A_183, %add3A_51] : memref<200x16384xi32, #tpu.memory_space<hbm>> -> memref<8x128xi32, #tpu.memory_space<hbm>>
    %dma_start3A_190 = arith.constant 0 : i32
    %dma_start3A_191 = arith.constant 0 : i32
    %dma_start3A_192 = tpu.memref_slice %arg5[%dma_start3A_184, %dma_start3A_190, %dma_start3A_191] : memref<25x8x128xi32, #tpu.memory_space<vmem>> -> memref<1x8x128xi32, #tpu.memory_space<vmem>>
    %dma_start3A_193 = tpu.memref_squeeze %dma_start3A_192 : memref<1x8x128xi32, #tpu.memory_space<vmem>> -> memref<8x128xi32, #tpu.memory_space<vmem>>
    %dma_start3A_194 = tpu.memref_slice %arg2[%dma_start3A_183, %add3A_51] : memref<200x16384xi32, #tpu.memory_space<hbm>> -> memref<8x128xi32, #tpu.memory_space<hbm>>
    tpu.enqueue_dma source(%dma_start3A_194 : memref<8x128xi32, #tpu.memory_space<hbm>>) target(%dma_start3A_193 : memref<8x128xi32, #tpu.memory_space<vmem>>) target_semaphore(%arg10 : memref<!tpu.dma_semaphore, #tpu.memory_space<semaphore_mem>>)
    %dma_start3A_195 = arith.constant 96 : i32
    %dma_start3A_196 = arith.constant 12 : i32
    %dma_start3A_197 = arith.constant 0 : i32
    %dma_start3A_198 = arith.constant 0 : i32
    %dma_start3A_199 = tpu.memref_slice %arg5[%dma_start3A_196, %dma_start3A_197, %dma_start3A_198] : memref<25x8x128xi32, #tpu.memory_space<vmem>> -> memref<1x8x128xi32, #tpu.memory_space<vmem>>
    %dma_start3A_200 = tpu.memref_squeeze %dma_start3A_199 : memref<1x8x128xi32, #tpu.memory_space<vmem>> -> memref<8x128xi32, #tpu.memory_space<vmem>>
    %dma_start3A_201 = tpu.memref_slice %arg2[%dma_start3A_195, %add3A_51] : memref<200x16384xi32, #tpu.memory_space<hbm>> -> memref<8x128xi32, #tpu.memory_space<hbm>>
    %dma_start3A_202 = arith.constant 0 : i32
    %dma_start3A_203 = arith.constant 0 : i32
    %dma_start3A_204 = tpu.memref_slice %arg5[%dma_start3A_196, %dma_start3A_202, %dma_start3A_203] : memref<25x8x128xi32, #tpu.memory_space<vmem>> -> memref<1x8x128xi32, #tpu.memory_space<vmem>>
    %dma_start3A_205 = tpu.memref_squeeze %dma_start3A_204 : memref<1x8x128xi32, #tpu.memory_space<vmem>> -> memref<8x128xi32, #tpu.memory_space<vmem>>
    %dma_start3A_206 = tpu.memref_slice %arg2[%dma_start3A_195, %add3A_51] : memref<200x16384xi32, #tpu.memory_space<hbm>> -> memref<8x128xi32, #tpu.memory_space<hbm>>
    tpu.enqueue_dma source(%dma_start3A_206 : memref<8x128xi32, #tpu.memory_space<hbm>>) target(%dma_start3A_205 : memref<8x128xi32, #tpu.memory_space<vmem>>) target_semaphore(%arg10 : memref<!tpu.dma_semaphore, #tpu.memory_space<semaphore_mem>>)
    %dma_start3A_207 = arith.constant 104 : i32
    %dma_start3A_208 = arith.constant 13 : i32
    %dma_start3A_209 = arith.constant 0 : i32
    %dma_start3A_210 = arith.constant 0 : i32
    %dma_start3A_211 = tpu.memref_slice %arg5[%dma_start3A_208, %dma_start3A_209, %dma_start3A_210] : memref<25x8x128xi32, #tpu.memory_space<vmem>> -> memref<1x8x128xi32, #tpu.memory_space<vmem>>
    %dma_start3A_212 = tpu.memref_squeeze %dma_start3A_211 : memref<1x8x128xi32, #tpu.memory_space<vmem>> -> memref<8x128xi32, #tpu.memory_space<vmem>>
    %dma_start3A_213 = tpu.memref_slice %arg2[%dma_start3A_207, %add3A_51] : memref<200x16384xi32, #tpu.memory_space<hbm>> -> memref<8x128xi32, #tpu.memory_space<hbm>>
    %dma_start3A_214 = arith.constant 0 : i32
    %dma_start3A_215 = arith.constant 0 : i32
    %dma_start3A_216 = tpu.memref_slice %arg5[%dma_start3A_208, %dma_start3A_214, %dma_start3A_215] : memref<25x8x128xi32, #tpu.memory_space<vmem>> -> memref<1x8x128xi32, #tpu.memory_space<vmem>>
    %dma_start3A_217 = tpu.memref_squeeze %dma_start3A_216 : memref<1x8x128xi32, #tpu.memory_space<vmem>> -> memref<8x128xi32, #tpu.memory_space<vmem>>
    %dma_start3A_218 = tpu.memref_slice %arg2[%dma_start3A_207, %add3A_51] : memref<200x16384xi32, #tpu.memory_space<hbm>> -> memref<8x128xi32, #tpu.memory_space<hbm>>
    tpu.enqueue_dma source(%dma_start3A_218 : memref<8x128xi32, #tpu.memory_space<hbm>>) target(%dma_start3A_217 : memref<8x128xi32, #tpu.memory_space<vmem>>) target_semaphore(%arg10 : memref<!tpu.dma_semaphore, #tpu.memory_space<semaphore_mem>>)
    %dma_start3A_219 = arith.constant 112 : i32
    %dma_start3A_220 = arith.constant 14 : i32
    %dma_start3A_221 = arith.constant 0 : i32
    %dma_start3A_222 = arith.constant 0 : i32
    %dma_start3A_223 = tpu.memref_slice %arg5[%dma_start3A_220, %dma_start3A_221, %dma_start3A_222] : memref<25x8x128xi32, #tpu.memory_space<vmem>> -> memref<1x8x128xi32, #tpu.memory_space<vmem>>
    %dma_start3A_224 = tpu.memref_squeeze %dma_start3A_223 : memref<1x8x128xi32, #tpu.memory_space<vmem>> -> memref<8x128xi32, #tpu.memory_space<vmem>>
    %dma_start3A_225 = tpu.memref_slice %arg2[%dma_start3A_219, %add3A_51] : memref<200x16384xi32, #tpu.memory_space<hbm>> -> memref<8x128xi32, #tpu.memory_space<hbm>>
    %dma_start3A_226 = arith.constant 0 : i32
    %dma_start3A_227 = arith.constant 0 : i32
    %dma_start3A_228 = tpu.memref_slice %arg5[%dma_start3A_220, %dma_start3A_226, %dma_start3A_227] : memref<25x8x128xi32, #tpu.memory_space<vmem>> -> memref<1x8x128xi32, #tpu.memory_space<vmem>>
    %dma_start3A_229 = tpu.memref_squeeze %dma_start3A_228 : memref<1x8x128xi32, #tpu.memory_space<vmem>> -> memref<8x128xi32, #tpu.memory_space<vmem>>
    %dma_start3A_230 = tpu.memref_slice %arg2[%dma_start3A_219, %add3A_51] : memref<200x16384xi32, #tpu.memory_space<hbm>> -> memref<8x128xi32, #tpu.memory_space<hbm>>
    tpu.enqueue_dma source(%dma_start3A_230 : memref<8x128xi32, #tpu.memory_space<hbm>>) target(%dma_start3A_229 : memref<8x128xi32, #tpu.memory_space<vmem>>) target_semaphore(%arg10 : memref<!tpu.dma_semaphore, #tpu.memory_space<semaphore_mem>>)
    %dma_start3A_231 = arith.constant 120 : i32
    %dma_start3A_232 = arith.constant 15 : i32
    %dma_start3A_233 = arith.constant 0 : i32
    %dma_start3A_234 = arith.constant 0 : i32
    %dma_start3A_235 = tpu.memref_slice %arg5[%dma_start3A_232, %dma_start3A_233, %dma_start3A_234] : memref<25x8x128xi32, #tpu.memory_space<vmem>> -> memref<1x8x128xi32, #tpu.memory_space<vmem>>
    %dma_start3A_236 = tpu.memref_squeeze %dma_start3A_235 : memref<1x8x128xi32, #tpu.memory_space<vmem>> -> memref<8x128xi32, #tpu.memory_space<vmem>>
    %dma_start3A_237 = tpu.memref_slice %arg2[%dma_start3A_231, %add3A_51] : memref<200x16384xi32, #tpu.memory_space<hbm>> -> memref<8x128xi32, #tpu.memory_space<hbm>>
    %dma_start3A_238 = arith.constant 0 : i32
    %dma_start3A_239 = arith.constant 0 : i32
    %dma_start3A_240 = tpu.memref_slice %arg5[%dma_start3A_232, %dma_start3A_238, %dma_start3A_239] : memref<25x8x128xi32, #tpu.memory_space<vmem>> -> memref<1x8x128xi32, #tpu.memory_space<vmem>>
    %dma_start3A_241 = tpu.memref_squeeze %dma_start3A_240 : memref<1x8x128xi32, #tpu.memory_space<vmem>> -> memref<8x128xi32, #tpu.memory_space<vmem>>
    %dma_start3A_242 = tpu.memref_slice %arg2[%dma_start3A_231, %add3A_51] : memref<200x16384xi32, #tpu.memory_space<hbm>> -> memref<8x128xi32, #tpu.memory_space<hbm>>
    tpu.enqueue_dma source(%dma_start3A_242 : memref<8x128xi32, #tpu.memory_space<hbm>>) target(%dma_start3A_241 : memref<8x128xi32, #tpu.memory_space<vmem>>) target_semaphore(%arg10 : memref<!tpu.dma_semaphore, #tpu.memory_space<semaphore_mem>>)
    %dma_start3A_243 = arith.constant 128 : i32
    %dma_start3A_244 = arith.constant 16 : i32
    %dma_start3A_245 = arith.constant 0 : i32
    %dma_start3A_246 = arith.constant 0 : i32
    %dma_start3A_247 = tpu.memref_slice %arg5[%dma_start3A_244, %dma_start3A_245, %dma_start3A_246] : memref<25x8x128xi32, #tpu.memory_space<vmem>> -> memref<1x8x128xi32, #tpu.memory_space<vmem>>
    %dma_start3A_248 = tpu.memref_squeeze %dma_start3A_247 : memref<1x8x128xi32, #tpu.memory_space<vmem>> -> memref<8x128xi32, #tpu.memory_space<vmem>>
    %dma_start3A_249 = tpu.memref_slice %arg2[%dma_start3A_243, %add3A_51] : memref<200x16384xi32, #tpu.memory_space<hbm>> -> memref<8x128xi32, #tpu.memory_space<hbm>>
    %dma_start3A_250 = arith.constant 0 : i32
    %dma_start3A_251 = arith.constant 0 : i32
    %dma_start3A_252 = tpu.memref_slice %arg5[%dma_start3A_244, %dma_start3A_250, %dma_start3A_251] : memref<25x8x128xi32, #tpu.memory_space<vmem>> -> memref<1x8x128xi32, #tpu.memory_space<vmem>>
    %dma_start3A_253 = tpu.memref_squeeze %dma_start3A_252 : memref<1x8x128xi32, #tpu.memory_space<vmem>> -> memref<8x128xi32, #tpu.memory_space<vmem>>
    %dma_start3A_254 = tpu.memref_slice %arg2[%dma_start3A_243, %add3A_51] : memref<200x16384xi32, #tpu.memory_space<hbm>> -> memref<8x128xi32, #tpu.memory_space<hbm>>
    tpu.enqueue_dma source(%dma_start3A_254 : memref<8x128xi32, #tpu.memory_space<hbm>>) target(%dma_start3A_253 : memref<8x128xi32, #tpu.memory_space<vmem>>) target_semaphore(%arg10 : memref<!tpu.dma_semaphore, #tpu.memory_space<semaphore_mem>>)
    %dma_start3A_255 = arith.constant 136 : i32
    %dma_start3A_256 = arith.constant 17 : i32
    %dma_start3A_257 = arith.constant 0 : i32
    %dma_start3A_258 = arith.constant 0 : i32
    %dma_start3A_259 = tpu.memref_slice %arg5[%dma_start3A_256, %dma_start3A_257, %dma_start3A_258] : memref<25x8x128xi32, #tpu.memory_space<vmem>> -> memref<1x8x128xi32, #tpu.memory_space<vmem>>
    %dma_start3A_260 = tpu.memref_squeeze %dma_start3A_259 : memref<1x8x128xi32, #tpu.memory_space<vmem>> -> memref<8x128xi32, #tpu.memory_space<vmem>>
    %dma_start3A_261 = tpu.memref_slice %arg2[%dma_start3A_255, %add3A_51] : memref<200x16384xi32, #tpu.memory_space<hbm>> -> memref<8x128xi32, #tpu.memory_space<hbm>>
    %dma_start3A_262 = arith.constant 0 : i32
    %dma_start3A_263 = arith.constant 0 : i32
    %dma_start3A_264 = tpu.memref_slice %arg5[%dma_start3A_256, %dma_start3A_262, %dma_start3A_263] : memref<25x8x128xi32, #tpu.memory_space<vmem>> -> memref<1x8x128xi32, #tpu.memory_space<vmem>>
    %dma_start3A_265 = tpu.memref_squeeze %dma_start3A_264 : memref<1x8x128xi32, #tpu.memory_space<vmem>> -> memref<8x128xi32, #tpu.memory_space<vmem>>
    %dma_start3A_266 = tpu.memref_slice %arg2[%dma_start3A_255, %add3A_51] : memref<200x16384xi32, #tpu.memory_space<hbm>> -> memref<8x128xi32, #tpu.memory_space<hbm>>
    tpu.enqueue_dma source(%dma_start3A_266 : memref<8x128xi32, #tpu.memory_space<hbm>>) target(%dma_start3A_265 : memref<8x128xi32, #tpu.memory_space<vmem>>) target_semaphore(%arg10 : memref<!tpu.dma_semaphore, #tpu.memory_space<semaphore_mem>>)
    %dma_start3A_267 = arith.constant 144 : i32
    %dma_start3A_268 = arith.constant 18 : i32
    %dma_start3A_269 = arith.constant 0 : i32
    %dma_start3A_270 = arith.constant 0 : i32
    %dma_start3A_271 = tpu.memref_slice %arg5[%dma_start3A_268, %dma_start3A_269, %dma_start3A_270] : memref<25x8x128xi32, #tpu.memory_space<vmem>> -> memref<1x8x128xi32, #tpu.memory_space<vmem>>
    %dma_start3A_272 = tpu.memref_squeeze %dma_start3A_271 : memref<1x8x128xi32, #tpu.memory_space<vmem>> -> memref<8x128xi32, #tpu.memory_space<vmem>>
    %dma_start3A_273 = tpu.memref_slice %arg2[%dma_start3A_267, %add3A_51] : memref<200x16384xi32, #tpu.memory_space<hbm>> -> memref<8x128xi32, #tpu.memory_space<hbm>>
    %dma_start3A_274 = arith.constant 0 : i32
    %dma_start3A_275 = arith.constant 0 : i32
    %dma_start3A_276 = tpu.memref_slice %arg5[%dma_start3A_268, %dma_start3A_274, %dma_start3A_275] : memref<25x8x128xi32, #tpu.memory_space<vmem>> -> memref<1x8x128xi32, #tpu.memory_space<vmem>>
    %dma_start3A_277 = tpu.memref_squeeze %dma_start3A_276 : memref<1x8x128xi32, #tpu.memory_space<vmem>> -> memref<8x128xi32, #tpu.memory_space<vmem>>
    %dma_start3A_278 = tpu.memref_slice %arg2[%dma_start3A_267, %add3A_51] : memref<200x16384xi32, #tpu.memory_space<hbm>> -> memref<8x128xi32, #tpu.memory_space<hbm>>
    tpu.enqueue_dma source(%dma_start3A_278 : memref<8x128xi32, #tpu.memory_space<hbm>>) target(%dma_start3A_277 : memref<8x128xi32, #tpu.memory_space<vmem>>) target_semaphore(%arg10 : memref<!tpu.dma_semaphore, #tpu.memory_space<semaphore_mem>>)
    %dma_start3A_279 = arith.constant 152 : i32
    %dma_start3A_280 = arith.constant 19 : i32
    %dma_start3A_281 = arith.constant 0 : i32
    %dma_start3A_282 = arith.constant 0 : i32
    %dma_start3A_283 = tpu.memref_slice %arg5[%dma_start3A_280, %dma_start3A_281, %dma_start3A_282] : memref<25x8x128xi32, #tpu.memory_space<vmem>> -> memref<1x8x128xi32, #tpu.memory_space<vmem>>
    %dma_start3A_284 = tpu.memref_squeeze %dma_start3A_283 : memref<1x8x128xi32, #tpu.memory_space<vmem>> -> memref<8x128xi32, #tpu.memory_space<vmem>>
    %dma_start3A_285 = tpu.memref_slice %arg2[%dma_start3A_279, %add3A_51] : memref<200x16384xi32, #tpu.memory_space<hbm>> -> memref<8x128xi32, #tpu.memory_space<hbm>>
    %dma_start3A_286 = arith.constant 0 : i32
    %dma_start3A_287 = arith.constant 0 : i32
    %dma_start3A_288 = tpu.memref_slice %arg5[%dma_start3A_280, %dma_start3A_286, %dma_start3A_287] : memref<25x8x128xi32, #tpu.memory_space<vmem>> -> memref<1x8x128xi32, #tpu.memory_space<vmem>>
    %dma_start3A_289 = tpu.memref_squeeze %dma_start3A_288 : memref<1x8x128xi32, #tpu.memory_space<vmem>> -> memref<8x128xi32, #tpu.memory_space<vmem>>
    %dma_start3A_290 = tpu.memref_slice %arg2[%dma_start3A_279, %add3A_51] : memref<200x16384xi32, #tpu.memory_space<hbm>> -> memref<8x128xi32, #tpu.memory_space<hbm>>
    tpu.enqueue_dma source(%dma_start3A_290 : memref<8x128xi32, #tpu.memory_space<hbm>>) target(%dma_start3A_289 : memref<8x128xi32, #tpu.memory_space<vmem>>) target_semaphore(%arg10 : memref<!tpu.dma_semaphore, #tpu.memory_space<semaphore_mem>>)
    %dma_start3A_291 = arith.constant 160 : i32
    %dma_start3A_292 = arith.constant 20 : i32
    %dma_start3A_293 = arith.constant 0 : i32
    %dma_start3A_294 = arith.constant 0 : i32
    %dma_start3A_295 = tpu.memref_slice %arg5[%dma_start3A_292, %dma_start3A_293, %dma_start3A_294] : memref<25x8x128xi32, #tpu.memory_space<vmem>> -> memref<1x8x128xi32, #tpu.memory_space<vmem>>
    %dma_start3A_296 = tpu.memref_squeeze %dma_start3A_295 : memref<1x8x128xi32, #tpu.memory_space<vmem>> -> memref<8x128xi32, #tpu.memory_space<vmem>>
    %dma_start3A_297 = tpu.memref_slice %arg2[%dma_start3A_291, %add3A_51] : memref<200x16384xi32, #tpu.memory_space<hbm>> -> memref<8x128xi32, #tpu.memory_space<hbm>>
    %dma_start3A_298 = arith.constant 0 : i32
    %dma_start3A_299 = arith.constant 0 : i32
    %dma_start3A_300 = tpu.memref_slice %arg5[%dma_start3A_292, %dma_start3A_298, %dma_start3A_299] : memref<25x8x128xi32, #tpu.memory_space<vmem>> -> memref<1x8x128xi32, #tpu.memory_space<vmem>>
    %dma_start3A_301 = tpu.memref_squeeze %dma_start3A_300 : memref<1x8x128xi32, #tpu.memory_space<vmem>> -> memref<8x128xi32, #tpu.memory_space<vmem>>
    %dma_start3A_302 = tpu.memref_slice %arg2[%dma_start3A_291, %add3A_51] : memref<200x16384xi32, #tpu.memory_space<hbm>> -> memref<8x128xi32, #tpu.memory_space<hbm>>
    tpu.enqueue_dma source(%dma_start3A_302 : memref<8x128xi32, #tpu.memory_space<hbm>>) target(%dma_start3A_301 : memref<8x128xi32, #tpu.memory_space<vmem>>) target_semaphore(%arg10 : memref<!tpu.dma_semaphore, #tpu.memory_space<semaphore_mem>>)
    %dma_start3A_303 = arith.constant 168 : i32
    %dma_start3A_304 = arith.constant 21 : i32
    %dma_start3A_305 = arith.constant 0 : i32
    %dma_start3A_306 = arith.constant 0 : i32
    %dma_start3A_307 = tpu.memref_slice %arg5[%dma_start3A_304, %dma_start3A_305, %dma_start3A_306] : memref<25x8x128xi32, #tpu.memory_space<vmem>> -> memref<1x8x128xi32, #tpu.memory_space<vmem>>
    %dma_start3A_308 = tpu.memref_squeeze %dma_start3A_307 : memref<1x8x128xi32, #tpu.memory_space<vmem>> -> memref<8x128xi32, #tpu.memory_space<vmem>>
    %dma_start3A_309 = tpu.memref_slice %arg2[%dma_start3A_303, %add3A_51] : memref<200x16384xi32, #tpu.memory_space<hbm>> -> memref<8x128xi32, #tpu.memory_space<hbm>>
    %dma_start3A_310 = arith.constant 0 : i32
    %dma_start3A_311 = arith.constant 0 : i32
    %dma_start3A_312 = tpu.memref_slice %arg5[%dma_start3A_304, %dma_start3A_310, %dma_start3A_311] : memref<25x8x128xi32, #tpu.memory_space<vmem>> -> memref<1x8x128xi32, #tpu.memory_space<vmem>>
    %dma_start3A_313 = tpu.memref_squeeze %dma_start3A_312 : memref<1x8x128xi32, #tpu.memory_space<vmem>> -> memref<8x128xi32, #tpu.memory_space<vmem>>
    %dma_start3A_314 = tpu.memref_slice %arg2[%dma_start3A_303, %add3A_51] : memref<200x16384xi32, #tpu.memory_space<hbm>> -> memref<8x128xi32, #tpu.memory_space<hbm>>
    tpu.enqueue_dma source(%dma_start3A_314 : memref<8x128xi32, #tpu.memory_space<hbm>>) target(%dma_start3A_313 : memref<8x128xi32, #tpu.memory_space<vmem>>) target_semaphore(%arg10 : memref<!tpu.dma_semaphore, #tpu.memory_space<semaphore_mem>>)
    %dma_start3A_315 = arith.constant 176 : i32
    %dma_start3A_316 = arith.constant 22 : i32
    %dma_start3A_317 = arith.constant 0 : i32
    %dma_start3A_318 = arith.constant 0 : i32
    %dma_start3A_319 = tpu.memref_slice %arg5[%dma_start3A_316, %dma_start3A_317, %dma_start3A_318] : memref<25x8x128xi32, #tpu.memory_space<vmem>> -> memref<1x8x128xi32, #tpu.memory_space<vmem>>
    %dma_start3A_320 = tpu.memref_squeeze %dma_start3A_319 : memref<1x8x128xi32, #tpu.memory_space<vmem>> -> memref<8x128xi32, #tpu.memory_space<vmem>>
    %dma_start3A_321 = tpu.memref_slice %arg2[%dma_start3A_315, %add3A_51] : memref<200x16384xi32, #tpu.memory_space<hbm>> -> memref<8x128xi32, #tpu.memory_space<hbm>>
    %dma_start3A_322 = arith.constant 0 : i32
    %dma_start3A_323 = arith.constant 0 : i32
    %dma_start3A_324 = tpu.memref_slice %arg5[%dma_start3A_316, %dma_start3A_322, %dma_start3A_323] : memref<25x8x128xi32, #tpu.memory_space<vmem>> -> memref<1x8x128xi32, #tpu.memory_space<vmem>>
    %dma_start3A_325 = tpu.memref_squeeze %dma_start3A_324 : memref<1x8x128xi32, #tpu.memory_space<vmem>> -> memref<8x128xi32, #tpu.memory_space<vmem>>
    %dma_start3A_326 = tpu.memref_slice %arg2[%dma_start3A_315, %add3A_51] : memref<200x16384xi32, #tpu.memory_space<hbm>> -> memref<8x128xi32, #tpu.memory_space<hbm>>
    tpu.enqueue_dma source(%dma_start3A_326 : memref<8x128xi32, #tpu.memory_space<hbm>>) target(%dma_start3A_325 : memref<8x128xi32, #tpu.memory_space<vmem>>) target_semaphore(%arg10 : memref<!tpu.dma_semaphore, #tpu.memory_space<semaphore_mem>>)
    %dma_start3A_327 = arith.constant 184 : i32
    %dma_start3A_328 = arith.constant 23 : i32
    %dma_start3A_329 = arith.constant 0 : i32
    %dma_start3A_330 = arith.constant 0 : i32
    %dma_start3A_331 = tpu.memref_slice %arg5[%dma_start3A_328, %dma_start3A_329, %dma_start3A_330] : memref<25x8x128xi32, #tpu.memory_space<vmem>> -> memref<1x8x128xi32, #tpu.memory_space<vmem>>
    %dma_start3A_332 = tpu.memref_squeeze %dma_start3A_331 : memref<1x8x128xi32, #tpu.memory_space<vmem>> -> memref<8x128xi32, #tpu.memory_space<vmem>>
    %dma_start3A_333 = tpu.memref_slice %arg2[%dma_start3A_327, %add3A_51] : memref<200x16384xi32, #tpu.memory_space<hbm>> -> memref<8x128xi32, #tpu.memory_space<hbm>>
    %dma_start3A_334 = arith.constant 0 : i32
    %dma_start3A_335 = arith.constant 0 : i32
    %dma_start3A_336 = tpu.memref_slice %arg5[%dma_start3A_328, %dma_start3A_334, %dma_start3A_335] : memref<25x8x128xi32, #tpu.memory_space<vmem>> -> memref<1x8x128xi32, #tpu.memory_space<vmem>>
    %dma_start3A_337 = tpu.memref_squeeze %dma_start3A_336 : memref<1x8x128xi32, #tpu.memory_space<vmem>> -> memref<8x128xi32, #tpu.memory_space<vmem>>
    %dma_start3A_338 = tpu.memref_slice %arg2[%dma_start3A_327, %add3A_51] : memref<200x16384xi32, #tpu.memory_space<hbm>> -> memref<8x128xi32, #tpu.memory_space<hbm>>
    tpu.enqueue_dma source(%dma_start3A_338 : memref<8x128xi32, #tpu.memory_space<hbm>>) target(%dma_start3A_337 : memref<8x128xi32, #tpu.memory_space<vmem>>) target_semaphore(%arg10 : memref<!tpu.dma_semaphore, #tpu.memory_space<semaphore_mem>>)
    %dma_start3A_339 = arith.constant 192 : i32
    %dma_start3A_340 = arith.constant 24 : i32
    %dma_start3A_341 = arith.constant 0 : i32
    %dma_start3A_342 = arith.constant 0 : i32
    %dma_start3A_343 = tpu.memref_slice %arg5[%dma_start3A_340, %dma_start3A_341, %dma_start3A_342] : memref<25x8x128xi32, #tpu.memory_space<vmem>> -> memref<1x8x128xi32, #tpu.memory_space<vmem>>
    %dma_start3A_344 = tpu.memref_squeeze %dma_start3A_343 : memref<1x8x128xi32, #tpu.memory_space<vmem>> -> memref<8x128xi32, #tpu.memory_space<vmem>>
    %dma_start3A_345 = tpu.memref_slice %arg2[%dma_start3A_339, %add3A_51] : memref<200x16384xi32, #tpu.memory_space<hbm>> -> memref<8x128xi32, #tpu.memory_space<hbm>>
    %dma_start3A_346 = arith.constant 0 : i32
    %dma_start3A_347 = arith.constant 0 : i32
    %dma_start3A_348 = tpu.memref_slice %arg5[%dma_start3A_340, %dma_start3A_346, %dma_start3A_347] : memref<25x8x128xi32, #tpu.memory_space<vmem>> -> memref<1x8x128xi32, #tpu.memory_space<vmem>>
    %dma_start3A_349 = tpu.memref_squeeze %dma_start3A_348 : memref<1x8x128xi32, #tpu.memory_space<vmem>> -> memref<8x128xi32, #tpu.memory_space<vmem>>
    %dma_start3A_350 = tpu.memref_slice %arg2[%dma_start3A_339, %add3A_51] : memref<200x16384xi32, #tpu.memory_space<hbm>> -> memref<8x128xi32, #tpu.memory_space<hbm>>
    tpu.enqueue_dma source(%dma_start3A_350 : memref<8x128xi32, #tpu.memory_space<hbm>>) target(%dma_start3A_349 : memref<8x128xi32, #tpu.memory_space<vmem>>) target_semaphore(%arg10 : memref<!tpu.dma_semaphore, #tpu.memory_space<semaphore_mem>>)
    %dma_wait3A = arith.constant 0 : i32
    %dma_wait3A_351 = arith.constant 0 : i32
    %dma_wait3A_352 = arith.constant 0 : i32
    %dma_wait3A_353 = arith.constant 0 : i32
    %dma_wait3A_354 = tpu.memref_slice %arg5[%dma_wait3A_351, %dma_wait3A_352, %dma_wait3A_353] : memref<25x8x128xi32, #tpu.memory_space<vmem>> -> memref<1x8x128xi32, #tpu.memory_space<vmem>>
    %dma_wait3A_355 = tpu.memref_squeeze %dma_wait3A_354 : memref<1x8x128xi32, #tpu.memory_space<vmem>> -> memref<8x128xi32, #tpu.memory_space<vmem>>
    %dma_wait3A_356 = tpu.memref_slice %arg2[%dma_wait3A, %add3A_51] : memref<200x16384xi32, #tpu.memory_space<hbm>> -> memref<8x128xi32, #tpu.memory_space<hbm>>
    %dma_wait3A_357 = arith.constant 0 : i32
    %dma_wait3A_358 = arith.constant 0 : i32
    %dma_wait3A_359 = tpu.memref_slice %arg5[%dma_wait3A_351, %dma_wait3A_357, %dma_wait3A_358] : memref<25x8x128xi32, #tpu.memory_space<vmem>> -> memref<1x8x128xi32, #tpu.memory_space<vmem>>
    %dma_wait3A_360 = tpu.memref_squeeze %dma_wait3A_359 : memref<1x8x128xi32, #tpu.memory_space<vmem>> -> memref<8x128xi32, #tpu.memory_space<vmem>>
    %dma_wait3A_361 = tpu.memref_slice %arg2[%dma_wait3A, %add3A_51] : memref<200x16384xi32, #tpu.memory_space<hbm>> -> memref<8x128xi32, #tpu.memory_space<hbm>>
    tpu.wait_dma2 semaphore(%arg10 : memref<!tpu.dma_semaphore, #tpu.memory_space<semaphore_mem>>) src(%dma_wait3A_361 : memref<8x128xi32, #tpu.memory_space<hbm>>) dst(%dma_wait3A_360 : memref<8x128xi32, #tpu.memory_space<vmem>>)
    %dma_wait3A_362 = arith.constant 8 : i32
    %dma_wait3A_363 = arith.constant 1 : i32
    %dma_wait3A_364 = arith.constant 0 : i32
    %dma_wait3A_365 = arith.constant 0 : i32
    %dma_wait3A_366 = tpu.memref_slice %arg5[%dma_wait3A_363, %dma_wait3A_364, %dma_wait3A_365] : memref<25x8x128xi32, #tpu.memory_space<vmem>> -> memref<1x8x128xi32, #tpu.memory_space<vmem>>
    %dma_wait3A_367 = tpu.memref_squeeze %dma_wait3A_366 : memref<1x8x128xi32, #tpu.memory_space<vmem>> -> memref<8x128xi32, #tpu.memory_space<vmem>>
    %dma_wait3A_368 = tpu.memref_slice %arg2[%dma_wait3A_362, %add3A_51] : memref<200x16384xi32, #tpu.memory_space<hbm>> -> memref<8x128xi32, #tpu.memory_space<hbm>>
    %dma_wait3A_369 = arith.constant 0 : i32
    %dma_wait3A_370 = arith.constant 0 : i32
    %dma_wait3A_371 = tpu.memref_slice %arg5[%dma_wait3A_363, %dma_wait3A_369, %dma_wait3A_370] : memref<25x8x128xi32, #tpu.memory_space<vmem>> -> memref<1x8x128xi32, #tpu.memory_space<vmem>>
    %dma_wait3A_372 = tpu.memref_squeeze %dma_wait3A_371 : memref<1x8x128xi32, #tpu.memory_space<vmem>> -> memref<8x128xi32, #tpu.memory_space<vmem>>
    %dma_wait3A_373 = tpu.memref_slice %arg2[%dma_wait3A_362, %add3A_51] : memref<200x16384xi32, #tpu.memory_space<hbm>> -> memref<8x128xi32, #tpu.memory_space<hbm>>
    tpu.wait_dma2 semaphore(%arg10 : memref<!tpu.dma_semaphore, #tpu.memory_space<semaphore_mem>>) src(%dma_wait3A_373 : memref<8x128xi32, #tpu.memory_space<hbm>>) dst(%dma_wait3A_372 : memref<8x128xi32, #tpu.memory_space<vmem>>)
    %dma_wait3A_374 = arith.constant 16 : i32
    %dma_wait3A_375 = arith.constant 2 : i32
    %dma_wait3A_376 = arith.constant 0 : i32
    %dma_wait3A_377 = arith.constant 0 : i32
    %dma_wait3A_378 = tpu.memref_slice %arg5[%dma_wait3A_375, %dma_wait3A_376, %dma_wait3A_377] : memref<25x8x128xi32, #tpu.memory_space<vmem>> -> memref<1x8x128xi32, #tpu.memory_space<vmem>>
    %dma_wait3A_379 = tpu.memref_squeeze %dma_wait3A_378 : memref<1x8x128xi32, #tpu.memory_space<vmem>> -> memref<8x128xi32, #tpu.memory_space<vmem>>
    %dma_wait3A_380 = tpu.memref_slice %arg2[%dma_wait3A_374, %add3A_51] : memref<200x16384xi32, #tpu.memory_space<hbm>> -> memref<8x128xi32, #tpu.memory_space<hbm>>
    %dma_wait3A_381 = arith.constant 0 : i32
    %dma_wait3A_382 = arith.constant 0 : i32
    %dma_wait3A_383 = tpu.memref_slice %arg5[%dma_wait3A_375, %dma_wait3A_381, %dma_wait3A_382] : memref<25x8x128xi32, #tpu.memory_space<vmem>> -> memref<1x8x128xi32, #tpu.memory_space<vmem>>
    %dma_wait3A_384 = tpu.memref_squeeze %dma_wait3A_383 : memref<1x8x128xi32, #tpu.memory_space<vmem>> -> memref<8x128xi32, #tpu.memory_space<vmem>>
    %dma_wait3A_385 = tpu.memref_slice %arg2[%dma_wait3A_374, %add3A_51] : memref<200x16384xi32, #tpu.memory_space<hbm>> -> memref<8x128xi32, #tpu.memory_space<hbm>>
    tpu.wait_dma2 semaphore(%arg10 : memref<!tpu.dma_semaphore, #tpu.memory_space<semaphore_mem>>) src(%dma_wait3A_385 : memref<8x128xi32, #tpu.memory_space<hbm>>) dst(%dma_wait3A_384 : memref<8x128xi32, #tpu.memory_space<vmem>>)
    %dma_wait3A_386 = arith.constant 24 : i32
    %dma_wait3A_387 = arith.constant 3 : i32
    %dma_wait3A_388 = arith.constant 0 : i32
    %dma_wait3A_389 = arith.constant 0 : i32
    %dma_wait3A_390 = tpu.memref_slice %arg5[%dma_wait3A_387, %dma_wait3A_388, %dma_wait3A_389] : memref<25x8x128xi32, #tpu.memory_space<vmem>> -> memref<1x8x128xi32, #tpu.memory_space<vmem>>
    %dma_wait3A_391 = tpu.memref_squeeze %dma_wait3A_390 : memref<1x8x128xi32, #tpu.memory_space<vmem>> -> memref<8x128xi32, #tpu.memory_space<vmem>>
    %dma_wait3A_392 = tpu.memref_slice %arg2[%dma_wait3A_386, %add3A_51] : memref<200x16384xi32, #tpu.memory_space<hbm>> -> memref<8x128xi32, #tpu.memory_space<hbm>>
    %dma_wait3A_393 = arith.constant 0 : i32
    %dma_wait3A_394 = arith.constant 0 : i32
    %dma_wait3A_395 = tpu.memref_slice %arg5[%dma_wait3A_387, %dma_wait3A_393, %dma_wait3A_394] : memref<25x8x128xi32, #tpu.memory_space<vmem>> -> memref<1x8x128xi32, #tpu.memory_space<vmem>>
    %dma_wait3A_396 = tpu.memref_squeeze %dma_wait3A_395 : memref<1x8x128xi32, #tpu.memory_space<vmem>> -> memref<8x128xi32, #tpu.memory_space<vmem>>
    %dma_wait3A_397 = tpu.memref_slice %arg2[%dma_wait3A_386, %add3A_51] : memref<200x16384xi32, #tpu.memory_space<hbm>> -> memref<8x128xi32, #tpu.memory_space<hbm>>
    tpu.wait_dma2 semaphore(%arg10 : memref<!tpu.dma_semaphore, #tpu.memory_space<semaphore_mem>>) src(%dma_wait3A_397 : memref<8x128xi32, #tpu.memory_space<hbm>>) dst(%dma_wait3A_396 : memref<8x128xi32, #tpu.memory_space<vmem>>)
    %dma_wait3A_398 = arith.constant 32 : i32
    %dma_wait3A_399 = arith.constant 4 : i32
    %dma_wait3A_400 = arith.constant 0 : i32
    %dma_wait3A_401 = arith.constant 0 : i32
    %dma_wait3A_402 = tpu.memref_slice %arg5[%dma_wait3A_399, %dma_wait3A_400, %dma_wait3A_401] : memref<25x8x128xi32, #tpu.memory_space<vmem>> -> memref<1x8x128xi32, #tpu.memory_space<vmem>>
    %dma_wait3A_403 = tpu.memref_squeeze %dma_wait3A_402 : memref<1x8x128xi32, #tpu.memory_space<vmem>> -> memref<8x128xi32, #tpu.memory_space<vmem>>
    %dma_wait3A_404 = tpu.memref_slice %arg2[%dma_wait3A_398, %add3A_51] : memref<200x16384xi32, #tpu.memory_space<hbm>> -> memref<8x128xi32, #tpu.memory_space<hbm>>
    %dma_wait3A_405 = arith.constant 0 : i32
    %dma_wait3A_406 = arith.constant 0 : i32
    %dma_wait3A_407 = tpu.memref_slice %arg5[%dma_wait3A_399, %dma_wait3A_405, %dma_wait3A_406] : memref<25x8x128xi32, #tpu.memory_space<vmem>> -> memref<1x8x128xi32, #tpu.memory_space<vmem>>
    %dma_wait3A_408 = tpu.memref_squeeze %dma_wait3A_407 : memref<1x8x128xi32, #tpu.memory_space<vmem>> -> memref<8x128xi32, #tpu.memory_space<vmem>>
    %dma_wait3A_409 = tpu.memref_slice %arg2[%dma_wait3A_398, %add3A_51] : memref<200x16384xi32, #tpu.memory_space<hbm>> -> memref<8x128xi32, #tpu.memory_space<hbm>>
    tpu.wait_dma2 semaphore(%arg10 : memref<!tpu.dma_semaphore, #tpu.memory_space<semaphore_mem>>) src(%dma_wait3A_409 : memref<8x128xi32, #tpu.memory_space<hbm>>) dst(%dma_wait3A_408 : memref<8x128xi32, #tpu.memory_space<vmem>>)
    %dma_wait3A_410 = arith.constant 40 : i32
    %dma_wait3A_411 = arith.constant 5 : i32
    %dma_wait3A_412 = arith.constant 0 : i32
    %dma_wait3A_413 = arith.constant 0 : i32
    %dma_wait3A_414 = tpu.memref_slice %arg5[%dma_wait3A_411, %dma_wait3A_412, %dma_wait3A_413] : memref<25x8x128xi32, #tpu.memory_space<vmem>> -> memref<1x8x128xi32, #tpu.memory_space<vmem>>
    %dma_wait3A_415 = tpu.memref_squeeze %dma_wait3A_414 : memref<1x8x128xi32, #tpu.memory_space<vmem>> -> memref<8x128xi32, #tpu.memory_space<vmem>>
    %dma_wait3A_416 = tpu.memref_slice %arg2[%dma_wait3A_410, %add3A_51] : memref<200x16384xi32, #tpu.memory_space<hbm>> -> memref<8x128xi32, #tpu.memory_space<hbm>>
    %dma_wait3A_417 = arith.constant 0 : i32
    %dma_wait3A_418 = arith.constant 0 : i32
    %dma_wait3A_419 = tpu.memref_slice %arg5[%dma_wait3A_411, %dma_wait3A_417, %dma_wait3A_418] : memref<25x8x128xi32, #tpu.memory_space<vmem>> -> memref<1x8x128xi32, #tpu.memory_space<vmem>>
    %dma_wait3A_420 = tpu.memref_squeeze %dma_wait3A_419 : memref<1x8x128xi32, #tpu.memory_space<vmem>> -> memref<8x128xi32, #tpu.memory_space<vmem>>
    %dma_wait3A_421 = tpu.memref_slice %arg2[%dma_wait3A_410, %add3A_51] : memref<200x16384xi32, #tpu.memory_space<hbm>> -> memref<8x128xi32, #tpu.memory_space<hbm>>
    tpu.wait_dma2 semaphore(%arg10 : memref<!tpu.dma_semaphore, #tpu.memory_space<semaphore_mem>>) src(%dma_wait3A_421 : memref<8x128xi32, #tpu.memory_space<hbm>>) dst(%dma_wait3A_420 : memref<8x128xi32, #tpu.memory_space<vmem>>)
    %dma_wait3A_422 = arith.constant 48 : i32
    %dma_wait3A_423 = arith.constant 6 : i32
    %dma_wait3A_424 = arith.constant 0 : i32
    %dma_wait3A_425 = arith.constant 0 : i32
    %dma_wait3A_426 = tpu.memref_slice %arg5[%dma_wait3A_423, %dma_wait3A_424, %dma_wait3A_425] : memref<25x8x128xi32, #tpu.memory_space<vmem>> -> memref<1x8x128xi32, #tpu.memory_space<vmem>>
    %dma_wait3A_427 = tpu.memref_squeeze %dma_wait3A_426 : memref<1x8x128xi32, #tpu.memory_space<vmem>> -> memref<8x128xi32, #tpu.memory_space<vmem>>
    %dma_wait3A_428 = tpu.memref_slice %arg2[%dma_wait3A_422, %add3A_51] : memref<200x16384xi32, #tpu.memory_space<hbm>> -> memref<8x128xi32, #tpu.memory_space<hbm>>
    %dma_wait3A_429 = arith.constant 0 : i32
    %dma_wait3A_430 = arith.constant 0 : i32
    %dma_wait3A_431 = tpu.memref_slice %arg5[%dma_wait3A_423, %dma_wait3A_429, %dma_wait3A_430] : memref<25x8x128xi32, #tpu.memory_space<vmem>> -> memref<1x8x128xi32, #tpu.memory_space<vmem>>
    %dma_wait3A_432 = tpu.memref_squeeze %dma_wait3A_431 : memref<1x8x128xi32, #tpu.memory_space<vmem>> -> memref<8x128xi32, #tpu.memory_space<vmem>>
    %dma_wait3A_433 = tpu.memref_slice %arg2[%dma_wait3A_422, %add3A_51] : memref<200x16384xi32, #tpu.memory_space<hbm>> -> memref<8x128xi32, #tpu.memory_space<hbm>>
    tpu.wait_dma2 semaphore(%arg10 : memref<!tpu.dma_semaphore, #tpu.memory_space<semaphore_mem>>) src(%dma_wait3A_433 : memref<8x128xi32, #tpu.memory_space<hbm>>) dst(%dma_wait3A_432 : memref<8x128xi32, #tpu.memory_space<vmem>>)
    %dma_wait3A_434 = arith.constant 56 : i32
    %dma_wait3A_435 = arith.constant 7 : i32
    %dma_wait3A_436 = arith.constant 0 : i32
    %dma_wait3A_437 = arith.constant 0 : i32
    %dma_wait3A_438 = tpu.memref_slice %arg5[%dma_wait3A_435, %dma_wait3A_436, %dma_wait3A_437] : memref<25x8x128xi32, #tpu.memory_space<vmem>> -> memref<1x8x128xi32, #tpu.memory_space<vmem>>
    %dma_wait3A_439 = tpu.memref_squeeze %dma_wait3A_438 : memref<1x8x128xi32, #tpu.memory_space<vmem>> -> memref<8x128xi32, #tpu.memory_space<vmem>>
    %dma_wait3A_440 = tpu.memref_slice %arg2[%dma_wait3A_434, %add3A_51] : memref<200x16384xi32, #tpu.memory_space<hbm>> -> memref<8x128xi32, #tpu.memory_space<hbm>>
    %dma_wait3A_441 = arith.constant 0 : i32
    %dma_wait3A_442 = arith.constant 0 : i32
    %dma_wait3A_443 = tpu.memref_slice %arg5[%dma_wait3A_435, %dma_wait3A_441, %dma_wait3A_442] : memref<25x8x128xi32, #tpu.memory_space<vmem>> -> memref<1x8x128xi32, #tpu.memory_space<vmem>>
    %dma_wait3A_444 = tpu.memref_squeeze %dma_wait3A_443 : memref<1x8x128xi32, #tpu.memory_space<vmem>> -> memref<8x128xi32, #tpu.memory_space<vmem>>
    %dma_wait3A_445 = tpu.memref_slice %arg2[%dma_wait3A_434, %add3A_51] : memref<200x16384xi32, #tpu.memory_space<hbm>> -> memref<8x128xi32, #tpu.memory_space<hbm>>
    tpu.wait_dma2 semaphore(%arg10 : memref<!tpu.dma_semaphore, #tpu.memory_space<semaphore_mem>>) src(%dma_wait3A_445 : memref<8x128xi32, #tpu.memory_space<hbm>>) dst(%dma_wait3A_444 : memref<8x128xi32, #tpu.memory_space<vmem>>)
    %dma_wait3A_446 = arith.constant 64 : i32
    %dma_wait3A_447 = arith.constant 8 : i32
    %dma_wait3A_448 = arith.constant 0 : i32
    %dma_wait3A_449 = arith.constant 0 : i32
    %dma_wait3A_450 = tpu.memref_slice %arg5[%dma_wait3A_447, %dma_wait3A_448, %dma_wait3A_449] : memref<25x8x128xi32, #tpu.memory_space<vmem>> -> memref<1x8x128xi32, #tpu.memory_space<vmem>>
    %dma_wait3A_451 = tpu.memref_squeeze %dma_wait3A_450 : memref<1x8x128xi32, #tpu.memory_space<vmem>> -> memref<8x128xi32, #tpu.memory_space<vmem>>
    %dma_wait3A_452 = tpu.memref_slice %arg2[%dma_wait3A_446, %add3A_51] : memref<200x16384xi32, #tpu.memory_space<hbm>> -> memref<8x128xi32, #tpu.memory_space<hbm>>
    %dma_wait3A_453 = arith.constant 0 : i32
    %dma_wait3A_454 = arith.constant 0 : i32
    %dma_wait3A_455 = tpu.memref_slice %arg5[%dma_wait3A_447, %dma_wait3A_453, %dma_wait3A_454] : memref<25x8x128xi32, #tpu.memory_space<vmem>> -> memref<1x8x128xi32, #tpu.memory_space<vmem>>
    %dma_wait3A_456 = tpu.memref_squeeze %dma_wait3A_455 : memref<1x8x128xi32, #tpu.memory_space<vmem>> -> memref<8x128xi32, #tpu.memory_space<vmem>>
    %dma_wait3A_457 = tpu.memref_slice %arg2[%dma_wait3A_446, %add3A_51] : memref<200x16384xi32, #tpu.memory_space<hbm>> -> memref<8x128xi32, #tpu.memory_space<hbm>>
    tpu.wait_dma2 semaphore(%arg10 : memref<!tpu.dma_semaphore, #tpu.memory_space<semaphore_mem>>) src(%dma_wait3A_457 : memref<8x128xi32, #tpu.memory_space<hbm>>) dst(%dma_wait3A_456 : memref<8x128xi32, #tpu.memory_space<vmem>>)
    %dma_wait3A_458 = arith.constant 72 : i32
    %dma_wait3A_459 = arith.constant 9 : i32
    %dma_wait3A_460 = arith.constant 0 : i32
    %dma_wait3A_461 = arith.constant 0 : i32
    %dma_wait3A_462 = tpu.memref_slice %arg5[%dma_wait3A_459, %dma_wait3A_460, %dma_wait3A_461] : memref<25x8x128xi32, #tpu.memory_space<vmem>> -> memref<1x8x128xi32, #tpu.memory_space<vmem>>
    %dma_wait3A_463 = tpu.memref_squeeze %dma_wait3A_462 : memref<1x8x128xi32, #tpu.memory_space<vmem>> -> memref<8x128xi32, #tpu.memory_space<vmem>>
    %dma_wait3A_464 = tpu.memref_slice %arg2[%dma_wait3A_458, %add3A_51] : memref<200x16384xi32, #tpu.memory_space<hbm>> -> memref<8x128xi32, #tpu.memory_space<hbm>>
    %dma_wait3A_465 = arith.constant 0 : i32
    %dma_wait3A_466 = arith.constant 0 : i32
    %dma_wait3A_467 = tpu.memref_slice %arg5[%dma_wait3A_459, %dma_wait3A_465, %dma_wait3A_466] : memref<25x8x128xi32, #tpu.memory_space<vmem>> -> memref<1x8x128xi32, #tpu.memory_space<vmem>>
    %dma_wait3A_468 = tpu.memref_squeeze %dma_wait3A_467 : memref<1x8x128xi32, #tpu.memory_space<vmem>> -> memref<8x128xi32, #tpu.memory_space<vmem>>
    %dma_wait3A_469 = tpu.memref_slice %arg2[%dma_wait3A_458, %add3A_51] : memref<200x16384xi32, #tpu.memory_space<hbm>> -> memref<8x128xi32, #tpu.memory_space<hbm>>
    tpu.wait_dma2 semaphore(%arg10 : memref<!tpu.dma_semaphore, #tpu.memory_space<semaphore_mem>>) src(%dma_wait3A_469 : memref<8x128xi32, #tpu.memory_space<hbm>>) dst(%dma_wait3A_468 : memref<8x128xi32, #tpu.memory_space<vmem>>)
    %dma_wait3A_470 = arith.constant 80 : i32
    %dma_wait3A_471 = arith.constant 10 : i32
    %dma_wait3A_472 = arith.constant 0 : i32
    %dma_wait3A_473 = arith.constant 0 : i32
    %dma_wait3A_474 = tpu.memref_slice %arg5[%dma_wait3A_471, %dma_wait3A_472, %dma_wait3A_473] : memref<25x8x128xi32, #tpu.memory_space<vmem>> -> memref<1x8x128xi32, #tpu.memory_space<vmem>>
    %dma_wait3A_475 = tpu.memref_squeeze %dma_wait3A_474 : memref<1x8x128xi32, #tpu.memory_space<vmem>> -> memref<8x128xi32, #tpu.memory_space<vmem>>
    %dma_wait3A_476 = tpu.memref_slice %arg2[%dma_wait3A_470, %add3A_51] : memref<200x16384xi32, #tpu.memory_space<hbm>> -> memref<8x128xi32, #tpu.memory_space<hbm>>
    %dma_wait3A_477 = arith.constant 0 : i32
    %dma_wait3A_478 = arith.constant 0 : i32
    %dma_wait3A_479 = tpu.memref_slice %arg5[%dma_wait3A_471, %dma_wait3A_477, %dma_wait3A_478] : memref<25x8x128xi32, #tpu.memory_space<vmem>> -> memref<1x8x128xi32, #tpu.memory_space<vmem>>
    %dma_wait3A_480 = tpu.memref_squeeze %dma_wait3A_479 : memref<1x8x128xi32, #tpu.memory_space<vmem>> -> memref<8x128xi32, #tpu.memory_space<vmem>>
    %dma_wait3A_481 = tpu.memref_slice %arg2[%dma_wait3A_470, %add3A_51] : memref<200x16384xi32, #tpu.memory_space<hbm>> -> memref<8x128xi32, #tpu.memory_space<hbm>>
    tpu.wait_dma2 semaphore(%arg10 : memref<!tpu.dma_semaphore, #tpu.memory_space<semaphore_mem>>) src(%dma_wait3A_481 : memref<8x128xi32, #tpu.memory_space<hbm>>) dst(%dma_wait3A_480 : memref<8x128xi32, #tpu.memory_space<vmem>>)
    %dma_wait3A_482 = arith.constant 88 : i32
    %dma_wait3A_483 = arith.constant 11 : i32
    %dma_wait3A_484 = arith.constant 0 : i32
    %dma_wait3A_485 = arith.constant 0 : i32
    %dma_wait3A_486 = tpu.memref_slice %arg5[%dma_wait3A_483, %dma_wait3A_484, %dma_wait3A_485] : memref<25x8x128xi32, #tpu.memory_space<vmem>> -> memref<1x8x128xi32, #tpu.memory_space<vmem>>
    %dma_wait3A_487 = tpu.memref_squeeze %dma_wait3A_486 : memref<1x8x128xi32, #tpu.memory_space<vmem>> -> memref<8x128xi32, #tpu.memory_space<vmem>>
    %dma_wait3A_488 = tpu.memref_slice %arg2[%dma_wait3A_482, %add3A_51] : memref<200x16384xi32, #tpu.memory_space<hbm>> -> memref<8x128xi32, #tpu.memory_space<hbm>>
    %dma_wait3A_489 = arith.constant 0 : i32
    %dma_wait3A_490 = arith.constant 0 : i32
    %dma_wait3A_491 = tpu.memref_slice %arg5[%dma_wait3A_483, %dma_wait3A_489, %dma_wait3A_490] : memref<25x8x128xi32, #tpu.memory_space<vmem>> -> memref<1x8x128xi32, #tpu.memory_space<vmem>>
    %dma_wait3A_492 = tpu.memref_squeeze %dma_wait3A_491 : memref<1x8x128xi32, #tpu.memory_space<vmem>> -> memref<8x128xi32, #tpu.memory_space<vmem>>
    %dma_wait3A_493 = tpu.memref_slice %arg2[%dma_wait3A_482, %add3A_51] : memref<200x16384xi32, #tpu.memory_space<hbm>> -> memref<8x128xi32, #tpu.memory_space<hbm>>
    tpu.wait_dma2 semaphore(%arg10 : memref<!tpu.dma_semaphore, #tpu.memory_space<semaphore_mem>>) src(%dma_wait3A_493 : memref<8x128xi32, #tpu.memory_space<hbm>>) dst(%dma_wait3A_492 : memref<8x128xi32, #tpu.memory_space<vmem>>)
    %dma_wait3A_494 = arith.constant 96 : i32
    %dma_wait3A_495 = arith.constant 12 : i32
    %dma_wait3A_496 = arith.constant 0 : i32
    %dma_wait3A_497 = arith.constant 0 : i32
    %dma_wait3A_498 = tpu.memref_slice %arg5[%dma_wait3A_495, %dma_wait3A_496, %dma_wait3A_497] : memref<25x8x128xi32, #tpu.memory_space<vmem>> -> memref<1x8x128xi32, #tpu.memory_space<vmem>>
    %dma_wait3A_499 = tpu.memref_squeeze %dma_wait3A_498 : memref<1x8x128xi32, #tpu.memory_space<vmem>> -> memref<8x128xi32, #tpu.memory_space<vmem>>
    %dma_wait3A_500 = tpu.memref_slice %arg2[%dma_wait3A_494, %add3A_51] : memref<200x16384xi32, #tpu.memory_space<hbm>> -> memref<8x128xi32, #tpu.memory_space<hbm>>
    %dma_wait3A_501 = arith.constant 0 : i32
    %dma_wait3A_502 = arith.constant 0 : i32
    %dma_wait3A_503 = tpu.memref_slice %arg5[%dma_wait3A_495, %dma_wait3A_501, %dma_wait3A_502] : memref<25x8x128xi32, #tpu.memory_space<vmem>> -> memref<1x8x128xi32, #tpu.memory_space<vmem>>
    %dma_wait3A_504 = tpu.memref_squeeze %dma_wait3A_503 : memref<1x8x128xi32, #tpu.memory_space<vmem>> -> memref<8x128xi32, #tpu.memory_space<vmem>>
    %dma_wait3A_505 = tpu.memref_slice %arg2[%dma_wait3A_494, %add3A_51] : memref<200x16384xi32, #tpu.memory_space<hbm>> -> memref<8x128xi32, #tpu.memory_space<hbm>>
    tpu.wait_dma2 semaphore(%arg10 : memref<!tpu.dma_semaphore, #tpu.memory_space<semaphore_mem>>) src(%dma_wait3A_505 : memref<8x128xi32, #tpu.memory_space<hbm>>) dst(%dma_wait3A_504 : memref<8x128xi32, #tpu.memory_space<vmem>>)
    %dma_wait3A_506 = arith.constant 104 : i32
    %dma_wait3A_507 = arith.constant 13 : i32
    %dma_wait3A_508 = arith.constant 0 : i32
    %dma_wait3A_509 = arith.constant 0 : i32
    %dma_wait3A_510 = tpu.memref_slice %arg5[%dma_wait3A_507, %dma_wait3A_508, %dma_wait3A_509] : memref<25x8x128xi32, #tpu.memory_space<vmem>> -> memref<1x8x128xi32, #tpu.memory_space<vmem>>
    %dma_wait3A_511 = tpu.memref_squeeze %dma_wait3A_510 : memref<1x8x128xi32, #tpu.memory_space<vmem>> -> memref<8x128xi32, #tpu.memory_space<vmem>>
    %dma_wait3A_512 = tpu.memref_slice %arg2[%dma_wait3A_506, %add3A_51] : memref<200x16384xi32, #tpu.memory_space<hbm>> -> memref<8x128xi32, #tpu.memory_space<hbm>>
    %dma_wait3A_513 = arith.constant 0 : i32
    %dma_wait3A_514 = arith.constant 0 : i32
    %dma_wait3A_515 = tpu.memref_slice %arg5[%dma_wait3A_507, %dma_wait3A_513, %dma_wait3A_514] : memref<25x8x128xi32, #tpu.memory_space<vmem>> -> memref<1x8x128xi32, #tpu.memory_space<vmem>>
    %dma_wait3A_516 = tpu.memref_squeeze %dma_wait3A_515 : memref<1x8x128xi32, #tpu.memory_space<vmem>> -> memref<8x128xi32, #tpu.memory_space<vmem>>
    %dma_wait3A_517 = tpu.memref_slice %arg2[%dma_wait3A_506, %add3A_51] : memref<200x16384xi32, #tpu.memory_space<hbm>> -> memref<8x128xi32, #tpu.memory_space<hbm>>
    tpu.wait_dma2 semaphore(%arg10 : memref<!tpu.dma_semaphore, #tpu.memory_space<semaphore_mem>>) src(%dma_wait3A_517 : memref<8x128xi32, #tpu.memory_space<hbm>>) dst(%dma_wait3A_516 : memref<8x128xi32, #tpu.memory_space<vmem>>)
    %dma_wait3A_518 = arith.constant 112 : i32
    %dma_wait3A_519 = arith.constant 14 : i32
    %dma_wait3A_520 = arith.constant 0 : i32
    %dma_wait3A_521 = arith.constant 0 : i32
    %dma_wait3A_522 = tpu.memref_slice %arg5[%dma_wait3A_519, %dma_wait3A_520, %dma_wait3A_521] : memref<25x8x128xi32, #tpu.memory_space<vmem>> -> memref<1x8x128xi32, #tpu.memory_space<vmem>>
    %dma_wait3A_523 = tpu.memref_squeeze %dma_wait3A_522 : memref<1x8x128xi32, #tpu.memory_space<vmem>> -> memref<8x128xi32, #tpu.memory_space<vmem>>
    %dma_wait3A_524 = tpu.memref_slice %arg2[%dma_wait3A_518, %add3A_51] : memref<200x16384xi32, #tpu.memory_space<hbm>> -> memref<8x128xi32, #tpu.memory_space<hbm>>
    %dma_wait3A_525 = arith.constant 0 : i32
    %dma_wait3A_526 = arith.constant 0 : i32
    %dma_wait3A_527 = tpu.memref_slice %arg5[%dma_wait3A_519, %dma_wait3A_525, %dma_wait3A_526] : memref<25x8x128xi32, #tpu.memory_space<vmem>> -> memref<1x8x128xi32, #tpu.memory_space<vmem>>
    %dma_wait3A_528 = tpu.memref_squeeze %dma_wait3A_527 : memref<1x8x128xi32, #tpu.memory_space<vmem>> -> memref<8x128xi32, #tpu.memory_space<vmem>>
    %dma_wait3A_529 = tpu.memref_slice %arg2[%dma_wait3A_518, %add3A_51] : memref<200x16384xi32, #tpu.memory_space<hbm>> -> memref<8x128xi32, #tpu.memory_space<hbm>>
    tpu.wait_dma2 semaphore(%arg10 : memref<!tpu.dma_semaphore, #tpu.memory_space<semaphore_mem>>) src(%dma_wait3A_529 : memref<8x128xi32, #tpu.memory_space<hbm>>) dst(%dma_wait3A_528 : memref<8x128xi32, #tpu.memory_space<vmem>>)
    %dma_wait3A_530 = arith.constant 120 : i32
    %dma_wait3A_531 = arith.constant 15 : i32
    %dma_wait3A_532 = arith.constant 0 : i32
    %dma_wait3A_533 = arith.constant 0 : i32
    %dma_wait3A_534 = tpu.memref_slice %arg5[%dma_wait3A_531, %dma_wait3A_532, %dma_wait3A_533] : memref<25x8x128xi32, #tpu.memory_space<vmem>> -> memref<1x8x128xi32, #tpu.memory_space<vmem>>
    %dma_wait3A_535 = tpu.memref_squeeze %dma_wait3A_534 : memref<1x8x128xi32, #tpu.memory_space<vmem>> -> memref<8x128xi32, #tpu.memory_space<vmem>>
    %dma_wait3A_536 = tpu.memref_slice %arg2[%dma_wait3A_530, %add3A_51] : memref<200x16384xi32, #tpu.memory_space<hbm>> -> memref<8x128xi32, #tpu.memory_space<hbm>>
    %dma_wait3A_537 = arith.constant 0 : i32
    %dma_wait3A_538 = arith.constant 0 : i32
    %dma_wait3A_539 = tpu.memref_slice %arg5[%dma_wait3A_531, %dma_wait3A_537, %dma_wait3A_538] : memref<25x8x128xi32, #tpu.memory_space<vmem>> -> memref<1x8x128xi32, #tpu.memory_space<vmem>>
    %dma_wait3A_540 = tpu.memref_squeeze %dma_wait3A_539 : memref<1x8x128xi32, #tpu.memory_space<vmem>> -> memref<8x128xi32, #tpu.memory_space<vmem>>
    %dma_wait3A_541 = tpu.memref_slice %arg2[%dma_wait3A_530, %add3A_51] : memref<200x16384xi32, #tpu.memory_space<hbm>> -> memref<8x128xi32, #tpu.memory_space<hbm>>
    tpu.wait_dma2 semaphore(%arg10 : memref<!tpu.dma_semaphore, #tpu.memory_space<semaphore_mem>>) src(%dma_wait3A_541 : memref<8x128xi32, #tpu.memory_space<hbm>>) dst(%dma_wait3A_540 : memref<8x128xi32, #tpu.memory_space<vmem>>)
    %dma_wait3A_542 = arith.constant 128 : i32
    %dma_wait3A_543 = arith.constant 16 : i32
    %dma_wait3A_544 = arith.constant 0 : i32
    %dma_wait3A_545 = arith.constant 0 : i32
    %dma_wait3A_546 = tpu.memref_slice %arg5[%dma_wait3A_543, %dma_wait3A_544, %dma_wait3A_545] : memref<25x8x128xi32, #tpu.memory_space<vmem>> -> memref<1x8x128xi32, #tpu.memory_space<vmem>>
    %dma_wait3A_547 = tpu.memref_squeeze %dma_wait3A_546 : memref<1x8x128xi32, #tpu.memory_space<vmem>> -> memref<8x128xi32, #tpu.memory_space<vmem>>
    %dma_wait3A_548 = tpu.memref_slice %arg2[%dma_wait3A_542, %add3A_51] : memref<200x16384xi32, #tpu.memory_space<hbm>> -> memref<8x128xi32, #tpu.memory_space<hbm>>
    %dma_wait3A_549 = arith.constant 0 : i32
    %dma_wait3A_550 = arith.constant 0 : i32
    %dma_wait3A_551 = tpu.memref_slice %arg5[%dma_wait3A_543, %dma_wait3A_549, %dma_wait3A_550] : memref<25x8x128xi32, #tpu.memory_space<vmem>> -> memref<1x8x128xi32, #tpu.memory_space<vmem>>
    %dma_wait3A_552 = tpu.memref_squeeze %dma_wait3A_551 : memref<1x8x128xi32, #tpu.memory_space<vmem>> -> memref<8x128xi32, #tpu.memory_space<vmem>>
    %dma_wait3A_553 = tpu.memref_slice %arg2[%dma_wait3A_542, %add3A_51] : memref<200x16384xi32, #tpu.memory_space<hbm>> -> memref<8x128xi32, #tpu.memory_space<hbm>>
    tpu.wait_dma2 semaphore(%arg10 : memref<!tpu.dma_semaphore, #tpu.memory_space<semaphore_mem>>) src(%dma_wait3A_553 : memref<8x128xi32, #tpu.memory_space<hbm>>) dst(%dma_wait3A_552 : memref<8x128xi32, #tpu.memory_space<vmem>>)
    %dma_wait3A_554 = arith.constant 136 : i32
    %dma_wait3A_555 = arith.constant 17 : i32
    %dma_wait3A_556 = arith.constant 0 : i32
    %dma_wait3A_557 = arith.constant 0 : i32
    %dma_wait3A_558 = tpu.memref_slice %arg5[%dma_wait3A_555, %dma_wait3A_556, %dma_wait3A_557] : memref<25x8x128xi32, #tpu.memory_space<vmem>> -> memref<1x8x128xi32, #tpu.memory_space<vmem>>
    %dma_wait3A_559 = tpu.memref_squeeze %dma_wait3A_558 : memref<1x8x128xi32, #tpu.memory_space<vmem>> -> memref<8x128xi32, #tpu.memory_space<vmem>>
    %dma_wait3A_560 = tpu.memref_slice %arg2[%dma_wait3A_554, %add3A_51] : memref<200x16384xi32, #tpu.memory_space<hbm>> -> memref<8x128xi32, #tpu.memory_space<hbm>>
    %dma_wait3A_561 = arith.constant 0 : i32
    %dma_wait3A_562 = arith.constant 0 : i32
    %dma_wait3A_563 = tpu.memref_slice %arg5[%dma_wait3A_555, %dma_wait3A_561, %dma_wait3A_562] : memref<25x8x128xi32, #tpu.memory_space<vmem>> -> memref<1x8x128xi32, #tpu.memory_space<vmem>>
    %dma_wait3A_564 = tpu.memref_squeeze %dma_wait3A_563 : memref<1x8x128xi32, #tpu.memory_space<vmem>> -> memref<8x128xi32, #tpu.memory_space<vmem>>
    %dma_wait3A_565 = tpu.memref_slice %arg2[%dma_wait3A_554, %add3A_51] : memref<200x16384xi32, #tpu.memory_space<hbm>> -> memref<8x128xi32, #tpu.memory_space<hbm>>
    tpu.wait_dma2 semaphore(%arg10 : memref<!tpu.dma_semaphore, #tpu.memory_space<semaphore_mem>>) src(%dma_wait3A_565 : memref<8x128xi32, #tpu.memory_space<hbm>>) dst(%dma_wait3A_564 : memref<8x128xi32, #tpu.memory_space<vmem>>)
    %dma_wait3A_566 = arith.constant 144 : i32
    %dma_wait3A_567 = arith.constant 18 : i32
    %dma_wait3A_568 = arith.constant 0 : i32
    %dma_wait3A_569 = arith.constant 0 : i32
    %dma_wait3A_570 = tpu.memref_slice %arg5[%dma_wait3A_567, %dma_wait3A_568, %dma_wait3A_569] : memref<25x8x128xi32, #tpu.memory_space<vmem>> -> memref<1x8x128xi32, #tpu.memory_space<vmem>>
    %dma_wait3A_571 = tpu.memref_squeeze %dma_wait3A_570 : memref<1x8x128xi32, #tpu.memory_space<vmem>> -> memref<8x128xi32, #tpu.memory_space<vmem>>
    %dma_wait3A_572 = tpu.memref_slice %arg2[%dma_wait3A_566, %add3A_51] : memref<200x16384xi32, #tpu.memory_space<hbm>> -> memref<8x128xi32, #tpu.memory_space<hbm>>
    %dma_wait3A_573 = arith.constant 0 : i32
    %dma_wait3A_574 = arith.constant 0 : i32
    %dma_wait3A_575 = tpu.memref_slice %arg5[%dma_wait3A_567, %dma_wait3A_573, %dma_wait3A_574] : memref<25x8x128xi32, #tpu.memory_space<vmem>> -> memref<1x8x128xi32, #tpu.memory_space<vmem>>
    %dma_wait3A_576 = tpu.memref_squeeze %dma_wait3A_575 : memref<1x8x128xi32, #tpu.memory_space<vmem>> -> memref<8x128xi32, #tpu.memory_space<vmem>>
    %dma_wait3A_577 = tpu.memref_slice %arg2[%dma_wait3A_566, %add3A_51] : memref<200x16384xi32, #tpu.memory_space<hbm>> -> memref<8x128xi32, #tpu.memory_space<hbm>>
    tpu.wait_dma2 semaphore(%arg10 : memref<!tpu.dma_semaphore, #tpu.memory_space<semaphore_mem>>) src(%dma_wait3A_577 : memref<8x128xi32, #tpu.memory_space<hbm>>) dst(%dma_wait3A_576 : memref<8x128xi32, #tpu.memory_space<vmem>>)
    %dma_wait3A_578 = arith.constant 152 : i32
    %dma_wait3A_579 = arith.constant 19 : i32
    %dma_wait3A_580 = arith.constant 0 : i32
    %dma_wait3A_581 = arith.constant 0 : i32
    %dma_wait3A_582 = tpu.memref_slice %arg5[%dma_wait3A_579, %dma_wait3A_580, %dma_wait3A_581] : memref<25x8x128xi32, #tpu.memory_space<vmem>> -> memref<1x8x128xi32, #tpu.memory_space<vmem>>
    %dma_wait3A_583 = tpu.memref_squeeze %dma_wait3A_582 : memref<1x8x128xi32, #tpu.memory_space<vmem>> -> memref<8x128xi32, #tpu.memory_space<vmem>>
    %dma_wait3A_584 = tpu.memref_slice %arg2[%dma_wait3A_578, %add3A_51] : memref<200x16384xi32, #tpu.memory_space<hbm>> -> memref<8x128xi32, #tpu.memory_space<hbm>>
    %dma_wait3A_585 = arith.constant 0 : i32
    %dma_wait3A_586 = arith.constant 0 : i32
    %dma_wait3A_587 = tpu.memref_slice %arg5[%dma_wait3A_579, %dma_wait3A_585, %dma_wait3A_586] : memref<25x8x128xi32, #tpu.memory_space<vmem>> -> memref<1x8x128xi32, #tpu.memory_space<vmem>>
    %dma_wait3A_588 = tpu.memref_squeeze %dma_wait3A_587 : memref<1x8x128xi32, #tpu.memory_space<vmem>> -> memref<8x128xi32, #tpu.memory_space<vmem>>
    %dma_wait3A_589 = tpu.memref_slice %arg2[%dma_wait3A_578, %add3A_51] : memref<200x16384xi32, #tpu.memory_space<hbm>> -> memref<8x128xi32, #tpu.memory_space<hbm>>
    tpu.wait_dma2 semaphore(%arg10 : memref<!tpu.dma_semaphore, #tpu.memory_space<semaphore_mem>>) src(%dma_wait3A_589 : memref<8x128xi32, #tpu.memory_space<hbm>>) dst(%dma_wait3A_588 : memref<8x128xi32, #tpu.memory_space<vmem>>)
    %dma_wait3A_590 = arith.constant 160 : i32
    %dma_wait3A_591 = arith.constant 20 : i32
    %dma_wait3A_592 = arith.constant 0 : i32
    %dma_wait3A_593 = arith.constant 0 : i32
    %dma_wait3A_594 = tpu.memref_slice %arg5[%dma_wait3A_591, %dma_wait3A_592, %dma_wait3A_593] : memref<25x8x128xi32, #tpu.memory_space<vmem>> -> memref<1x8x128xi32, #tpu.memory_space<vmem>>
    %dma_wait3A_595 = tpu.memref_squeeze %dma_wait3A_594 : memref<1x8x128xi32, #tpu.memory_space<vmem>> -> memref<8x128xi32, #tpu.memory_space<vmem>>
    %dma_wait3A_596 = tpu.memref_slice %arg2[%dma_wait3A_590, %add3A_51] : memref<200x16384xi32, #tpu.memory_space<hbm>> -> memref<8x128xi32, #tpu.memory_space<hbm>>
    %dma_wait3A_597 = arith.constant 0 : i32
    %dma_wait3A_598 = arith.constant 0 : i32
    %dma_wait3A_599 = tpu.memref_slice %arg5[%dma_wait3A_591, %dma_wait3A_597, %dma_wait3A_598] : memref<25x8x128xi32, #tpu.memory_space<vmem>> -> memref<1x8x128xi32, #tpu.memory_space<vmem>>
    %dma_wait3A_600 = tpu.memref_squeeze %dma_wait3A_599 : memref<1x8x128xi32, #tpu.memory_space<vmem>> -> memref<8x128xi32, #tpu.memory_space<vmem>>
    %dma_wait3A_601 = tpu.memref_slice %arg2[%dma_wait3A_590, %add3A_51] : memref<200x16384xi32, #tpu.memory_space<hbm>> -> memref<8x128xi32, #tpu.memory_space<hbm>>
    tpu.wait_dma2 semaphore(%arg10 : memref<!tpu.dma_semaphore, #tpu.memory_space<semaphore_mem>>) src(%dma_wait3A_601 : memref<8x128xi32, #tpu.memory_space<hbm>>) dst(%dma_wait3A_600 : memref<8x128xi32, #tpu.memory_space<vmem>>)
    %dma_wait3A_602 = arith.constant 168 : i32
    %dma_wait3A_603 = arith.constant 21 : i32
    %dma_wait3A_604 = arith.constant 0 : i32
    %dma_wait3A_605 = arith.constant 0 : i32
    %dma_wait3A_606 = tpu.memref_slice %arg5[%dma_wait3A_603, %dma_wait3A_604, %dma_wait3A_605] : memref<25x8x128xi32, #tpu.memory_space<vmem>> -> memref<1x8x128xi32, #tpu.memory_space<vmem>>
    %dma_wait3A_607 = tpu.memref_squeeze %dma_wait3A_606 : memref<1x8x128xi32, #tpu.memory_space<vmem>> -> memref<8x128xi32, #tpu.memory_space<vmem>>
    %dma_wait3A_608 = tpu.memref_slice %arg2[%dma_wait3A_602, %add3A_51] : memref<200x16384xi32, #tpu.memory_space<hbm>> -> memref<8x128xi32, #tpu.memory_space<hbm>>
    %dma_wait3A_609 = arith.constant 0 : i32
    %dma_wait3A_610 = arith.constant 0 : i32
    %dma_wait3A_611 = tpu.memref_slice %arg5[%dma_wait3A_603, %dma_wait3A_609, %dma_wait3A_610] : memref<25x8x128xi32, #tpu.memory_space<vmem>> -> memref<1x8x128xi32, #tpu.memory_space<vmem>>
    %dma_wait3A_612 = tpu.memref_squeeze %dma_wait3A_611 : memref<1x8x128xi32, #tpu.memory_space<vmem>> -> memref<8x128xi32, #tpu.memory_space<vmem>>
    %dma_wait3A_613 = tpu.memref_slice %arg2[%dma_wait3A_602, %add3A_51] : memref<200x16384xi32, #tpu.memory_space<hbm>> -> memref<8x128xi32, #tpu.memory_space<hbm>>
    tpu.wait_dma2 semaphore(%arg10 : memref<!tpu.dma_semaphore, #tpu.memory_space<semaphore_mem>>) src(%dma_wait3A_613 : memref<8x128xi32, #tpu.memory_space<hbm>>) dst(%dma_wait3A_612 : memref<8x128xi32, #tpu.memory_space<vmem>>)
    %dma_wait3A_614 = arith.constant 176 : i32
    %dma_wait3A_615 = arith.constant 22 : i32
    %dma_wait3A_616 = arith.constant 0 : i32
    %dma_wait3A_617 = arith.constant 0 : i32
    %dma_wait3A_618 = tpu.memref_slice %arg5[%dma_wait3A_615, %dma_wait3A_616, %dma_wait3A_617] : memref<25x8x128xi32, #tpu.memory_space<vmem>> -> memref<1x8x128xi32, #tpu.memory_space<vmem>>
    %dma_wait3A_619 = tpu.memref_squeeze %dma_wait3A_618 : memref<1x8x128xi32, #tpu.memory_space<vmem>> -> memref<8x128xi32, #tpu.memory_space<vmem>>
    %dma_wait3A_620 = tpu.memref_slice %arg2[%dma_wait3A_614, %add3A_51] : memref<200x16384xi32, #tpu.memory_space<hbm>> -> memref<8x128xi32, #tpu.memory_space<hbm>>
    %dma_wait3A_621 = arith.constant 0 : i32
    %dma_wait3A_622 = arith.constant 0 : i32
    %dma_wait3A_623 = tpu.memref_slice %arg5[%dma_wait3A_615, %dma_wait3A_621, %dma_wait3A_622] : memref<25x8x128xi32, #tpu.memory_space<vmem>> -> memref<1x8x128xi32, #tpu.memory_space<vmem>>
    %dma_wait3A_624 = tpu.memref_squeeze %dma_wait3A_623 : memref<1x8x128xi32, #tpu.memory_space<vmem>> -> memref<8x128xi32, #tpu.memory_space<vmem>>
    %dma_wait3A_625 = tpu.memref_slice %arg2[%dma_wait3A_614, %add3A_51] : memref<200x16384xi32, #tpu.memory_space<hbm>> -> memref<8x128xi32, #tpu.memory_space<hbm>>
    tpu.wait_dma2 semaphore(%arg10 : memref<!tpu.dma_semaphore, #tpu.memory_space<semaphore_mem>>) src(%dma_wait3A_625 : memref<8x128xi32, #tpu.memory_space<hbm>>) dst(%dma_wait3A_624 : memref<8x128xi32, #tpu.memory_space<vmem>>)
    %dma_wait3A_626 = arith.constant 184 : i32
    %dma_wait3A_627 = arith.constant 23 : i32
    %dma_wait3A_628 = arith.constant 0 : i32
    %dma_wait3A_629 = arith.constant 0 : i32
    %dma_wait3A_630 = tpu.memref_slice %arg5[%dma_wait3A_627, %dma_wait3A_628, %dma_wait3A_629] : memref<25x8x128xi32, #tpu.memory_space<vmem>> -> memref<1x8x128xi32, #tpu.memory_space<vmem>>
    %dma_wait3A_631 = tpu.memref_squeeze %dma_wait3A_630 : memref<1x8x128xi32, #tpu.memory_space<vmem>> -> memref<8x128xi32, #tpu.memory_space<vmem>>
    %dma_wait3A_632 = tpu.memref_slice %arg2[%dma_wait3A_626, %add3A_51] : memref<200x16384xi32, #tpu.memory_space<hbm>> -> memref<8x128xi32, #tpu.memory_space<hbm>>
    %dma_wait3A_633 = arith.constant 0 : i32
    %dma_wait3A_634 = arith.constant 0 : i32
    %dma_wait3A_635 = tpu.memref_slice %arg5[%dma_wait3A_627, %dma_wait3A_633, %dma_wait3A_634] : memref<25x8x128xi32, #tpu.memory_space<vmem>> -> memref<1x8x128xi32, #tpu.memory_space<vmem>>
    %dma_wait3A_636 = tpu.memref_squeeze %dma_wait3A_635 : memref<1x8x128xi32, #tpu.memory_space<vmem>> -> memref<8x128xi32, #tpu.memory_space<vmem>>
    %dma_wait3A_637 = tpu.memref_slice %arg2[%dma_wait3A_626, %add3A_51] : memref<200x16384xi32, #tpu.memory_space<hbm>> -> memref<8x128xi32, #tpu.memory_space<hbm>>
    tpu.wait_dma2 semaphore(%arg10 : memref<!tpu.dma_semaphore, #tpu.memory_space<semaphore_mem>>) src(%dma_wait3A_637 : memref<8x128xi32, #tpu.memory_space<hbm>>) dst(%dma_wait3A_636 : memref<8x128xi32, #tpu.memory_space<vmem>>)
    %dma_wait3A_638 = arith.constant 192 : i32
    %dma_wait3A_639 = arith.constant 24 : i32
    %dma_wait3A_640 = arith.constant 0 : i32
    %dma_wait3A_641 = arith.constant 0 : i32
    %dma_wait3A_642 = tpu.memref_slice %arg5[%dma_wait3A_639, %dma_wait3A_640, %dma_wait3A_641] : memref<25x8x128xi32, #tpu.memory_space<vmem>> -> memref<1x8x128xi32, #tpu.memory_space<vmem>>
    %dma_wait3A_643 = tpu.memref_squeeze %dma_wait3A_642 : memref<1x8x128xi32, #tpu.memory_space<vmem>> -> memref<8x128xi32, #tpu.memory_space<vmem>>
    %dma_wait3A_644 = tpu.memref_slice %arg2[%dma_wait3A_638, %add3A_51] : memref<200x16384xi32, #tpu.memory_space<hbm>> -> memref<8x128xi32, #tpu.memory_space<hbm>>
    %dma_wait3A_645 = arith.constant 0 : i32
    %dma_wait3A_646 = arith.constant 0 : i32
    %dma_wait3A_647 = tpu.memref_slice %arg5[%dma_wait3A_639, %dma_wait3A_645, %dma_wait3A_646] : memref<25x8x128xi32, #tpu.memory_space<vmem>> -> memref<1x8x128xi32, #tpu.memory_space<vmem>>
    %dma_wait3A_648 = tpu.memref_squeeze %dma_wait3A_647 : memref<1x8x128xi32, #tpu.memory_space<vmem>> -> memref<8x128xi32, #tpu.memory_space<vmem>>
    %dma_wait3A_649 = tpu.memref_slice %arg2[%dma_wait3A_638, %add3A_51] : memref<200x16384xi32, #tpu.memory_space<hbm>> -> memref<8x128xi32, #tpu.memory_space<hbm>>
    tpu.wait_dma2 semaphore(%arg10 : memref<!tpu.dma_semaphore, #tpu.memory_space<semaphore_mem>>) src(%dma_wait3A_649 : memref<8x128xi32, #tpu.memory_space<hbm>>) dst(%dma_wait3A_648 : memref<8x128xi32, #tpu.memory_space<vmem>>)
    %add3A_650 = arith.constant 128 : i32
    %add3A_651 = arith.addi %mul3A_2, %add3A_650 : i32
    %dma_start3A_652 = arith.constant 0 : i32
    %dma_start3A_653 = arith.constant 0 : i32
    %dma_start3A_654 = arith.constant 0 : i32
    %dma_start3A_655 = arith.constant 0 : i32
    %dma_start3A_656 = tpu.memref_slice %arg6[%dma_start3A_653, %dma_start3A_654, %dma_start3A_655] : memref<25x8x128xi32, #tpu.memory_space<vmem>> -> memref<1x8x128xi32, #tpu.memory_space<vmem>>
    %dma_start3A_657 = tpu.memref_squeeze %dma_start3A_656 : memref<1x8x128xi32, #tpu.memory_space<vmem>> -> memref<8x128xi32, #tpu.memory_space<vmem>>
    %dma_start3A_658 = tpu.memref_slice %arg2[%dma_start3A_652, %add3A_651] : memref<200x16384xi32, #tpu.memory_space<hbm>> -> memref<8x128xi32, #tpu.memory_space<hbm>>
    %dma_start3A_659 = arith.constant 0 : i32
    %dma_start3A_660 = arith.constant 0 : i32
    %dma_start3A_661 = tpu.memref_slice %arg6[%dma_start3A_653, %dma_start3A_659, %dma_start3A_660] : memref<25x8x128xi32, #tpu.memory_space<vmem>> -> memref<1x8x128xi32, #tpu.memory_space<vmem>>
    %dma_start3A_662 = tpu.memref_squeeze %dma_start3A_661 : memref<1x8x128xi32, #tpu.memory_space<vmem>> -> memref<8x128xi32, #tpu.memory_space<vmem>>
    %dma_start3A_663 = tpu.memref_slice %arg2[%dma_start3A_652, %add3A_651] : memref<200x16384xi32, #tpu.memory_space<hbm>> -> memref<8x128xi32, #tpu.memory_space<hbm>>
    tpu.enqueue_dma source(%dma_start3A_663 : memref<8x128xi32, #tpu.memory_space<hbm>>) target(%dma_start3A_662 : memref<8x128xi32, #tpu.memory_space<vmem>>) target_semaphore(%arg10 : memref<!tpu.dma_semaphore, #tpu.memory_space<semaphore_mem>>)
    %dma_start3A_664 = arith.constant 8 : i32
    %dma_start3A_665 = arith.constant 1 : i32
    %dma_start3A_666 = arith.constant 0 : i32
    %dma_start3A_667 = arith.constant 0 : i32
    %dma_start3A_668 = tpu.memref_slice %arg6[%dma_start3A_665, %dma_start3A_666, %dma_start3A_667] : memref<25x8x128xi32, #tpu.memory_space<vmem>> -> memref<1x8x128xi32, #tpu.memory_space<vmem>>
    %dma_start3A_669 = tpu.memref_squeeze %dma_start3A_668 : memref<1x8x128xi32, #tpu.memory_space<vmem>> -> memref<8x128xi32, #tpu.memory_space<vmem>>
    %dma_start3A_670 = tpu.memref_slice %arg2[%dma_start3A_664, %add3A_651] : memref<200x16384xi32, #tpu.memory_space<hbm>> -> memref<8x128xi32, #tpu.memory_space<hbm>>
    %dma_start3A_671 = arith.constant 0 : i32
    %dma_start3A_672 = arith.constant 0 : i32
    %dma_start3A_673 = tpu.memref_slice %arg6[%dma_start3A_665, %dma_start3A_671, %dma_start3A_672] : memref<25x8x128xi32, #tpu.memory_space<vmem>> -> memref<1x8x128xi32, #tpu.memory_space<vmem>>
    %dma_start3A_674 = tpu.memref_squeeze %dma_start3A_673 : memref<1x8x128xi32, #tpu.memory_space<vmem>> -> memref<8x128xi32, #tpu.memory_space<vmem>>
    %dma_start3A_675 = tpu.memref_slice %arg2[%dma_start3A_664, %add3A_651] : memref<200x16384xi32, #tpu.memory_space<hbm>> -> memref<8x128xi32, #tpu.memory_space<hbm>>
    tpu.enqueue_dma source(%dma_start3A_675 : memref<8x128xi32, #tpu.memory_space<hbm>>) target(%dma_start3A_674 : memref<8x128xi32, #tpu.memory_space<vmem>>) target_semaphore(%arg10 : memref<!tpu.dma_semaphore, #tpu.memory_space<semaphore_mem>>)
    %dma_start3A_676 = arith.constant 16 : i32
    %dma_start3A_677 = arith.constant 2 : i32
    %dma_start3A_678 = arith.constant 0 : i32
    %dma_start3A_679 = arith.constant 0 : i32
    %dma_start3A_680 = tpu.memref_slice %arg6[%dma_start3A_677, %dma_start3A_678, %dma_start3A_679] : memref<25x8x128xi32, #tpu.memory_space<vmem>> -> memref<1x8x128xi32, #tpu.memory_space<vmem>>
    %dma_start3A_681 = tpu.memref_squeeze %dma_start3A_680 : memref<1x8x128xi32, #tpu.memory_space<vmem>> -> memref<8x128xi32, #tpu.memory_space<vmem>>
    %dma_start3A_682 = tpu.memref_slice %arg2[%dma_start3A_676, %add3A_651] : memref<200x16384xi32, #tpu.memory_space<hbm>> -> memref<8x128xi32, #tpu.memory_space<hbm>>
    %dma_start3A_683 = arith.constant 0 : i32
    %dma_start3A_684 = arith.constant 0 : i32
    %dma_start3A_685 = tpu.memref_slice %arg6[%dma_start3A_677, %dma_start3A_683, %dma_start3A_684] : memref<25x8x128xi32, #tpu.memory_space<vmem>> -> memref<1x8x128xi32, #tpu.memory_space<vmem>>
    %dma_start3A_686 = tpu.memref_squeeze %dma_start3A_685 : memref<1x8x128xi32, #tpu.memory_space<vmem>> -> memref<8x128xi32, #tpu.memory_space<vmem>>
    %dma_start3A_687 = tpu.memref_slice %arg2[%dma_start3A_676, %add3A_651] : memref<200x16384xi32, #tpu.memory_space<hbm>> -> memref<8x128xi32, #tpu.memory_space<hbm>>
    tpu.enqueue_dma source(%dma_start3A_687 : memref<8x128xi32, #tpu.memory_space<hbm>>) target(%dma_start3A_686 : memref<8x128xi32, #tpu.memory_space<vmem>>) target_semaphore(%arg10 : memref<!tpu.dma_semaphore, #tpu.memory_space<semaphore_mem>>)
    %dma_start3A_688 = arith.constant 24 : i32
    %dma_start3A_689 = arith.constant 3 : i32
    %dma_start3A_690 = arith.constant 0 : i32
    %dma_start3A_691 = arith.constant 0 : i32
    %dma_start3A_692 = tpu.memref_slice %arg6[%dma_start3A_689, %dma_start3A_690, %dma_start3A_691] : memref<25x8x128xi32, #tpu.memory_space<vmem>> -> memref<1x8x128xi32, #tpu.memory_space<vmem>>
    %dma_start3A_693 = tpu.memref_squeeze %dma_start3A_692 : memref<1x8x128xi32, #tpu.memory_space<vmem>> -> memref<8x128xi32, #tpu.memory_space<vmem>>
    %dma_start3A_694 = tpu.memref_slice %arg2[%dma_start3A_688, %add3A_651] : memref<200x16384xi32, #tpu.memory_space<hbm>> -> memref<8x128xi32, #tpu.memory_space<hbm>>
    %dma_start3A_695 = arith.constant 0 : i32
    %dma_start3A_696 = arith.constant 0 : i32
    %dma_start3A_697 = tpu.memref_slice %arg6[%dma_start3A_689, %dma_start3A_695, %dma_start3A_696] : memref<25x8x128xi32, #tpu.memory_space<vmem>> -> memref<1x8x128xi32, #tpu.memory_space<vmem>>
    %dma_start3A_698 = tpu.memref_squeeze %dma_start3A_697 : memref<1x8x128xi32, #tpu.memory_space<vmem>> -> memref<8x128xi32, #tpu.memory_space<vmem>>
    %dma_start3A_699 = tpu.memref_slice %arg2[%dma_start3A_688, %add3A_651] : memref<200x16384xi32, #tpu.memory_space<hbm>> -> memref<8x128xi32, #tpu.memory_space<hbm>>
    tpu.enqueue_dma source(%dma_start3A_699 : memref<8x128xi32, #tpu.memory_space<hbm>>) target(%dma_start3A_698 : memref<8x128xi32, #tpu.memory_space<vmem>>) target_semaphore(%arg10 : memref<!tpu.dma_semaphore, #tpu.memory_space<semaphore_mem>>)
    %dma_start3A_700 = arith.constant 32 : i32
    %dma_start3A_701 = arith.constant 4 : i32
    %dma_start3A_702 = arith.constant 0 : i32
    %dma_start3A_703 = arith.constant 0 : i32
    %dma_start3A_704 = tpu.memref_slice %arg6[%dma_start3A_701, %dma_start3A_702, %dma_start3A_703] : memref<25x8x128xi32, #tpu.memory_space<vmem>> -> memref<1x8x128xi32, #tpu.memory_space<vmem>>
    %dma_start3A_705 = tpu.memref_squeeze %dma_start3A_704 : memref<1x8x128xi32, #tpu.memory_space<vmem>> -> memref<8x128xi32, #tpu.memory_space<vmem>>
    %dma_start3A_706 = tpu.memref_slice %arg2[%dma_start3A_700, %add3A_651] : memref<200x16384xi32, #tpu.memory_space<hbm>> -> memref<8x128xi32, #tpu.memory_space<hbm>>
    %dma_start3A_707 = arith.constant 0 : i32
    %dma_start3A_708 = arith.constant 0 : i32
    %dma_start3A_709 = tpu.memref_slice %arg6[%dma_start3A_701, %dma_start3A_707, %dma_start3A_708] : memref<25x8x128xi32, #tpu.memory_space<vmem>> -> memref<1x8x128xi32, #tpu.memory_space<vmem>>
    %dma_start3A_710 = tpu.memref_squeeze %dma_start3A_709 : memref<1x8x128xi32, #tpu.memory_space<vmem>> -> memref<8x128xi32, #tpu.memory_space<vmem>>
    %dma_start3A_711 = tpu.memref_slice %arg2[%dma_start3A_700, %add3A_651] : memref<200x16384xi32, #tpu.memory_space<hbm>> -> memref<8x128xi32, #tpu.memory_space<hbm>>
    tpu.enqueue_dma source(%dma_start3A_711 : memref<8x128xi32, #tpu.memory_space<hbm>>) target(%dma_start3A_710 : memref<8x128xi32, #tpu.memory_space<vmem>>) target_semaphore(%arg10 : memref<!tpu.dma_semaphore, #tpu.memory_space<semaphore_mem>>)
    %dma_start3A_712 = arith.constant 40 : i32
    %dma_start3A_713 = arith.constant 5 : i32
    %dma_start3A_714 = arith.constant 0 : i32
    %dma_start3A_715 = arith.constant 0 : i32
    %dma_start3A_716 = tpu.memref_slice %arg6[%dma_start3A_713, %dma_start3A_714, %dma_start3A_715] : memref<25x8x128xi32, #tpu.memory_space<vmem>> -> memref<1x8x128xi32, #tpu.memory_space<vmem>>
    %dma_start3A_717 = tpu.memref_squeeze %dma_start3A_716 : memref<1x8x128xi32, #tpu.memory_space<vmem>> -> memref<8x128xi32, #tpu.memory_space<vmem>>
    %dma_start3A_718 = tpu.memref_slice %arg2[%dma_start3A_712, %add3A_651] : memref<200x16384xi32, #tpu.memory_space<hbm>> -> memref<8x128xi32, #tpu.memory_space<hbm>>
    %dma_start3A_719 = arith.constant 0 : i32
    %dma_start3A_720 = arith.constant 0 : i32
    %dma_start3A_721 = tpu.memref_slice %arg6[%dma_start3A_713, %dma_start3A_719, %dma_start3A_720] : memref<25x8x128xi32, #tpu.memory_space<vmem>> -> memref<1x8x128xi32, #tpu.memory_space<vmem>>
    %dma_start3A_722 = tpu.memref_squeeze %dma_start3A_721 : memref<1x8x128xi32, #tpu.memory_space<vmem>> -> memref<8x128xi32, #tpu.memory_space<vmem>>
    %dma_start3A_723 = tpu.memref_slice %arg2[%dma_start3A_712, %add3A_651] : memref<200x16384xi32, #tpu.memory_space<hbm>> -> memref<8x128xi32, #tpu.memory_space<hbm>>
    tpu.enqueue_dma source(%dma_start3A_723 : memref<8x128xi32, #tpu.memory_space<hbm>>) target(%dma_start3A_722 : memref<8x128xi32, #tpu.memory_space<vmem>>) target_semaphore(%arg10 : memref<!tpu.dma_semaphore, #tpu.memory_space<semaphore_mem>>)
    %dma_start3A_724 = arith.constant 48 : i32
    %dma_start3A_725 = arith.constant 6 : i32
    %dma_start3A_726 = arith.constant 0 : i32
    %dma_start3A_727 = arith.constant 0 : i32
    %dma_start3A_728 = tpu.memref_slice %arg6[%dma_start3A_725, %dma_start3A_726, %dma_start3A_727] : memref<25x8x128xi32, #tpu.memory_space<vmem>> -> memref<1x8x128xi32, #tpu.memory_space<vmem>>
    %dma_start3A_729 = tpu.memref_squeeze %dma_start3A_728 : memref<1x8x128xi32, #tpu.memory_space<vmem>> -> memref<8x128xi32, #tpu.memory_space<vmem>>
    %dma_start3A_730 = tpu.memref_slice %arg2[%dma_start3A_724, %add3A_651] : memref<200x16384xi32, #tpu.memory_space<hbm>> -> memref<8x128xi32, #tpu.memory_space<hbm>>
    %dma_start3A_731 = arith.constant 0 : i32
    %dma_start3A_732 = arith.constant 0 : i32
    %dma_start3A_733 = tpu.memref_slice %arg6[%dma_start3A_725, %dma_start3A_731, %dma_start3A_732] : memref<25x8x128xi32, #tpu.memory_space<vmem>> -> memref<1x8x128xi32, #tpu.memory_space<vmem>>
    %dma_start3A_734 = tpu.memref_squeeze %dma_start3A_733 : memref<1x8x128xi32, #tpu.memory_space<vmem>> -> memref<8x128xi32, #tpu.memory_space<vmem>>
    %dma_start3A_735 = tpu.memref_slice %arg2[%dma_start3A_724, %add3A_651] : memref<200x16384xi32, #tpu.memory_space<hbm>> -> memref<8x128xi32, #tpu.memory_space<hbm>>
    tpu.enqueue_dma source(%dma_start3A_735 : memref<8x128xi32, #tpu.memory_space<hbm>>) target(%dma_start3A_734 : memref<8x128xi32, #tpu.memory_space<vmem>>) target_semaphore(%arg10 : memref<!tpu.dma_semaphore, #tpu.memory_space<semaphore_mem>>)
    %dma_start3A_736 = arith.constant 56 : i32
    %dma_start3A_737 = arith.constant 7 : i32
    %dma_start3A_738 = arith.constant 0 : i32
    %dma_start3A_739 = arith.constant 0 : i32
    %dma_start3A_740 = tpu.memref_slice %arg6[%dma_start3A_737, %dma_start3A_738, %dma_start3A_739] : memref<25x8x128xi32, #tpu.memory_space<vmem>> -> memref<1x8x128xi32, #tpu.memory_space<vmem>>
    %dma_start3A_741 = tpu.memref_squeeze %dma_start3A_740 : memref<1x8x128xi32, #tpu.memory_space<vmem>> -> memref<8x128xi32, #tpu.memory_space<vmem>>
    %dma_start3A_742 = tpu.memref_slice %arg2[%dma_start3A_736, %add3A_651] : memref<200x16384xi32, #tpu.memory_space<hbm>> -> memref<8x128xi32, #tpu.memory_space<hbm>>
    %dma_start3A_743 = arith.constant 0 : i32
    %dma_start3A_744 = arith.constant 0 : i32
    %dma_start3A_745 = tpu.memref_slice %arg6[%dma_start3A_737, %dma_start3A_743, %dma_start3A_744] : memref<25x8x128xi32, #tpu.memory_space<vmem>> -> memref<1x8x128xi32, #tpu.memory_space<vmem>>
    %dma_start3A_746 = tpu.memref_squeeze %dma_start3A_745 : memref<1x8x128xi32, #tpu.memory_space<vmem>> -> memref<8x128xi32, #tpu.memory_space<vmem>>
    %dma_start3A_747 = tpu.memref_slice %arg2[%dma_start3A_736, %add3A_651] : memref<200x16384xi32, #tpu.memory_space<hbm>> -> memref<8x128xi32, #tpu.memory_space<hbm>>
    tpu.enqueue_dma source(%dma_start3A_747 : memref<8x128xi32, #tpu.memory_space<hbm>>) target(%dma_start3A_746 : memref<8x128xi32, #tpu.memory_space<vmem>>) target_semaphore(%arg10 : memref<!tpu.dma_semaphore, #tpu.memory_space<semaphore_mem>>)
    %dma_start3A_748 = arith.constant 64 : i32
    %dma_start3A_749 = arith.constant 8 : i32
    %dma_start3A_750 = arith.constant 0 : i32
    %dma_start3A_751 = arith.constant 0 : i32
    %dma_start3A_752 = tpu.memref_slice %arg6[%dma_start3A_749, %dma_start3A_750, %dma_start3A_751] : memref<25x8x128xi32, #tpu.memory_space<vmem>> -> memref<1x8x128xi32, #tpu.memory_space<vmem>>
    %dma_start3A_753 = tpu.memref_squeeze %dma_start3A_752 : memref<1x8x128xi32, #tpu.memory_space<vmem>> -> memref<8x128xi32, #tpu.memory_space<vmem>>
    %dma_start3A_754 = tpu.memref_slice %arg2[%dma_start3A_748, %add3A_651] : memref<200x16384xi32, #tpu.memory_space<hbm>> -> memref<8x128xi32, #tpu.memory_space<hbm>>
    %dma_start3A_755 = arith.constant 0 : i32
    %dma_start3A_756 = arith.constant 0 : i32
    %dma_start3A_757 = tpu.memref_slice %arg6[%dma_start3A_749, %dma_start3A_755, %dma_start3A_756] : memref<25x8x128xi32, #tpu.memory_space<vmem>> -> memref<1x8x128xi32, #tpu.memory_space<vmem>>
    %dma_start3A_758 = tpu.memref_squeeze %dma_start3A_757 : memref<1x8x128xi32, #tpu.memory_space<vmem>> -> memref<8x128xi32, #tpu.memory_space<vmem>>
    %dma_start3A_759 = tpu.memref_slice %arg2[%dma_start3A_748, %add3A_651] : memref<200x16384xi32, #tpu.memory_space<hbm>> -> memref<8x128xi32, #tpu.memory_space<hbm>>
    tpu.enqueue_dma source(%dma_start3A_759 : memref<8x128xi32, #tpu.memory_space<hbm>>) target(%dma_start3A_758 : memref<8x128xi32, #tpu.memory_space<vmem>>) target_semaphore(%arg10 : memref<!tpu.dma_semaphore, #tpu.memory_space<semaphore_mem>>)
    %dma_start3A_760 = arith.constant 72 : i32
    %dma_start3A_761 = arith.constant 9 : i32
    %dma_start3A_762 = arith.constant 0 : i32
    %dma_start3A_763 = arith.constant 0 : i32
    %dma_start3A_764 = tpu.memref_slice %arg6[%dma_start3A_761, %dma_start3A_762, %dma_start3A_763] : memref<25x8x128xi32, #tpu.memory_space<vmem>> -> memref<1x8x128xi32, #tpu.memory_space<vmem>>
    %dma_start3A_765 = tpu.memref_squeeze %dma_start3A_764 : memref<1x8x128xi32, #tpu.memory_space<vmem>> -> memref<8x128xi32, #tpu.memory_space<vmem>>
    %dma_start3A_766 = tpu.memref_slice %arg2[%dma_start3A_760, %add3A_651] : memref<200x16384xi32, #tpu.memory_space<hbm>> -> memref<8x128xi32, #tpu.memory_space<hbm>>
    %dma_start3A_767 = arith.constant 0 : i32
    %dma_start3A_768 = arith.constant 0 : i32
    %dma_start3A_769 = tpu.memref_slice %arg6[%dma_start3A_761, %dma_start3A_767, %dma_start3A_768] : memref<25x8x128xi32, #tpu.memory_space<vmem>> -> memref<1x8x128xi32, #tpu.memory_space<vmem>>
    %dma_start3A_770 = tpu.memref_squeeze %dma_start3A_769 : memref<1x8x128xi32, #tpu.memory_space<vmem>> -> memref<8x128xi32, #tpu.memory_space<vmem>>
    %dma_start3A_771 = tpu.memref_slice %arg2[%dma_start3A_760, %add3A_651] : memref<200x16384xi32, #tpu.memory_space<hbm>> -> memref<8x128xi32, #tpu.memory_space<hbm>>
    tpu.enqueue_dma source(%dma_start3A_771 : memref<8x128xi32, #tpu.memory_space<hbm>>) target(%dma_start3A_770 : memref<8x128xi32, #tpu.memory_space<vmem>>) target_semaphore(%arg10 : memref<!tpu.dma_semaphore, #tpu.memory_space<semaphore_mem>>)
    %dma_start3A_772 = arith.constant 80 : i32
    %dma_start3A_773 = arith.constant 10 : i32
    %dma_start3A_774 = arith.constant 0 : i32
    %dma_start3A_775 = arith.constant 0 : i32
    %dma_start3A_776 = tpu.memref_slice %arg6[%dma_start3A_773, %dma_start3A_774, %dma_start3A_775] : memref<25x8x128xi32, #tpu.memory_space<vmem>> -> memref<1x8x128xi32, #tpu.memory_space<vmem>>
    %dma_start3A_777 = tpu.memref_squeeze %dma_start3A_776 : memref<1x8x128xi32, #tpu.memory_space<vmem>> -> memref<8x128xi32, #tpu.memory_space<vmem>>
    %dma_start3A_778 = tpu.memref_slice %arg2[%dma_start3A_772, %add3A_651] : memref<200x16384xi32, #tpu.memory_space<hbm>> -> memref<8x128xi32, #tpu.memory_space<hbm>>
    %dma_start3A_779 = arith.constant 0 : i32
    %dma_start3A_780 = arith.constant 0 : i32
    %dma_start3A_781 = tpu.memref_slice %arg6[%dma_start3A_773, %dma_start3A_779, %dma_start3A_780] : memref<25x8x128xi32, #tpu.memory_space<vmem>> -> memref<1x8x128xi32, #tpu.memory_space<vmem>>
    %dma_start3A_782 = tpu.memref_squeeze %dma_start3A_781 : memref<1x8x128xi32, #tpu.memory_space<vmem>> -> memref<8x128xi32, #tpu.memory_space<vmem>>
    %dma_start3A_783 = tpu.memref_slice %arg2[%dma_start3A_772, %add3A_651] : memref<200x16384xi32, #tpu.memory_space<hbm>> -> memref<8x128xi32, #tpu.memory_space<hbm>>
    tpu.enqueue_dma source(%dma_start3A_783 : memref<8x128xi32, #tpu.memory_space<hbm>>) target(%dma_start3A_782 : memref<8x128xi32, #tpu.memory_space<vmem>>) target_semaphore(%arg10 : memref<!tpu.dma_semaphore, #tpu.memory_space<semaphore_mem>>)
    %dma_start3A_784 = arith.constant 88 : i32
    %dma_start3A_785 = arith.constant 11 : i32
    %dma_start3A_786 = arith.constant 0 : i32
    %dma_start3A_787 = arith.constant 0 : i32
    %dma_start3A_788 = tpu.memref_slice %arg6[%dma_start3A_785, %dma_start3A_786, %dma_start3A_787] : memref<25x8x128xi32, #tpu.memory_space<vmem>> -> memref<1x8x128xi32, #tpu.memory_space<vmem>>
    %dma_start3A_789 = tpu.memref_squeeze %dma_start3A_788 : memref<1x8x128xi32, #tpu.memory_space<vmem>> -> memref<8x128xi32, #tpu.memory_space<vmem>>
    %dma_start3A_790 = tpu.memref_slice %arg2[%dma_start3A_784, %add3A_651] : memref<200x16384xi32, #tpu.memory_space<hbm>> -> memref<8x128xi32, #tpu.memory_space<hbm>>
    %dma_start3A_791 = arith.constant 0 : i32
    %dma_start3A_792 = arith.constant 0 : i32
    %dma_start3A_793 = tpu.memref_slice %arg6[%dma_start3A_785, %dma_start3A_791, %dma_start3A_792] : memref<25x8x128xi32, #tpu.memory_space<vmem>> -> memref<1x8x128xi32, #tpu.memory_space<vmem>>
    %dma_start3A_794 = tpu.memref_squeeze %dma_start3A_793 : memref<1x8x128xi32, #tpu.memory_space<vmem>> -> memref<8x128xi32, #tpu.memory_space<vmem>>
    %dma_start3A_795 = tpu.memref_slice %arg2[%dma_start3A_784, %add3A_651] : memref<200x16384xi32, #tpu.memory_space<hbm>> -> memref<8x128xi32, #tpu.memory_space<hbm>>
    tpu.enqueue_dma source(%dma_start3A_795 : memref<8x128xi32, #tpu.memory_space<hbm>>) target(%dma_start3A_794 : memref<8x128xi32, #tpu.memory_space<vmem>>) target_semaphore(%arg10 : memref<!tpu.dma_semaphore, #tpu.memory_space<semaphore_mem>>)
    %dma_start3A_796 = arith.constant 96 : i32
    %dma_start3A_797 = arith.constant 12 : i32
    %dma_start3A_798 = arith.constant 0 : i32
    %dma_start3A_799 = arith.constant 0 : i32
    %dma_start3A_800 = tpu.memref_slice %arg6[%dma_start3A_797, %dma_start3A_798, %dma_start3A_799] : memref<25x8x128xi32, #tpu.memory_space<vmem>> -> memref<1x8x128xi32, #tpu.memory_space<vmem>>
    %dma_start3A_801 = tpu.memref_squeeze %dma_start3A_800 : memref<1x8x128xi32, #tpu.memory_space<vmem>> -> memref<8x128xi32, #tpu.memory_space<vmem>>
    %dma_start3A_802 = tpu.memref_slice %arg2[%dma_start3A_796, %add3A_651] : memref<200x16384xi32, #tpu.memory_space<hbm>> -> memref<8x128xi32, #tpu.memory_space<hbm>>
    %dma_start3A_803 = arith.constant 0 : i32
    %dma_start3A_804 = arith.constant 0 : i32
    %dma_start3A_805 = tpu.memref_slice %arg6[%dma_start3A_797, %dma_start3A_803, %dma_start3A_804] : memref<25x8x128xi32, #tpu.memory_space<vmem>> -> memref<1x8x128xi32, #tpu.memory_space<vmem>>
    %dma_start3A_806 = tpu.memref_squeeze %dma_start3A_805 : memref<1x8x128xi32, #tpu.memory_space<vmem>> -> memref<8x128xi32, #tpu.memory_space<vmem>>
    %dma_start3A_807 = tpu.memref_slice %arg2[%dma_start3A_796, %add3A_651] : memref<200x16384xi32, #tpu.memory_space<hbm>> -> memref<8x128xi32, #tpu.memory_space<hbm>>
    tpu.enqueue_dma source(%dma_start3A_807 : memref<8x128xi32, #tpu.memory_space<hbm>>) target(%dma_start3A_806 : memref<8x128xi32, #tpu.memory_space<vmem>>) target_semaphore(%arg10 : memref<!tpu.dma_semaphore, #tpu.memory_space<semaphore_mem>>)
    %dma_start3A_808 = arith.constant 104 : i32
    %dma_start3A_809 = arith.constant 13 : i32
    %dma_start3A_810 = arith.constant 0 : i32
    %dma_start3A_811 = arith.constant 0 : i32
    %dma_start3A_812 = tpu.memref_slice %arg6[%dma_start3A_809, %dma_start3A_810, %dma_start3A_811] : memref<25x8x128xi32, #tpu.memory_space<vmem>> -> memref<1x8x128xi32, #tpu.memory_space<vmem>>
    %dma_start3A_813 = tpu.memref_squeeze %dma_start3A_812 : memref<1x8x128xi32, #tpu.memory_space<vmem>> -> memref<8x128xi32, #tpu.memory_space<vmem>>
    %dma_start3A_814 = tpu.memref_slice %arg2[%dma_start3A_808, %add3A_651] : memref<200x16384xi32, #tpu.memory_space<hbm>> -> memref<8x128xi32, #tpu.memory_space<hbm>>
    %dma_start3A_815 = arith.constant 0 : i32
    %dma_start3A_816 = arith.constant 0 : i32
    %dma_start3A_817 = tpu.memref_slice %arg6[%dma_start3A_809, %dma_start3A_815, %dma_start3A_816] : memref<25x8x128xi32, #tpu.memory_space<vmem>> -> memref<1x8x128xi32, #tpu.memory_space<vmem>>
    %dma_start3A_818 = tpu.memref_squeeze %dma_start3A_817 : memref<1x8x128xi32, #tpu.memory_space<vmem>> -> memref<8x128xi32, #tpu.memory_space<vmem>>
    %dma_start3A_819 = tpu.memref_slice %arg2[%dma_start3A_808, %add3A_651] : memref<200x16384xi32, #tpu.memory_space<hbm>> -> memref<8x128xi32, #tpu.memory_space<hbm>>
    tpu.enqueue_dma source(%dma_start3A_819 : memref<8x128xi32, #tpu.memory_space<hbm>>) target(%dma_start3A_818 : memref<8x128xi32, #tpu.memory_space<vmem>>) target_semaphore(%arg10 : memref<!tpu.dma_semaphore, #tpu.memory_space<semaphore_mem>>)
    %dma_start3A_820 = arith.constant 112 : i32
    %dma_start3A_821 = arith.constant 14 : i32
    %dma_start3A_822 = arith.constant 0 : i32
    %dma_start3A_823 = arith.constant 0 : i32
    %dma_start3A_824 = tpu.memref_slice %arg6[%dma_start3A_821, %dma_start3A_822, %dma_start3A_823] : memref<25x8x128xi32, #tpu.memory_space<vmem>> -> memref<1x8x128xi32, #tpu.memory_space<vmem>>
    %dma_start3A_825 = tpu.memref_squeeze %dma_start3A_824 : memref<1x8x128xi32, #tpu.memory_space<vmem>> -> memref<8x128xi32, #tpu.memory_space<vmem>>
    %dma_start3A_826 = tpu.memref_slice %arg2[%dma_start3A_820, %add3A_651] : memref<200x16384xi32, #tpu.memory_space<hbm>> -> memref<8x128xi32, #tpu.memory_space<hbm>>
    %dma_start3A_827 = arith.constant 0 : i32
    %dma_start3A_828 = arith.constant 0 : i32
    %dma_start3A_829 = tpu.memref_slice %arg6[%dma_start3A_821, %dma_start3A_827, %dma_start3A_828] : memref<25x8x128xi32, #tpu.memory_space<vmem>> -> memref<1x8x128xi32, #tpu.memory_space<vmem>>
    %dma_start3A_830 = tpu.memref_squeeze %dma_start3A_829 : memref<1x8x128xi32, #tpu.memory_space<vmem>> -> memref<8x128xi32, #tpu.memory_space<vmem>>
    %dma_start3A_831 = tpu.memref_slice %arg2[%dma_start3A_820, %add3A_651] : memref<200x16384xi32, #tpu.memory_space<hbm>> -> memref<8x128xi32, #tpu.memory_space<hbm>>
    tpu.enqueue_dma source(%dma_start3A_831 : memref<8x128xi32, #tpu.memory_space<hbm>>) target(%dma_start3A_830 : memref<8x128xi32, #tpu.memory_space<vmem>>) target_semaphore(%arg10 : memref<!tpu.dma_semaphore, #tpu.memory_space<semaphore_mem>>)
    %dma_start3A_832 = arith.constant 120 : i32
    %dma_start3A_833 = arith.constant 15 : i32
    %dma_start3A_834 = arith.constant 0 : i32
    %dma_start3A_835 = arith.constant 0 : i32
    %dma_start3A_836 = tpu.memref_slice %arg6[%dma_start3A_833, %dma_start3A_834, %dma_start3A_835] : memref<25x8x128xi32, #tpu.memory_space<vmem>> -> memref<1x8x128xi32, #tpu.memory_space<vmem>>
    %dma_start3A_837 = tpu.memref_squeeze %dma_start3A_836 : memref<1x8x128xi32, #tpu.memory_space<vmem>> -> memref<8x128xi32, #tpu.memory_space<vmem>>
    %dma_start3A_838 = tpu.memref_slice %arg2[%dma_start3A_832, %add3A_651] : memref<200x16384xi32, #tpu.memory_space<hbm>> -> memref<8x128xi32, #tpu.memory_space<hbm>>
    %dma_start3A_839 = arith.constant 0 : i32
    %dma_start3A_840 = arith.constant 0 : i32
    %dma_start3A_841 = tpu.memref_slice %arg6[%dma_start3A_833, %dma_start3A_839, %dma_start3A_840] : memref<25x8x128xi32, #tpu.memory_space<vmem>> -> memref<1x8x128xi32, #tpu.memory_space<vmem>>
    %dma_start3A_842 = tpu.memref_squeeze %dma_start3A_841 : memref<1x8x128xi32, #tpu.memory_space<vmem>> -> memref<8x128xi32, #tpu.memory_space<vmem>>
    %dma_start3A_843 = tpu.memref_slice %arg2[%dma_start3A_832, %add3A_651] : memref<200x16384xi32, #tpu.memory_space<hbm>> -> memref<8x128xi32, #tpu.memory_space<hbm>>
    tpu.enqueue_dma source(%dma_start3A_843 : memref<8x128xi32, #tpu.memory_space<hbm>>) target(%dma_start3A_842 : memref<8x128xi32, #tpu.memory_space<vmem>>) target_semaphore(%arg10 : memref<!tpu.dma_semaphore, #tpu.memory_space<semaphore_mem>>)
    %dma_start3A_844 = arith.constant 128 : i32
    %dma_start3A_845 = arith.constant 16 : i32
    %dma_start3A_846 = arith.constant 0 : i32
    %dma_start3A_847 = arith.constant 0 : i32
    %dma_start3A_848 = tpu.memref_slice %arg6[%dma_start3A_845, %dma_start3A_846, %dma_start3A_847] : memref<25x8x128xi32, #tpu.memory_space<vmem>> -> memref<1x8x128xi32, #tpu.memory_space<vmem>>
    %dma_start3A_849 = tpu.memref_squeeze %dma_start3A_848 : memref<1x8x128xi32, #tpu.memory_space<vmem>> -> memref<8x128xi32, #tpu.memory_space<vmem>>
    %dma_start3A_850 = tpu.memref_slice %arg2[%dma_start3A_844, %add3A_651] : memref<200x16384xi32, #tpu.memory_space<hbm>> -> memref<8x128xi32, #tpu.memory_space<hbm>>
    %dma_start3A_851 = arith.constant 0 : i32
    %dma_start3A_852 = arith.constant 0 : i32
    %dma_start3A_853 = tpu.memref_slice %arg6[%dma_start3A_845, %dma_start3A_851, %dma_start3A_852] : memref<25x8x128xi32, #tpu.memory_space<vmem>> -> memref<1x8x128xi32, #tpu.memory_space<vmem>>
    %dma_start3A_854 = tpu.memref_squeeze %dma_start3A_853 : memref<1x8x128xi32, #tpu.memory_space<vmem>> -> memref<8x128xi32, #tpu.memory_space<vmem>>
    %dma_start3A_855 = tpu.memref_slice %arg2[%dma_start3A_844, %add3A_651] : memref<200x16384xi32, #tpu.memory_space<hbm>> -> memref<8x128xi32, #tpu.memory_space<hbm>>
    tpu.enqueue_dma source(%dma_start3A_855 : memref<8x128xi32, #tpu.memory_space<hbm>>) target(%dma_start3A_854 : memref<8x128xi32, #tpu.memory_space<vmem>>) target_semaphore(%arg10 : memref<!tpu.dma_semaphore, #tpu.memory_space<semaphore_mem>>)
    %dma_start3A_856 = arith.constant 136 : i32
    %dma_start3A_857 = arith.constant 17 : i32
    %dma_start3A_858 = arith.constant 0 : i32
    %dma_start3A_859 = arith.constant 0 : i32
    %dma_start3A_860 = tpu.memref_slice %arg6[%dma_start3A_857, %dma_start3A_858, %dma_start3A_859] : memref<25x8x128xi32, #tpu.memory_space<vmem>> -> memref<1x8x128xi32, #tpu.memory_space<vmem>>
    %dma_start3A_861 = tpu.memref_squeeze %dma_start3A_860 : memref<1x8x128xi32, #tpu.memory_space<vmem>> -> memref<8x128xi32, #tpu.memory_space<vmem>>
    %dma_start3A_862 = tpu.memref_slice %arg2[%dma_start3A_856, %add3A_651] : memref<200x16384xi32, #tpu.memory_space<hbm>> -> memref<8x128xi32, #tpu.memory_space<hbm>>
    %dma_start3A_863 = arith.constant 0 : i32
    %dma_start3A_864 = arith.constant 0 : i32
    %dma_start3A_865 = tpu.memref_slice %arg6[%dma_start3A_857, %dma_start3A_863, %dma_start3A_864] : memref<25x8x128xi32, #tpu.memory_space<vmem>> -> memref<1x8x128xi32, #tpu.memory_space<vmem>>
    %dma_start3A_866 = tpu.memref_squeeze %dma_start3A_865 : memref<1x8x128xi32, #tpu.memory_space<vmem>> -> memref<8x128xi32, #tpu.memory_space<vmem>>
    %dma_start3A_867 = tpu.memref_slice %arg2[%dma_start3A_856, %add3A_651] : memref<200x16384xi32, #tpu.memory_space<hbm>> -> memref<8x128xi32, #tpu.memory_space<hbm>>
    tpu.enqueue_dma source(%dma_start3A_867 : memref<8x128xi32, #tpu.memory_space<hbm>>) target(%dma_start3A_866 : memref<8x128xi32, #tpu.memory_space<vmem>>) target_semaphore(%arg10 : memref<!tpu.dma_semaphore, #tpu.memory_space<semaphore_mem>>)
    %dma_start3A_868 = arith.constant 144 : i32
    %dma_start3A_869 = arith.constant 18 : i32
    %dma_start3A_870 = arith.constant 0 : i32
    %dma_start3A_871 = arith.constant 0 : i32
    %dma_start3A_872 = tpu.memref_slice %arg6[%dma_start3A_869, %dma_start3A_870, %dma_start3A_871] : memref<25x8x128xi32, #tpu.memory_space<vmem>> -> memref<1x8x128xi32, #tpu.memory_space<vmem>>
    %dma_start3A_873 = tpu.memref_squeeze %dma_start3A_872 : memref<1x8x128xi32, #tpu.memory_space<vmem>> -> memref<8x128xi32, #tpu.memory_space<vmem>>
    %dma_start3A_874 = tpu.memref_slice %arg2[%dma_start3A_868, %add3A_651] : memref<200x16384xi32, #tpu.memory_space<hbm>> -> memref<8x128xi32, #tpu.memory_space<hbm>>
    %dma_start3A_875 = arith.constant 0 : i32
    %dma_start3A_876 = arith.constant 0 : i32
    %dma_start3A_877 = tpu.memref_slice %arg6[%dma_start3A_869, %dma_start3A_875, %dma_start3A_876] : memref<25x8x128xi32, #tpu.memory_space<vmem>> -> memref<1x8x128xi32, #tpu.memory_space<vmem>>
    %dma_start3A_878 = tpu.memref_squeeze %dma_start3A_877 : memref<1x8x128xi32, #tpu.memory_space<vmem>> -> memref<8x128xi32, #tpu.memory_space<vmem>>
    %dma_start3A_879 = tpu.memref_slice %arg2[%dma_start3A_868, %add3A_651] : memref<200x16384xi32, #tpu.memory_space<hbm>> -> memref<8x128xi32, #tpu.memory_space<hbm>>
    tpu.enqueue_dma source(%dma_start3A_879 : memref<8x128xi32, #tpu.memory_space<hbm>>) target(%dma_start3A_878 : memref<8x128xi32, #tpu.memory_space<vmem>>) target_semaphore(%arg10 : memref<!tpu.dma_semaphore, #tpu.memory_space<semaphore_mem>>)
    %dma_start3A_880 = arith.constant 152 : i32
    %dma_start3A_881 = arith.constant 19 : i32
    %dma_start3A_882 = arith.constant 0 : i32
    %dma_start3A_883 = arith.constant 0 : i32
    %dma_start3A_884 = tpu.memref_slice %arg6[%dma_start3A_881, %dma_start3A_882, %dma_start3A_883] : memref<25x8x128xi32, #tpu.memory_space<vmem>> -> memref<1x8x128xi32, #tpu.memory_space<vmem>>
    %dma_start3A_885 = tpu.memref_squeeze %dma_start3A_884 : memref<1x8x128xi32, #tpu.memory_space<vmem>> -> memref<8x128xi32, #tpu.memory_space<vmem>>
    %dma_start3A_886 = tpu.memref_slice %arg2[%dma_start3A_880, %add3A_651] : memref<200x16384xi32, #tpu.memory_space<hbm>> -> memref<8x128xi32, #tpu.memory_space<hbm>>
    %dma_start3A_887 = arith.constant 0 : i32
    %dma_start3A_888 = arith.constant 0 : i32
    %dma_start3A_889 = tpu.memref_slice %arg6[%dma_start3A_881, %dma_start3A_887, %dma_start3A_888] : memref<25x8x128xi32, #tpu.memory_space<vmem>> -> memref<1x8x128xi32, #tpu.memory_space<vmem>>
    %dma_start3A_890 = tpu.memref_squeeze %dma_start3A_889 : memref<1x8x128xi32, #tpu.memory_space<vmem>> -> memref<8x128xi32, #tpu.memory_space<vmem>>
    %dma_start3A_891 = tpu.memref_slice %arg2[%dma_start3A_880, %add3A_651] : memref<200x16384xi32, #tpu.memory_space<hbm>> -> memref<8x128xi32, #tpu.memory_space<hbm>>
    tpu.enqueue_dma source(%dma_start3A_891 : memref<8x128xi32, #tpu.memory_space<hbm>>) target(%dma_start3A_890 : memref<8x128xi32, #tpu.memory_space<vmem>>) target_semaphore(%arg10 : memref<!tpu.dma_semaphore, #tpu.memory_space<semaphore_mem>>)
    %dma_start3A_892 = arith.constant 160 : i32
    %dma_start3A_893 = arith.constant 20 : i32
    %dma_start3A_894 = arith.constant 0 : i32
    %dma_start3A_895 = arith.constant 0 : i32
    %dma_start3A_896 = tpu.memref_slice %arg6[%dma_start3A_893, %dma_start3A_894, %dma_start3A_895] : memref<25x8x128xi32, #tpu.memory_space<vmem>> -> memref<1x8x128xi32, #tpu.memory_space<vmem>>
    %dma_start3A_897 = tpu.memref_squeeze %dma_start3A_896 : memref<1x8x128xi32, #tpu.memory_space<vmem>> -> memref<8x128xi32, #tpu.memory_space<vmem>>
    %dma_start3A_898 = tpu.memref_slice %arg2[%dma_start3A_892, %add3A_651] : memref<200x16384xi32, #tpu.memory_space<hbm>> -> memref<8x128xi32, #tpu.memory_space<hbm>>
    %dma_start3A_899 = arith.constant 0 : i32
    %dma_start3A_900 = arith.constant 0 : i32
    %dma_start3A_901 = tpu.memref_slice %arg6[%dma_start3A_893, %dma_start3A_899, %dma_start3A_900] : memref<25x8x128xi32, #tpu.memory_space<vmem>> -> memref<1x8x128xi32, #tpu.memory_space<vmem>>
    %dma_start3A_902 = tpu.memref_squeeze %dma_start3A_901 : memref<1x8x128xi32, #tpu.memory_space<vmem>> -> memref<8x128xi32, #tpu.memory_space<vmem>>
    %dma_start3A_903 = tpu.memref_slice %arg2[%dma_start3A_892, %add3A_651] : memref<200x16384xi32, #tpu.memory_space<hbm>> -> memref<8x128xi32, #tpu.memory_space<hbm>>
    tpu.enqueue_dma source(%dma_start3A_903 : memref<8x128xi32, #tpu.memory_space<hbm>>) target(%dma_start3A_902 : memref<8x128xi32, #tpu.memory_space<vmem>>) target_semaphore(%arg10 : memref<!tpu.dma_semaphore, #tpu.memory_space<semaphore_mem>>)
    %dma_start3A_904 = arith.constant 168 : i32
    %dma_start3A_905 = arith.constant 21 : i32
    %dma_start3A_906 = arith.constant 0 : i32
    %dma_start3A_907 = arith.constant 0 : i32
    %dma_start3A_908 = tpu.memref_slice %arg6[%dma_start3A_905, %dma_start3A_906, %dma_start3A_907] : memref<25x8x128xi32, #tpu.memory_space<vmem>> -> memref<1x8x128xi32, #tpu.memory_space<vmem>>
    %dma_start3A_909 = tpu.memref_squeeze %dma_start3A_908 : memref<1x8x128xi32, #tpu.memory_space<vmem>> -> memref<8x128xi32, #tpu.memory_space<vmem>>
    %dma_start3A_910 = tpu.memref_slice %arg2[%dma_start3A_904, %add3A_651] : memref<200x16384xi32, #tpu.memory_space<hbm>> -> memref<8x128xi32, #tpu.memory_space<hbm>>
    %dma_start3A_911 = arith.constant 0 : i32
    %dma_start3A_912 = arith.constant 0 : i32
    %dma_start3A_913 = tpu.memref_slice %arg6[%dma_start3A_905, %dma_start3A_911, %dma_start3A_912] : memref<25x8x128xi32, #tpu.memory_space<vmem>> -> memref<1x8x128xi32, #tpu.memory_space<vmem>>
    %dma_start3A_914 = tpu.memref_squeeze %dma_start3A_913 : memref<1x8x128xi32, #tpu.memory_space<vmem>> -> memref<8x128xi32, #tpu.memory_space<vmem>>
    %dma_start3A_915 = tpu.memref_slice %arg2[%dma_start3A_904, %add3A_651] : memref<200x16384xi32, #tpu.memory_space<hbm>> -> memref<8x128xi32, #tpu.memory_space<hbm>>
    tpu.enqueue_dma source(%dma_start3A_915 : memref<8x128xi32, #tpu.memory_space<hbm>>) target(%dma_start3A_914 : memref<8x128xi32, #tpu.memory_space<vmem>>) target_semaphore(%arg10 : memref<!tpu.dma_semaphore, #tpu.memory_space<semaphore_mem>>)
    %dma_start3A_916 = arith.constant 176 : i32
    %dma_start3A_917 = arith.constant 22 : i32
    %dma_start3A_918 = arith.constant 0 : i32
    %dma_start3A_919 = arith.constant 0 : i32
    %dma_start3A_920 = tpu.memref_slice %arg6[%dma_start3A_917, %dma_start3A_918, %dma_start3A_919] : memref<25x8x128xi32, #tpu.memory_space<vmem>> -> memref<1x8x128xi32, #tpu.memory_space<vmem>>
    %dma_start3A_921 = tpu.memref_squeeze %dma_start3A_920 : memref<1x8x128xi32, #tpu.memory_space<vmem>> -> memref<8x128xi32, #tpu.memory_space<vmem>>
    %dma_start3A_922 = tpu.memref_slice %arg2[%dma_start3A_916, %add3A_651] : memref<200x16384xi32, #tpu.memory_space<hbm>> -> memref<8x128xi32, #tpu.memory_space<hbm>>
    %dma_start3A_923 = arith.constant 0 : i32
    %dma_start3A_924 = arith.constant 0 : i32
    %dma_start3A_925 = tpu.memref_slice %arg6[%dma_start3A_917, %dma_start3A_923, %dma_start3A_924] : memref<25x8x128xi32, #tpu.memory_space<vmem>> -> memref<1x8x128xi32, #tpu.memory_space<vmem>>
    %dma_start3A_926 = tpu.memref_squeeze %dma_start3A_925 : memref<1x8x128xi32, #tpu.memory_space<vmem>> -> memref<8x128xi32, #tpu.memory_space<vmem>>
    %dma_start3A_927 = tpu.memref_slice %arg2[%dma_start3A_916, %add3A_651] : memref<200x16384xi32, #tpu.memory_space<hbm>> -> memref<8x128xi32, #tpu.memory_space<hbm>>
    tpu.enqueue_dma source(%dma_start3A_927 : memref<8x128xi32, #tpu.memory_space<hbm>>) target(%dma_start3A_926 : memref<8x128xi32, #tpu.memory_space<vmem>>) target_semaphore(%arg10 : memref<!tpu.dma_semaphore, #tpu.memory_space<semaphore_mem>>)
    %dma_start3A_928 = arith.constant 184 : i32
    %dma_start3A_929 = arith.constant 23 : i32
    %dma_start3A_930 = arith.constant 0 : i32
    %dma_start3A_931 = arith.constant 0 : i32
    %dma_start3A_932 = tpu.memref_slice %arg6[%dma_start3A_929, %dma_start3A_930, %dma_start3A_931] : memref<25x8x128xi32, #tpu.memory_space<vmem>> -> memref<1x8x128xi32, #tpu.memory_space<vmem>>
    %dma_start3A_933 = tpu.memref_squeeze %dma_start3A_932 : memref<1x8x128xi32, #tpu.memory_space<vmem>> -> memref<8x128xi32, #tpu.memory_space<vmem>>
    %dma_start3A_934 = tpu.memref_slice %arg2[%dma_start3A_928, %add3A_651] : memref<200x16384xi32, #tpu.memory_space<hbm>> -> memref<8x128xi32, #tpu.memory_space<hbm>>
    %dma_start3A_935 = arith.constant 0 : i32
    %dma_start3A_936 = arith.constant 0 : i32
    %dma_start3A_937 = tpu.memref_slice %arg6[%dma_start3A_929, %dma_start3A_935, %dma_start3A_936] : memref<25x8x128xi32, #tpu.memory_space<vmem>> -> memref<1x8x128xi32, #tpu.memory_space<vmem>>
    %dma_start3A_938 = tpu.memref_squeeze %dma_start3A_937 : memref<1x8x128xi32, #tpu.memory_space<vmem>> -> memref<8x128xi32, #tpu.memory_space<vmem>>
    %dma_start3A_939 = tpu.memref_slice %arg2[%dma_start3A_928, %add3A_651] : memref<200x16384xi32, #tpu.memory_space<hbm>> -> memref<8x128xi32, #tpu.memory_space<hbm>>
    tpu.enqueue_dma source(%dma_start3A_939 : memref<8x128xi32, #tpu.memory_space<hbm>>) target(%dma_start3A_938 : memref<8x128xi32, #tpu.memory_space<vmem>>) target_semaphore(%arg10 : memref<!tpu.dma_semaphore, #tpu.memory_space<semaphore_mem>>)
    %dma_start3A_940 = arith.constant 192 : i32
    %dma_start3A_941 = arith.constant 24 : i32
    %dma_start3A_942 = arith.constant 0 : i32
    %dma_start3A_943 = arith.constant 0 : i32
    %dma_start3A_944 = tpu.memref_slice %arg6[%dma_start3A_941, %dma_start3A_942, %dma_start3A_943] : memref<25x8x128xi32, #tpu.memory_space<vmem>> -> memref<1x8x128xi32, #tpu.memory_space<vmem>>
    %dma_start3A_945 = tpu.memref_squeeze %dma_start3A_944 : memref<1x8x128xi32, #tpu.memory_space<vmem>> -> memref<8x128xi32, #tpu.memory_space<vmem>>
    %dma_start3A_946 = tpu.memref_slice %arg2[%dma_start3A_940, %add3A_651] : memref<200x16384xi32, #tpu.memory_space<hbm>> -> memref<8x128xi32, #tpu.memory_space<hbm>>
    %dma_start3A_947 = arith.constant 0 : i32
    %dma_start3A_948 = arith.constant 0 : i32
    %dma_start3A_949 = tpu.memref_slice %arg6[%dma_start3A_941, %dma_start3A_947, %dma_start3A_948] : memref<25x8x128xi32, #tpu.memory_space<vmem>> -> memref<1x8x128xi32, #tpu.memory_space<vmem>>
    %dma_start3A_950 = tpu.memref_squeeze %dma_start3A_949 : memref<1x8x128xi32, #tpu.memory_space<vmem>> -> memref<8x128xi32, #tpu.memory_space<vmem>>
    %dma_start3A_951 = tpu.memref_slice %arg2[%dma_start3A_940, %add3A_651] : memref<200x16384xi32, #tpu.memory_space<hbm>> -> memref<8x128xi32, #tpu.memory_space<hbm>>
    tpu.enqueue_dma source(%dma_start3A_951 : memref<8x128xi32, #tpu.memory_space<hbm>>) target(%dma_start3A_950 : memref<8x128xi32, #tpu.memory_space<vmem>>) target_semaphore(%arg10 : memref<!tpu.dma_semaphore, #tpu.memory_space<semaphore_mem>>)
    %parallel_loop3A = arith.constant 0 : i32
    %parallel_loop3A_952 = arith.constant 200 : i32
    %parallel_loop3A_953 = arith.constant 1 : i32
    scf.for %parallel_loop3A_2499 = %parallel_loop3A to %parallel_loop3A_952 step %parallel_loop3A_953  : i32 {
      %parallel_loop3A_2500 = arith.constant 3 : i32
      %parallel_loop3A_2501 = arith.shrsi %parallel_loop3A_2499, %parallel_loop3A_2500 : i32
      %parallel_loop3A_2502 = arith.constant 7 : i32
      %parallel_loop3A_2503 = arith.andi %parallel_loop3A_2499, %parallel_loop3A_2502 : i32
      %parallel_loop3A_2504 = arith.constant 3 : i32
      %parallel_loop3A_2505 = arith.shli %parallel_loop3A_2501, %parallel_loop3A_2504 : i32
      %parallel_loop3A_2506 = arith.addi %parallel_loop3A_2505, %parallel_loop3A_2503 : i32
      %parallel_loop3A_2507 = arith.constant 0 : i32
      %parallel_loop3A_2508 = arith.index_cast %parallel_loop3A_2501 : i32 to index
      %parallel_loop3A_2509 = arith.index_cast %parallel_loop3A_2503 : i32 to index
      %parallel_loop3A_2510 = arith.index_cast %parallel_loop3A_2507 : i32 to index
      %parallel_loop3A_2511 = tpu.vector_load %arg5[%parallel_loop3A_2508, %parallel_loop3A_2509, %parallel_loop3A_2510] {strides = array<i32>} : memref<25x8x128xi32, #tpu.memory_space<vmem>>, vector<16xi32>,
      %parallel_loop3A_2512 = vector.bitcast %parallel_loop3A_2511 : vector<16xi32> to vector<16xi32>
      %parallel_loop3A_2513 = arith.cmpi eq, %parallel_loop3A_2512, %gather3A_5 : vector<16xi32>
      %parallel_loop3A_2514 = arith.cmpi eq, %parallel_loop3A_2512, %gather3A_10 : vector<16xi32>
      %parallel_loop3A_2515 = arith.select %parallel_loop3A_2514, %gather3A_20, %broadcast_in_dim3A_22 : vector<16xi1>, vector<16xi32>
      %parallel_loop3A_2516 = arith.select %parallel_loop3A_2513, %gather3A_15, %parallel_loop3A_2515 : vector<16xi1>, vector<16xi32>
      %parallel_loop3A_2517 = vector.broadcast %parallel_loop3A_2506 : i32 to vector<16xi32>
      %parallel_loop3A_2518 = arith.addi %parallel_loop3A_2517, %add3A_28 : vector<16xi32>
      tpu.vector_store_idx %arg7[%parallel_loop3A_2518], %parallel_loop3A_2516 : memref<25600xi32, #tpu.memory_space<vmem>>[vector<16xi32>], vector<16xi32>,
      %parallel_loop3A_2519 = arith.constant 16 : i32
      %parallel_loop3A_2520 = arith.index_cast %parallel_loop3A_2501 : i32 to index
      %parallel_loop3A_2521 = arith.index_cast %parallel_loop3A_2503 : i32 to index
      %parallel_loop3A_2522 = arith.index_cast %parallel_loop3A_2519 : i32 to index
      %parallel_loop3A_2523 = tpu.vector_load %arg5[%parallel_loop3A_2520, %parallel_loop3A_2521, %parallel_loop3A_2522] {strides = array<i32>} : memref<25x8x128xi32, #tpu.memory_space<vmem>>, vector<16xi32>,
      %parallel_loop3A_2524 = vector.bitcast %parallel_loop3A_2523 : vector<16xi32> to vector<16xi32>
      %parallel_loop3A_2525 = arith.cmpi eq, %parallel_loop3A_2524, %gather3A_5 : vector<16xi32>
      %parallel_loop3A_2526 = arith.cmpi eq, %parallel_loop3A_2524, %gather3A_10 : vector<16xi32>
      %parallel_loop3A_2527 = arith.select %parallel_loop3A_2526, %gather3A_20, %broadcast_in_dim3A_22 : vector<16xi1>, vector<16xi32>
      %parallel_loop3A_2528 = arith.select %parallel_loop3A_2525, %gather3A_15, %parallel_loop3A_2527 : vector<16xi1>, vector<16xi32>
      %parallel_loop3A_2529 = vector.broadcast %parallel_loop3A_2506 : i32 to vector<16xi32>
      %parallel_loop3A_2530 = arith.addi %parallel_loop3A_2529, %add3A_31 : vector<16xi32>
      tpu.vector_store_idx %arg7[%parallel_loop3A_2530], %parallel_loop3A_2528 : memref<25600xi32, #tpu.memory_space<vmem>>[vector<16xi32>], vector<16xi32>,
      %parallel_loop3A_2531 = arith.constant 32 : i32
      %parallel_loop3A_2532 = arith.index_cast %parallel_loop3A_2501 : i32 to index
      %parallel_loop3A_2533 = arith.index_cast %parallel_loop3A_2503 : i32 to index
      %parallel_loop3A_2534 = arith.index_cast %parallel_loop3A_2531 : i32 to index
      %parallel_loop3A_2535 = tpu.vector_load %arg5[%parallel_loop3A_2532, %parallel_loop3A_2533, %parallel_loop3A_2534] {strides = array<i32>} : memref<25x8x128xi32, #tpu.memory_space<vmem>>, vector<16xi32>,
      %parallel_loop3A_2536 = vector.bitcast %parallel_loop3A_2535 : vector<16xi32> to vector<16xi32>
      %parallel_loop3A_2537 = arith.cmpi eq, %parallel_loop3A_2536, %gather3A_5 : vector<16xi32>
      %parallel_loop3A_2538 = arith.cmpi eq, %parallel_loop3A_2536, %gather3A_10 : vector<16xi32>
      %parallel_loop3A_2539 = arith.select %parallel_loop3A_2538, %gather3A_20, %broadcast_in_dim3A_22 : vector<16xi1>, vector<16xi32>
      %parallel_loop3A_2540 = arith.select %parallel_loop3A_2537, %gather3A_15, %parallel_loop3A_2539 : vector<16xi1>, vector<16xi32>
      %parallel_loop3A_2541 = vector.broadcast %parallel_loop3A_2506 : i32 to vector<16xi32>
      %parallel_loop3A_2542 = arith.addi %parallel_loop3A_2541, %add3A_34 : vector<16xi32>
      tpu.vector_store_idx %arg7[%parallel_loop3A_2542], %parallel_loop3A_2540 : memref<25600xi32, #tpu.memory_space<vmem>>[vector<16xi32>], vector<16xi32>,
      %parallel_loop3A_2543 = arith.constant 48 : i32
      %parallel_loop3A_2544 = arith.index_cast %parallel_loop3A_2501 : i32 to index
      %parallel_loop3A_2545 = arith.index_cast %parallel_loop3A_2503 : i32 to index
      %parallel_loop3A_2546 = arith.index_cast %parallel_loop3A_2543 : i32 to index
      %parallel_loop3A_2547 = tpu.vector_load %arg5[%parallel_loop3A_2544, %parallel_loop3A_2545, %parallel_loop3A_2546] {strides = array<i32>} : memref<25x8x128xi32, #tpu.memory_space<vmem>>, vector<16xi32>,
      %parallel_loop3A_2548 = vector.bitcast %parallel_loop3A_2547 : vector<16xi32> to vector<16xi32>
      %parallel_loop3A_2549 = arith.cmpi eq, %parallel_loop3A_2548, %gather3A_5 : vector<16xi32>
      %parallel_loop3A_2550 = arith.cmpi eq, %parallel_loop3A_2548, %gather3A_10 : vector<16xi32>
      %parallel_loop3A_2551 = arith.select %parallel_loop3A_2550, %gather3A_20, %broadcast_in_dim3A_22 : vector<16xi1>, vector<16xi32>
      %parallel_loop3A_2552 = arith.select %parallel_loop3A_2549, %gather3A_15, %parallel_loop3A_2551 : vector<16xi1>, vector<16xi32>
      %parallel_loop3A_2553 = vector.broadcast %parallel_loop3A_2506 : i32 to vector<16xi32>
      %parallel_loop3A_2554 = arith.addi %parallel_loop3A_2553, %add3A_37 : vector<16xi32>
      tpu.vector_store_idx %arg7[%parallel_loop3A_2554], %parallel_loop3A_2552 : memref<25600xi32, #tpu.memory_space<vmem>>[vector<16xi32>], vector<16xi32>,
      %parallel_loop3A_2555 = arith.constant 64 : i32
      %parallel_loop3A_2556 = arith.index_cast %parallel_loop3A_2501 : i32 to index
      %parallel_loop3A_2557 = arith.index_cast %parallel_loop3A_2503 : i32 to index
      %parallel_loop3A_2558 = arith.index_cast %parallel_loop3A_2555 : i32 to index
      %parallel_loop3A_2559 = tpu.vector_load %arg5[%parallel_loop3A_2556, %parallel_loop3A_2557, %parallel_loop3A_2558] {strides = array<i32>} : memref<25x8x128xi32, #tpu.memory_space<vmem>>, vector<16xi32>,
      %parallel_loop3A_2560 = vector.bitcast %parallel_loop3A_2559 : vector<16xi32> to vector<16xi32>
      %parallel_loop3A_2561 = arith.cmpi eq, %parallel_loop3A_2560, %gather3A_5 : vector<16xi32>
      %parallel_loop3A_2562 = arith.cmpi eq, %parallel_loop3A_2560, %gather3A_10 : vector<16xi32>
      %parallel_loop3A_2563 = arith.select %parallel_loop3A_2562, %gather3A_20, %broadcast_in_dim3A_22 : vector<16xi1>, vector<16xi32>
      %parallel_loop3A_2564 = arith.select %parallel_loop3A_2561, %gather3A_15, %parallel_loop3A_2563 : vector<16xi1>, vector<16xi32>
      %parallel_loop3A_2565 = vector.broadcast %parallel_loop3A_2506 : i32 to vector<16xi32>
      %parallel_loop3A_2566 = arith.addi %parallel_loop3A_2565, %add3A_40 : vector<16xi32>
      tpu.vector_store_idx %arg7[%parallel_loop3A_2566], %parallel_loop3A_2564 : memref<25600xi32, #tpu.memory_space<vmem>>[vector<16xi32>], vector<16xi32>,
      %parallel_loop3A_2567 = arith.constant 80 : i32
      %parallel_loop3A_2568 = arith.index_cast %parallel_loop3A_2501 : i32 to index
      %parallel_loop3A_2569 = arith.index_cast %parallel_loop3A_2503 : i32 to index
      %parallel_loop3A_2570 = arith.index_cast %parallel_loop3A_2567 : i32 to index
      %parallel_loop3A_2571 = tpu.vector_load %arg5[%parallel_loop3A_2568, %parallel_loop3A_2569, %parallel_loop3A_2570] {strides = array<i32>} : memref<25x8x128xi32, #tpu.memory_space<vmem>>, vector<16xi32>,
      %parallel_loop3A_2572 = vector.bitcast %parallel_loop3A_2571 : vector<16xi32> to vector<16xi32>
      %parallel_loop3A_2573 = arith.cmpi eq, %parallel_loop3A_2572, %gather3A_5 : vector<16xi32>
      %parallel_loop3A_2574 = arith.cmpi eq, %parallel_loop3A_2572, %gather3A_10 : vector<16xi32>
      %parallel_loop3A_2575 = arith.select %parallel_loop3A_2574, %gather3A_20, %broadcast_in_dim3A_22 : vector<16xi1>, vector<16xi32>
      %parallel_loop3A_2576 = arith.select %parallel_loop3A_2573, %gather3A_15, %parallel_loop3A_2575 : vector<16xi1>, vector<16xi32>
      %parallel_loop3A_2577 = vector.broadcast %parallel_loop3A_2506 : i32 to vector<16xi32>
      %parallel_loop3A_2578 = arith.addi %parallel_loop3A_2577, %add3A_43 : vector<16xi32>
      tpu.vector_store_idx %arg7[%parallel_loop3A_2578], %parallel_loop3A_2576 : memref<25600xi32, #tpu.memory_space<vmem>>[vector<16xi32>], vector<16xi32>,
      %parallel_loop3A_2579 = arith.constant 96 : i32
      %parallel_loop3A_2580 = arith.index_cast %parallel_loop3A_2501 : i32 to index
      %parallel_loop3A_2581 = arith.index_cast %parallel_loop3A_2503 : i32 to index
      %parallel_loop3A_2582 = arith.index_cast %parallel_loop3A_2579 : i32 to index
      %parallel_loop3A_2583 = tpu.vector_load %arg5[%parallel_loop3A_2580, %parallel_loop3A_2581, %parallel_loop3A_2582] {strides = array<i32>} : memref<25x8x128xi32, #tpu.memory_space<vmem>>, vector<16xi32>,
      %parallel_loop3A_2584 = vector.bitcast %parallel_loop3A_2583 : vector<16xi32> to vector<16xi32>
      %parallel_loop3A_2585 = arith.cmpi eq, %parallel_loop3A_2584, %gather3A_5 : vector<16xi32>
      %parallel_loop3A_2586 = arith.cmpi eq, %parallel_loop3A_2584, %gather3A_10 : vector<16xi32>
      %parallel_loop3A_2587 = arith.select %parallel_loop3A_2586, %gather3A_20, %broadcast_in_dim3A_22 : vector<16xi1>, vector<16xi32>
      %parallel_loop3A_2588 = arith.select %parallel_loop3A_2585, %gather3A_15, %parallel_loop3A_2587 : vector<16xi1>, vector<16xi32>
      %parallel_loop3A_2589 = vector.broadcast %parallel_loop3A_2506 : i32 to vector<16xi32>
      %parallel_loop3A_2590 = arith.addi %parallel_loop3A_2589, %add3A_46 : vector<16xi32>
      tpu.vector_store_idx %arg7[%parallel_loop3A_2590], %parallel_loop3A_2588 : memref<25600xi32, #tpu.memory_space<vmem>>[vector<16xi32>], vector<16xi32>,
      %parallel_loop3A_2591 = arith.constant 112 : i32
      %parallel_loop3A_2592 = arith.index_cast %parallel_loop3A_2501 : i32 to index
      %parallel_loop3A_2593 = arith.index_cast %parallel_loop3A_2503 : i32 to index
      %parallel_loop3A_2594 = arith.index_cast %parallel_loop3A_2591 : i32 to index
      %parallel_loop3A_2595 = tpu.vector_load %arg5[%parallel_loop3A_2592, %parallel_loop3A_2593, %parallel_loop3A_2594] {strides = array<i32>} : memref<25x8x128xi32, #tpu.memory_space<vmem>>, vector<16xi32>,
      %parallel_loop3A_2596 = vector.bitcast %parallel_loop3A_2595 : vector<16xi32> to vector<16xi32>
      %parallel_loop3A_2597 = arith.cmpi eq, %parallel_loop3A_2596, %gather3A_5 : vector<16xi32>
      %parallel_loop3A_2598 = arith.cmpi eq, %parallel_loop3A_2596, %gather3A_10 : vector<16xi32>
      %parallel_loop3A_2599 = arith.select %parallel_loop3A_2598, %gather3A_20, %broadcast_in_dim3A_22 : vector<16xi1>, vector<16xi32>
      %parallel_loop3A_2600 = arith.select %parallel_loop3A_2597, %gather3A_15, %parallel_loop3A_2599 : vector<16xi1>, vector<16xi32>
      %parallel_loop3A_2601 = vector.broadcast %parallel_loop3A_2506 : i32 to vector<16xi32>
      %parallel_loop3A_2602 = arith.addi %parallel_loop3A_2601, %add3A_49 : vector<16xi32>
      tpu.vector_store_idx %arg7[%parallel_loop3A_2602], %parallel_loop3A_2600 : memref<25600xi32, #tpu.memory_space<vmem>>[vector<16xi32>], vector<16xi32>,
    } {sc.loop_unroll_factor = 2 : i64, sc.parallel_access}
    %add3A_954 = arith.constant 0 : i32
    %add3A_955 = arith.addi %mul3A_2, %add3A_954 : i32
    %mul3A_956 = arith.constant 200 : i32
    %mul3A_957 = arith.muli %add3A_955, %mul3A_956 : i32
    %dma_start3A_958 = tpu.memref_slice %arg4[%mul3A_957] : memref<3276800xi32, #tpu.memory_space<hbm>> -> memref<25600xi32, #tpu.memory_space<hbm>>
    %dma_start3A_959 = tpu.memref_slice %arg4[%mul3A_957] : memref<3276800xi32, #tpu.memory_space<hbm>> -> memref<25600xi32, #tpu.memory_space<hbm>>
    tpu.enqueue_dma source(%arg7 : memref<25600xi32, #tpu.memory_space<vmem>>) target(%dma_start3A_959 : memref<25600xi32, #tpu.memory_space<hbm>>) target_semaphore(%arg11 : memref<!tpu.dma_semaphore, #tpu.memory_space<semaphore_mem>>)
    %dma_wait3A_960 = arith.constant 0 : i32
    %dma_wait3A_961 = arith.constant 0 : i32
    %dma_wait3A_962 = arith.constant 0 : i32
    %dma_wait3A_963 = arith.constant 0 : i32
    %dma_wait3A_964 = tpu.memref_slice %arg6[%dma_wait3A_961, %dma_wait3A_962, %dma_wait3A_963] : memref<25x8x128xi32, #tpu.memory_space<vmem>> -> memref<1x8x128xi32, #tpu.memory_space<vmem>>
    %dma_wait3A_965 = tpu.memref_squeeze %dma_wait3A_964 : memref<1x8x128xi32, #tpu.memory_space<vmem>> -> memref<8x128xi32, #tpu.memory_space<vmem>>
    %dma_wait3A_966 = tpu.memref_slice %arg2[%dma_wait3A_960, %add3A_651] : memref<200x16384xi32, #tpu.memory_space<hbm>> -> memref<8x128xi32, #tpu.memory_space<hbm>>
    %dma_wait3A_967 = arith.constant 0 : i32
    %dma_wait3A_968 = arith.constant 0 : i32
    %dma_wait3A_969 = tpu.memref_slice %arg6[%dma_wait3A_961, %dma_wait3A_967, %dma_wait3A_968] : memref<25x8x128xi32, #tpu.memory_space<vmem>> -> memref<1x8x128xi32, #tpu.memory_space<vmem>>
    %dma_wait3A_970 = tpu.memref_squeeze %dma_wait3A_969 : memref<1x8x128xi32, #tpu.memory_space<vmem>> -> memref<8x128xi32, #tpu.memory_space<vmem>>
    %dma_wait3A_971 = tpu.memref_slice %arg2[%dma_wait3A_960, %add3A_651] : memref<200x16384xi32, #tpu.memory_space<hbm>> -> memref<8x128xi32, #tpu.memory_space<hbm>>
    tpu.wait_dma2 semaphore(%arg10 : memref<!tpu.dma_semaphore, #tpu.memory_space<semaphore_mem>>) src(%dma_wait3A_971 : memref<8x128xi32, #tpu.memory_space<hbm>>) dst(%dma_wait3A_970 : memref<8x128xi32, #tpu.memory_space<vmem>>)
    %dma_wait3A_972 = arith.constant 8 : i32
    %dma_wait3A_973 = arith.constant 1 : i32
    %dma_wait3A_974 = arith.constant 0 : i32
    %dma_wait3A_975 = arith.constant 0 : i32
    %dma_wait3A_976 = tpu.memref_slice %arg6[%dma_wait3A_973, %dma_wait3A_974, %dma_wait3A_975] : memref<25x8x128xi32, #tpu.memory_space<vmem>> -> memref<1x8x128xi32, #tpu.memory_space<vmem>>
    %dma_wait3A_977 = tpu.memref_squeeze %dma_wait3A_976 : memref<1x8x128xi32, #tpu.memory_space<vmem>> -> memref<8x128xi32, #tpu.memory_space<vmem>>
    %dma_wait3A_978 = tpu.memref_slice %arg2[%dma_wait3A_972, %add3A_651] : memref<200x16384xi32, #tpu.memory_space<hbm>> -> memref<8x128xi32, #tpu.memory_space<hbm>>
    %dma_wait3A_979 = arith.constant 0 : i32
    %dma_wait3A_980 = arith.constant 0 : i32
    %dma_wait3A_981 = tpu.memref_slice %arg6[%dma_wait3A_973, %dma_wait3A_979, %dma_wait3A_980] : memref<25x8x128xi32, #tpu.memory_space<vmem>> -> memref<1x8x128xi32, #tpu.memory_space<vmem>>
    %dma_wait3A_982 = tpu.memref_squeeze %dma_wait3A_981 : memref<1x8x128xi32, #tpu.memory_space<vmem>> -> memref<8x128xi32, #tpu.memory_space<vmem>>
    %dma_wait3A_983 = tpu.memref_slice %arg2[%dma_wait3A_972, %add3A_651] : memref<200x16384xi32, #tpu.memory_space<hbm>> -> memref<8x128xi32, #tpu.memory_space<hbm>>
    tpu.wait_dma2 semaphore(%arg10 : memref<!tpu.dma_semaphore, #tpu.memory_space<semaphore_mem>>) src(%dma_wait3A_983 : memref<8x128xi32, #tpu.memory_space<hbm>>) dst(%dma_wait3A_982 : memref<8x128xi32, #tpu.memory_space<vmem>>)
    %dma_wait3A_984 = arith.constant 16 : i32
    %dma_wait3A_985 = arith.constant 2 : i32
    %dma_wait3A_986 = arith.constant 0 : i32
    %dma_wait3A_987 = arith.constant 0 : i32
    %dma_wait3A_988 = tpu.memref_slice %arg6[%dma_wait3A_985, %dma_wait3A_986, %dma_wait3A_987] : memref<25x8x128xi32, #tpu.memory_space<vmem>> -> memref<1x8x128xi32, #tpu.memory_space<vmem>>
    %dma_wait3A_989 = tpu.memref_squeeze %dma_wait3A_988 : memref<1x8x128xi32, #tpu.memory_space<vmem>> -> memref<8x128xi32, #tpu.memory_space<vmem>>
    %dma_wait3A_990 = tpu.memref_slice %arg2[%dma_wait3A_984, %add3A_651] : memref<200x16384xi32, #tpu.memory_space<hbm>> -> memref<8x128xi32, #tpu.memory_space<hbm>>
    %dma_wait3A_991 = arith.constant 0 : i32
    %dma_wait3A_992 = arith.constant 0 : i32
    %dma_wait3A_993 = tpu.memref_slice %arg6[%dma_wait3A_985, %dma_wait3A_991, %dma_wait3A_992] : memref<25x8x128xi32, #tpu.memory_space<vmem>> -> memref<1x8x128xi32, #tpu.memory_space<vmem>>
    %dma_wait3A_994 = tpu.memref_squeeze %dma_wait3A_993 : memref<1x8x128xi32, #tpu.memory_space<vmem>> -> memref<8x128xi32, #tpu.memory_space<vmem>>
    %dma_wait3A_995 = tpu.memref_slice %arg2[%dma_wait3A_984, %add3A_651] : memref<200x16384xi32, #tpu.memory_space<hbm>> -> memref<8x128xi32, #tpu.memory_space<hbm>>
    tpu.wait_dma2 semaphore(%arg10 : memref<!tpu.dma_semaphore, #tpu.memory_space<semaphore_mem>>) src(%dma_wait3A_995 : memref<8x128xi32, #tpu.memory_space<hbm>>) dst(%dma_wait3A_994 : memref<8x128xi32, #tpu.memory_space<vmem>>)
    %dma_wait3A_996 = arith.constant 24 : i32
    %dma_wait3A_997 = arith.constant 3 : i32
    %dma_wait3A_998 = arith.constant 0 : i32
    %dma_wait3A_999 = arith.constant 0 : i32
    %dma_wait3A_1000 = tpu.memref_slice %arg6[%dma_wait3A_997, %dma_wait3A_998, %dma_wait3A_999] : memref<25x8x128xi32, #tpu.memory_space<vmem>> -> memref<1x8x128xi32, #tpu.memory_space<vmem>>
    %dma_wait3A_1001 = tpu.memref_squeeze %dma_wait3A_1000 : memref<1x8x128xi32, #tpu.memory_space<vmem>> -> memref<8x128xi32, #tpu.memory_space<vmem>>
    %dma_wait3A_1002 = tpu.memref_slice %arg2[%dma_wait3A_996, %add3A_651] : memref<200x16384xi32, #tpu.memory_space<hbm>> -> memref<8x128xi32, #tpu.memory_space<hbm>>
    %dma_wait3A_1003 = arith.constant 0 : i32
    %dma_wait3A_1004 = arith.constant 0 : i32
    %dma_wait3A_1005 = tpu.memref_slice %arg6[%dma_wait3A_997, %dma_wait3A_1003, %dma_wait3A_1004] : memref<25x8x128xi32, #tpu.memory_space<vmem>> -> memref<1x8x128xi32, #tpu.memory_space<vmem>>
    %dma_wait3A_1006 = tpu.memref_squeeze %dma_wait3A_1005 : memref<1x8x128xi32, #tpu.memory_space<vmem>> -> memref<8x128xi32, #tpu.memory_space<vmem>>
    %dma_wait3A_1007 = tpu.memref_slice %arg2[%dma_wait3A_996, %add3A_651] : memref<200x16384xi32, #tpu.memory_space<hbm>> -> memref<8x128xi32, #tpu.memory_space<hbm>>
    tpu.wait_dma2 semaphore(%arg10 : memref<!tpu.dma_semaphore, #tpu.memory_space<semaphore_mem>>) src(%dma_wait3A_1007 : memref<8x128xi32, #tpu.memory_space<hbm>>) dst(%dma_wait3A_1006 : memref<8x128xi32, #tpu.memory_space<vmem>>)
    %dma_wait3A_1008 = arith.constant 32 : i32
    %dma_wait3A_1009 = arith.constant 4 : i32
    %dma_wait3A_1010 = arith.constant 0 : i32
    %dma_wait3A_1011 = arith.constant 0 : i32
    %dma_wait3A_1012 = tpu.memref_slice %arg6[%dma_wait3A_1009, %dma_wait3A_1010, %dma_wait3A_1011] : memref<25x8x128xi32, #tpu.memory_space<vmem>> -> memref<1x8x128xi32, #tpu.memory_space<vmem>>
    %dma_wait3A_1013 = tpu.memref_squeeze %dma_wait3A_1012 : memref<1x8x128xi32, #tpu.memory_space<vmem>> -> memref<8x128xi32, #tpu.memory_space<vmem>>
    %dma_wait3A_1014 = tpu.memref_slice %arg2[%dma_wait3A_1008, %add3A_651] : memref<200x16384xi32, #tpu.memory_space<hbm>> -> memref<8x128xi32, #tpu.memory_space<hbm>>
    %dma_wait3A_1015 = arith.constant 0 : i32
    %dma_wait3A_1016 = arith.constant 0 : i32
    %dma_wait3A_1017 = tpu.memref_slice %arg6[%dma_wait3A_1009, %dma_wait3A_1015, %dma_wait3A_1016] : memref<25x8x128xi32, #tpu.memory_space<vmem>> -> memref<1x8x128xi32, #tpu.memory_space<vmem>>
    %dma_wait3A_1018 = tpu.memref_squeeze %dma_wait3A_1017 : memref<1x8x128xi32, #tpu.memory_space<vmem>> -> memref<8x128xi32, #tpu.memory_space<vmem>>
    %dma_wait3A_1019 = tpu.memref_slice %arg2[%dma_wait3A_1008, %add3A_651] : memref<200x16384xi32, #tpu.memory_space<hbm>> -> memref<8x128xi32, #tpu.memory_space<hbm>>
    tpu.wait_dma2 semaphore(%arg10 : memref<!tpu.dma_semaphore, #tpu.memory_space<semaphore_mem>>) src(%dma_wait3A_1019 : memref<8x128xi32, #tpu.memory_space<hbm>>) dst(%dma_wait3A_1018 : memref<8x128xi32, #tpu.memory_space<vmem>>)
    %dma_wait3A_1020 = arith.constant 40 : i32
    %dma_wait3A_1021 = arith.constant 5 : i32
    %dma_wait3A_1022 = arith.constant 0 : i32
    %dma_wait3A_1023 = arith.constant 0 : i32
    %dma_wait3A_1024 = tpu.memref_slice %arg6[%dma_wait3A_1021, %dma_wait3A_1022, %dma_wait3A_1023] : memref<25x8x128xi32, #tpu.memory_space<vmem>> -> memref<1x8x128xi32, #tpu.memory_space<vmem>>
    %dma_wait3A_1025 = tpu.memref_squeeze %dma_wait3A_1024 : memref<1x8x128xi32, #tpu.memory_space<vmem>> -> memref<8x128xi32, #tpu.memory_space<vmem>>
    %dma_wait3A_1026 = tpu.memref_slice %arg2[%dma_wait3A_1020, %add3A_651] : memref<200x16384xi32, #tpu.memory_space<hbm>> -> memref<8x128xi32, #tpu.memory_space<hbm>>
    %dma_wait3A_1027 = arith.constant 0 : i32
    %dma_wait3A_1028 = arith.constant 0 : i32
    %dma_wait3A_1029 = tpu.memref_slice %arg6[%dma_wait3A_1021, %dma_wait3A_1027, %dma_wait3A_1028] : memref<25x8x128xi32, #tpu.memory_space<vmem>> -> memref<1x8x128xi32, #tpu.memory_space<vmem>>
    %dma_wait3A_1030 = tpu.memref_squeeze %dma_wait3A_1029 : memref<1x8x128xi32, #tpu.memory_space<vmem>> -> memref<8x128xi32, #tpu.memory_space<vmem>>
    %dma_wait3A_1031 = tpu.memref_slice %arg2[%dma_wait3A_1020, %add3A_651] : memref<200x16384xi32, #tpu.memory_space<hbm>> -> memref<8x128xi32, #tpu.memory_space<hbm>>
    tpu.wait_dma2 semaphore(%arg10 : memref<!tpu.dma_semaphore, #tpu.memory_space<semaphore_mem>>) src(%dma_wait3A_1031 : memref<8x128xi32, #tpu.memory_space<hbm>>) dst(%dma_wait3A_1030 : memref<8x128xi32, #tpu.memory_space<vmem>>)
    %dma_wait3A_1032 = arith.constant 48 : i32
    %dma_wait3A_1033 = arith.constant 6 : i32
    %dma_wait3A_1034 = arith.constant 0 : i32
    %dma_wait3A_1035 = arith.constant 0 : i32
    %dma_wait3A_1036 = tpu.memref_slice %arg6[%dma_wait3A_1033, %dma_wait3A_1034, %dma_wait3A_1035] : memref<25x8x128xi32, #tpu.memory_space<vmem>> -> memref<1x8x128xi32, #tpu.memory_space<vmem>>
    %dma_wait3A_1037 = tpu.memref_squeeze %dma_wait3A_1036 : memref<1x8x128xi32, #tpu.memory_space<vmem>> -> memref<8x128xi32, #tpu.memory_space<vmem>>
    %dma_wait3A_1038 = tpu.memref_slice %arg2[%dma_wait3A_1032, %add3A_651] : memref<200x16384xi32, #tpu.memory_space<hbm>> -> memref<8x128xi32, #tpu.memory_space<hbm>>
    %dma_wait3A_1039 = arith.constant 0 : i32
    %dma_wait3A_1040 = arith.constant 0 : i32
    %dma_wait3A_1041 = tpu.memref_slice %arg6[%dma_wait3A_1033, %dma_wait3A_1039, %dma_wait3A_1040] : memref<25x8x128xi32, #tpu.memory_space<vmem>> -> memref<1x8x128xi32, #tpu.memory_space<vmem>>
    %dma_wait3A_1042 = tpu.memref_squeeze %dma_wait3A_1041 : memref<1x8x128xi32, #tpu.memory_space<vmem>> -> memref<8x128xi32, #tpu.memory_space<vmem>>
    %dma_wait3A_1043 = tpu.memref_slice %arg2[%dma_wait3A_1032, %add3A_651] : memref<200x16384xi32, #tpu.memory_space<hbm>> -> memref<8x128xi32, #tpu.memory_space<hbm>>
    tpu.wait_dma2 semaphore(%arg10 : memref<!tpu.dma_semaphore, #tpu.memory_space<semaphore_mem>>) src(%dma_wait3A_1043 : memref<8x128xi32, #tpu.memory_space<hbm>>) dst(%dma_wait3A_1042 : memref<8x128xi32, #tpu.memory_space<vmem>>)
    %dma_wait3A_1044 = arith.constant 56 : i32
    %dma_wait3A_1045 = arith.constant 7 : i32
    %dma_wait3A_1046 = arith.constant 0 : i32
    %dma_wait3A_1047 = arith.constant 0 : i32
    %dma_wait3A_1048 = tpu.memref_slice %arg6[%dma_wait3A_1045, %dma_wait3A_1046, %dma_wait3A_1047] : memref<25x8x128xi32, #tpu.memory_space<vmem>> -> memref<1x8x128xi32, #tpu.memory_space<vmem>>
    %dma_wait3A_1049 = tpu.memref_squeeze %dma_wait3A_1048 : memref<1x8x128xi32, #tpu.memory_space<vmem>> -> memref<8x128xi32, #tpu.memory_space<vmem>>
    %dma_wait3A_1050 = tpu.memref_slice %arg2[%dma_wait3A_1044, %add3A_651] : memref<200x16384xi32, #tpu.memory_space<hbm>> -> memref<8x128xi32, #tpu.memory_space<hbm>>
    %dma_wait3A_1051 = arith.constant 0 : i32
    %dma_wait3A_1052 = arith.constant 0 : i32
    %dma_wait3A_1053 = tpu.memref_slice %arg6[%dma_wait3A_1045, %dma_wait3A_1051, %dma_wait3A_1052] : memref<25x8x128xi32, #tpu.memory_space<vmem>> -> memref<1x8x128xi32, #tpu.memory_space<vmem>>
    %dma_wait3A_1054 = tpu.memref_squeeze %dma_wait3A_1053 : memref<1x8x128xi32, #tpu.memory_space<vmem>> -> memref<8x128xi32, #tpu.memory_space<vmem>>
    %dma_wait3A_1055 = tpu.memref_slice %arg2[%dma_wait3A_1044, %add3A_651] : memref<200x16384xi32, #tpu.memory_space<hbm>> -> memref<8x128xi32, #tpu.memory_space<hbm>>
    tpu.wait_dma2 semaphore(%arg10 : memref<!tpu.dma_semaphore, #tpu.memory_space<semaphore_mem>>) src(%dma_wait3A_1055 : memref<8x128xi32, #tpu.memory_space<hbm>>) dst(%dma_wait3A_1054 : memref<8x128xi32, #tpu.memory_space<vmem>>)
    %dma_wait3A_1056 = arith.constant 64 : i32
    %dma_wait3A_1057 = arith.constant 8 : i32
    %dma_wait3A_1058 = arith.constant 0 : i32
    %dma_wait3A_1059 = arith.constant 0 : i32
    %dma_wait3A_1060 = tpu.memref_slice %arg6[%dma_wait3A_1057, %dma_wait3A_1058, %dma_wait3A_1059] : memref<25x8x128xi32, #tpu.memory_space<vmem>> -> memref<1x8x128xi32, #tpu.memory_space<vmem>>
    %dma_wait3A_1061 = tpu.memref_squeeze %dma_wait3A_1060 : memref<1x8x128xi32, #tpu.memory_space<vmem>> -> memref<8x128xi32, #tpu.memory_space<vmem>>
    %dma_wait3A_1062 = tpu.memref_slice %arg2[%dma_wait3A_1056, %add3A_651] : memref<200x16384xi32, #tpu.memory_space<hbm>> -> memref<8x128xi32, #tpu.memory_space<hbm>>
    %dma_wait3A_1063 = arith.constant 0 : i32
    %dma_wait3A_1064 = arith.constant 0 : i32
    %dma_wait3A_1065 = tpu.memref_slice %arg6[%dma_wait3A_1057, %dma_wait3A_1063, %dma_wait3A_1064] : memref<25x8x128xi32, #tpu.memory_space<vmem>> -> memref<1x8x128xi32, #tpu.memory_space<vmem>>
    %dma_wait3A_1066 = tpu.memref_squeeze %dma_wait3A_1065 : memref<1x8x128xi32, #tpu.memory_space<vmem>> -> memref<8x128xi32, #tpu.memory_space<vmem>>
    %dma_wait3A_1067 = tpu.memref_slice %arg2[%dma_wait3A_1056, %add3A_651] : memref<200x16384xi32, #tpu.memory_space<hbm>> -> memref<8x128xi32, #tpu.memory_space<hbm>>
    tpu.wait_dma2 semaphore(%arg10 : memref<!tpu.dma_semaphore, #tpu.memory_space<semaphore_mem>>) src(%dma_wait3A_1067 : memref<8x128xi32, #tpu.memory_space<hbm>>) dst(%dma_wait3A_1066 : memref<8x128xi32, #tpu.memory_space<vmem>>)
    %dma_wait3A_1068 = arith.constant 72 : i32
    %dma_wait3A_1069 = arith.constant 9 : i32
    %dma_wait3A_1070 = arith.constant 0 : i32
    %dma_wait3A_1071 = arith.constant 0 : i32
    %dma_wait3A_1072 = tpu.memref_slice %arg6[%dma_wait3A_1069, %dma_wait3A_1070, %dma_wait3A_1071] : memref<25x8x128xi32, #tpu.memory_space<vmem>> -> memref<1x8x128xi32, #tpu.memory_space<vmem>>
    %dma_wait3A_1073 = tpu.memref_squeeze %dma_wait3A_1072 : memref<1x8x128xi32, #tpu.memory_space<vmem>> -> memref<8x128xi32, #tpu.memory_space<vmem>>
    %dma_wait3A_1074 = tpu.memref_slice %arg2[%dma_wait3A_1068, %add3A_651] : memref<200x16384xi32, #tpu.memory_space<hbm>> -> memref<8x128xi32, #tpu.memory_space<hbm>>
    %dma_wait3A_1075 = arith.constant 0 : i32
    %dma_wait3A_1076 = arith.constant 0 : i32
    %dma_wait3A_1077 = tpu.memref_slice %arg6[%dma_wait3A_1069, %dma_wait3A_1075, %dma_wait3A_1076] : memref<25x8x128xi32, #tpu.memory_space<vmem>> -> memref<1x8x128xi32, #tpu.memory_space<vmem>>
    %dma_wait3A_1078 = tpu.memref_squeeze %dma_wait3A_1077 : memref<1x8x128xi32, #tpu.memory_space<vmem>> -> memref<8x128xi32, #tpu.memory_space<vmem>>
    %dma_wait3A_1079 = tpu.memref_slice %arg2[%dma_wait3A_1068, %add3A_651] : memref<200x16384xi32, #tpu.memory_space<hbm>> -> memref<8x128xi32, #tpu.memory_space<hbm>>
    tpu.wait_dma2 semaphore(%arg10 : memref<!tpu.dma_semaphore, #tpu.memory_space<semaphore_mem>>) src(%dma_wait3A_1079 : memref<8x128xi32, #tpu.memory_space<hbm>>) dst(%dma_wait3A_1078 : memref<8x128xi32, #tpu.memory_space<vmem>>)
    %dma_wait3A_1080 = arith.constant 80 : i32
    %dma_wait3A_1081 = arith.constant 10 : i32
    %dma_wait3A_1082 = arith.constant 0 : i32
    %dma_wait3A_1083 = arith.constant 0 : i32
    %dma_wait3A_1084 = tpu.memref_slice %arg6[%dma_wait3A_1081, %dma_wait3A_1082, %dma_wait3A_1083] : memref<25x8x128xi32, #tpu.memory_space<vmem>> -> memref<1x8x128xi32, #tpu.memory_space<vmem>>
    %dma_wait3A_1085 = tpu.memref_squeeze %dma_wait3A_1084 : memref<1x8x128xi32, #tpu.memory_space<vmem>> -> memref<8x128xi32, #tpu.memory_space<vmem>>
    %dma_wait3A_1086 = tpu.memref_slice %arg2[%dma_wait3A_1080, %add3A_651] : memref<200x16384xi32, #tpu.memory_space<hbm>> -> memref<8x128xi32, #tpu.memory_space<hbm>>
    %dma_wait3A_1087 = arith.constant 0 : i32
    %dma_wait3A_1088 = arith.constant 0 : i32
    %dma_wait3A_1089 = tpu.memref_slice %arg6[%dma_wait3A_1081, %dma_wait3A_1087, %dma_wait3A_1088] : memref<25x8x128xi32, #tpu.memory_space<vmem>> -> memref<1x8x128xi32, #tpu.memory_space<vmem>>
    %dma_wait3A_1090 = tpu.memref_squeeze %dma_wait3A_1089 : memref<1x8x128xi32, #tpu.memory_space<vmem>> -> memref<8x128xi32, #tpu.memory_space<vmem>>
    %dma_wait3A_1091 = tpu.memref_slice %arg2[%dma_wait3A_1080, %add3A_651] : memref<200x16384xi32, #tpu.memory_space<hbm>> -> memref<8x128xi32, #tpu.memory_space<hbm>>
    tpu.wait_dma2 semaphore(%arg10 : memref<!tpu.dma_semaphore, #tpu.memory_space<semaphore_mem>>) src(%dma_wait3A_1091 : memref<8x128xi32, #tpu.memory_space<hbm>>) dst(%dma_wait3A_1090 : memref<8x128xi32, #tpu.memory_space<vmem>>)
    %dma_wait3A_1092 = arith.constant 88 : i32
    %dma_wait3A_1093 = arith.constant 11 : i32
    %dma_wait3A_1094 = arith.constant 0 : i32
    %dma_wait3A_1095 = arith.constant 0 : i32
    %dma_wait3A_1096 = tpu.memref_slice %arg6[%dma_wait3A_1093, %dma_wait3A_1094, %dma_wait3A_1095] : memref<25x8x128xi32, #tpu.memory_space<vmem>> -> memref<1x8x128xi32, #tpu.memory_space<vmem>>
    %dma_wait3A_1097 = tpu.memref_squeeze %dma_wait3A_1096 : memref<1x8x128xi32, #tpu.memory_space<vmem>> -> memref<8x128xi32, #tpu.memory_space<vmem>>
    %dma_wait3A_1098 = tpu.memref_slice %arg2[%dma_wait3A_1092, %add3A_651] : memref<200x16384xi32, #tpu.memory_space<hbm>> -> memref<8x128xi32, #tpu.memory_space<hbm>>
    %dma_wait3A_1099 = arith.constant 0 : i32
    %dma_wait3A_1100 = arith.constant 0 : i32
    %dma_wait3A_1101 = tpu.memref_slice %arg6[%dma_wait3A_1093, %dma_wait3A_1099, %dma_wait3A_1100] : memref<25x8x128xi32, #tpu.memory_space<vmem>> -> memref<1x8x128xi32, #tpu.memory_space<vmem>>
    %dma_wait3A_1102 = tpu.memref_squeeze %dma_wait3A_1101 : memref<1x8x128xi32, #tpu.memory_space<vmem>> -> memref<8x128xi32, #tpu.memory_space<vmem>>
    %dma_wait3A_1103 = tpu.memref_slice %arg2[%dma_wait3A_1092, %add3A_651] : memref<200x16384xi32, #tpu.memory_space<hbm>> -> memref<8x128xi32, #tpu.memory_space<hbm>>
    tpu.wait_dma2 semaphore(%arg10 : memref<!tpu.dma_semaphore, #tpu.memory_space<semaphore_mem>>) src(%dma_wait3A_1103 : memref<8x128xi32, #tpu.memory_space<hbm>>) dst(%dma_wait3A_1102 : memref<8x128xi32, #tpu.memory_space<vmem>>)
    %dma_wait3A_1104 = arith.constant 96 : i32
    %dma_wait3A_1105 = arith.constant 12 : i32
    %dma_wait3A_1106 = arith.constant 0 : i32
    %dma_wait3A_1107 = arith.constant 0 : i32
    %dma_wait3A_1108 = tpu.memref_slice %arg6[%dma_wait3A_1105, %dma_wait3A_1106, %dma_wait3A_1107] : memref<25x8x128xi32, #tpu.memory_space<vmem>> -> memref<1x8x128xi32, #tpu.memory_space<vmem>>
    %dma_wait3A_1109 = tpu.memref_squeeze %dma_wait3A_1108 : memref<1x8x128xi32, #tpu.memory_space<vmem>> -> memref<8x128xi32, #tpu.memory_space<vmem>>
    %dma_wait3A_1110 = tpu.memref_slice %arg2[%dma_wait3A_1104, %add3A_651] : memref<200x16384xi32, #tpu.memory_space<hbm>> -> memref<8x128xi32, #tpu.memory_space<hbm>>
    %dma_wait3A_1111 = arith.constant 0 : i32
    %dma_wait3A_1112 = arith.constant 0 : i32
    %dma_wait3A_1113 = tpu.memref_slice %arg6[%dma_wait3A_1105, %dma_wait3A_1111, %dma_wait3A_1112] : memref<25x8x128xi32, #tpu.memory_space<vmem>> -> memref<1x8x128xi32, #tpu.memory_space<vmem>>
    %dma_wait3A_1114 = tpu.memref_squeeze %dma_wait3A_1113 : memref<1x8x128xi32, #tpu.memory_space<vmem>> -> memref<8x128xi32, #tpu.memory_space<vmem>>
    %dma_wait3A_1115 = tpu.memref_slice %arg2[%dma_wait3A_1104, %add3A_651] : memref<200x16384xi32, #tpu.memory_space<hbm>> -> memref<8x128xi32, #tpu.memory_space<hbm>>
    tpu.wait_dma2 semaphore(%arg10 : memref<!tpu.dma_semaphore, #tpu.memory_space<semaphore_mem>>) src(%dma_wait3A_1115 : memref<8x128xi32, #tpu.memory_space<hbm>>) dst(%dma_wait3A_1114 : memref<8x128xi32, #tpu.memory_space<vmem>>)
    %dma_wait3A_1116 = arith.constant 104 : i32
    %dma_wait3A_1117 = arith.constant 13 : i32
    %dma_wait3A_1118 = arith.constant 0 : i32
    %dma_wait3A_1119 = arith.constant 0 : i32
    %dma_wait3A_1120 = tpu.memref_slice %arg6[%dma_wait3A_1117, %dma_wait3A_1118, %dma_wait3A_1119] : memref<25x8x128xi32, #tpu.memory_space<vmem>> -> memref<1x8x128xi32, #tpu.memory_space<vmem>>
    %dma_wait3A_1121 = tpu.memref_squeeze %dma_wait3A_1120 : memref<1x8x128xi32, #tpu.memory_space<vmem>> -> memref<8x128xi32, #tpu.memory_space<vmem>>
    %dma_wait3A_1122 = tpu.memref_slice %arg2[%dma_wait3A_1116, %add3A_651] : memref<200x16384xi32, #tpu.memory_space<hbm>> -> memref<8x128xi32, #tpu.memory_space<hbm>>
    %dma_wait3A_1123 = arith.constant 0 : i32
    %dma_wait3A_1124 = arith.constant 0 : i32
    %dma_wait3A_1125 = tpu.memref_slice %arg6[%dma_wait3A_1117, %dma_wait3A_1123, %dma_wait3A_1124] : memref<25x8x128xi32, #tpu.memory_space<vmem>> -> memref<1x8x128xi32, #tpu.memory_space<vmem>>
    %dma_wait3A_1126 = tpu.memref_squeeze %dma_wait3A_1125 : memref<1x8x128xi32, #tpu.memory_space<vmem>> -> memref<8x128xi32, #tpu.memory_space<vmem>>
    %dma_wait3A_1127 = tpu.memref_slice %arg2[%dma_wait3A_1116, %add3A_651] : memref<200x16384xi32, #tpu.memory_space<hbm>> -> memref<8x128xi32, #tpu.memory_space<hbm>>
    tpu.wait_dma2 semaphore(%arg10 : memref<!tpu.dma_semaphore, #tpu.memory_space<semaphore_mem>>) src(%dma_wait3A_1127 : memref<8x128xi32, #tpu.memory_space<hbm>>) dst(%dma_wait3A_1126 : memref<8x128xi32, #tpu.memory_space<vmem>>)
    %dma_wait3A_1128 = arith.constant 112 : i32
    %dma_wait3A_1129 = arith.constant 14 : i32
    %dma_wait3A_1130 = arith.constant 0 : i32
    %dma_wait3A_1131 = arith.constant 0 : i32
    %dma_wait3A_1132 = tpu.memref_slice %arg6[%dma_wait3A_1129, %dma_wait3A_1130, %dma_wait3A_1131] : memref<25x8x128xi32, #tpu.memory_space<vmem>> -> memref<1x8x128xi32, #tpu.memory_space<vmem>>
    %dma_wait3A_1133 = tpu.memref_squeeze %dma_wait3A_1132 : memref<1x8x128xi32, #tpu.memory_space<vmem>> -> memref<8x128xi32, #tpu.memory_space<vmem>>
    %dma_wait3A_1134 = tpu.memref_slice %arg2[%dma_wait3A_1128, %add3A_651] : memref<200x16384xi32, #tpu.memory_space<hbm>> -> memref<8x128xi32, #tpu.memory_space<hbm>>
    %dma_wait3A_1135 = arith.constant 0 : i32
    %dma_wait3A_1136 = arith.constant 0 : i32
    %dma_wait3A_1137 = tpu.memref_slice %arg6[%dma_wait3A_1129, %dma_wait3A_1135, %dma_wait3A_1136] : memref<25x8x128xi32, #tpu.memory_space<vmem>> -> memref<1x8x128xi32, #tpu.memory_space<vmem>>
    %dma_wait3A_1138 = tpu.memref_squeeze %dma_wait3A_1137 : memref<1x8x128xi32, #tpu.memory_space<vmem>> -> memref<8x128xi32, #tpu.memory_space<vmem>>
    %dma_wait3A_1139 = tpu.memref_slice %arg2[%dma_wait3A_1128, %add3A_651] : memref<200x16384xi32, #tpu.memory_space<hbm>> -> memref<8x128xi32, #tpu.memory_space<hbm>>
    tpu.wait_dma2 semaphore(%arg10 : memref<!tpu.dma_semaphore, #tpu.memory_space<semaphore_mem>>) src(%dma_wait3A_1139 : memref<8x128xi32, #tpu.memory_space<hbm>>) dst(%dma_wait3A_1138 : memref<8x128xi32, #tpu.memory_space<vmem>>)
    %dma_wait3A_1140 = arith.constant 120 : i32
    %dma_wait3A_1141 = arith.constant 15 : i32
    %dma_wait3A_1142 = arith.constant 0 : i32
    %dma_wait3A_1143 = arith.constant 0 : i32
    %dma_wait3A_1144 = tpu.memref_slice %arg6[%dma_wait3A_1141, %dma_wait3A_1142, %dma_wait3A_1143] : memref<25x8x128xi32, #tpu.memory_space<vmem>> -> memref<1x8x128xi32, #tpu.memory_space<vmem>>
    %dma_wait3A_1145 = tpu.memref_squeeze %dma_wait3A_1144 : memref<1x8x128xi32, #tpu.memory_space<vmem>> -> memref<8x128xi32, #tpu.memory_space<vmem>>
    %dma_wait3A_1146 = tpu.memref_slice %arg2[%dma_wait3A_1140, %add3A_651] : memref<200x16384xi32, #tpu.memory_space<hbm>> -> memref<8x128xi32, #tpu.memory_space<hbm>>
    %dma_wait3A_1147 = arith.constant 0 : i32
    %dma_wait3A_1148 = arith.constant 0 : i32
    %dma_wait3A_1149 = tpu.memref_slice %arg6[%dma_wait3A_1141, %dma_wait3A_1147, %dma_wait3A_1148] : memref<25x8x128xi32, #tpu.memory_space<vmem>> -> memref<1x8x128xi32, #tpu.memory_space<vmem>>
    %dma_wait3A_1150 = tpu.memref_squeeze %dma_wait3A_1149 : memref<1x8x128xi32, #tpu.memory_space<vmem>> -> memref<8x128xi32, #tpu.memory_space<vmem>>
    %dma_wait3A_1151 = tpu.memref_slice %arg2[%dma_wait3A_1140, %add3A_651] : memref<200x16384xi32, #tpu.memory_space<hbm>> -> memref<8x128xi32, #tpu.memory_space<hbm>>
    tpu.wait_dma2 semaphore(%arg10 : memref<!tpu.dma_semaphore, #tpu.memory_space<semaphore_mem>>) src(%dma_wait3A_1151 : memref<8x128xi32, #tpu.memory_space<hbm>>) dst(%dma_wait3A_1150 : memref<8x128xi32, #tpu.memory_space<vmem>>)
    %dma_wait3A_1152 = arith.constant 128 : i32
    %dma_wait3A_1153 = arith.constant 16 : i32
    %dma_wait3A_1154 = arith.constant 0 : i32
    %dma_wait3A_1155 = arith.constant 0 : i32
    %dma_wait3A_1156 = tpu.memref_slice %arg6[%dma_wait3A_1153, %dma_wait3A_1154, %dma_wait3A_1155] : memref<25x8x128xi32, #tpu.memory_space<vmem>> -> memref<1x8x128xi32, #tpu.memory_space<vmem>>
    %dma_wait3A_1157 = tpu.memref_squeeze %dma_wait3A_1156 : memref<1x8x128xi32, #tpu.memory_space<vmem>> -> memref<8x128xi32, #tpu.memory_space<vmem>>
    %dma_wait3A_1158 = tpu.memref_slice %arg2[%dma_wait3A_1152, %add3A_651] : memref<200x16384xi32, #tpu.memory_space<hbm>> -> memref<8x128xi32, #tpu.memory_space<hbm>>
    %dma_wait3A_1159 = arith.constant 0 : i32
    %dma_wait3A_1160 = arith.constant 0 : i32
    %dma_wait3A_1161 = tpu.memref_slice %arg6[%dma_wait3A_1153, %dma_wait3A_1159, %dma_wait3A_1160] : memref<25x8x128xi32, #tpu.memory_space<vmem>> -> memref<1x8x128xi32, #tpu.memory_space<vmem>>
    %dma_wait3A_1162 = tpu.memref_squeeze %dma_wait3A_1161 : memref<1x8x128xi32, #tpu.memory_space<vmem>> -> memref<8x128xi32, #tpu.memory_space<vmem>>
    %dma_wait3A_1163 = tpu.memref_slice %arg2[%dma_wait3A_1152, %add3A_651] : memref<200x16384xi32, #tpu.memory_space<hbm>> -> memref<8x128xi32, #tpu.memory_space<hbm>>
    tpu.wait_dma2 semaphore(%arg10 : memref<!tpu.dma_semaphore, #tpu.memory_space<semaphore_mem>>) src(%dma_wait3A_1163 : memref<8x128xi32, #tpu.memory_space<hbm>>) dst(%dma_wait3A_1162 : memref<8x128xi32, #tpu.memory_space<vmem>>)
    %dma_wait3A_1164 = arith.constant 136 : i32
    %dma_wait3A_1165 = arith.constant 17 : i32
    %dma_wait3A_1166 = arith.constant 0 : i32
    %dma_wait3A_1167 = arith.constant 0 : i32
    %dma_wait3A_1168 = tpu.memref_slice %arg6[%dma_wait3A_1165, %dma_wait3A_1166, %dma_wait3A_1167] : memref<25x8x128xi32, #tpu.memory_space<vmem>> -> memref<1x8x128xi32, #tpu.memory_space<vmem>>
    %dma_wait3A_1169 = tpu.memref_squeeze %dma_wait3A_1168 : memref<1x8x128xi32, #tpu.memory_space<vmem>> -> memref<8x128xi32, #tpu.memory_space<vmem>>
    %dma_wait3A_1170 = tpu.memref_slice %arg2[%dma_wait3A_1164, %add3A_651] : memref<200x16384xi32, #tpu.memory_space<hbm>> -> memref<8x128xi32, #tpu.memory_space<hbm>>
    %dma_wait3A_1171 = arith.constant 0 : i32
    %dma_wait3A_1172 = arith.constant 0 : i32
    %dma_wait3A_1173 = tpu.memref_slice %arg6[%dma_wait3A_1165, %dma_wait3A_1171, %dma_wait3A_1172] : memref<25x8x128xi32, #tpu.memory_space<vmem>> -> memref<1x8x128xi32, #tpu.memory_space<vmem>>
    %dma_wait3A_1174 = tpu.memref_squeeze %dma_wait3A_1173 : memref<1x8x128xi32, #tpu.memory_space<vmem>> -> memref<8x128xi32, #tpu.memory_space<vmem>>
    %dma_wait3A_1175 = tpu.memref_slice %arg2[%dma_wait3A_1164, %add3A_651] : memref<200x16384xi32, #tpu.memory_space<hbm>> -> memref<8x128xi32, #tpu.memory_space<hbm>>
    tpu.wait_dma2 semaphore(%arg10 : memref<!tpu.dma_semaphore, #tpu.memory_space<semaphore_mem>>) src(%dma_wait3A_1175 : memref<8x128xi32, #tpu.memory_space<hbm>>) dst(%dma_wait3A_1174 : memref<8x128xi32, #tpu.memory_space<vmem>>)
    %dma_wait3A_1176 = arith.constant 144 : i32
    %dma_wait3A_1177 = arith.constant 18 : i32
    %dma_wait3A_1178 = arith.constant 0 : i32
    %dma_wait3A_1179 = arith.constant 0 : i32
    %dma_wait3A_1180 = tpu.memref_slice %arg6[%dma_wait3A_1177, %dma_wait3A_1178, %dma_wait3A_1179] : memref<25x8x128xi32, #tpu.memory_space<vmem>> -> memref<1x8x128xi32, #tpu.memory_space<vmem>>
    %dma_wait3A_1181 = tpu.memref_squeeze %dma_wait3A_1180 : memref<1x8x128xi32, #tpu.memory_space<vmem>> -> memref<8x128xi32, #tpu.memory_space<vmem>>
    %dma_wait3A_1182 = tpu.memref_slice %arg2[%dma_wait3A_1176, %add3A_651] : memref<200x16384xi32, #tpu.memory_space<hbm>> -> memref<8x128xi32, #tpu.memory_space<hbm>>
    %dma_wait3A_1183 = arith.constant 0 : i32
    %dma_wait3A_1184 = arith.constant 0 : i32
    %dma_wait3A_1185 = tpu.memref_slice %arg6[%dma_wait3A_1177, %dma_wait3A_1183, %dma_wait3A_1184] : memref<25x8x128xi32, #tpu.memory_space<vmem>> -> memref<1x8x128xi32, #tpu.memory_space<vmem>>
    %dma_wait3A_1186 = tpu.memref_squeeze %dma_wait3A_1185 : memref<1x8x128xi32, #tpu.memory_space<vmem>> -> memref<8x128xi32, #tpu.memory_space<vmem>>
    %dma_wait3A_1187 = tpu.memref_slice %arg2[%dma_wait3A_1176, %add3A_651] : memref<200x16384xi32, #tpu.memory_space<hbm>> -> memref<8x128xi32, #tpu.memory_space<hbm>>
    tpu.wait_dma2 semaphore(%arg10 : memref<!tpu.dma_semaphore, #tpu.memory_space<semaphore_mem>>) src(%dma_wait3A_1187 : memref<8x128xi32, #tpu.memory_space<hbm>>) dst(%dma_wait3A_1186 : memref<8x128xi32, #tpu.memory_space<vmem>>)
    %dma_wait3A_1188 = arith.constant 152 : i32
    %dma_wait3A_1189 = arith.constant 19 : i32
    %dma_wait3A_1190 = arith.constant 0 : i32
    %dma_wait3A_1191 = arith.constant 0 : i32
    %dma_wait3A_1192 = tpu.memref_slice %arg6[%dma_wait3A_1189, %dma_wait3A_1190, %dma_wait3A_1191] : memref<25x8x128xi32, #tpu.memory_space<vmem>> -> memref<1x8x128xi32, #tpu.memory_space<vmem>>
    %dma_wait3A_1193 = tpu.memref_squeeze %dma_wait3A_1192 : memref<1x8x128xi32, #tpu.memory_space<vmem>> -> memref<8x128xi32, #tpu.memory_space<vmem>>
    %dma_wait3A_1194 = tpu.memref_slice %arg2[%dma_wait3A_1188, %add3A_651] : memref<200x16384xi32, #tpu.memory_space<hbm>> -> memref<8x128xi32, #tpu.memory_space<hbm>>
    %dma_wait3A_1195 = arith.constant 0 : i32
    %dma_wait3A_1196 = arith.constant 0 : i32
    %dma_wait3A_1197 = tpu.memref_slice %arg6[%dma_wait3A_1189, %dma_wait3A_1195, %dma_wait3A_1196] : memref<25x8x128xi32, #tpu.memory_space<vmem>> -> memref<1x8x128xi32, #tpu.memory_space<vmem>>
    %dma_wait3A_1198 = tpu.memref_squeeze %dma_wait3A_1197 : memref<1x8x128xi32, #tpu.memory_space<vmem>> -> memref<8x128xi32, #tpu.memory_space<vmem>>
    %dma_wait3A_1199 = tpu.memref_slice %arg2[%dma_wait3A_1188, %add3A_651] : memref<200x16384xi32, #tpu.memory_space<hbm>> -> memref<8x128xi32, #tpu.memory_space<hbm>>
    tpu.wait_dma2 semaphore(%arg10 : memref<!tpu.dma_semaphore, #tpu.memory_space<semaphore_mem>>) src(%dma_wait3A_1199 : memref<8x128xi32, #tpu.memory_space<hbm>>) dst(%dma_wait3A_1198 : memref<8x128xi32, #tpu.memory_space<vmem>>)
    %dma_wait3A_1200 = arith.constant 160 : i32
    %dma_wait3A_1201 = arith.constant 20 : i32
    %dma_wait3A_1202 = arith.constant 0 : i32
    %dma_wait3A_1203 = arith.constant 0 : i32
    %dma_wait3A_1204 = tpu.memref_slice %arg6[%dma_wait3A_1201, %dma_wait3A_1202, %dma_wait3A_1203] : memref<25x8x128xi32, #tpu.memory_space<vmem>> -> memref<1x8x128xi32, #tpu.memory_space<vmem>>
    %dma_wait3A_1205 = tpu.memref_squeeze %dma_wait3A_1204 : memref<1x8x128xi32, #tpu.memory_space<vmem>> -> memref<8x128xi32, #tpu.memory_space<vmem>>
    %dma_wait3A_1206 = tpu.memref_slice %arg2[%dma_wait3A_1200, %add3A_651] : memref<200x16384xi32, #tpu.memory_space<hbm>> -> memref<8x128xi32, #tpu.memory_space<hbm>>
    %dma_wait3A_1207 = arith.constant 0 : i32
    %dma_wait3A_1208 = arith.constant 0 : i32
    %dma_wait3A_1209 = tpu.memref_slice %arg6[%dma_wait3A_1201, %dma_wait3A_1207, %dma_wait3A_1208] : memref<25x8x128xi32, #tpu.memory_space<vmem>> -> memref<1x8x128xi32, #tpu.memory_space<vmem>>
    %dma_wait3A_1210 = tpu.memref_squeeze %dma_wait3A_1209 : memref<1x8x128xi32, #tpu.memory_space<vmem>> -> memref<8x128xi32, #tpu.memory_space<vmem>>
    %dma_wait3A_1211 = tpu.memref_slice %arg2[%dma_wait3A_1200, %add3A_651] : memref<200x16384xi32, #tpu.memory_space<hbm>> -> memref<8x128xi32, #tpu.memory_space<hbm>>
    tpu.wait_dma2 semaphore(%arg10 : memref<!tpu.dma_semaphore, #tpu.memory_space<semaphore_mem>>) src(%dma_wait3A_1211 : memref<8x128xi32, #tpu.memory_space<hbm>>) dst(%dma_wait3A_1210 : memref<8x128xi32, #tpu.memory_space<vmem>>)
    %dma_wait3A_1212 = arith.constant 168 : i32
    %dma_wait3A_1213 = arith.constant 21 : i32
    %dma_wait3A_1214 = arith.constant 0 : i32
    %dma_wait3A_1215 = arith.constant 0 : i32
    %dma_wait3A_1216 = tpu.memref_slice %arg6[%dma_wait3A_1213, %dma_wait3A_1214, %dma_wait3A_1215] : memref<25x8x128xi32, #tpu.memory_space<vmem>> -> memref<1x8x128xi32, #tpu.memory_space<vmem>>
    %dma_wait3A_1217 = tpu.memref_squeeze %dma_wait3A_1216 : memref<1x8x128xi32, #tpu.memory_space<vmem>> -> memref<8x128xi32, #tpu.memory_space<vmem>>
    %dma_wait3A_1218 = tpu.memref_slice %arg2[%dma_wait3A_1212, %add3A_651] : memref<200x16384xi32, #tpu.memory_space<hbm>> -> memref<8x128xi32, #tpu.memory_space<hbm>>
    %dma_wait3A_1219 = arith.constant 0 : i32
    %dma_wait3A_1220 = arith.constant 0 : i32
    %dma_wait3A_1221 = tpu.memref_slice %arg6[%dma_wait3A_1213, %dma_wait3A_1219, %dma_wait3A_1220] : memref<25x8x128xi32, #tpu.memory_space<vmem>> -> memref<1x8x128xi32, #tpu.memory_space<vmem>>
    %dma_wait3A_1222 = tpu.memref_squeeze %dma_wait3A_1221 : memref<1x8x128xi32, #tpu.memory_space<vmem>> -> memref<8x128xi32, #tpu.memory_space<vmem>>
    %dma_wait3A_1223 = tpu.memref_slice %arg2[%dma_wait3A_1212, %add3A_651] : memref<200x16384xi32, #tpu.memory_space<hbm>> -> memref<8x128xi32, #tpu.memory_space<hbm>>
    tpu.wait_dma2 semaphore(%arg10 : memref<!tpu.dma_semaphore, #tpu.memory_space<semaphore_mem>>) src(%dma_wait3A_1223 : memref<8x128xi32, #tpu.memory_space<hbm>>) dst(%dma_wait3A_1222 : memref<8x128xi32, #tpu.memory_space<vmem>>)
    %dma_wait3A_1224 = arith.constant 176 : i32
    %dma_wait3A_1225 = arith.constant 22 : i32
    %dma_wait3A_1226 = arith.constant 0 : i32
    %dma_wait3A_1227 = arith.constant 0 : i32
    %dma_wait3A_1228 = tpu.memref_slice %arg6[%dma_wait3A_1225, %dma_wait3A_1226, %dma_wait3A_1227] : memref<25x8x128xi32, #tpu.memory_space<vmem>> -> memref<1x8x128xi32, #tpu.memory_space<vmem>>
    %dma_wait3A_1229 = tpu.memref_squeeze %dma_wait3A_1228 : memref<1x8x128xi32, #tpu.memory_space<vmem>> -> memref<8x128xi32, #tpu.memory_space<vmem>>
    %dma_wait3A_1230 = tpu.memref_slice %arg2[%dma_wait3A_1224, %add3A_651] : memref<200x16384xi32, #tpu.memory_space<hbm>> -> memref<8x128xi32, #tpu.memory_space<hbm>>
    %dma_wait3A_1231 = arith.constant 0 : i32
    %dma_wait3A_1232 = arith.constant 0 : i32
    %dma_wait3A_1233 = tpu.memref_slice %arg6[%dma_wait3A_1225, %dma_wait3A_1231, %dma_wait3A_1232] : memref<25x8x128xi32, #tpu.memory_space<vmem>> -> memref<1x8x128xi32, #tpu.memory_space<vmem>>
    %dma_wait3A_1234 = tpu.memref_squeeze %dma_wait3A_1233 : memref<1x8x128xi32, #tpu.memory_space<vmem>> -> memref<8x128xi32, #tpu.memory_space<vmem>>
    %dma_wait3A_1235 = tpu.memref_slice %arg2[%dma_wait3A_1224, %add3A_651] : memref<200x16384xi32, #tpu.memory_space<hbm>> -> memref<8x128xi32, #tpu.memory_space<hbm>>
    tpu.wait_dma2 semaphore(%arg10 : memref<!tpu.dma_semaphore, #tpu.memory_space<semaphore_mem>>) src(%dma_wait3A_1235 : memref<8x128xi32, #tpu.memory_space<hbm>>) dst(%dma_wait3A_1234 : memref<8x128xi32, #tpu.memory_space<vmem>>)
    %dma_wait3A_1236 = arith.constant 184 : i32
    %dma_wait3A_1237 = arith.constant 23 : i32
    %dma_wait3A_1238 = arith.constant 0 : i32
    %dma_wait3A_1239 = arith.constant 0 : i32
    %dma_wait3A_1240 = tpu.memref_slice %arg6[%dma_wait3A_1237, %dma_wait3A_1238, %dma_wait3A_1239] : memref<25x8x128xi32, #tpu.memory_space<vmem>> -> memref<1x8x128xi32, #tpu.memory_space<vmem>>
    %dma_wait3A_1241 = tpu.memref_squeeze %dma_wait3A_1240 : memref<1x8x128xi32, #tpu.memory_space<vmem>> -> memref<8x128xi32, #tpu.memory_space<vmem>>
    %dma_wait3A_1242 = tpu.memref_slice %arg2[%dma_wait3A_1236, %add3A_651] : memref<200x16384xi32, #tpu.memory_space<hbm>> -> memref<8x128xi32, #tpu.memory_space<hbm>>
    %dma_wait3A_1243 = arith.constant 0 : i32
    %dma_wait3A_1244 = arith.constant 0 : i32
    %dma_wait3A_1245 = tpu.memref_slice %arg6[%dma_wait3A_1237, %dma_wait3A_1243, %dma_wait3A_1244] : memref<25x8x128xi32, #tpu.memory_space<vmem>> -> memref<1x8x128xi32, #tpu.memory_space<vmem>>
    %dma_wait3A_1246 = tpu.memref_squeeze %dma_wait3A_1245 : memref<1x8x128xi32, #tpu.memory_space<vmem>> -> memref<8x128xi32, #tpu.memory_space<vmem>>
    %dma_wait3A_1247 = tpu.memref_slice %arg2[%dma_wait3A_1236, %add3A_651] : memref<200x16384xi32, #tpu.memory_space<hbm>> -> memref<8x128xi32, #tpu.memory_space<hbm>>
    tpu.wait_dma2 semaphore(%arg10 : memref<!tpu.dma_semaphore, #tpu.memory_space<semaphore_mem>>) src(%dma_wait3A_1247 : memref<8x128xi32, #tpu.memory_space<hbm>>) dst(%dma_wait3A_1246 : memref<8x128xi32, #tpu.memory_space<vmem>>)
    %dma_wait3A_1248 = arith.constant 192 : i32
    %dma_wait3A_1249 = arith.constant 24 : i32
    %dma_wait3A_1250 = arith.constant 0 : i32
    %dma_wait3A_1251 = arith.constant 0 : i32
    %dma_wait3A_1252 = tpu.memref_slice %arg6[%dma_wait3A_1249, %dma_wait3A_1250, %dma_wait3A_1251] : memref<25x8x128xi32, #tpu.memory_space<vmem>> -> memref<1x8x128xi32, #tpu.memory_space<vmem>>
    %dma_wait3A_1253 = tpu.memref_squeeze %dma_wait3A_1252 : memref<1x8x128xi32, #tpu.memory_space<vmem>> -> memref<8x128xi32, #tpu.memory_space<vmem>>
    %dma_wait3A_1254 = tpu.memref_slice %arg2[%dma_wait3A_1248, %add3A_651] : memref<200x16384xi32, #tpu.memory_space<hbm>> -> memref<8x128xi32, #tpu.memory_space<hbm>>
    %dma_wait3A_1255 = arith.constant 0 : i32
    %dma_wait3A_1256 = arith.constant 0 : i32
    %dma_wait3A_1257 = tpu.memref_slice %arg6[%dma_wait3A_1249, %dma_wait3A_1255, %dma_wait3A_1256] : memref<25x8x128xi32, #tpu.memory_space<vmem>> -> memref<1x8x128xi32, #tpu.memory_space<vmem>>
    %dma_wait3A_1258 = tpu.memref_squeeze %dma_wait3A_1257 : memref<1x8x128xi32, #tpu.memory_space<vmem>> -> memref<8x128xi32, #tpu.memory_space<vmem>>
    %dma_wait3A_1259 = tpu.memref_slice %arg2[%dma_wait3A_1248, %add3A_651] : memref<200x16384xi32, #tpu.memory_space<hbm>> -> memref<8x128xi32, #tpu.memory_space<hbm>>
    tpu.wait_dma2 semaphore(%arg10 : memref<!tpu.dma_semaphore, #tpu.memory_space<semaphore_mem>>) src(%dma_wait3A_1259 : memref<8x128xi32, #tpu.memory_space<hbm>>) dst(%dma_wait3A_1258 : memref<8x128xi32, #tpu.memory_space<vmem>>)
    %add3A_1260 = arith.constant 256 : i32
    %add3A_1261 = arith.addi %mul3A_2, %add3A_1260 : i32
    %dma_start3A_1262 = arith.constant 0 : i32
    %dma_start3A_1263 = arith.constant 0 : i32
    %dma_start3A_1264 = arith.constant 0 : i32
    %dma_start3A_1265 = arith.constant 0 : i32
    %dma_start3A_1266 = tpu.memref_slice %arg5[%dma_start3A_1263, %dma_start3A_1264, %dma_start3A_1265] : memref<25x8x128xi32, #tpu.memory_space<vmem>> -> memref<1x8x128xi32, #tpu.memory_space<vmem>>
    %dma_start3A_1267 = tpu.memref_squeeze %dma_start3A_1266 : memref<1x8x128xi32, #tpu.memory_space<vmem>> -> memref<8x128xi32, #tpu.memory_space<vmem>>
    %dma_start3A_1268 = tpu.memref_slice %arg2[%dma_start3A_1262, %add3A_1261] : memref<200x16384xi32, #tpu.memory_space<hbm>> -> memref<8x128xi32, #tpu.memory_space<hbm>>
    %dma_start3A_1269 = arith.constant 0 : i32
    %dma_start3A_1270 = arith.constant 0 : i32
    %dma_start3A_1271 = tpu.memref_slice %arg5[%dma_start3A_1263, %dma_start3A_1269, %dma_start3A_1270] : memref<25x8x128xi32, #tpu.memory_space<vmem>> -> memref<1x8x128xi32, #tpu.memory_space<vmem>>
    %dma_start3A_1272 = tpu.memref_squeeze %dma_start3A_1271 : memref<1x8x128xi32, #tpu.memory_space<vmem>> -> memref<8x128xi32, #tpu.memory_space<vmem>>
    %dma_start3A_1273 = tpu.memref_slice %arg2[%dma_start3A_1262, %add3A_1261] : memref<200x16384xi32, #tpu.memory_space<hbm>> -> memref<8x128xi32, #tpu.memory_space<hbm>>
    tpu.enqueue_dma source(%dma_start3A_1273 : memref<8x128xi32, #tpu.memory_space<hbm>>) target(%dma_start3A_1272 : memref<8x128xi32, #tpu.memory_space<vmem>>) target_semaphore(%arg10 : memref<!tpu.dma_semaphore, #tpu.memory_space<semaphore_mem>>)
    %dma_start3A_1274 = arith.constant 8 : i32
    %dma_start3A_1275 = arith.constant 1 : i32
    %dma_start3A_1276 = arith.constant 0 : i32
    %dma_start3A_1277 = arith.constant 0 : i32
    %dma_start3A_1278 = tpu.memref_slice %arg5[%dma_start3A_1275, %dma_start3A_1276, %dma_start3A_1277] : memref<25x8x128xi32, #tpu.memory_space<vmem>> -> memref<1x8x128xi32, #tpu.memory_space<vmem>>
    %dma_start3A_1279 = tpu.memref_squeeze %dma_start3A_1278 : memref<1x8x128xi32, #tpu.memory_space<vmem>> -> memref<8x128xi32, #tpu.memory_space<vmem>>
    %dma_start3A_1280 = tpu.memref_slice %arg2[%dma_start3A_1274, %add3A_1261] : memref<200x16384xi32, #tpu.memory_space<hbm>> -> memref<8x128xi32, #tpu.memory_space<hbm>>
    %dma_start3A_1281 = arith.constant 0 : i32
    %dma_start3A_1282 = arith.constant 0 : i32
    %dma_start3A_1283 = tpu.memref_slice %arg5[%dma_start3A_1275, %dma_start3A_1281, %dma_start3A_1282] : memref<25x8x128xi32, #tpu.memory_space<vmem>> -> memref<1x8x128xi32, #tpu.memory_space<vmem>>
    %dma_start3A_1284 = tpu.memref_squeeze %dma_start3A_1283 : memref<1x8x128xi32, #tpu.memory_space<vmem>> -> memref<8x128xi32, #tpu.memory_space<vmem>>
    %dma_start3A_1285 = tpu.memref_slice %arg2[%dma_start3A_1274, %add3A_1261] : memref<200x16384xi32, #tpu.memory_space<hbm>> -> memref<8x128xi32, #tpu.memory_space<hbm>>
    tpu.enqueue_dma source(%dma_start3A_1285 : memref<8x128xi32, #tpu.memory_space<hbm>>) target(%dma_start3A_1284 : memref<8x128xi32, #tpu.memory_space<vmem>>) target_semaphore(%arg10 : memref<!tpu.dma_semaphore, #tpu.memory_space<semaphore_mem>>)
    %dma_start3A_1286 = arith.constant 16 : i32
    %dma_start3A_1287 = arith.constant 2 : i32
    %dma_start3A_1288 = arith.constant 0 : i32
    %dma_start3A_1289 = arith.constant 0 : i32
    %dma_start3A_1290 = tpu.memref_slice %arg5[%dma_start3A_1287, %dma_start3A_1288, %dma_start3A_1289] : memref<25x8x128xi32, #tpu.memory_space<vmem>> -> memref<1x8x128xi32, #tpu.memory_space<vmem>>
    %dma_start3A_1291 = tpu.memref_squeeze %dma_start3A_1290 : memref<1x8x128xi32, #tpu.memory_space<vmem>> -> memref<8x128xi32, #tpu.memory_space<vmem>>
    %dma_start3A_1292 = tpu.memref_slice %arg2[%dma_start3A_1286, %add3A_1261] : memref<200x16384xi32, #tpu.memory_space<hbm>> -> memref<8x128xi32, #tpu.memory_space<hbm>>
    %dma_start3A_1293 = arith.constant 0 : i32
    %dma_start3A_1294 = arith.constant 0 : i32
    %dma_start3A_1295 = tpu.memref_slice %arg5[%dma_start3A_1287, %dma_start3A_1293, %dma_start3A_1294] : memref<25x8x128xi32, #tpu.memory_space<vmem>> -> memref<1x8x128xi32, #tpu.memory_space<vmem>>
    %dma_start3A_1296 = tpu.memref_squeeze %dma_start3A_1295 : memref<1x8x128xi32, #tpu.memory_space<vmem>> -> memref<8x128xi32, #tpu.memory_space<vmem>>
    %dma_start3A_1297 = tpu.memref_slice %arg2[%dma_start3A_1286, %add3A_1261] : memref<200x16384xi32, #tpu.memory_space<hbm>> -> memref<8x128xi32, #tpu.memory_space<hbm>>
    tpu.enqueue_dma source(%dma_start3A_1297 : memref<8x128xi32, #tpu.memory_space<hbm>>) target(%dma_start3A_1296 : memref<8x128xi32, #tpu.memory_space<vmem>>) target_semaphore(%arg10 : memref<!tpu.dma_semaphore, #tpu.memory_space<semaphore_mem>>)
    %dma_start3A_1298 = arith.constant 24 : i32
    %dma_start3A_1299 = arith.constant 3 : i32
    %dma_start3A_1300 = arith.constant 0 : i32
    %dma_start3A_1301 = arith.constant 0 : i32
    %dma_start3A_1302 = tpu.memref_slice %arg5[%dma_start3A_1299, %dma_start3A_1300, %dma_start3A_1301] : memref<25x8x128xi32, #tpu.memory_space<vmem>> -> memref<1x8x128xi32, #tpu.memory_space<vmem>>
    %dma_start3A_1303 = tpu.memref_squeeze %dma_start3A_1302 : memref<1x8x128xi32, #tpu.memory_space<vmem>> -> memref<8x128xi32, #tpu.memory_space<vmem>>
    %dma_start3A_1304 = tpu.memref_slice %arg2[%dma_start3A_1298, %add3A_1261] : memref<200x16384xi32, #tpu.memory_space<hbm>> -> memref<8x128xi32, #tpu.memory_space<hbm>>
    %dma_start3A_1305 = arith.constant 0 : i32
    %dma_start3A_1306 = arith.constant 0 : i32
    %dma_start3A_1307 = tpu.memref_slice %arg5[%dma_start3A_1299, %dma_start3A_1305, %dma_start3A_1306] : memref<25x8x128xi32, #tpu.memory_space<vmem>> -> memref<1x8x128xi32, #tpu.memory_space<vmem>>
    %dma_start3A_1308 = tpu.memref_squeeze %dma_start3A_1307 : memref<1x8x128xi32, #tpu.memory_space<vmem>> -> memref<8x128xi32, #tpu.memory_space<vmem>>
    %dma_start3A_1309 = tpu.memref_slice %arg2[%dma_start3A_1298, %add3A_1261] : memref<200x16384xi32, #tpu.memory_space<hbm>> -> memref<8x128xi32, #tpu.memory_space<hbm>>
    tpu.enqueue_dma source(%dma_start3A_1309 : memref<8x128xi32, #tpu.memory_space<hbm>>) target(%dma_start3A_1308 : memref<8x128xi32, #tpu.memory_space<vmem>>) target_semaphore(%arg10 : memref<!tpu.dma_semaphore, #tpu.memory_space<semaphore_mem>>)
    %dma_start3A_1310 = arith.constant 32 : i32
    %dma_start3A_1311 = arith.constant 4 : i32
    %dma_start3A_1312 = arith.constant 0 : i32
    %dma_start3A_1313 = arith.constant 0 : i32
    %dma_start3A_1314 = tpu.memref_slice %arg5[%dma_start3A_1311, %dma_start3A_1312, %dma_start3A_1313] : memref<25x8x128xi32, #tpu.memory_space<vmem>> -> memref<1x8x128xi32, #tpu.memory_space<vmem>>
    %dma_start3A_1315 = tpu.memref_squeeze %dma_start3A_1314 : memref<1x8x128xi32, #tpu.memory_space<vmem>> -> memref<8x128xi32, #tpu.memory_space<vmem>>
    %dma_start3A_1316 = tpu.memref_slice %arg2[%dma_start3A_1310, %add3A_1261] : memref<200x16384xi32, #tpu.memory_space<hbm>> -> memref<8x128xi32, #tpu.memory_space<hbm>>
    %dma_start3A_1317 = arith.constant 0 : i32
    %dma_start3A_1318 = arith.constant 0 : i32
    %dma_start3A_1319 = tpu.memref_slice %arg5[%dma_start3A_1311, %dma_start3A_1317, %dma_start3A_1318] : memref<25x8x128xi32, #tpu.memory_space<vmem>> -> memref<1x8x128xi32, #tpu.memory_space<vmem>>
    %dma_start3A_1320 = tpu.memref_squeeze %dma_start3A_1319 : memref<1x8x128xi32, #tpu.memory_space<vmem>> -> memref<8x128xi32, #tpu.memory_space<vmem>>
    %dma_start3A_1321 = tpu.memref_slice %arg2[%dma_start3A_1310, %add3A_1261] : memref<200x16384xi32, #tpu.memory_space<hbm>> -> memref<8x128xi32, #tpu.memory_space<hbm>>
    tpu.enqueue_dma source(%dma_start3A_1321 : memref<8x128xi32, #tpu.memory_space<hbm>>) target(%dma_start3A_1320 : memref<8x128xi32, #tpu.memory_space<vmem>>) target_semaphore(%arg10 : memref<!tpu.dma_semaphore, #tpu.memory_space<semaphore_mem>>)
    %dma_start3A_1322 = arith.constant 40 : i32
    %dma_start3A_1323 = arith.constant 5 : i32
    %dma_start3A_1324 = arith.constant 0 : i32
    %dma_start3A_1325 = arith.constant 0 : i32
    %dma_start3A_1326 = tpu.memref_slice %arg5[%dma_start3A_1323, %dma_start3A_1324, %dma_start3A_1325] : memref<25x8x128xi32, #tpu.memory_space<vmem>> -> memref<1x8x128xi32, #tpu.memory_space<vmem>>
    %dma_start3A_1327 = tpu.memref_squeeze %dma_start3A_1326 : memref<1x8x128xi32, #tpu.memory_space<vmem>> -> memref<8x128xi32, #tpu.memory_space<vmem>>
    %dma_start3A_1328 = tpu.memref_slice %arg2[%dma_start3A_1322, %add3A_1261] : memref<200x16384xi32, #tpu.memory_space<hbm>> -> memref<8x128xi32, #tpu.memory_space<hbm>>
    %dma_start3A_1329 = arith.constant 0 : i32
    %dma_start3A_1330 = arith.constant 0 : i32
    %dma_start3A_1331 = tpu.memref_slice %arg5[%dma_start3A_1323, %dma_start3A_1329, %dma_start3A_1330] : memref<25x8x128xi32, #tpu.memory_space<vmem>> -> memref<1x8x128xi32, #tpu.memory_space<vmem>>
    %dma_start3A_1332 = tpu.memref_squeeze %dma_start3A_1331 : memref<1x8x128xi32, #tpu.memory_space<vmem>> -> memref<8x128xi32, #tpu.memory_space<vmem>>
    %dma_start3A_1333 = tpu.memref_slice %arg2[%dma_start3A_1322, %add3A_1261] : memref<200x16384xi32, #tpu.memory_space<hbm>> -> memref<8x128xi32, #tpu.memory_space<hbm>>
    tpu.enqueue_dma source(%dma_start3A_1333 : memref<8x128xi32, #tpu.memory_space<hbm>>) target(%dma_start3A_1332 : memref<8x128xi32, #tpu.memory_space<vmem>>) target_semaphore(%arg10 : memref<!tpu.dma_semaphore, #tpu.memory_space<semaphore_mem>>)
    %dma_start3A_1334 = arith.constant 48 : i32
    %dma_start3A_1335 = arith.constant 6 : i32
    %dma_start3A_1336 = arith.constant 0 : i32
    %dma_start3A_1337 = arith.constant 0 : i32
    %dma_start3A_1338 = tpu.memref_slice %arg5[%dma_start3A_1335, %dma_start3A_1336, %dma_start3A_1337] : memref<25x8x128xi32, #tpu.memory_space<vmem>> -> memref<1x8x128xi32, #tpu.memory_space<vmem>>
    %dma_start3A_1339 = tpu.memref_squeeze %dma_start3A_1338 : memref<1x8x128xi32, #tpu.memory_space<vmem>> -> memref<8x128xi32, #tpu.memory_space<vmem>>
    %dma_start3A_1340 = tpu.memref_slice %arg2[%dma_start3A_1334, %add3A_1261] : memref<200x16384xi32, #tpu.memory_space<hbm>> -> memref<8x128xi32, #tpu.memory_space<hbm>>
    %dma_start3A_1341 = arith.constant 0 : i32
    %dma_start3A_1342 = arith.constant 0 : i32
    %dma_start3A_1343 = tpu.memref_slice %arg5[%dma_start3A_1335, %dma_start3A_1341, %dma_start3A_1342] : memref<25x8x128xi32, #tpu.memory_space<vmem>> -> memref<1x8x128xi32, #tpu.memory_space<vmem>>
    %dma_start3A_1344 = tpu.memref_squeeze %dma_start3A_1343 : memref<1x8x128xi32, #tpu.memory_space<vmem>> -> memref<8x128xi32, #tpu.memory_space<vmem>>
    %dma_start3A_1345 = tpu.memref_slice %arg2[%dma_start3A_1334, %add3A_1261] : memref<200x16384xi32, #tpu.memory_space<hbm>> -> memref<8x128xi32, #tpu.memory_space<hbm>>
    tpu.enqueue_dma source(%dma_start3A_1345 : memref<8x128xi32, #tpu.memory_space<hbm>>) target(%dma_start3A_1344 : memref<8x128xi32, #tpu.memory_space<vmem>>) target_semaphore(%arg10 : memref<!tpu.dma_semaphore, #tpu.memory_space<semaphore_mem>>)
    %dma_start3A_1346 = arith.constant 56 : i32
    %dma_start3A_1347 = arith.constant 7 : i32
    %dma_start3A_1348 = arith.constant 0 : i32
    %dma_start3A_1349 = arith.constant 0 : i32
    %dma_start3A_1350 = tpu.memref_slice %arg5[%dma_start3A_1347, %dma_start3A_1348, %dma_start3A_1349] : memref<25x8x128xi32, #tpu.memory_space<vmem>> -> memref<1x8x128xi32, #tpu.memory_space<vmem>>
    %dma_start3A_1351 = tpu.memref_squeeze %dma_start3A_1350 : memref<1x8x128xi32, #tpu.memory_space<vmem>> -> memref<8x128xi32, #tpu.memory_space<vmem>>
    %dma_start3A_1352 = tpu.memref_slice %arg2[%dma_start3A_1346, %add3A_1261] : memref<200x16384xi32, #tpu.memory_space<hbm>> -> memref<8x128xi32, #tpu.memory_space<hbm>>
    %dma_start3A_1353 = arith.constant 0 : i32
    %dma_start3A_1354 = arith.constant 0 : i32
    %dma_start3A_1355 = tpu.memref_slice %arg5[%dma_start3A_1347, %dma_start3A_1353, %dma_start3A_1354] : memref<25x8x128xi32, #tpu.memory_space<vmem>> -> memref<1x8x128xi32, #tpu.memory_space<vmem>>
    %dma_start3A_1356 = tpu.memref_squeeze %dma_start3A_1355 : memref<1x8x128xi32, #tpu.memory_space<vmem>> -> memref<8x128xi32, #tpu.memory_space<vmem>>
    %dma_start3A_1357 = tpu.memref_slice %arg2[%dma_start3A_1346, %add3A_1261] : memref<200x16384xi32, #tpu.memory_space<hbm>> -> memref<8x128xi32, #tpu.memory_space<hbm>>
    tpu.enqueue_dma source(%dma_start3A_1357 : memref<8x128xi32, #tpu.memory_space<hbm>>) target(%dma_start3A_1356 : memref<8x128xi32, #tpu.memory_space<vmem>>) target_semaphore(%arg10 : memref<!tpu.dma_semaphore, #tpu.memory_space<semaphore_mem>>)
    %dma_start3A_1358 = arith.constant 64 : i32
    %dma_start3A_1359 = arith.constant 8 : i32
    %dma_start3A_1360 = arith.constant 0 : i32
    %dma_start3A_1361 = arith.constant 0 : i32
    %dma_start3A_1362 = tpu.memref_slice %arg5[%dma_start3A_1359, %dma_start3A_1360, %dma_start3A_1361] : memref<25x8x128xi32, #tpu.memory_space<vmem>> -> memref<1x8x128xi32, #tpu.memory_space<vmem>>
    %dma_start3A_1363 = tpu.memref_squeeze %dma_start3A_1362 : memref<1x8x128xi32, #tpu.memory_space<vmem>> -> memref<8x128xi32, #tpu.memory_space<vmem>>
    %dma_start3A_1364 = tpu.memref_slice %arg2[%dma_start3A_1358, %add3A_1261] : memref<200x16384xi32, #tpu.memory_space<hbm>> -> memref<8x128xi32, #tpu.memory_space<hbm>>
    %dma_start3A_1365 = arith.constant 0 : i32
    %dma_start3A_1366 = arith.constant 0 : i32
    %dma_start3A_1367 = tpu.memref_slice %arg5[%dma_start3A_1359, %dma_start3A_1365, %dma_start3A_1366] : memref<25x8x128xi32, #tpu.memory_space<vmem>> -> memref<1x8x128xi32, #tpu.memory_space<vmem>>
    %dma_start3A_1368 = tpu.memref_squeeze %dma_start3A_1367 : memref<1x8x128xi32, #tpu.memory_space<vmem>> -> memref<8x128xi32, #tpu.memory_space<vmem>>
    %dma_start3A_1369 = tpu.memref_slice %arg2[%dma_start3A_1358, %add3A_1261] : memref<200x16384xi32, #tpu.memory_space<hbm>> -> memref<8x128xi32, #tpu.memory_space<hbm>>
    tpu.enqueue_dma source(%dma_start3A_1369 : memref<8x128xi32, #tpu.memory_space<hbm>>) target(%dma_start3A_1368 : memref<8x128xi32, #tpu.memory_space<vmem>>) target_semaphore(%arg10 : memref<!tpu.dma_semaphore, #tpu.memory_space<semaphore_mem>>)
    %dma_start3A_1370 = arith.constant 72 : i32
    %dma_start3A_1371 = arith.constant 9 : i32
    %dma_start3A_1372 = arith.constant 0 : i32
    %dma_start3A_1373 = arith.constant 0 : i32
    %dma_start3A_1374 = tpu.memref_slice %arg5[%dma_start3A_1371, %dma_start3A_1372, %dma_start3A_1373] : memref<25x8x128xi32, #tpu.memory_space<vmem>> -> memref<1x8x128xi32, #tpu.memory_space<vmem>>
    %dma_start3A_1375 = tpu.memref_squeeze %dma_start3A_1374 : memref<1x8x128xi32, #tpu.memory_space<vmem>> -> memref<8x128xi32, #tpu.memory_space<vmem>>
    %dma_start3A_1376 = tpu.memref_slice %arg2[%dma_start3A_1370, %add3A_1261] : memref<200x16384xi32, #tpu.memory_space<hbm>> -> memref<8x128xi32, #tpu.memory_space<hbm>>
    %dma_start3A_1377 = arith.constant 0 : i32
    %dma_start3A_1378 = arith.constant 0 : i32
    %dma_start3A_1379 = tpu.memref_slice %arg5[%dma_start3A_1371, %dma_start3A_1377, %dma_start3A_1378] : memref<25x8x128xi32, #tpu.memory_space<vmem>> -> memref<1x8x128xi32, #tpu.memory_space<vmem>>
    %dma_start3A_1380 = tpu.memref_squeeze %dma_start3A_1379 : memref<1x8x128xi32, #tpu.memory_space<vmem>> -> memref<8x128xi32, #tpu.memory_space<vmem>>
    %dma_start3A_1381 = tpu.memref_slice %arg2[%dma_start3A_1370, %add3A_1261] : memref<200x16384xi32, #tpu.memory_space<hbm>> -> memref<8x128xi32, #tpu.memory_space<hbm>>
    tpu.enqueue_dma source(%dma_start3A_1381 : memref<8x128xi32, #tpu.memory_space<hbm>>) target(%dma_start3A_1380 : memref<8x128xi32, #tpu.memory_space<vmem>>) target_semaphore(%arg10 : memref<!tpu.dma_semaphore, #tpu.memory_space<semaphore_mem>>)
    %dma_start3A_1382 = arith.constant 80 : i32
    %dma_start3A_1383 = arith.constant 10 : i32
    %dma_start3A_1384 = arith.constant 0 : i32
    %dma_start3A_1385 = arith.constant 0 : i32
    %dma_start3A_1386 = tpu.memref_slice %arg5[%dma_start3A_1383, %dma_start3A_1384, %dma_start3A_1385] : memref<25x8x128xi32, #tpu.memory_space<vmem>> -> memref<1x8x128xi32, #tpu.memory_space<vmem>>
    %dma_start3A_1387 = tpu.memref_squeeze %dma_start3A_1386 : memref<1x8x128xi32, #tpu.memory_space<vmem>> -> memref<8x128xi32, #tpu.memory_space<vmem>>
    %dma_start3A_1388 = tpu.memref_slice %arg2[%dma_start3A_1382, %add3A_1261] : memref<200x16384xi32, #tpu.memory_space<hbm>> -> memref<8x128xi32, #tpu.memory_space<hbm>>
    %dma_start3A_1389 = arith.constant 0 : i32
    %dma_start3A_1390 = arith.constant 0 : i32
    %dma_start3A_1391 = tpu.memref_slice %arg5[%dma_start3A_1383, %dma_start3A_1389, %dma_start3A_1390] : memref<25x8x128xi32, #tpu.memory_space<vmem>> -> memref<1x8x128xi32, #tpu.memory_space<vmem>>
    %dma_start3A_1392 = tpu.memref_squeeze %dma_start3A_1391 : memref<1x8x128xi32, #tpu.memory_space<vmem>> -> memref<8x128xi32, #tpu.memory_space<vmem>>
    %dma_start3A_1393 = tpu.memref_slice %arg2[%dma_start3A_1382, %add3A_1261] : memref<200x16384xi32, #tpu.memory_space<hbm>> -> memref<8x128xi32, #tpu.memory_space<hbm>>
    tpu.enqueue_dma source(%dma_start3A_1393 : memref<8x128xi32, #tpu.memory_space<hbm>>) target(%dma_start3A_1392 : memref<8x128xi32, #tpu.memory_space<vmem>>) target_semaphore(%arg10 : memref<!tpu.dma_semaphore, #tpu.memory_space<semaphore_mem>>)
    %dma_start3A_1394 = arith.constant 88 : i32
    %dma_start3A_1395 = arith.constant 11 : i32
    %dma_start3A_1396 = arith.constant 0 : i32
    %dma_start3A_1397 = arith.constant 0 : i32
    %dma_start3A_1398 = tpu.memref_slice %arg5[%dma_start3A_1395, %dma_start3A_1396, %dma_start3A_1397] : memref<25x8x128xi32, #tpu.memory_space<vmem>> -> memref<1x8x128xi32, #tpu.memory_space<vmem>>
    %dma_start3A_1399 = tpu.memref_squeeze %dma_start3A_1398 : memref<1x8x128xi32, #tpu.memory_space<vmem>> -> memref<8x128xi32, #tpu.memory_space<vmem>>
    %dma_start3A_1400 = tpu.memref_slice %arg2[%dma_start3A_1394, %add3A_1261] : memref<200x16384xi32, #tpu.memory_space<hbm>> -> memref<8x128xi32, #tpu.memory_space<hbm>>
    %dma_start3A_1401 = arith.constant 0 : i32
    %dma_start3A_1402 = arith.constant 0 : i32
    %dma_start3A_1403 = tpu.memref_slice %arg5[%dma_start3A_1395, %dma_start3A_1401, %dma_start3A_1402] : memref<25x8x128xi32, #tpu.memory_space<vmem>> -> memref<1x8x128xi32, #tpu.memory_space<vmem>>
    %dma_start3A_1404 = tpu.memref_squeeze %dma_start3A_1403 : memref<1x8x128xi32, #tpu.memory_space<vmem>> -> memref<8x128xi32, #tpu.memory_space<vmem>>
    %dma_start3A_1405 = tpu.memref_slice %arg2[%dma_start3A_1394, %add3A_1261] : memref<200x16384xi32, #tpu.memory_space<hbm>> -> memref<8x128xi32, #tpu.memory_space<hbm>>
    tpu.enqueue_dma source(%dma_start3A_1405 : memref<8x128xi32, #tpu.memory_space<hbm>>) target(%dma_start3A_1404 : memref<8x128xi32, #tpu.memory_space<vmem>>) target_semaphore(%arg10 : memref<!tpu.dma_semaphore, #tpu.memory_space<semaphore_mem>>)
    %dma_start3A_1406 = arith.constant 96 : i32
    %dma_start3A_1407 = arith.constant 12 : i32
    %dma_start3A_1408 = arith.constant 0 : i32
    %dma_start3A_1409 = arith.constant 0 : i32
    %dma_start3A_1410 = tpu.memref_slice %arg5[%dma_start3A_1407, %dma_start3A_1408, %dma_start3A_1409] : memref<25x8x128xi32, #tpu.memory_space<vmem>> -> memref<1x8x128xi32, #tpu.memory_space<vmem>>
    %dma_start3A_1411 = tpu.memref_squeeze %dma_start3A_1410 : memref<1x8x128xi32, #tpu.memory_space<vmem>> -> memref<8x128xi32, #tpu.memory_space<vmem>>
    %dma_start3A_1412 = tpu.memref_slice %arg2[%dma_start3A_1406, %add3A_1261] : memref<200x16384xi32, #tpu.memory_space<hbm>> -> memref<8x128xi32, #tpu.memory_space<hbm>>
    %dma_start3A_1413 = arith.constant 0 : i32
    %dma_start3A_1414 = arith.constant 0 : i32
    %dma_start3A_1415 = tpu.memref_slice %arg5[%dma_start3A_1407, %dma_start3A_1413, %dma_start3A_1414] : memref<25x8x128xi32, #tpu.memory_space<vmem>> -> memref<1x8x128xi32, #tpu.memory_space<vmem>>
    %dma_start3A_1416 = tpu.memref_squeeze %dma_start3A_1415 : memref<1x8x128xi32, #tpu.memory_space<vmem>> -> memref<8x128xi32, #tpu.memory_space<vmem>>
    %dma_start3A_1417 = tpu.memref_slice %arg2[%dma_start3A_1406, %add3A_1261] : memref<200x16384xi32, #tpu.memory_space<hbm>> -> memref<8x128xi32, #tpu.memory_space<hbm>>
    tpu.enqueue_dma source(%dma_start3A_1417 : memref<8x128xi32, #tpu.memory_space<hbm>>) target(%dma_start3A_1416 : memref<8x128xi32, #tpu.memory_space<vmem>>) target_semaphore(%arg10 : memref<!tpu.dma_semaphore, #tpu.memory_space<semaphore_mem>>)
    %dma_start3A_1418 = arith.constant 104 : i32
    %dma_start3A_1419 = arith.constant 13 : i32
    %dma_start3A_1420 = arith.constant 0 : i32
    %dma_start3A_1421 = arith.constant 0 : i32
    %dma_start3A_1422 = tpu.memref_slice %arg5[%dma_start3A_1419, %dma_start3A_1420, %dma_start3A_1421] : memref<25x8x128xi32, #tpu.memory_space<vmem>> -> memref<1x8x128xi32, #tpu.memory_space<vmem>>
    %dma_start3A_1423 = tpu.memref_squeeze %dma_start3A_1422 : memref<1x8x128xi32, #tpu.memory_space<vmem>> -> memref<8x128xi32, #tpu.memory_space<vmem>>
    %dma_start3A_1424 = tpu.memref_slice %arg2[%dma_start3A_1418, %add3A_1261] : memref<200x16384xi32, #tpu.memory_space<hbm>> -> memref<8x128xi32, #tpu.memory_space<hbm>>
    %dma_start3A_1425 = arith.constant 0 : i32
    %dma_start3A_1426 = arith.constant 0 : i32
    %dma_start3A_1427 = tpu.memref_slice %arg5[%dma_start3A_1419, %dma_start3A_1425, %dma_start3A_1426] : memref<25x8x128xi32, #tpu.memory_space<vmem>> -> memref<1x8x128xi32, #tpu.memory_space<vmem>>
    %dma_start3A_1428 = tpu.memref_squeeze %dma_start3A_1427 : memref<1x8x128xi32, #tpu.memory_space<vmem>> -> memref<8x128xi32, #tpu.memory_space<vmem>>
    %dma_start3A_1429 = tpu.memref_slice %arg2[%dma_start3A_1418, %add3A_1261] : memref<200x16384xi32, #tpu.memory_space<hbm>> -> memref<8x128xi32, #tpu.memory_space<hbm>>
    tpu.enqueue_dma source(%dma_start3A_1429 : memref<8x128xi32, #tpu.memory_space<hbm>>) target(%dma_start3A_1428 : memref<8x128xi32, #tpu.memory_space<vmem>>) target_semaphore(%arg10 : memref<!tpu.dma_semaphore, #tpu.memory_space<semaphore_mem>>)
    %dma_start3A_1430 = arith.constant 112 : i32
    %dma_start3A_1431 = arith.constant 14 : i32
    %dma_start3A_1432 = arith.constant 0 : i32
    %dma_start3A_1433 = arith.constant 0 : i32
    %dma_start3A_1434 = tpu.memref_slice %arg5[%dma_start3A_1431, %dma_start3A_1432, %dma_start3A_1433] : memref<25x8x128xi32, #tpu.memory_space<vmem>> -> memref<1x8x128xi32, #tpu.memory_space<vmem>>
    %dma_start3A_1435 = tpu.memref_squeeze %dma_start3A_1434 : memref<1x8x128xi32, #tpu.memory_space<vmem>> -> memref<8x128xi32, #tpu.memory_space<vmem>>
    %dma_start3A_1436 = tpu.memref_slice %arg2[%dma_start3A_1430, %add3A_1261] : memref<200x16384xi32, #tpu.memory_space<hbm>> -> memref<8x128xi32, #tpu.memory_space<hbm>>
    %dma_start3A_1437 = arith.constant 0 : i32
    %dma_start3A_1438 = arith.constant 0 : i32
    %dma_start3A_1439 = tpu.memref_slice %arg5[%dma_start3A_1431, %dma_start3A_1437, %dma_start3A_1438] : memref<25x8x128xi32, #tpu.memory_space<vmem>> -> memref<1x8x128xi32, #tpu.memory_space<vmem>>
    %dma_start3A_1440 = tpu.memref_squeeze %dma_start3A_1439 : memref<1x8x128xi32, #tpu.memory_space<vmem>> -> memref<8x128xi32, #tpu.memory_space<vmem>>
    %dma_start3A_1441 = tpu.memref_slice %arg2[%dma_start3A_1430, %add3A_1261] : memref<200x16384xi32, #tpu.memory_space<hbm>> -> memref<8x128xi32, #tpu.memory_space<hbm>>
    tpu.enqueue_dma source(%dma_start3A_1441 : memref<8x128xi32, #tpu.memory_space<hbm>>) target(%dma_start3A_1440 : memref<8x128xi32, #tpu.memory_space<vmem>>) target_semaphore(%arg10 : memref<!tpu.dma_semaphore, #tpu.memory_space<semaphore_mem>>)
    %dma_start3A_1442 = arith.constant 120 : i32
    %dma_start3A_1443 = arith.constant 15 : i32
    %dma_start3A_1444 = arith.constant 0 : i32
    %dma_start3A_1445 = arith.constant 0 : i32
    %dma_start3A_1446 = tpu.memref_slice %arg5[%dma_start3A_1443, %dma_start3A_1444, %dma_start3A_1445] : memref<25x8x128xi32, #tpu.memory_space<vmem>> -> memref<1x8x128xi32, #tpu.memory_space<vmem>>
    %dma_start3A_1447 = tpu.memref_squeeze %dma_start3A_1446 : memref<1x8x128xi32, #tpu.memory_space<vmem>> -> memref<8x128xi32, #tpu.memory_space<vmem>>
    %dma_start3A_1448 = tpu.memref_slice %arg2[%dma_start3A_1442, %add3A_1261] : memref<200x16384xi32, #tpu.memory_space<hbm>> -> memref<8x128xi32, #tpu.memory_space<hbm>>
    %dma_start3A_1449 = arith.constant 0 : i32
    %dma_start3A_1450 = arith.constant 0 : i32
    %dma_start3A_1451 = tpu.memref_slice %arg5[%dma_start3A_1443, %dma_start3A_1449, %dma_start3A_1450] : memref<25x8x128xi32, #tpu.memory_space<vmem>> -> memref<1x8x128xi32, #tpu.memory_space<vmem>>
    %dma_start3A_1452 = tpu.memref_squeeze %dma_start3A_1451 : memref<1x8x128xi32, #tpu.memory_space<vmem>> -> memref<8x128xi32, #tpu.memory_space<vmem>>
    %dma_start3A_1453 = tpu.memref_slice %arg2[%dma_start3A_1442, %add3A_1261] : memref<200x16384xi32, #tpu.memory_space<hbm>> -> memref<8x128xi32, #tpu.memory_space<hbm>>
    tpu.enqueue_dma source(%dma_start3A_1453 : memref<8x128xi32, #tpu.memory_space<hbm>>) target(%dma_start3A_1452 : memref<8x128xi32, #tpu.memory_space<vmem>>) target_semaphore(%arg10 : memref<!tpu.dma_semaphore, #tpu.memory_space<semaphore_mem>>)
    %dma_start3A_1454 = arith.constant 128 : i32
    %dma_start3A_1455 = arith.constant 16 : i32
    %dma_start3A_1456 = arith.constant 0 : i32
    %dma_start3A_1457 = arith.constant 0 : i32
    %dma_start3A_1458 = tpu.memref_slice %arg5[%dma_start3A_1455, %dma_start3A_1456, %dma_start3A_1457] : memref<25x8x128xi32, #tpu.memory_space<vmem>> -> memref<1x8x128xi32, #tpu.memory_space<vmem>>
    %dma_start3A_1459 = tpu.memref_squeeze %dma_start3A_1458 : memref<1x8x128xi32, #tpu.memory_space<vmem>> -> memref<8x128xi32, #tpu.memory_space<vmem>>
    %dma_start3A_1460 = tpu.memref_slice %arg2[%dma_start3A_1454, %add3A_1261] : memref<200x16384xi32, #tpu.memory_space<hbm>> -> memref<8x128xi32, #tpu.memory_space<hbm>>
    %dma_start3A_1461 = arith.constant 0 : i32
    %dma_start3A_1462 = arith.constant 0 : i32
    %dma_start3A_1463 = tpu.memref_slice %arg5[%dma_start3A_1455, %dma_start3A_1461, %dma_start3A_1462] : memref<25x8x128xi32, #tpu.memory_space<vmem>> -> memref<1x8x128xi32, #tpu.memory_space<vmem>>
    %dma_start3A_1464 = tpu.memref_squeeze %dma_start3A_1463 : memref<1x8x128xi32, #tpu.memory_space<vmem>> -> memref<8x128xi32, #tpu.memory_space<vmem>>
    %dma_start3A_1465 = tpu.memref_slice %arg2[%dma_start3A_1454, %add3A_1261] : memref<200x16384xi32, #tpu.memory_space<hbm>> -> memref<8x128xi32, #tpu.memory_space<hbm>>
    tpu.enqueue_dma source(%dma_start3A_1465 : memref<8x128xi32, #tpu.memory_space<hbm>>) target(%dma_start3A_1464 : memref<8x128xi32, #tpu.memory_space<vmem>>) target_semaphore(%arg10 : memref<!tpu.dma_semaphore, #tpu.memory_space<semaphore_mem>>)
    %dma_start3A_1466 = arith.constant 136 : i32
    %dma_start3A_1467 = arith.constant 17 : i32
    %dma_start3A_1468 = arith.constant 0 : i32
    %dma_start3A_1469 = arith.constant 0 : i32
    %dma_start3A_1470 = tpu.memref_slice %arg5[%dma_start3A_1467, %dma_start3A_1468, %dma_start3A_1469] : memref<25x8x128xi32, #tpu.memory_space<vmem>> -> memref<1x8x128xi32, #tpu.memory_space<vmem>>
    %dma_start3A_1471 = tpu.memref_squeeze %dma_start3A_1470 : memref<1x8x128xi32, #tpu.memory_space<vmem>> -> memref<8x128xi32, #tpu.memory_space<vmem>>
    %dma_start3A_1472 = tpu.memref_slice %arg2[%dma_start3A_1466, %add3A_1261] : memref<200x16384xi32, #tpu.memory_space<hbm>> -> memref<8x128xi32, #tpu.memory_space<hbm>>
    %dma_start3A_1473 = arith.constant 0 : i32
    %dma_start3A_1474 = arith.constant 0 : i32
    %dma_start3A_1475 = tpu.memref_slice %arg5[%dma_start3A_1467, %dma_start3A_1473, %dma_start3A_1474] : memref<25x8x128xi32, #tpu.memory_space<vmem>> -> memref<1x8x128xi32, #tpu.memory_space<vmem>>
    %dma_start3A_1476 = tpu.memref_squeeze %dma_start3A_1475 : memref<1x8x128xi32, #tpu.memory_space<vmem>> -> memref<8x128xi32, #tpu.memory_space<vmem>>
    %dma_start3A_1477 = tpu.memref_slice %arg2[%dma_start3A_1466, %add3A_1261] : memref<200x16384xi32, #tpu.memory_space<hbm>> -> memref<8x128xi32, #tpu.memory_space<hbm>>
    tpu.enqueue_dma source(%dma_start3A_1477 : memref<8x128xi32, #tpu.memory_space<hbm>>) target(%dma_start3A_1476 : memref<8x128xi32, #tpu.memory_space<vmem>>) target_semaphore(%arg10 : memref<!tpu.dma_semaphore, #tpu.memory_space<semaphore_mem>>)
    %dma_start3A_1478 = arith.constant 144 : i32
    %dma_start3A_1479 = arith.constant 18 : i32
    %dma_start3A_1480 = arith.constant 0 : i32
    %dma_start3A_1481 = arith.constant 0 : i32
    %dma_start3A_1482 = tpu.memref_slice %arg5[%dma_start3A_1479, %dma_start3A_1480, %dma_start3A_1481] : memref<25x8x128xi32, #tpu.memory_space<vmem>> -> memref<1x8x128xi32, #tpu.memory_space<vmem>>
    %dma_start3A_1483 = tpu.memref_squeeze %dma_start3A_1482 : memref<1x8x128xi32, #tpu.memory_space<vmem>> -> memref<8x128xi32, #tpu.memory_space<vmem>>
    %dma_start3A_1484 = tpu.memref_slice %arg2[%dma_start3A_1478, %add3A_1261] : memref<200x16384xi32, #tpu.memory_space<hbm>> -> memref<8x128xi32, #tpu.memory_space<hbm>>
    %dma_start3A_1485 = arith.constant 0 : i32
    %dma_start3A_1486 = arith.constant 0 : i32
    %dma_start3A_1487 = tpu.memref_slice %arg5[%dma_start3A_1479, %dma_start3A_1485, %dma_start3A_1486] : memref<25x8x128xi32, #tpu.memory_space<vmem>> -> memref<1x8x128xi32, #tpu.memory_space<vmem>>
    %dma_start3A_1488 = tpu.memref_squeeze %dma_start3A_1487 : memref<1x8x128xi32, #tpu.memory_space<vmem>> -> memref<8x128xi32, #tpu.memory_space<vmem>>
    %dma_start3A_1489 = tpu.memref_slice %arg2[%dma_start3A_1478, %add3A_1261] : memref<200x16384xi32, #tpu.memory_space<hbm>> -> memref<8x128xi32, #tpu.memory_space<hbm>>
    tpu.enqueue_dma source(%dma_start3A_1489 : memref<8x128xi32, #tpu.memory_space<hbm>>) target(%dma_start3A_1488 : memref<8x128xi32, #tpu.memory_space<vmem>>) target_semaphore(%arg10 : memref<!tpu.dma_semaphore, #tpu.memory_space<semaphore_mem>>)
    %dma_start3A_1490 = arith.constant 152 : i32
    %dma_start3A_1491 = arith.constant 19 : i32
    %dma_start3A_1492 = arith.constant 0 : i32
    %dma_start3A_1493 = arith.constant 0 : i32
    %dma_start3A_1494 = tpu.memref_slice %arg5[%dma_start3A_1491, %dma_start3A_1492, %dma_start3A_1493] : memref<25x8x128xi32, #tpu.memory_space<vmem>> -> memref<1x8x128xi32, #tpu.memory_space<vmem>>
    %dma_start3A_1495 = tpu.memref_squeeze %dma_start3A_1494 : memref<1x8x128xi32, #tpu.memory_space<vmem>> -> memref<8x128xi32, #tpu.memory_space<vmem>>
    %dma_start3A_1496 = tpu.memref_slice %arg2[%dma_start3A_1490, %add3A_1261] : memref<200x16384xi32, #tpu.memory_space<hbm>> -> memref<8x128xi32, #tpu.memory_space<hbm>>
    %dma_start3A_1497 = arith.constant 0 : i32
    %dma_start3A_1498 = arith.constant 0 : i32
    %dma_start3A_1499 = tpu.memref_slice %arg5[%dma_start3A_1491, %dma_start3A_1497, %dma_start3A_1498] : memref<25x8x128xi32, #tpu.memory_space<vmem>> -> memref<1x8x128xi32, #tpu.memory_space<vmem>>
    %dma_start3A_1500 = tpu.memref_squeeze %dma_start3A_1499 : memref<1x8x128xi32, #tpu.memory_space<vmem>> -> memref<8x128xi32, #tpu.memory_space<vmem>>
    %dma_start3A_1501 = tpu.memref_slice %arg2[%dma_start3A_1490, %add3A_1261] : memref<200x16384xi32, #tpu.memory_space<hbm>> -> memref<8x128xi32, #tpu.memory_space<hbm>>
    tpu.enqueue_dma source(%dma_start3A_1501 : memref<8x128xi32, #tpu.memory_space<hbm>>) target(%dma_start3A_1500 : memref<8x128xi32, #tpu.memory_space<vmem>>) target_semaphore(%arg10 : memref<!tpu.dma_semaphore, #tpu.memory_space<semaphore_mem>>)
    %dma_start3A_1502 = arith.constant 160 : i32
    %dma_start3A_1503 = arith.constant 20 : i32
    %dma_start3A_1504 = arith.constant 0 : i32
    %dma_start3A_1505 = arith.constant 0 : i32
    %dma_start3A_1506 = tpu.memref_slice %arg5[%dma_start3A_1503, %dma_start3A_1504, %dma_start3A_1505] : memref<25x8x128xi32, #tpu.memory_space<vmem>> -> memref<1x8x128xi32, #tpu.memory_space<vmem>>
    %dma_start3A_1507 = tpu.memref_squeeze %dma_start3A_1506 : memref<1x8x128xi32, #tpu.memory_space<vmem>> -> memref<8x128xi32, #tpu.memory_space<vmem>>
    %dma_start3A_1508 = tpu.memref_slice %arg2[%dma_start3A_1502, %add3A_1261] : memref<200x16384xi32, #tpu.memory_space<hbm>> -> memref<8x128xi32, #tpu.memory_space<hbm>>
    %dma_start3A_1509 = arith.constant 0 : i32
    %dma_start3A_1510 = arith.constant 0 : i32
    %dma_start3A_1511 = tpu.memref_slice %arg5[%dma_start3A_1503, %dma_start3A_1509, %dma_start3A_1510] : memref<25x8x128xi32, #tpu.memory_space<vmem>> -> memref<1x8x128xi32, #tpu.memory_space<vmem>>
    %dma_start3A_1512 = tpu.memref_squeeze %dma_start3A_1511 : memref<1x8x128xi32, #tpu.memory_space<vmem>> -> memref<8x128xi32, #tpu.memory_space<vmem>>
    %dma_start3A_1513 = tpu.memref_slice %arg2[%dma_start3A_1502, %add3A_1261] : memref<200x16384xi32, #tpu.memory_space<hbm>> -> memref<8x128xi32, #tpu.memory_space<hbm>>
    tpu.enqueue_dma source(%dma_start3A_1513 : memref<8x128xi32, #tpu.memory_space<hbm>>) target(%dma_start3A_1512 : memref<8x128xi32, #tpu.memory_space<vmem>>) target_semaphore(%arg10 : memref<!tpu.dma_semaphore, #tpu.memory_space<semaphore_mem>>)
    %dma_start3A_1514 = arith.constant 168 : i32
    %dma_start3A_1515 = arith.constant 21 : i32
    %dma_start3A_1516 = arith.constant 0 : i32
    %dma_start3A_1517 = arith.constant 0 : i32
    %dma_start3A_1518 = tpu.memref_slice %arg5[%dma_start3A_1515, %dma_start3A_1516, %dma_start3A_1517] : memref<25x8x128xi32, #tpu.memory_space<vmem>> -> memref<1x8x128xi32, #tpu.memory_space<vmem>>
    %dma_start3A_1519 = tpu.memref_squeeze %dma_start3A_1518 : memref<1x8x128xi32, #tpu.memory_space<vmem>> -> memref<8x128xi32, #tpu.memory_space<vmem>>
    %dma_start3A_1520 = tpu.memref_slice %arg2[%dma_start3A_1514, %add3A_1261] : memref<200x16384xi32, #tpu.memory_space<hbm>> -> memref<8x128xi32, #tpu.memory_space<hbm>>
    %dma_start3A_1521 = arith.constant 0 : i32
    %dma_start3A_1522 = arith.constant 0 : i32
    %dma_start3A_1523 = tpu.memref_slice %arg5[%dma_start3A_1515, %dma_start3A_1521, %dma_start3A_1522] : memref<25x8x128xi32, #tpu.memory_space<vmem>> -> memref<1x8x128xi32, #tpu.memory_space<vmem>>
    %dma_start3A_1524 = tpu.memref_squeeze %dma_start3A_1523 : memref<1x8x128xi32, #tpu.memory_space<vmem>> -> memref<8x128xi32, #tpu.memory_space<vmem>>
    %dma_start3A_1525 = tpu.memref_slice %arg2[%dma_start3A_1514, %add3A_1261] : memref<200x16384xi32, #tpu.memory_space<hbm>> -> memref<8x128xi32, #tpu.memory_space<hbm>>
    tpu.enqueue_dma source(%dma_start3A_1525 : memref<8x128xi32, #tpu.memory_space<hbm>>) target(%dma_start3A_1524 : memref<8x128xi32, #tpu.memory_space<vmem>>) target_semaphore(%arg10 : memref<!tpu.dma_semaphore, #tpu.memory_space<semaphore_mem>>)
    %dma_start3A_1526 = arith.constant 176 : i32
    %dma_start3A_1527 = arith.constant 22 : i32
    %dma_start3A_1528 = arith.constant 0 : i32
    %dma_start3A_1529 = arith.constant 0 : i32
    %dma_start3A_1530 = tpu.memref_slice %arg5[%dma_start3A_1527, %dma_start3A_1528, %dma_start3A_1529] : memref<25x8x128xi32, #tpu.memory_space<vmem>> -> memref<1x8x128xi32, #tpu.memory_space<vmem>>
    %dma_start3A_1531 = tpu.memref_squeeze %dma_start3A_1530 : memref<1x8x128xi32, #tpu.memory_space<vmem>> -> memref<8x128xi32, #tpu.memory_space<vmem>>
    %dma_start3A_1532 = tpu.memref_slice %arg2[%dma_start3A_1526, %add3A_1261] : memref<200x16384xi32, #tpu.memory_space<hbm>> -> memref<8x128xi32, #tpu.memory_space<hbm>>
    %dma_start3A_1533 = arith.constant 0 : i32
    %dma_start3A_1534 = arith.constant 0 : i32
    %dma_start3A_1535 = tpu.memref_slice %arg5[%dma_start3A_1527, %dma_start3A_1533, %dma_start3A_1534] : memref<25x8x128xi32, #tpu.memory_space<vmem>> -> memref<1x8x128xi32, #tpu.memory_space<vmem>>
    %dma_start3A_1536 = tpu.memref_squeeze %dma_start3A_1535 : memref<1x8x128xi32, #tpu.memory_space<vmem>> -> memref<8x128xi32, #tpu.memory_space<vmem>>
    %dma_start3A_1537 = tpu.memref_slice %arg2[%dma_start3A_1526, %add3A_1261] : memref<200x16384xi32, #tpu.memory_space<hbm>> -> memref<8x128xi32, #tpu.memory_space<hbm>>
    tpu.enqueue_dma source(%dma_start3A_1537 : memref<8x128xi32, #tpu.memory_space<hbm>>) target(%dma_start3A_1536 : memref<8x128xi32, #tpu.memory_space<vmem>>) target_semaphore(%arg10 : memref<!tpu.dma_semaphore, #tpu.memory_space<semaphore_mem>>)
    %dma_start3A_1538 = arith.constant 184 : i32
    %dma_start3A_1539 = arith.constant 23 : i32
    %dma_start3A_1540 = arith.constant 0 : i32
    %dma_start3A_1541 = arith.constant 0 : i32
    %dma_start3A_1542 = tpu.memref_slice %arg5[%dma_start3A_1539, %dma_start3A_1540, %dma_start3A_1541] : memref<25x8x128xi32, #tpu.memory_space<vmem>> -> memref<1x8x128xi32, #tpu.memory_space<vmem>>
    %dma_start3A_1543 = tpu.memref_squeeze %dma_start3A_1542 : memref<1x8x128xi32, #tpu.memory_space<vmem>> -> memref<8x128xi32, #tpu.memory_space<vmem>>
    %dma_start3A_1544 = tpu.memref_slice %arg2[%dma_start3A_1538, %add3A_1261] : memref<200x16384xi32, #tpu.memory_space<hbm>> -> memref<8x128xi32, #tpu.memory_space<hbm>>
    %dma_start3A_1545 = arith.constant 0 : i32
    %dma_start3A_1546 = arith.constant 0 : i32
    %dma_start3A_1547 = tpu.memref_slice %arg5[%dma_start3A_1539, %dma_start3A_1545, %dma_start3A_1546] : memref<25x8x128xi32, #tpu.memory_space<vmem>> -> memref<1x8x128xi32, #tpu.memory_space<vmem>>
    %dma_start3A_1548 = tpu.memref_squeeze %dma_start3A_1547 : memref<1x8x128xi32, #tpu.memory_space<vmem>> -> memref<8x128xi32, #tpu.memory_space<vmem>>
    %dma_start3A_1549 = tpu.memref_slice %arg2[%dma_start3A_1538, %add3A_1261] : memref<200x16384xi32, #tpu.memory_space<hbm>> -> memref<8x128xi32, #tpu.memory_space<hbm>>
    tpu.enqueue_dma source(%dma_start3A_1549 : memref<8x128xi32, #tpu.memory_space<hbm>>) target(%dma_start3A_1548 : memref<8x128xi32, #tpu.memory_space<vmem>>) target_semaphore(%arg10 : memref<!tpu.dma_semaphore, #tpu.memory_space<semaphore_mem>>)
    %dma_start3A_1550 = arith.constant 192 : i32
    %dma_start3A_1551 = arith.constant 24 : i32
    %dma_start3A_1552 = arith.constant 0 : i32
    %dma_start3A_1553 = arith.constant 0 : i32
    %dma_start3A_1554 = tpu.memref_slice %arg5[%dma_start3A_1551, %dma_start3A_1552, %dma_start3A_1553] : memref<25x8x128xi32, #tpu.memory_space<vmem>> -> memref<1x8x128xi32, #tpu.memory_space<vmem>>
    %dma_start3A_1555 = tpu.memref_squeeze %dma_start3A_1554 : memref<1x8x128xi32, #tpu.memory_space<vmem>> -> memref<8x128xi32, #tpu.memory_space<vmem>>
    %dma_start3A_1556 = tpu.memref_slice %arg2[%dma_start3A_1550, %add3A_1261] : memref<200x16384xi32, #tpu.memory_space<hbm>> -> memref<8x128xi32, #tpu.memory_space<hbm>>
    %dma_start3A_1557 = arith.constant 0 : i32
    %dma_start3A_1558 = arith.constant 0 : i32
    %dma_start3A_1559 = tpu.memref_slice %arg5[%dma_start3A_1551, %dma_start3A_1557, %dma_start3A_1558] : memref<25x8x128xi32, #tpu.memory_space<vmem>> -> memref<1x8x128xi32, #tpu.memory_space<vmem>>
    %dma_start3A_1560 = tpu.memref_squeeze %dma_start3A_1559 : memref<1x8x128xi32, #tpu.memory_space<vmem>> -> memref<8x128xi32, #tpu.memory_space<vmem>>
    %dma_start3A_1561 = tpu.memref_slice %arg2[%dma_start3A_1550, %add3A_1261] : memref<200x16384xi32, #tpu.memory_space<hbm>> -> memref<8x128xi32, #tpu.memory_space<hbm>>
    tpu.enqueue_dma source(%dma_start3A_1561 : memref<8x128xi32, #tpu.memory_space<hbm>>) target(%dma_start3A_1560 : memref<8x128xi32, #tpu.memory_space<vmem>>) target_semaphore(%arg10 : memref<!tpu.dma_semaphore, #tpu.memory_space<semaphore_mem>>)
    %parallel_loop3A_1562 = arith.constant 0 : i32
    %parallel_loop3A_1563 = arith.constant 200 : i32
    %parallel_loop3A_1564 = arith.constant 1 : i32
    scf.for %parallel_loop3A_2499 = %parallel_loop3A_1562 to %parallel_loop3A_1563 step %parallel_loop3A_1564  : i32 {
      %parallel_loop3A_2500 = arith.constant 3 : i32
      %parallel_loop3A_2501 = arith.shrsi %parallel_loop3A_2499, %parallel_loop3A_2500 : i32
      %parallel_loop3A_2502 = arith.constant 7 : i32
      %parallel_loop3A_2503 = arith.andi %parallel_loop3A_2499, %parallel_loop3A_2502 : i32
      %parallel_loop3A_2504 = arith.constant 3 : i32
      %parallel_loop3A_2505 = arith.shli %parallel_loop3A_2501, %parallel_loop3A_2504 : i32
      %parallel_loop3A_2506 = arith.addi %parallel_loop3A_2505, %parallel_loop3A_2503 : i32
      %parallel_loop3A_2507 = arith.constant 0 : i32
      %parallel_loop3A_2508 = arith.index_cast %parallel_loop3A_2501 : i32 to index
      %parallel_loop3A_2509 = arith.index_cast %parallel_loop3A_2503 : i32 to index
      %parallel_loop3A_2510 = arith.index_cast %parallel_loop3A_2507 : i32 to index
      %parallel_loop3A_2511 = tpu.vector_load %arg6[%parallel_loop3A_2508, %parallel_loop3A_2509, %parallel_loop3A_2510] {strides = array<i32>} : memref<25x8x128xi32, #tpu.memory_space<vmem>>, vector<16xi32>,
      %parallel_loop3A_2512 = vector.bitcast %parallel_loop3A_2511 : vector<16xi32> to vector<16xi32>
      %parallel_loop3A_2513 = arith.cmpi eq, %parallel_loop3A_2512, %gather3A_5 : vector<16xi32>
      %parallel_loop3A_2514 = arith.cmpi eq, %parallel_loop3A_2512, %gather3A_10 : vector<16xi32>
      %parallel_loop3A_2515 = arith.select %parallel_loop3A_2514, %gather3A_20, %broadcast_in_dim3A_22 : vector<16xi1>, vector<16xi32>
      %parallel_loop3A_2516 = arith.select %parallel_loop3A_2513, %gather3A_15, %parallel_loop3A_2515 : vector<16xi1>, vector<16xi32>
      %parallel_loop3A_2517 = vector.broadcast %parallel_loop3A_2506 : i32 to vector<16xi32>
      %parallel_loop3A_2518 = arith.addi %parallel_loop3A_2517, %add3A_28 : vector<16xi32>
      tpu.vector_store_idx %arg8[%parallel_loop3A_2518], %parallel_loop3A_2516 : memref<25600xi32, #tpu.memory_space<vmem>>[vector<16xi32>], vector<16xi32>,
      %parallel_loop3A_2519 = arith.constant 16 : i32
      %parallel_loop3A_2520 = arith.index_cast %parallel_loop3A_2501 : i32 to index
      %parallel_loop3A_2521 = arith.index_cast %parallel_loop3A_2503 : i32 to index
      %parallel_loop3A_2522 = arith.index_cast %parallel_loop3A_2519 : i32 to index
      %parallel_loop3A_2523 = tpu.vector_load %arg6[%parallel_loop3A_2520, %parallel_loop3A_2521, %parallel_loop3A_2522] {strides = array<i32>} : memref<25x8x128xi32, #tpu.memory_space<vmem>>, vector<16xi32>,
      %parallel_loop3A_2524 = vector.bitcast %parallel_loop3A_2523 : vector<16xi32> to vector<16xi32>
      %parallel_loop3A_2525 = arith.cmpi eq, %parallel_loop3A_2524, %gather3A_5 : vector<16xi32>
      %parallel_loop3A_2526 = arith.cmpi eq, %parallel_loop3A_2524, %gather3A_10 : vector<16xi32>
      %parallel_loop3A_2527 = arith.select %parallel_loop3A_2526, %gather3A_20, %broadcast_in_dim3A_22 : vector<16xi1>, vector<16xi32>
      %parallel_loop3A_2528 = arith.select %parallel_loop3A_2525, %gather3A_15, %parallel_loop3A_2527 : vector<16xi1>, vector<16xi32>
      %parallel_loop3A_2529 = vector.broadcast %parallel_loop3A_2506 : i32 to vector<16xi32>
      %parallel_loop3A_2530 = arith.addi %parallel_loop3A_2529, %add3A_31 : vector<16xi32>
      tpu.vector_store_idx %arg8[%parallel_loop3A_2530], %parallel_loop3A_2528 : memref<25600xi32, #tpu.memory_space<vmem>>[vector<16xi32>], vector<16xi32>,
      %parallel_loop3A_2531 = arith.constant 32 : i32
      %parallel_loop3A_2532 = arith.index_cast %parallel_loop3A_2501 : i32 to index
      %parallel_loop3A_2533 = arith.index_cast %parallel_loop3A_2503 : i32 to index
      %parallel_loop3A_2534 = arith.index_cast %parallel_loop3A_2531 : i32 to index
      %parallel_loop3A_2535 = tpu.vector_load %arg6[%parallel_loop3A_2532, %parallel_loop3A_2533, %parallel_loop3A_2534] {strides = array<i32>} : memref<25x8x128xi32, #tpu.memory_space<vmem>>, vector<16xi32>,
      %parallel_loop3A_2536 = vector.bitcast %parallel_loop3A_2535 : vector<16xi32> to vector<16xi32>
      %parallel_loop3A_2537 = arith.cmpi eq, %parallel_loop3A_2536, %gather3A_5 : vector<16xi32>
      %parallel_loop3A_2538 = arith.cmpi eq, %parallel_loop3A_2536, %gather3A_10 : vector<16xi32>
      %parallel_loop3A_2539 = arith.select %parallel_loop3A_2538, %gather3A_20, %broadcast_in_dim3A_22 : vector<16xi1>, vector<16xi32>
      %parallel_loop3A_2540 = arith.select %parallel_loop3A_2537, %gather3A_15, %parallel_loop3A_2539 : vector<16xi1>, vector<16xi32>
      %parallel_loop3A_2541 = vector.broadcast %parallel_loop3A_2506 : i32 to vector<16xi32>
      %parallel_loop3A_2542 = arith.addi %parallel_loop3A_2541, %add3A_34 : vector<16xi32>
      tpu.vector_store_idx %arg8[%parallel_loop3A_2542], %parallel_loop3A_2540 : memref<25600xi32, #tpu.memory_space<vmem>>[vector<16xi32>], vector<16xi32>,
      %parallel_loop3A_2543 = arith.constant 48 : i32
      %parallel_loop3A_2544 = arith.index_cast %parallel_loop3A_2501 : i32 to index
      %parallel_loop3A_2545 = arith.index_cast %parallel_loop3A_2503 : i32 to index
      %parallel_loop3A_2546 = arith.index_cast %parallel_loop3A_2543 : i32 to index
      %parallel_loop3A_2547 = tpu.vector_load %arg6[%parallel_loop3A_2544, %parallel_loop3A_2545, %parallel_loop3A_2546] {strides = array<i32>} : memref<25x8x128xi32, #tpu.memory_space<vmem>>, vector<16xi32>,
      %parallel_loop3A_2548 = vector.bitcast %parallel_loop3A_2547 : vector<16xi32> to vector<16xi32>
      %parallel_loop3A_2549 = arith.cmpi eq, %parallel_loop3A_2548, %gather3A_5 : vector<16xi32>
      %parallel_loop3A_2550 = arith.cmpi eq, %parallel_loop3A_2548, %gather3A_10 : vector<16xi32>
      %parallel_loop3A_2551 = arith.select %parallel_loop3A_2550, %gather3A_20, %broadcast_in_dim3A_22 : vector<16xi1>, vector<16xi32>
      %parallel_loop3A_2552 = arith.select %parallel_loop3A_2549, %gather3A_15, %parallel_loop3A_2551 : vector<16xi1>, vector<16xi32>
      %parallel_loop3A_2553 = vector.broadcast %parallel_loop3A_2506 : i32 to vector<16xi32>
      %parallel_loop3A_2554 = arith.addi %parallel_loop3A_2553, %add3A_37 : vector<16xi32>
      tpu.vector_store_idx %arg8[%parallel_loop3A_2554], %parallel_loop3A_2552 : memref<25600xi32, #tpu.memory_space<vmem>>[vector<16xi32>], vector<16xi32>,
      %parallel_loop3A_2555 = arith.constant 64 : i32
      %parallel_loop3A_2556 = arith.index_cast %parallel_loop3A_2501 : i32 to index
      %parallel_loop3A_2557 = arith.index_cast %parallel_loop3A_2503 : i32 to index
      %parallel_loop3A_2558 = arith.index_cast %parallel_loop3A_2555 : i32 to index
      %parallel_loop3A_2559 = tpu.vector_load %arg6[%parallel_loop3A_2556, %parallel_loop3A_2557, %parallel_loop3A_2558] {strides = array<i32>} : memref<25x8x128xi32, #tpu.memory_space<vmem>>, vector<16xi32>,
      %parallel_loop3A_2560 = vector.bitcast %parallel_loop3A_2559 : vector<16xi32> to vector<16xi32>
      %parallel_loop3A_2561 = arith.cmpi eq, %parallel_loop3A_2560, %gather3A_5 : vector<16xi32>
      %parallel_loop3A_2562 = arith.cmpi eq, %parallel_loop3A_2560, %gather3A_10 : vector<16xi32>
      %parallel_loop3A_2563 = arith.select %parallel_loop3A_2562, %gather3A_20, %broadcast_in_dim3A_22 : vector<16xi1>, vector<16xi32>
      %parallel_loop3A_2564 = arith.select %parallel_loop3A_2561, %gather3A_15, %parallel_loop3A_2563 : vector<16xi1>, vector<16xi32>
      %parallel_loop3A_2565 = vector.broadcast %parallel_loop3A_2506 : i32 to vector<16xi32>
      %parallel_loop3A_2566 = arith.addi %parallel_loop3A_2565, %add3A_40 : vector<16xi32>
      tpu.vector_store_idx %arg8[%parallel_loop3A_2566], %parallel_loop3A_2564 : memref<25600xi32, #tpu.memory_space<vmem>>[vector<16xi32>], vector<16xi32>,
      %parallel_loop3A_2567 = arith.constant 80 : i32
      %parallel_loop3A_2568 = arith.index_cast %parallel_loop3A_2501 : i32 to index
      %parallel_loop3A_2569 = arith.index_cast %parallel_loop3A_2503 : i32 to index
      %parallel_loop3A_2570 = arith.index_cast %parallel_loop3A_2567 : i32 to index
      %parallel_loop3A_2571 = tpu.vector_load %arg6[%parallel_loop3A_2568, %parallel_loop3A_2569, %parallel_loop3A_2570] {strides = array<i32>} : memref<25x8x128xi32, #tpu.memory_space<vmem>>, vector<16xi32>,
      %parallel_loop3A_2572 = vector.bitcast %parallel_loop3A_2571 : vector<16xi32> to vector<16xi32>
      %parallel_loop3A_2573 = arith.cmpi eq, %parallel_loop3A_2572, %gather3A_5 : vector<16xi32>
      %parallel_loop3A_2574 = arith.cmpi eq, %parallel_loop3A_2572, %gather3A_10 : vector<16xi32>
      %parallel_loop3A_2575 = arith.select %parallel_loop3A_2574, %gather3A_20, %broadcast_in_dim3A_22 : vector<16xi1>, vector<16xi32>
      %parallel_loop3A_2576 = arith.select %parallel_loop3A_2573, %gather3A_15, %parallel_loop3A_2575 : vector<16xi1>, vector<16xi32>
      %parallel_loop3A_2577 = vector.broadcast %parallel_loop3A_2506 : i32 to vector<16xi32>
      %parallel_loop3A_2578 = arith.addi %parallel_loop3A_2577, %add3A_43 : vector<16xi32>
      tpu.vector_store_idx %arg8[%parallel_loop3A_2578], %parallel_loop3A_2576 : memref<25600xi32, #tpu.memory_space<vmem>>[vector<16xi32>], vector<16xi32>,
      %parallel_loop3A_2579 = arith.constant 96 : i32
      %parallel_loop3A_2580 = arith.index_cast %parallel_loop3A_2501 : i32 to index
      %parallel_loop3A_2581 = arith.index_cast %parallel_loop3A_2503 : i32 to index
      %parallel_loop3A_2582 = arith.index_cast %parallel_loop3A_2579 : i32 to index
      %parallel_loop3A_2583 = tpu.vector_load %arg6[%parallel_loop3A_2580, %parallel_loop3A_2581, %parallel_loop3A_2582] {strides = array<i32>} : memref<25x8x128xi32, #tpu.memory_space<vmem>>, vector<16xi32>,
      %parallel_loop3A_2584 = vector.bitcast %parallel_loop3A_2583 : vector<16xi32> to vector<16xi32>
      %parallel_loop3A_2585 = arith.cmpi eq, %parallel_loop3A_2584, %gather3A_5 : vector<16xi32>
      %parallel_loop3A_2586 = arith.cmpi eq, %parallel_loop3A_2584, %gather3A_10 : vector<16xi32>
      %parallel_loop3A_2587 = arith.select %parallel_loop3A_2586, %gather3A_20, %broadcast_in_dim3A_22 : vector<16xi1>, vector<16xi32>
      %parallel_loop3A_2588 = arith.select %parallel_loop3A_2585, %gather3A_15, %parallel_loop3A_2587 : vector<16xi1>, vector<16xi32>
      %parallel_loop3A_2589 = vector.broadcast %parallel_loop3A_2506 : i32 to vector<16xi32>
      %parallel_loop3A_2590 = arith.addi %parallel_loop3A_2589, %add3A_46 : vector<16xi32>
      tpu.vector_store_idx %arg8[%parallel_loop3A_2590], %parallel_loop3A_2588 : memref<25600xi32, #tpu.memory_space<vmem>>[vector<16xi32>], vector<16xi32>,
      %parallel_loop3A_2591 = arith.constant 112 : i32
      %parallel_loop3A_2592 = arith.index_cast %parallel_loop3A_2501 : i32 to index
      %parallel_loop3A_2593 = arith.index_cast %parallel_loop3A_2503 : i32 to index
      %parallel_loop3A_2594 = arith.index_cast %parallel_loop3A_2591 : i32 to index
      %parallel_loop3A_2595 = tpu.vector_load %arg6[%parallel_loop3A_2592, %parallel_loop3A_2593, %parallel_loop3A_2594] {strides = array<i32>} : memref<25x8x128xi32, #tpu.memory_space<vmem>>, vector<16xi32>,
      %parallel_loop3A_2596 = vector.bitcast %parallel_loop3A_2595 : vector<16xi32> to vector<16xi32>
      %parallel_loop3A_2597 = arith.cmpi eq, %parallel_loop3A_2596, %gather3A_5 : vector<16xi32>
      %parallel_loop3A_2598 = arith.cmpi eq, %parallel_loop3A_2596, %gather3A_10 : vector<16xi32>
      %parallel_loop3A_2599 = arith.select %parallel_loop3A_2598, %gather3A_20, %broadcast_in_dim3A_22 : vector<16xi1>, vector<16xi32>
      %parallel_loop3A_2600 = arith.select %parallel_loop3A_2597, %gather3A_15, %parallel_loop3A_2599 : vector<16xi1>, vector<16xi32>
      %parallel_loop3A_2601 = vector.broadcast %parallel_loop3A_2506 : i32 to vector<16xi32>
      %parallel_loop3A_2602 = arith.addi %parallel_loop3A_2601, %add3A_49 : vector<16xi32>
      tpu.vector_store_idx %arg8[%parallel_loop3A_2602], %parallel_loop3A_2600 : memref<25600xi32, #tpu.memory_space<vmem>>[vector<16xi32>], vector<16xi32>,
    } {sc.loop_unroll_factor = 2 : i64, sc.parallel_access}
    %add3A_1565 = arith.constant 128 : i32
    %add3A_1566 = arith.addi %mul3A_2, %add3A_1565 : i32
    %mul3A_1567 = arith.constant 200 : i32
    %mul3A_1568 = arith.muli %add3A_1566, %mul3A_1567 : i32
    %dma_start3A_1569 = tpu.memref_slice %arg4[%mul3A_1568] : memref<3276800xi32, #tpu.memory_space<hbm>> -> memref<25600xi32, #tpu.memory_space<hbm>>
    %dma_start3A_1570 = tpu.memref_slice %arg4[%mul3A_1568] : memref<3276800xi32, #tpu.memory_space<hbm>> -> memref<25600xi32, #tpu.memory_space<hbm>>
    tpu.enqueue_dma source(%arg8 : memref<25600xi32, #tpu.memory_space<vmem>>) target(%dma_start3A_1570 : memref<25600xi32, #tpu.memory_space<hbm>>) target_semaphore(%arg11 : memref<!tpu.dma_semaphore, #tpu.memory_space<semaphore_mem>>)
    %dma_wait3A_1571 = arith.constant 0 : i32
    %dma_wait3A_1572 = arith.constant 0 : i32
    %dma_wait3A_1573 = arith.constant 0 : i32
    %dma_wait3A_1574 = arith.constant 0 : i32
    %dma_wait3A_1575 = tpu.memref_slice %arg5[%dma_wait3A_1572, %dma_wait3A_1573, %dma_wait3A_1574] : memref<25x8x128xi32, #tpu.memory_space<vmem>> -> memref<1x8x128xi32, #tpu.memory_space<vmem>>
    %dma_wait3A_1576 = tpu.memref_squeeze %dma_wait3A_1575 : memref<1x8x128xi32, #tpu.memory_space<vmem>> -> memref<8x128xi32, #tpu.memory_space<vmem>>
    %dma_wait3A_1577 = tpu.memref_slice %arg2[%dma_wait3A_1571, %add3A_1261] : memref<200x16384xi32, #tpu.memory_space<hbm>> -> memref<8x128xi32, #tpu.memory_space<hbm>>
    %dma_wait3A_1578 = arith.constant 0 : i32
    %dma_wait3A_1579 = arith.constant 0 : i32
    %dma_wait3A_1580 = tpu.memref_slice %arg5[%dma_wait3A_1572, %dma_wait3A_1578, %dma_wait3A_1579] : memref<25x8x128xi32, #tpu.memory_space<vmem>> -> memref<1x8x128xi32, #tpu.memory_space<vmem>>
    %dma_wait3A_1581 = tpu.memref_squeeze %dma_wait3A_1580 : memref<1x8x128xi32, #tpu.memory_space<vmem>> -> memref<8x128xi32, #tpu.memory_space<vmem>>
    %dma_wait3A_1582 = tpu.memref_slice %arg2[%dma_wait3A_1571, %add3A_1261] : memref<200x16384xi32, #tpu.memory_space<hbm>> -> memref<8x128xi32, #tpu.memory_space<hbm>>
    tpu.wait_dma2 semaphore(%arg10 : memref<!tpu.dma_semaphore, #tpu.memory_space<semaphore_mem>>) src(%dma_wait3A_1582 : memref<8x128xi32, #tpu.memory_space<hbm>>) dst(%dma_wait3A_1581 : memref<8x128xi32, #tpu.memory_space<vmem>>)
    %dma_wait3A_1583 = arith.constant 8 : i32
    %dma_wait3A_1584 = arith.constant 1 : i32
    %dma_wait3A_1585 = arith.constant 0 : i32
    %dma_wait3A_1586 = arith.constant 0 : i32
    %dma_wait3A_1587 = tpu.memref_slice %arg5[%dma_wait3A_1584, %dma_wait3A_1585, %dma_wait3A_1586] : memref<25x8x128xi32, #tpu.memory_space<vmem>> -> memref<1x8x128xi32, #tpu.memory_space<vmem>>
    %dma_wait3A_1588 = tpu.memref_squeeze %dma_wait3A_1587 : memref<1x8x128xi32, #tpu.memory_space<vmem>> -> memref<8x128xi32, #tpu.memory_space<vmem>>
    %dma_wait3A_1589 = tpu.memref_slice %arg2[%dma_wait3A_1583, %add3A_1261] : memref<200x16384xi32, #tpu.memory_space<hbm>> -> memref<8x128xi32, #tpu.memory_space<hbm>>
    %dma_wait3A_1590 = arith.constant 0 : i32
    %dma_wait3A_1591 = arith.constant 0 : i32
    %dma_wait3A_1592 = tpu.memref_slice %arg5[%dma_wait3A_1584, %dma_wait3A_1590, %dma_wait3A_1591] : memref<25x8x128xi32, #tpu.memory_space<vmem>> -> memref<1x8x128xi32, #tpu.memory_space<vmem>>
    %dma_wait3A_1593 = tpu.memref_squeeze %dma_wait3A_1592 : memref<1x8x128xi32, #tpu.memory_space<vmem>> -> memref<8x128xi32, #tpu.memory_space<vmem>>
    %dma_wait3A_1594 = tpu.memref_slice %arg2[%dma_wait3A_1583, %add3A_1261] : memref<200x16384xi32, #tpu.memory_space<hbm>> -> memref<8x128xi32, #tpu.memory_space<hbm>>
    tpu.wait_dma2 semaphore(%arg10 : memref<!tpu.dma_semaphore, #tpu.memory_space<semaphore_mem>>) src(%dma_wait3A_1594 : memref<8x128xi32, #tpu.memory_space<hbm>>) dst(%dma_wait3A_1593 : memref<8x128xi32, #tpu.memory_space<vmem>>)
    %dma_wait3A_1595 = arith.constant 16 : i32
    %dma_wait3A_1596 = arith.constant 2 : i32
    %dma_wait3A_1597 = arith.constant 0 : i32
    %dma_wait3A_1598 = arith.constant 0 : i32
    %dma_wait3A_1599 = tpu.memref_slice %arg5[%dma_wait3A_1596, %dma_wait3A_1597, %dma_wait3A_1598] : memref<25x8x128xi32, #tpu.memory_space<vmem>> -> memref<1x8x128xi32, #tpu.memory_space<vmem>>
    %dma_wait3A_1600 = tpu.memref_squeeze %dma_wait3A_1599 : memref<1x8x128xi32, #tpu.memory_space<vmem>> -> memref<8x128xi32, #tpu.memory_space<vmem>>
    %dma_wait3A_1601 = tpu.memref_slice %arg2[%dma_wait3A_1595, %add3A_1261] : memref<200x16384xi32, #tpu.memory_space<hbm>> -> memref<8x128xi32, #tpu.memory_space<hbm>>
    %dma_wait3A_1602 = arith.constant 0 : i32
    %dma_wait3A_1603 = arith.constant 0 : i32
    %dma_wait3A_1604 = tpu.memref_slice %arg5[%dma_wait3A_1596, %dma_wait3A_1602, %dma_wait3A_1603] : memref<25x8x128xi32, #tpu.memory_space<vmem>> -> memref<1x8x128xi32, #tpu.memory_space<vmem>>
    %dma_wait3A_1605 = tpu.memref_squeeze %dma_wait3A_1604 : memref<1x8x128xi32, #tpu.memory_space<vmem>> -> memref<8x128xi32, #tpu.memory_space<vmem>>
    %dma_wait3A_1606 = tpu.memref_slice %arg2[%dma_wait3A_1595, %add3A_1261] : memref<200x16384xi32, #tpu.memory_space<hbm>> -> memref<8x128xi32, #tpu.memory_space<hbm>>
    tpu.wait_dma2 semaphore(%arg10 : memref<!tpu.dma_semaphore, #tpu.memory_space<semaphore_mem>>) src(%dma_wait3A_1606 : memref<8x128xi32, #tpu.memory_space<hbm>>) dst(%dma_wait3A_1605 : memref<8x128xi32, #tpu.memory_space<vmem>>)
    %dma_wait3A_1607 = arith.constant 24 : i32
    %dma_wait3A_1608 = arith.constant 3 : i32
    %dma_wait3A_1609 = arith.constant 0 : i32
    %dma_wait3A_1610 = arith.constant 0 : i32
    %dma_wait3A_1611 = tpu.memref_slice %arg5[%dma_wait3A_1608, %dma_wait3A_1609, %dma_wait3A_1610] : memref<25x8x128xi32, #tpu.memory_space<vmem>> -> memref<1x8x128xi32, #tpu.memory_space<vmem>>
    %dma_wait3A_1612 = tpu.memref_squeeze %dma_wait3A_1611 : memref<1x8x128xi32, #tpu.memory_space<vmem>> -> memref<8x128xi32, #tpu.memory_space<vmem>>
    %dma_wait3A_1613 = tpu.memref_slice %arg2[%dma_wait3A_1607, %add3A_1261] : memref<200x16384xi32, #tpu.memory_space<hbm>> -> memref<8x128xi32, #tpu.memory_space<hbm>>
    %dma_wait3A_1614 = arith.constant 0 : i32
    %dma_wait3A_1615 = arith.constant 0 : i32
    %dma_wait3A_1616 = tpu.memref_slice %arg5[%dma_wait3A_1608, %dma_wait3A_1614, %dma_wait3A_1615] : memref<25x8x128xi32, #tpu.memory_space<vmem>> -> memref<1x8x128xi32, #tpu.memory_space<vmem>>
    %dma_wait3A_1617 = tpu.memref_squeeze %dma_wait3A_1616 : memref<1x8x128xi32, #tpu.memory_space<vmem>> -> memref<8x128xi32, #tpu.memory_space<vmem>>
    %dma_wait3A_1618 = tpu.memref_slice %arg2[%dma_wait3A_1607, %add3A_1261] : memref<200x16384xi32, #tpu.memory_space<hbm>> -> memref<8x128xi32, #tpu.memory_space<hbm>>
    tpu.wait_dma2 semaphore(%arg10 : memref<!tpu.dma_semaphore, #tpu.memory_space<semaphore_mem>>) src(%dma_wait3A_1618 : memref<8x128xi32, #tpu.memory_space<hbm>>) dst(%dma_wait3A_1617 : memref<8x128xi32, #tpu.memory_space<vmem>>)
    %dma_wait3A_1619 = arith.constant 32 : i32
    %dma_wait3A_1620 = arith.constant 4 : i32
    %dma_wait3A_1621 = arith.constant 0 : i32
    %dma_wait3A_1622 = arith.constant 0 : i32
    %dma_wait3A_1623 = tpu.memref_slice %arg5[%dma_wait3A_1620, %dma_wait3A_1621, %dma_wait3A_1622] : memref<25x8x128xi32, #tpu.memory_space<vmem>> -> memref<1x8x128xi32, #tpu.memory_space<vmem>>
    %dma_wait3A_1624 = tpu.memref_squeeze %dma_wait3A_1623 : memref<1x8x128xi32, #tpu.memory_space<vmem>> -> memref<8x128xi32, #tpu.memory_space<vmem>>
    %dma_wait3A_1625 = tpu.memref_slice %arg2[%dma_wait3A_1619, %add3A_1261] : memref<200x16384xi32, #tpu.memory_space<hbm>> -> memref<8x128xi32, #tpu.memory_space<hbm>>
    %dma_wait3A_1626 = arith.constant 0 : i32
    %dma_wait3A_1627 = arith.constant 0 : i32
    %dma_wait3A_1628 = tpu.memref_slice %arg5[%dma_wait3A_1620, %dma_wait3A_1626, %dma_wait3A_1627] : memref<25x8x128xi32, #tpu.memory_space<vmem>> -> memref<1x8x128xi32, #tpu.memory_space<vmem>>
    %dma_wait3A_1629 = tpu.memref_squeeze %dma_wait3A_1628 : memref<1x8x128xi32, #tpu.memory_space<vmem>> -> memref<8x128xi32, #tpu.memory_space<vmem>>
    %dma_wait3A_1630 = tpu.memref_slice %arg2[%dma_wait3A_1619, %add3A_1261] : memref<200x16384xi32, #tpu.memory_space<hbm>> -> memref<8x128xi32, #tpu.memory_space<hbm>>
    tpu.wait_dma2 semaphore(%arg10 : memref<!tpu.dma_semaphore, #tpu.memory_space<semaphore_mem>>) src(%dma_wait3A_1630 : memref<8x128xi32, #tpu.memory_space<hbm>>) dst(%dma_wait3A_1629 : memref<8x128xi32, #tpu.memory_space<vmem>>)
    %dma_wait3A_1631 = arith.constant 40 : i32
    %dma_wait3A_1632 = arith.constant 5 : i32
    %dma_wait3A_1633 = arith.constant 0 : i32
    %dma_wait3A_1634 = arith.constant 0 : i32
    %dma_wait3A_1635 = tpu.memref_slice %arg5[%dma_wait3A_1632, %dma_wait3A_1633, %dma_wait3A_1634] : memref<25x8x128xi32, #tpu.memory_space<vmem>> -> memref<1x8x128xi32, #tpu.memory_space<vmem>>
    %dma_wait3A_1636 = tpu.memref_squeeze %dma_wait3A_1635 : memref<1x8x128xi32, #tpu.memory_space<vmem>> -> memref<8x128xi32, #tpu.memory_space<vmem>>
    %dma_wait3A_1637 = tpu.memref_slice %arg2[%dma_wait3A_1631, %add3A_1261] : memref<200x16384xi32, #tpu.memory_space<hbm>> -> memref<8x128xi32, #tpu.memory_space<hbm>>
    %dma_wait3A_1638 = arith.constant 0 : i32
    %dma_wait3A_1639 = arith.constant 0 : i32
    %dma_wait3A_1640 = tpu.memref_slice %arg5[%dma_wait3A_1632, %dma_wait3A_1638, %dma_wait3A_1639] : memref<25x8x128xi32, #tpu.memory_space<vmem>> -> memref<1x8x128xi32, #tpu.memory_space<vmem>>
    %dma_wait3A_1641 = tpu.memref_squeeze %dma_wait3A_1640 : memref<1x8x128xi32, #tpu.memory_space<vmem>> -> memref<8x128xi32, #tpu.memory_space<vmem>>
    %dma_wait3A_1642 = tpu.memref_slice %arg2[%dma_wait3A_1631, %add3A_1261] : memref<200x16384xi32, #tpu.memory_space<hbm>> -> memref<8x128xi32, #tpu.memory_space<hbm>>
    tpu.wait_dma2 semaphore(%arg10 : memref<!tpu.dma_semaphore, #tpu.memory_space<semaphore_mem>>) src(%dma_wait3A_1642 : memref<8x128xi32, #tpu.memory_space<hbm>>) dst(%dma_wait3A_1641 : memref<8x128xi32, #tpu.memory_space<vmem>>)
    %dma_wait3A_1643 = arith.constant 48 : i32
    %dma_wait3A_1644 = arith.constant 6 : i32
    %dma_wait3A_1645 = arith.constant 0 : i32
    %dma_wait3A_1646 = arith.constant 0 : i32
    %dma_wait3A_1647 = tpu.memref_slice %arg5[%dma_wait3A_1644, %dma_wait3A_1645, %dma_wait3A_1646] : memref<25x8x128xi32, #tpu.memory_space<vmem>> -> memref<1x8x128xi32, #tpu.memory_space<vmem>>
    %dma_wait3A_1648 = tpu.memref_squeeze %dma_wait3A_1647 : memref<1x8x128xi32, #tpu.memory_space<vmem>> -> memref<8x128xi32, #tpu.memory_space<vmem>>
    %dma_wait3A_1649 = tpu.memref_slice %arg2[%dma_wait3A_1643, %add3A_1261] : memref<200x16384xi32, #tpu.memory_space<hbm>> -> memref<8x128xi32, #tpu.memory_space<hbm>>
    %dma_wait3A_1650 = arith.constant 0 : i32
    %dma_wait3A_1651 = arith.constant 0 : i32
    %dma_wait3A_1652 = tpu.memref_slice %arg5[%dma_wait3A_1644, %dma_wait3A_1650, %dma_wait3A_1651] : memref<25x8x128xi32, #tpu.memory_space<vmem>> -> memref<1x8x128xi32, #tpu.memory_space<vmem>>
    %dma_wait3A_1653 = tpu.memref_squeeze %dma_wait3A_1652 : memref<1x8x128xi32, #tpu.memory_space<vmem>> -> memref<8x128xi32, #tpu.memory_space<vmem>>
    %dma_wait3A_1654 = tpu.memref_slice %arg2[%dma_wait3A_1643, %add3A_1261] : memref<200x16384xi32, #tpu.memory_space<hbm>> -> memref<8x128xi32, #tpu.memory_space<hbm>>
    tpu.wait_dma2 semaphore(%arg10 : memref<!tpu.dma_semaphore, #tpu.memory_space<semaphore_mem>>) src(%dma_wait3A_1654 : memref<8x128xi32, #tpu.memory_space<hbm>>) dst(%dma_wait3A_1653 : memref<8x128xi32, #tpu.memory_space<vmem>>)
    %dma_wait3A_1655 = arith.constant 56 : i32
    %dma_wait3A_1656 = arith.constant 7 : i32
    %dma_wait3A_1657 = arith.constant 0 : i32
    %dma_wait3A_1658 = arith.constant 0 : i32
    %dma_wait3A_1659 = tpu.memref_slice %arg5[%dma_wait3A_1656, %dma_wait3A_1657, %dma_wait3A_1658] : memref<25x8x128xi32, #tpu.memory_space<vmem>> -> memref<1x8x128xi32, #tpu.memory_space<vmem>>
    %dma_wait3A_1660 = tpu.memref_squeeze %dma_wait3A_1659 : memref<1x8x128xi32, #tpu.memory_space<vmem>> -> memref<8x128xi32, #tpu.memory_space<vmem>>
    %dma_wait3A_1661 = tpu.memref_slice %arg2[%dma_wait3A_1655, %add3A_1261] : memref<200x16384xi32, #tpu.memory_space<hbm>> -> memref<8x128xi32, #tpu.memory_space<hbm>>
    %dma_wait3A_1662 = arith.constant 0 : i32
    %dma_wait3A_1663 = arith.constant 0 : i32
    %dma_wait3A_1664 = tpu.memref_slice %arg5[%dma_wait3A_1656, %dma_wait3A_1662, %dma_wait3A_1663] : memref<25x8x128xi32, #tpu.memory_space<vmem>> -> memref<1x8x128xi32, #tpu.memory_space<vmem>>
    %dma_wait3A_1665 = tpu.memref_squeeze %dma_wait3A_1664 : memref<1x8x128xi32, #tpu.memory_space<vmem>> -> memref<8x128xi32, #tpu.memory_space<vmem>>
    %dma_wait3A_1666 = tpu.memref_slice %arg2[%dma_wait3A_1655, %add3A_1261] : memref<200x16384xi32, #tpu.memory_space<hbm>> -> memref<8x128xi32, #tpu.memory_space<hbm>>
    tpu.wait_dma2 semaphore(%arg10 : memref<!tpu.dma_semaphore, #tpu.memory_space<semaphore_mem>>) src(%dma_wait3A_1666 : memref<8x128xi32, #tpu.memory_space<hbm>>) dst(%dma_wait3A_1665 : memref<8x128xi32, #tpu.memory_space<vmem>>)
    %dma_wait3A_1667 = arith.constant 64 : i32
    %dma_wait3A_1668 = arith.constant 8 : i32
    %dma_wait3A_1669 = arith.constant 0 : i32
    %dma_wait3A_1670 = arith.constant 0 : i32
    %dma_wait3A_1671 = tpu.memref_slice %arg5[%dma_wait3A_1668, %dma_wait3A_1669, %dma_wait3A_1670] : memref<25x8x128xi32, #tpu.memory_space<vmem>> -> memref<1x8x128xi32, #tpu.memory_space<vmem>>
    %dma_wait3A_1672 = tpu.memref_squeeze %dma_wait3A_1671 : memref<1x8x128xi32, #tpu.memory_space<vmem>> -> memref<8x128xi32, #tpu.memory_space<vmem>>
    %dma_wait3A_1673 = tpu.memref_slice %arg2[%dma_wait3A_1667, %add3A_1261] : memref<200x16384xi32, #tpu.memory_space<hbm>> -> memref<8x128xi32, #tpu.memory_space<hbm>>
    %dma_wait3A_1674 = arith.constant 0 : i32
    %dma_wait3A_1675 = arith.constant 0 : i32
    %dma_wait3A_1676 = tpu.memref_slice %arg5[%dma_wait3A_1668, %dma_wait3A_1674, %dma_wait3A_1675] : memref<25x8x128xi32, #tpu.memory_space<vmem>> -> memref<1x8x128xi32, #tpu.memory_space<vmem>>
    %dma_wait3A_1677 = tpu.memref_squeeze %dma_wait3A_1676 : memref<1x8x128xi32, #tpu.memory_space<vmem>> -> memref<8x128xi32, #tpu.memory_space<vmem>>
    %dma_wait3A_1678 = tpu.memref_slice %arg2[%dma_wait3A_1667, %add3A_1261] : memref<200x16384xi32, #tpu.memory_space<hbm>> -> memref<8x128xi32, #tpu.memory_space<hbm>>
    tpu.wait_dma2 semaphore(%arg10 : memref<!tpu.dma_semaphore, #tpu.memory_space<semaphore_mem>>) src(%dma_wait3A_1678 : memref<8x128xi32, #tpu.memory_space<hbm>>) dst(%dma_wait3A_1677 : memref<8x128xi32, #tpu.memory_space<vmem>>)
    %dma_wait3A_1679 = arith.constant 72 : i32
    %dma_wait3A_1680 = arith.constant 9 : i32
    %dma_wait3A_1681 = arith.constant 0 : i32
    %dma_wait3A_1682 = arith.constant 0 : i32
    %dma_wait3A_1683 = tpu.memref_slice %arg5[%dma_wait3A_1680, %dma_wait3A_1681, %dma_wait3A_1682] : memref<25x8x128xi32, #tpu.memory_space<vmem>> -> memref<1x8x128xi32, #tpu.memory_space<vmem>>
    %dma_wait3A_1684 = tpu.memref_squeeze %dma_wait3A_1683 : memref<1x8x128xi32, #tpu.memory_space<vmem>> -> memref<8x128xi32, #tpu.memory_space<vmem>>
    %dma_wait3A_1685 = tpu.memref_slice %arg2[%dma_wait3A_1679, %add3A_1261] : memref<200x16384xi32, #tpu.memory_space<hbm>> -> memref<8x128xi32, #tpu.memory_space<hbm>>
    %dma_wait3A_1686 = arith.constant 0 : i32
    %dma_wait3A_1687 = arith.constant 0 : i32
    %dma_wait3A_1688 = tpu.memref_slice %arg5[%dma_wait3A_1680, %dma_wait3A_1686, %dma_wait3A_1687] : memref<25x8x128xi32, #tpu.memory_space<vmem>> -> memref<1x8x128xi32, #tpu.memory_space<vmem>>
    %dma_wait3A_1689 = tpu.memref_squeeze %dma_wait3A_1688 : memref<1x8x128xi32, #tpu.memory_space<vmem>> -> memref<8x128xi32, #tpu.memory_space<vmem>>
    %dma_wait3A_1690 = tpu.memref_slice %arg2[%dma_wait3A_1679, %add3A_1261] : memref<200x16384xi32, #tpu.memory_space<hbm>> -> memref<8x128xi32, #tpu.memory_space<hbm>>
    tpu.wait_dma2 semaphore(%arg10 : memref<!tpu.dma_semaphore, #tpu.memory_space<semaphore_mem>>) src(%dma_wait3A_1690 : memref<8x128xi32, #tpu.memory_space<hbm>>) dst(%dma_wait3A_1689 : memref<8x128xi32, #tpu.memory_space<vmem>>)
    %dma_wait3A_1691 = arith.constant 80 : i32
    %dma_wait3A_1692 = arith.constant 10 : i32
    %dma_wait3A_1693 = arith.constant 0 : i32
    %dma_wait3A_1694 = arith.constant 0 : i32
    %dma_wait3A_1695 = tpu.memref_slice %arg5[%dma_wait3A_1692, %dma_wait3A_1693, %dma_wait3A_1694] : memref<25x8x128xi32, #tpu.memory_space<vmem>> -> memref<1x8x128xi32, #tpu.memory_space<vmem>>
    %dma_wait3A_1696 = tpu.memref_squeeze %dma_wait3A_1695 : memref<1x8x128xi32, #tpu.memory_space<vmem>> -> memref<8x128xi32, #tpu.memory_space<vmem>>
    %dma_wait3A_1697 = tpu.memref_slice %arg2[%dma_wait3A_1691, %add3A_1261] : memref<200x16384xi32, #tpu.memory_space<hbm>> -> memref<8x128xi32, #tpu.memory_space<hbm>>
    %dma_wait3A_1698 = arith.constant 0 : i32
    %dma_wait3A_1699 = arith.constant 0 : i32
    %dma_wait3A_1700 = tpu.memref_slice %arg5[%dma_wait3A_1692, %dma_wait3A_1698, %dma_wait3A_1699] : memref<25x8x128xi32, #tpu.memory_space<vmem>> -> memref<1x8x128xi32, #tpu.memory_space<vmem>>
    %dma_wait3A_1701 = tpu.memref_squeeze %dma_wait3A_1700 : memref<1x8x128xi32, #tpu.memory_space<vmem>> -> memref<8x128xi32, #tpu.memory_space<vmem>>
    %dma_wait3A_1702 = tpu.memref_slice %arg2[%dma_wait3A_1691, %add3A_1261] : memref<200x16384xi32, #tpu.memory_space<hbm>> -> memref<8x128xi32, #tpu.memory_space<hbm>>
    tpu.wait_dma2 semaphore(%arg10 : memref<!tpu.dma_semaphore, #tpu.memory_space<semaphore_mem>>) src(%dma_wait3A_1702 : memref<8x128xi32, #tpu.memory_space<hbm>>) dst(%dma_wait3A_1701 : memref<8x128xi32, #tpu.memory_space<vmem>>)
    %dma_wait3A_1703 = arith.constant 88 : i32
    %dma_wait3A_1704 = arith.constant 11 : i32
    %dma_wait3A_1705 = arith.constant 0 : i32
    %dma_wait3A_1706 = arith.constant 0 : i32
    %dma_wait3A_1707 = tpu.memref_slice %arg5[%dma_wait3A_1704, %dma_wait3A_1705, %dma_wait3A_1706] : memref<25x8x128xi32, #tpu.memory_space<vmem>> -> memref<1x8x128xi32, #tpu.memory_space<vmem>>
    %dma_wait3A_1708 = tpu.memref_squeeze %dma_wait3A_1707 : memref<1x8x128xi32, #tpu.memory_space<vmem>> -> memref<8x128xi32, #tpu.memory_space<vmem>>
    %dma_wait3A_1709 = tpu.memref_slice %arg2[%dma_wait3A_1703, %add3A_1261] : memref<200x16384xi32, #tpu.memory_space<hbm>> -> memref<8x128xi32, #tpu.memory_space<hbm>>
    %dma_wait3A_1710 = arith.constant 0 : i32
    %dma_wait3A_1711 = arith.constant 0 : i32
    %dma_wait3A_1712 = tpu.memref_slice %arg5[%dma_wait3A_1704, %dma_wait3A_1710, %dma_wait3A_1711] : memref<25x8x128xi32, #tpu.memory_space<vmem>> -> memref<1x8x128xi32, #tpu.memory_space<vmem>>
    %dma_wait3A_1713 = tpu.memref_squeeze %dma_wait3A_1712 : memref<1x8x128xi32, #tpu.memory_space<vmem>> -> memref<8x128xi32, #tpu.memory_space<vmem>>
    %dma_wait3A_1714 = tpu.memref_slice %arg2[%dma_wait3A_1703, %add3A_1261] : memref<200x16384xi32, #tpu.memory_space<hbm>> -> memref<8x128xi32, #tpu.memory_space<hbm>>
    tpu.wait_dma2 semaphore(%arg10 : memref<!tpu.dma_semaphore, #tpu.memory_space<semaphore_mem>>) src(%dma_wait3A_1714 : memref<8x128xi32, #tpu.memory_space<hbm>>) dst(%dma_wait3A_1713 : memref<8x128xi32, #tpu.memory_space<vmem>>)
    %dma_wait3A_1715 = arith.constant 96 : i32
    %dma_wait3A_1716 = arith.constant 12 : i32
    %dma_wait3A_1717 = arith.constant 0 : i32
    %dma_wait3A_1718 = arith.constant 0 : i32
    %dma_wait3A_1719 = tpu.memref_slice %arg5[%dma_wait3A_1716, %dma_wait3A_1717, %dma_wait3A_1718] : memref<25x8x128xi32, #tpu.memory_space<vmem>> -> memref<1x8x128xi32, #tpu.memory_space<vmem>>
    %dma_wait3A_1720 = tpu.memref_squeeze %dma_wait3A_1719 : memref<1x8x128xi32, #tpu.memory_space<vmem>> -> memref<8x128xi32, #tpu.memory_space<vmem>>
    %dma_wait3A_1721 = tpu.memref_slice %arg2[%dma_wait3A_1715, %add3A_1261] : memref<200x16384xi32, #tpu.memory_space<hbm>> -> memref<8x128xi32, #tpu.memory_space<hbm>>
    %dma_wait3A_1722 = arith.constant 0 : i32
    %dma_wait3A_1723 = arith.constant 0 : i32
    %dma_wait3A_1724 = tpu.memref_slice %arg5[%dma_wait3A_1716, %dma_wait3A_1722, %dma_wait3A_1723] : memref<25x8x128xi32, #tpu.memory_space<vmem>> -> memref<1x8x128xi32, #tpu.memory_space<vmem>>
    %dma_wait3A_1725 = tpu.memref_squeeze %dma_wait3A_1724 : memref<1x8x128xi32, #tpu.memory_space<vmem>> -> memref<8x128xi32, #tpu.memory_space<vmem>>
    %dma_wait3A_1726 = tpu.memref_slice %arg2[%dma_wait3A_1715, %add3A_1261] : memref<200x16384xi32, #tpu.memory_space<hbm>> -> memref<8x128xi32, #tpu.memory_space<hbm>>
    tpu.wait_dma2 semaphore(%arg10 : memref<!tpu.dma_semaphore, #tpu.memory_space<semaphore_mem>>) src(%dma_wait3A_1726 : memref<8x128xi32, #tpu.memory_space<hbm>>) dst(%dma_wait3A_1725 : memref<8x128xi32, #tpu.memory_space<vmem>>)
    %dma_wait3A_1727 = arith.constant 104 : i32
    %dma_wait3A_1728 = arith.constant 13 : i32
    %dma_wait3A_1729 = arith.constant 0 : i32
    %dma_wait3A_1730 = arith.constant 0 : i32
    %dma_wait3A_1731 = tpu.memref_slice %arg5[%dma_wait3A_1728, %dma_wait3A_1729, %dma_wait3A_1730] : memref<25x8x128xi32, #tpu.memory_space<vmem>> -> memref<1x8x128xi32, #tpu.memory_space<vmem>>
    %dma_wait3A_1732 = tpu.memref_squeeze %dma_wait3A_1731 : memref<1x8x128xi32, #tpu.memory_space<vmem>> -> memref<8x128xi32, #tpu.memory_space<vmem>>
    %dma_wait3A_1733 = tpu.memref_slice %arg2[%dma_wait3A_1727, %add3A_1261] : memref<200x16384xi32, #tpu.memory_space<hbm>> -> memref<8x128xi32, #tpu.memory_space<hbm>>
    %dma_wait3A_1734 = arith.constant 0 : i32
    %dma_wait3A_1735 = arith.constant 0 : i32
    %dma_wait3A_1736 = tpu.memref_slice %arg5[%dma_wait3A_1728, %dma_wait3A_1734, %dma_wait3A_1735] : memref<25x8x128xi32, #tpu.memory_space<vmem>> -> memref<1x8x128xi32, #tpu.memory_space<vmem>>
    %dma_wait3A_1737 = tpu.memref_squeeze %dma_wait3A_1736 : memref<1x8x128xi32, #tpu.memory_space<vmem>> -> memref<8x128xi32, #tpu.memory_space<vmem>>
    %dma_wait3A_1738 = tpu.memref_slice %arg2[%dma_wait3A_1727, %add3A_1261] : memref<200x16384xi32, #tpu.memory_space<hbm>> -> memref<8x128xi32, #tpu.memory_space<hbm>>
    tpu.wait_dma2 semaphore(%arg10 : memref<!tpu.dma_semaphore, #tpu.memory_space<semaphore_mem>>) src(%dma_wait3A_1738 : memref<8x128xi32, #tpu.memory_space<hbm>>) dst(%dma_wait3A_1737 : memref<8x128xi32, #tpu.memory_space<vmem>>)
    %dma_wait3A_1739 = arith.constant 112 : i32
    %dma_wait3A_1740 = arith.constant 14 : i32
    %dma_wait3A_1741 = arith.constant 0 : i32
    %dma_wait3A_1742 = arith.constant 0 : i32
    %dma_wait3A_1743 = tpu.memref_slice %arg5[%dma_wait3A_1740, %dma_wait3A_1741, %dma_wait3A_1742] : memref<25x8x128xi32, #tpu.memory_space<vmem>> -> memref<1x8x128xi32, #tpu.memory_space<vmem>>
    %dma_wait3A_1744 = tpu.memref_squeeze %dma_wait3A_1743 : memref<1x8x128xi32, #tpu.memory_space<vmem>> -> memref<8x128xi32, #tpu.memory_space<vmem>>
    %dma_wait3A_1745 = tpu.memref_slice %arg2[%dma_wait3A_1739, %add3A_1261] : memref<200x16384xi32, #tpu.memory_space<hbm>> -> memref<8x128xi32, #tpu.memory_space<hbm>>
    %dma_wait3A_1746 = arith.constant 0 : i32
    %dma_wait3A_1747 = arith.constant 0 : i32
    %dma_wait3A_1748 = tpu.memref_slice %arg5[%dma_wait3A_1740, %dma_wait3A_1746, %dma_wait3A_1747] : memref<25x8x128xi32, #tpu.memory_space<vmem>> -> memref<1x8x128xi32, #tpu.memory_space<vmem>>
    %dma_wait3A_1749 = tpu.memref_squeeze %dma_wait3A_1748 : memref<1x8x128xi32, #tpu.memory_space<vmem>> -> memref<8x128xi32, #tpu.memory_space<vmem>>
    %dma_wait3A_1750 = tpu.memref_slice %arg2[%dma_wait3A_1739, %add3A_1261] : memref<200x16384xi32, #tpu.memory_space<hbm>> -> memref<8x128xi32, #tpu.memory_space<hbm>>
    tpu.wait_dma2 semaphore(%arg10 : memref<!tpu.dma_semaphore, #tpu.memory_space<semaphore_mem>>) src(%dma_wait3A_1750 : memref<8x128xi32, #tpu.memory_space<hbm>>) dst(%dma_wait3A_1749 : memref<8x128xi32, #tpu.memory_space<vmem>>)
    %dma_wait3A_1751 = arith.constant 120 : i32
    %dma_wait3A_1752 = arith.constant 15 : i32
    %dma_wait3A_1753 = arith.constant 0 : i32
    %dma_wait3A_1754 = arith.constant 0 : i32
    %dma_wait3A_1755 = tpu.memref_slice %arg5[%dma_wait3A_1752, %dma_wait3A_1753, %dma_wait3A_1754] : memref<25x8x128xi32, #tpu.memory_space<vmem>> -> memref<1x8x128xi32, #tpu.memory_space<vmem>>
    %dma_wait3A_1756 = tpu.memref_squeeze %dma_wait3A_1755 : memref<1x8x128xi32, #tpu.memory_space<vmem>> -> memref<8x128xi32, #tpu.memory_space<vmem>>
    %dma_wait3A_1757 = tpu.memref_slice %arg2[%dma_wait3A_1751, %add3A_1261] : memref<200x16384xi32, #tpu.memory_space<hbm>> -> memref<8x128xi32, #tpu.memory_space<hbm>>
    %dma_wait3A_1758 = arith.constant 0 : i32
    %dma_wait3A_1759 = arith.constant 0 : i32
    %dma_wait3A_1760 = tpu.memref_slice %arg5[%dma_wait3A_1752, %dma_wait3A_1758, %dma_wait3A_1759] : memref<25x8x128xi32, #tpu.memory_space<vmem>> -> memref<1x8x128xi32, #tpu.memory_space<vmem>>
    %dma_wait3A_1761 = tpu.memref_squeeze %dma_wait3A_1760 : memref<1x8x128xi32, #tpu.memory_space<vmem>> -> memref<8x128xi32, #tpu.memory_space<vmem>>
    %dma_wait3A_1762 = tpu.memref_slice %arg2[%dma_wait3A_1751, %add3A_1261] : memref<200x16384xi32, #tpu.memory_space<hbm>> -> memref<8x128xi32, #tpu.memory_space<hbm>>
    tpu.wait_dma2 semaphore(%arg10 : memref<!tpu.dma_semaphore, #tpu.memory_space<semaphore_mem>>) src(%dma_wait3A_1762 : memref<8x128xi32, #tpu.memory_space<hbm>>) dst(%dma_wait3A_1761 : memref<8x128xi32, #tpu.memory_space<vmem>>)
    %dma_wait3A_1763 = arith.constant 128 : i32
    %dma_wait3A_1764 = arith.constant 16 : i32
    %dma_wait3A_1765 = arith.constant 0 : i32
    %dma_wait3A_1766 = arith.constant 0 : i32
    %dma_wait3A_1767 = tpu.memref_slice %arg5[%dma_wait3A_1764, %dma_wait3A_1765, %dma_wait3A_1766] : memref<25x8x128xi32, #tpu.memory_space<vmem>> -> memref<1x8x128xi32, #tpu.memory_space<vmem>>
    %dma_wait3A_1768 = tpu.memref_squeeze %dma_wait3A_1767 : memref<1x8x128xi32, #tpu.memory_space<vmem>> -> memref<8x128xi32, #tpu.memory_space<vmem>>
    %dma_wait3A_1769 = tpu.memref_slice %arg2[%dma_wait3A_1763, %add3A_1261] : memref<200x16384xi32, #tpu.memory_space<hbm>> -> memref<8x128xi32, #tpu.memory_space<hbm>>
    %dma_wait3A_1770 = arith.constant 0 : i32
    %dma_wait3A_1771 = arith.constant 0 : i32
    %dma_wait3A_1772 = tpu.memref_slice %arg5[%dma_wait3A_1764, %dma_wait3A_1770, %dma_wait3A_1771] : memref<25x8x128xi32, #tpu.memory_space<vmem>> -> memref<1x8x128xi32, #tpu.memory_space<vmem>>
    %dma_wait3A_1773 = tpu.memref_squeeze %dma_wait3A_1772 : memref<1x8x128xi32, #tpu.memory_space<vmem>> -> memref<8x128xi32, #tpu.memory_space<vmem>>
    %dma_wait3A_1774 = tpu.memref_slice %arg2[%dma_wait3A_1763, %add3A_1261] : memref<200x16384xi32, #tpu.memory_space<hbm>> -> memref<8x128xi32, #tpu.memory_space<hbm>>
    tpu.wait_dma2 semaphore(%arg10 : memref<!tpu.dma_semaphore, #tpu.memory_space<semaphore_mem>>) src(%dma_wait3A_1774 : memref<8x128xi32, #tpu.memory_space<hbm>>) dst(%dma_wait3A_1773 : memref<8x128xi32, #tpu.memory_space<vmem>>)
    %dma_wait3A_1775 = arith.constant 136 : i32
    %dma_wait3A_1776 = arith.constant 17 : i32
    %dma_wait3A_1777 = arith.constant 0 : i32
    %dma_wait3A_1778 = arith.constant 0 : i32
    %dma_wait3A_1779 = tpu.memref_slice %arg5[%dma_wait3A_1776, %dma_wait3A_1777, %dma_wait3A_1778] : memref<25x8x128xi32, #tpu.memory_space<vmem>> -> memref<1x8x128xi32, #tpu.memory_space<vmem>>
    %dma_wait3A_1780 = tpu.memref_squeeze %dma_wait3A_1779 : memref<1x8x128xi32, #tpu.memory_space<vmem>> -> memref<8x128xi32, #tpu.memory_space<vmem>>
    %dma_wait3A_1781 = tpu.memref_slice %arg2[%dma_wait3A_1775, %add3A_1261] : memref<200x16384xi32, #tpu.memory_space<hbm>> -> memref<8x128xi32, #tpu.memory_space<hbm>>
    %dma_wait3A_1782 = arith.constant 0 : i32
    %dma_wait3A_1783 = arith.constant 0 : i32
    %dma_wait3A_1784 = tpu.memref_slice %arg5[%dma_wait3A_1776, %dma_wait3A_1782, %dma_wait3A_1783] : memref<25x8x128xi32, #tpu.memory_space<vmem>> -> memref<1x8x128xi32, #tpu.memory_space<vmem>>
    %dma_wait3A_1785 = tpu.memref_squeeze %dma_wait3A_1784 : memref<1x8x128xi32, #tpu.memory_space<vmem>> -> memref<8x128xi32, #tpu.memory_space<vmem>>
    %dma_wait3A_1786 = tpu.memref_slice %arg2[%dma_wait3A_1775, %add3A_1261] : memref<200x16384xi32, #tpu.memory_space<hbm>> -> memref<8x128xi32, #tpu.memory_space<hbm>>
    tpu.wait_dma2 semaphore(%arg10 : memref<!tpu.dma_semaphore, #tpu.memory_space<semaphore_mem>>) src(%dma_wait3A_1786 : memref<8x128xi32, #tpu.memory_space<hbm>>) dst(%dma_wait3A_1785 : memref<8x128xi32, #tpu.memory_space<vmem>>)
    %dma_wait3A_1787 = arith.constant 144 : i32
    %dma_wait3A_1788 = arith.constant 18 : i32
    %dma_wait3A_1789 = arith.constant 0 : i32
    %dma_wait3A_1790 = arith.constant 0 : i32
    %dma_wait3A_1791 = tpu.memref_slice %arg5[%dma_wait3A_1788, %dma_wait3A_1789, %dma_wait3A_1790] : memref<25x8x128xi32, #tpu.memory_space<vmem>> -> memref<1x8x128xi32, #tpu.memory_space<vmem>>
    %dma_wait3A_1792 = tpu.memref_squeeze %dma_wait3A_1791 : memref<1x8x128xi32, #tpu.memory_space<vmem>> -> memref<8x128xi32, #tpu.memory_space<vmem>>
    %dma_wait3A_1793 = tpu.memref_slice %arg2[%dma_wait3A_1787, %add3A_1261] : memref<200x16384xi32, #tpu.memory_space<hbm>> -> memref<8x128xi32, #tpu.memory_space<hbm>>
    %dma_wait3A_1794 = arith.constant 0 : i32
    %dma_wait3A_1795 = arith.constant 0 : i32
    %dma_wait3A_1796 = tpu.memref_slice %arg5[%dma_wait3A_1788, %dma_wait3A_1794, %dma_wait3A_1795] : memref<25x8x128xi32, #tpu.memory_space<vmem>> -> memref<1x8x128xi32, #tpu.memory_space<vmem>>
    %dma_wait3A_1797 = tpu.memref_squeeze %dma_wait3A_1796 : memref<1x8x128xi32, #tpu.memory_space<vmem>> -> memref<8x128xi32, #tpu.memory_space<vmem>>
    %dma_wait3A_1798 = tpu.memref_slice %arg2[%dma_wait3A_1787, %add3A_1261] : memref<200x16384xi32, #tpu.memory_space<hbm>> -> memref<8x128xi32, #tpu.memory_space<hbm>>
    tpu.wait_dma2 semaphore(%arg10 : memref<!tpu.dma_semaphore, #tpu.memory_space<semaphore_mem>>) src(%dma_wait3A_1798 : memref<8x128xi32, #tpu.memory_space<hbm>>) dst(%dma_wait3A_1797 : memref<8x128xi32, #tpu.memory_space<vmem>>)
    %dma_wait3A_1799 = arith.constant 152 : i32
    %dma_wait3A_1800 = arith.constant 19 : i32
    %dma_wait3A_1801 = arith.constant 0 : i32
    %dma_wait3A_1802 = arith.constant 0 : i32
    %dma_wait3A_1803 = tpu.memref_slice %arg5[%dma_wait3A_1800, %dma_wait3A_1801, %dma_wait3A_1802] : memref<25x8x128xi32, #tpu.memory_space<vmem>> -> memref<1x8x128xi32, #tpu.memory_space<vmem>>
    %dma_wait3A_1804 = tpu.memref_squeeze %dma_wait3A_1803 : memref<1x8x128xi32, #tpu.memory_space<vmem>> -> memref<8x128xi32, #tpu.memory_space<vmem>>
    %dma_wait3A_1805 = tpu.memref_slice %arg2[%dma_wait3A_1799, %add3A_1261] : memref<200x16384xi32, #tpu.memory_space<hbm>> -> memref<8x128xi32, #tpu.memory_space<hbm>>
    %dma_wait3A_1806 = arith.constant 0 : i32
    %dma_wait3A_1807 = arith.constant 0 : i32
    %dma_wait3A_1808 = tpu.memref_slice %arg5[%dma_wait3A_1800, %dma_wait3A_1806, %dma_wait3A_1807] : memref<25x8x128xi32, #tpu.memory_space<vmem>> -> memref<1x8x128xi32, #tpu.memory_space<vmem>>
    %dma_wait3A_1809 = tpu.memref_squeeze %dma_wait3A_1808 : memref<1x8x128xi32, #tpu.memory_space<vmem>> -> memref<8x128xi32, #tpu.memory_space<vmem>>
    %dma_wait3A_1810 = tpu.memref_slice %arg2[%dma_wait3A_1799, %add3A_1261] : memref<200x16384xi32, #tpu.memory_space<hbm>> -> memref<8x128xi32, #tpu.memory_space<hbm>>
    tpu.wait_dma2 semaphore(%arg10 : memref<!tpu.dma_semaphore, #tpu.memory_space<semaphore_mem>>) src(%dma_wait3A_1810 : memref<8x128xi32, #tpu.memory_space<hbm>>) dst(%dma_wait3A_1809 : memref<8x128xi32, #tpu.memory_space<vmem>>)
    %dma_wait3A_1811 = arith.constant 160 : i32
    %dma_wait3A_1812 = arith.constant 20 : i32
    %dma_wait3A_1813 = arith.constant 0 : i32
    %dma_wait3A_1814 = arith.constant 0 : i32
    %dma_wait3A_1815 = tpu.memref_slice %arg5[%dma_wait3A_1812, %dma_wait3A_1813, %dma_wait3A_1814] : memref<25x8x128xi32, #tpu.memory_space<vmem>> -> memref<1x8x128xi32, #tpu.memory_space<vmem>>
    %dma_wait3A_1816 = tpu.memref_squeeze %dma_wait3A_1815 : memref<1x8x128xi32, #tpu.memory_space<vmem>> -> memref<8x128xi32, #tpu.memory_space<vmem>>
    %dma_wait3A_1817 = tpu.memref_slice %arg2[%dma_wait3A_1811, %add3A_1261] : memref<200x16384xi32, #tpu.memory_space<hbm>> -> memref<8x128xi32, #tpu.memory_space<hbm>>
    %dma_wait3A_1818 = arith.constant 0 : i32
    %dma_wait3A_1819 = arith.constant 0 : i32
    %dma_wait3A_1820 = tpu.memref_slice %arg5[%dma_wait3A_1812, %dma_wait3A_1818, %dma_wait3A_1819] : memref<25x8x128xi32, #tpu.memory_space<vmem>> -> memref<1x8x128xi32, #tpu.memory_space<vmem>>
    %dma_wait3A_1821 = tpu.memref_squeeze %dma_wait3A_1820 : memref<1x8x128xi32, #tpu.memory_space<vmem>> -> memref<8x128xi32, #tpu.memory_space<vmem>>
    %dma_wait3A_1822 = tpu.memref_slice %arg2[%dma_wait3A_1811, %add3A_1261] : memref<200x16384xi32, #tpu.memory_space<hbm>> -> memref<8x128xi32, #tpu.memory_space<hbm>>
    tpu.wait_dma2 semaphore(%arg10 : memref<!tpu.dma_semaphore, #tpu.memory_space<semaphore_mem>>) src(%dma_wait3A_1822 : memref<8x128xi32, #tpu.memory_space<hbm>>) dst(%dma_wait3A_1821 : memref<8x128xi32, #tpu.memory_space<vmem>>)
    %dma_wait3A_1823 = arith.constant 168 : i32
    %dma_wait3A_1824 = arith.constant 21 : i32
    %dma_wait3A_1825 = arith.constant 0 : i32
    %dma_wait3A_1826 = arith.constant 0 : i32
    %dma_wait3A_1827 = tpu.memref_slice %arg5[%dma_wait3A_1824, %dma_wait3A_1825, %dma_wait3A_1826] : memref<25x8x128xi32, #tpu.memory_space<vmem>> -> memref<1x8x128xi32, #tpu.memory_space<vmem>>
    %dma_wait3A_1828 = tpu.memref_squeeze %dma_wait3A_1827 : memref<1x8x128xi32, #tpu.memory_space<vmem>> -> memref<8x128xi32, #tpu.memory_space<vmem>>
    %dma_wait3A_1829 = tpu.memref_slice %arg2[%dma_wait3A_1823, %add3A_1261] : memref<200x16384xi32, #tpu.memory_space<hbm>> -> memref<8x128xi32, #tpu.memory_space<hbm>>
    %dma_wait3A_1830 = arith.constant 0 : i32
    %dma_wait3A_1831 = arith.constant 0 : i32
    %dma_wait3A_1832 = tpu.memref_slice %arg5[%dma_wait3A_1824, %dma_wait3A_1830, %dma_wait3A_1831] : memref<25x8x128xi32, #tpu.memory_space<vmem>> -> memref<1x8x128xi32, #tpu.memory_space<vmem>>
    %dma_wait3A_1833 = tpu.memref_squeeze %dma_wait3A_1832 : memref<1x8x128xi32, #tpu.memory_space<vmem>> -> memref<8x128xi32, #tpu.memory_space<vmem>>
    %dma_wait3A_1834 = tpu.memref_slice %arg2[%dma_wait3A_1823, %add3A_1261] : memref<200x16384xi32, #tpu.memory_space<hbm>> -> memref<8x128xi32, #tpu.memory_space<hbm>>
    tpu.wait_dma2 semaphore(%arg10 : memref<!tpu.dma_semaphore, #tpu.memory_space<semaphore_mem>>) src(%dma_wait3A_1834 : memref<8x128xi32, #tpu.memory_space<hbm>>) dst(%dma_wait3A_1833 : memref<8x128xi32, #tpu.memory_space<vmem>>)
    %dma_wait3A_1835 = arith.constant 176 : i32
    %dma_wait3A_1836 = arith.constant 22 : i32
    %dma_wait3A_1837 = arith.constant 0 : i32
    %dma_wait3A_1838 = arith.constant 0 : i32
    %dma_wait3A_1839 = tpu.memref_slice %arg5[%dma_wait3A_1836, %dma_wait3A_1837, %dma_wait3A_1838] : memref<25x8x128xi32, #tpu.memory_space<vmem>> -> memref<1x8x128xi32, #tpu.memory_space<vmem>>
    %dma_wait3A_1840 = tpu.memref_squeeze %dma_wait3A_1839 : memref<1x8x128xi32, #tpu.memory_space<vmem>> -> memref<8x128xi32, #tpu.memory_space<vmem>>
    %dma_wait3A_1841 = tpu.memref_slice %arg2[%dma_wait3A_1835, %add3A_1261] : memref<200x16384xi32, #tpu.memory_space<hbm>> -> memref<8x128xi32, #tpu.memory_space<hbm>>
    %dma_wait3A_1842 = arith.constant 0 : i32
    %dma_wait3A_1843 = arith.constant 0 : i32
    %dma_wait3A_1844 = tpu.memref_slice %arg5[%dma_wait3A_1836, %dma_wait3A_1842, %dma_wait3A_1843] : memref<25x8x128xi32, #tpu.memory_space<vmem>> -> memref<1x8x128xi32, #tpu.memory_space<vmem>>
    %dma_wait3A_1845 = tpu.memref_squeeze %dma_wait3A_1844 : memref<1x8x128xi32, #tpu.memory_space<vmem>> -> memref<8x128xi32, #tpu.memory_space<vmem>>
    %dma_wait3A_1846 = tpu.memref_slice %arg2[%dma_wait3A_1835, %add3A_1261] : memref<200x16384xi32, #tpu.memory_space<hbm>> -> memref<8x128xi32, #tpu.memory_space<hbm>>
    tpu.wait_dma2 semaphore(%arg10 : memref<!tpu.dma_semaphore, #tpu.memory_space<semaphore_mem>>) src(%dma_wait3A_1846 : memref<8x128xi32, #tpu.memory_space<hbm>>) dst(%dma_wait3A_1845 : memref<8x128xi32, #tpu.memory_space<vmem>>)
    %dma_wait3A_1847 = arith.constant 184 : i32
    %dma_wait3A_1848 = arith.constant 23 : i32
    %dma_wait3A_1849 = arith.constant 0 : i32
    %dma_wait3A_1850 = arith.constant 0 : i32
    %dma_wait3A_1851 = tpu.memref_slice %arg5[%dma_wait3A_1848, %dma_wait3A_1849, %dma_wait3A_1850] : memref<25x8x128xi32, #tpu.memory_space<vmem>> -> memref<1x8x128xi32, #tpu.memory_space<vmem>>
    %dma_wait3A_1852 = tpu.memref_squeeze %dma_wait3A_1851 : memref<1x8x128xi32, #tpu.memory_space<vmem>> -> memref<8x128xi32, #tpu.memory_space<vmem>>
    %dma_wait3A_1853 = tpu.memref_slice %arg2[%dma_wait3A_1847, %add3A_1261] : memref<200x16384xi32, #tpu.memory_space<hbm>> -> memref<8x128xi32, #tpu.memory_space<hbm>>
    %dma_wait3A_1854 = arith.constant 0 : i32
    %dma_wait3A_1855 = arith.constant 0 : i32
    %dma_wait3A_1856 = tpu.memref_slice %arg5[%dma_wait3A_1848, %dma_wait3A_1854, %dma_wait3A_1855] : memref<25x8x128xi32, #tpu.memory_space<vmem>> -> memref<1x8x128xi32, #tpu.memory_space<vmem>>
    %dma_wait3A_1857 = tpu.memref_squeeze %dma_wait3A_1856 : memref<1x8x128xi32, #tpu.memory_space<vmem>> -> memref<8x128xi32, #tpu.memory_space<vmem>>
    %dma_wait3A_1858 = tpu.memref_slice %arg2[%dma_wait3A_1847, %add3A_1261] : memref<200x16384xi32, #tpu.memory_space<hbm>> -> memref<8x128xi32, #tpu.memory_space<hbm>>
    tpu.wait_dma2 semaphore(%arg10 : memref<!tpu.dma_semaphore, #tpu.memory_space<semaphore_mem>>) src(%dma_wait3A_1858 : memref<8x128xi32, #tpu.memory_space<hbm>>) dst(%dma_wait3A_1857 : memref<8x128xi32, #tpu.memory_space<vmem>>)
    %dma_wait3A_1859 = arith.constant 192 : i32
    %dma_wait3A_1860 = arith.constant 24 : i32
    %dma_wait3A_1861 = arith.constant 0 : i32
    %dma_wait3A_1862 = arith.constant 0 : i32
    %dma_wait3A_1863 = tpu.memref_slice %arg5[%dma_wait3A_1860, %dma_wait3A_1861, %dma_wait3A_1862] : memref<25x8x128xi32, #tpu.memory_space<vmem>> -> memref<1x8x128xi32, #tpu.memory_space<vmem>>
    %dma_wait3A_1864 = tpu.memref_squeeze %dma_wait3A_1863 : memref<1x8x128xi32, #tpu.memory_space<vmem>> -> memref<8x128xi32, #tpu.memory_space<vmem>>
    %dma_wait3A_1865 = tpu.memref_slice %arg2[%dma_wait3A_1859, %add3A_1261] : memref<200x16384xi32, #tpu.memory_space<hbm>> -> memref<8x128xi32, #tpu.memory_space<hbm>>
    %dma_wait3A_1866 = arith.constant 0 : i32
    %dma_wait3A_1867 = arith.constant 0 : i32
    %dma_wait3A_1868 = tpu.memref_slice %arg5[%dma_wait3A_1860, %dma_wait3A_1866, %dma_wait3A_1867] : memref<25x8x128xi32, #tpu.memory_space<vmem>> -> memref<1x8x128xi32, #tpu.memory_space<vmem>>
    %dma_wait3A_1869 = tpu.memref_squeeze %dma_wait3A_1868 : memref<1x8x128xi32, #tpu.memory_space<vmem>> -> memref<8x128xi32, #tpu.memory_space<vmem>>
    %dma_wait3A_1870 = tpu.memref_slice %arg2[%dma_wait3A_1859, %add3A_1261] : memref<200x16384xi32, #tpu.memory_space<hbm>> -> memref<8x128xi32, #tpu.memory_space<hbm>>
    tpu.wait_dma2 semaphore(%arg10 : memref<!tpu.dma_semaphore, #tpu.memory_space<semaphore_mem>>) src(%dma_wait3A_1870 : memref<8x128xi32, #tpu.memory_space<hbm>>) dst(%dma_wait3A_1869 : memref<8x128xi32, #tpu.memory_space<vmem>>)
    %add3A_1871 = arith.constant 384 : i32
    %add3A_1872 = arith.addi %mul3A_2, %add3A_1871 : i32
    %dma_start3A_1873 = arith.constant 0 : i32
    %dma_start3A_1874 = arith.constant 0 : i32
    %dma_start3A_1875 = arith.constant 0 : i32
    %dma_start3A_1876 = arith.constant 0 : i32
    %dma_start3A_1877 = tpu.memref_slice %arg6[%dma_start3A_1874, %dma_start3A_1875, %dma_start3A_1876] : memref<25x8x128xi32, #tpu.memory_space<vmem>> -> memref<1x8x128xi32, #tpu.memory_space<vmem>>
    %dma_start3A_1878 = tpu.memref_squeeze %dma_start3A_1877 : memref<1x8x128xi32, #tpu.memory_space<vmem>> -> memref<8x128xi32, #tpu.memory_space<vmem>>
    %dma_start3A_1879 = tpu.memref_slice %arg2[%dma_start3A_1873, %add3A_1872] : memref<200x16384xi32, #tpu.memory_space<hbm>> -> memref<8x128xi32, #tpu.memory_space<hbm>>
    %dma_start3A_1880 = arith.constant 0 : i32
    %dma_start3A_1881 = arith.constant 0 : i32
    %dma_start3A_1882 = tpu.memref_slice %arg6[%dma_start3A_1874, %dma_start3A_1880, %dma_start3A_1881] : memref<25x8x128xi32, #tpu.memory_space<vmem>> -> memref<1x8x128xi32, #tpu.memory_space<vmem>>
    %dma_start3A_1883 = tpu.memref_squeeze %dma_start3A_1882 : memref<1x8x128xi32, #tpu.memory_space<vmem>> -> memref<8x128xi32, #tpu.memory_space<vmem>>
    %dma_start3A_1884 = tpu.memref_slice %arg2[%dma_start3A_1873, %add3A_1872] : memref<200x16384xi32, #tpu.memory_space<hbm>> -> memref<8x128xi32, #tpu.memory_space<hbm>>
    tpu.enqueue_dma source(%dma_start3A_1884 : memref<8x128xi32, #tpu.memory_space<hbm>>) target(%dma_start3A_1883 : memref<8x128xi32, #tpu.memory_space<vmem>>) target_semaphore(%arg10 : memref<!tpu.dma_semaphore, #tpu.memory_space<semaphore_mem>>)
    %dma_start3A_1885 = arith.constant 8 : i32
    %dma_start3A_1886 = arith.constant 1 : i32
    %dma_start3A_1887 = arith.constant 0 : i32
    %dma_start3A_1888 = arith.constant 0 : i32
    %dma_start3A_1889 = tpu.memref_slice %arg6[%dma_start3A_1886, %dma_start3A_1887, %dma_start3A_1888] : memref<25x8x128xi32, #tpu.memory_space<vmem>> -> memref<1x8x128xi32, #tpu.memory_space<vmem>>
    %dma_start3A_1890 = tpu.memref_squeeze %dma_start3A_1889 : memref<1x8x128xi32, #tpu.memory_space<vmem>> -> memref<8x128xi32, #tpu.memory_space<vmem>>
    %dma_start3A_1891 = tpu.memref_slice %arg2[%dma_start3A_1885, %add3A_1872] : memref<200x16384xi32, #tpu.memory_space<hbm>> -> memref<8x128xi32, #tpu.memory_space<hbm>>
    %dma_start3A_1892 = arith.constant 0 : i32
    %dma_start3A_1893 = arith.constant 0 : i32
    %dma_start3A_1894 = tpu.memref_slice %arg6[%dma_start3A_1886, %dma_start3A_1892, %dma_start3A_1893] : memref<25x8x128xi32, #tpu.memory_space<vmem>> -> memref<1x8x128xi32, #tpu.memory_space<vmem>>
    %dma_start3A_1895 = tpu.memref_squeeze %dma_start3A_1894 : memref<1x8x128xi32, #tpu.memory_space<vmem>> -> memref<8x128xi32, #tpu.memory_space<vmem>>
    %dma_start3A_1896 = tpu.memref_slice %arg2[%dma_start3A_1885, %add3A_1872] : memref<200x16384xi32, #tpu.memory_space<hbm>> -> memref<8x128xi32, #tpu.memory_space<hbm>>
    tpu.enqueue_dma source(%dma_start3A_1896 : memref<8x128xi32, #tpu.memory_space<hbm>>) target(%dma_start3A_1895 : memref<8x128xi32, #tpu.memory_space<vmem>>) target_semaphore(%arg10 : memref<!tpu.dma_semaphore, #tpu.memory_space<semaphore_mem>>)
    %dma_start3A_1897 = arith.constant 16 : i32
    %dma_start3A_1898 = arith.constant 2 : i32
    %dma_start3A_1899 = arith.constant 0 : i32
    %dma_start3A_1900 = arith.constant 0 : i32
    %dma_start3A_1901 = tpu.memref_slice %arg6[%dma_start3A_1898, %dma_start3A_1899, %dma_start3A_1900] : memref<25x8x128xi32, #tpu.memory_space<vmem>> -> memref<1x8x128xi32, #tpu.memory_space<vmem>>
    %dma_start3A_1902 = tpu.memref_squeeze %dma_start3A_1901 : memref<1x8x128xi32, #tpu.memory_space<vmem>> -> memref<8x128xi32, #tpu.memory_space<vmem>>
    %dma_start3A_1903 = tpu.memref_slice %arg2[%dma_start3A_1897, %add3A_1872] : memref<200x16384xi32, #tpu.memory_space<hbm>> -> memref<8x128xi32, #tpu.memory_space<hbm>>
    %dma_start3A_1904 = arith.constant 0 : i32
    %dma_start3A_1905 = arith.constant 0 : i32
    %dma_start3A_1906 = tpu.memref_slice %arg6[%dma_start3A_1898, %dma_start3A_1904, %dma_start3A_1905] : memref<25x8x128xi32, #tpu.memory_space<vmem>> -> memref<1x8x128xi32, #tpu.memory_space<vmem>>
    %dma_start3A_1907 = tpu.memref_squeeze %dma_start3A_1906 : memref<1x8x128xi32, #tpu.memory_space<vmem>> -> memref<8x128xi32, #tpu.memory_space<vmem>>
    %dma_start3A_1908 = tpu.memref_slice %arg2[%dma_start3A_1897, %add3A_1872] : memref<200x16384xi32, #tpu.memory_space<hbm>> -> memref<8x128xi32, #tpu.memory_space<hbm>>
    tpu.enqueue_dma source(%dma_start3A_1908 : memref<8x128xi32, #tpu.memory_space<hbm>>) target(%dma_start3A_1907 : memref<8x128xi32, #tpu.memory_space<vmem>>) target_semaphore(%arg10 : memref<!tpu.dma_semaphore, #tpu.memory_space<semaphore_mem>>)
    %dma_start3A_1909 = arith.constant 24 : i32
    %dma_start3A_1910 = arith.constant 3 : i32
    %dma_start3A_1911 = arith.constant 0 : i32
    %dma_start3A_1912 = arith.constant 0 : i32
    %dma_start3A_1913 = tpu.memref_slice %arg6[%dma_start3A_1910, %dma_start3A_1911, %dma_start3A_1912] : memref<25x8x128xi32, #tpu.memory_space<vmem>> -> memref<1x8x128xi32, #tpu.memory_space<vmem>>
    %dma_start3A_1914 = tpu.memref_squeeze %dma_start3A_1913 : memref<1x8x128xi32, #tpu.memory_space<vmem>> -> memref<8x128xi32, #tpu.memory_space<vmem>>
    %dma_start3A_1915 = tpu.memref_slice %arg2[%dma_start3A_1909, %add3A_1872] : memref<200x16384xi32, #tpu.memory_space<hbm>> -> memref<8x128xi32, #tpu.memory_space<hbm>>
    %dma_start3A_1916 = arith.constant 0 : i32
    %dma_start3A_1917 = arith.constant 0 : i32
    %dma_start3A_1918 = tpu.memref_slice %arg6[%dma_start3A_1910, %dma_start3A_1916, %dma_start3A_1917] : memref<25x8x128xi32, #tpu.memory_space<vmem>> -> memref<1x8x128xi32, #tpu.memory_space<vmem>>
    %dma_start3A_1919 = tpu.memref_squeeze %dma_start3A_1918 : memref<1x8x128xi32, #tpu.memory_space<vmem>> -> memref<8x128xi32, #tpu.memory_space<vmem>>
    %dma_start3A_1920 = tpu.memref_slice %arg2[%dma_start3A_1909, %add3A_1872] : memref<200x16384xi32, #tpu.memory_space<hbm>> -> memref<8x128xi32, #tpu.memory_space<hbm>>
    tpu.enqueue_dma source(%dma_start3A_1920 : memref<8x128xi32, #tpu.memory_space<hbm>>) target(%dma_start3A_1919 : memref<8x128xi32, #tpu.memory_space<vmem>>) target_semaphore(%arg10 : memref<!tpu.dma_semaphore, #tpu.memory_space<semaphore_mem>>)
    %dma_start3A_1921 = arith.constant 32 : i32
    %dma_start3A_1922 = arith.constant 4 : i32
    %dma_start3A_1923 = arith.constant 0 : i32
    %dma_start3A_1924 = arith.constant 0 : i32
    %dma_start3A_1925 = tpu.memref_slice %arg6[%dma_start3A_1922, %dma_start3A_1923, %dma_start3A_1924] : memref<25x8x128xi32, #tpu.memory_space<vmem>> -> memref<1x8x128xi32, #tpu.memory_space<vmem>>
    %dma_start3A_1926 = tpu.memref_squeeze %dma_start3A_1925 : memref<1x8x128xi32, #tpu.memory_space<vmem>> -> memref<8x128xi32, #tpu.memory_space<vmem>>
    %dma_start3A_1927 = tpu.memref_slice %arg2[%dma_start3A_1921, %add3A_1872] : memref<200x16384xi32, #tpu.memory_space<hbm>> -> memref<8x128xi32, #tpu.memory_space<hbm>>
    %dma_start3A_1928 = arith.constant 0 : i32
    %dma_start3A_1929 = arith.constant 0 : i32
    %dma_start3A_1930 = tpu.memref_slice %arg6[%dma_start3A_1922, %dma_start3A_1928, %dma_start3A_1929] : memref<25x8x128xi32, #tpu.memory_space<vmem>> -> memref<1x8x128xi32, #tpu.memory_space<vmem>>
    %dma_start3A_1931 = tpu.memref_squeeze %dma_start3A_1930 : memref<1x8x128xi32, #tpu.memory_space<vmem>> -> memref<8x128xi32, #tpu.memory_space<vmem>>
    %dma_start3A_1932 = tpu.memref_slice %arg2[%dma_start3A_1921, %add3A_1872] : memref<200x16384xi32, #tpu.memory_space<hbm>> -> memref<8x128xi32, #tpu.memory_space<hbm>>
    tpu.enqueue_dma source(%dma_start3A_1932 : memref<8x128xi32, #tpu.memory_space<hbm>>) target(%dma_start3A_1931 : memref<8x128xi32, #tpu.memory_space<vmem>>) target_semaphore(%arg10 : memref<!tpu.dma_semaphore, #tpu.memory_space<semaphore_mem>>)
    %dma_start3A_1933 = arith.constant 40 : i32
    %dma_start3A_1934 = arith.constant 5 : i32
    %dma_start3A_1935 = arith.constant 0 : i32
    %dma_start3A_1936 = arith.constant 0 : i32
    %dma_start3A_1937 = tpu.memref_slice %arg6[%dma_start3A_1934, %dma_start3A_1935, %dma_start3A_1936] : memref<25x8x128xi32, #tpu.memory_space<vmem>> -> memref<1x8x128xi32, #tpu.memory_space<vmem>>
    %dma_start3A_1938 = tpu.memref_squeeze %dma_start3A_1937 : memref<1x8x128xi32, #tpu.memory_space<vmem>> -> memref<8x128xi32, #tpu.memory_space<vmem>>
    %dma_start3A_1939 = tpu.memref_slice %arg2[%dma_start3A_1933, %add3A_1872] : memref<200x16384xi32, #tpu.memory_space<hbm>> -> memref<8x128xi32, #tpu.memory_space<hbm>>
    %dma_start3A_1940 = arith.constant 0 : i32
    %dma_start3A_1941 = arith.constant 0 : i32
    %dma_start3A_1942 = tpu.memref_slice %arg6[%dma_start3A_1934, %dma_start3A_1940, %dma_start3A_1941] : memref<25x8x128xi32, #tpu.memory_space<vmem>> -> memref<1x8x128xi32, #tpu.memory_space<vmem>>
    %dma_start3A_1943 = tpu.memref_squeeze %dma_start3A_1942 : memref<1x8x128xi32, #tpu.memory_space<vmem>> -> memref<8x128xi32, #tpu.memory_space<vmem>>
    %dma_start3A_1944 = tpu.memref_slice %arg2[%dma_start3A_1933, %add3A_1872] : memref<200x16384xi32, #tpu.memory_space<hbm>> -> memref<8x128xi32, #tpu.memory_space<hbm>>
    tpu.enqueue_dma source(%dma_start3A_1944 : memref<8x128xi32, #tpu.memory_space<hbm>>) target(%dma_start3A_1943 : memref<8x128xi32, #tpu.memory_space<vmem>>) target_semaphore(%arg10 : memref<!tpu.dma_semaphore, #tpu.memory_space<semaphore_mem>>)
    %dma_start3A_1945 = arith.constant 48 : i32
    %dma_start3A_1946 = arith.constant 6 : i32
    %dma_start3A_1947 = arith.constant 0 : i32
    %dma_start3A_1948 = arith.constant 0 : i32
    %dma_start3A_1949 = tpu.memref_slice %arg6[%dma_start3A_1946, %dma_start3A_1947, %dma_start3A_1948] : memref<25x8x128xi32, #tpu.memory_space<vmem>> -> memref<1x8x128xi32, #tpu.memory_space<vmem>>
    %dma_start3A_1950 = tpu.memref_squeeze %dma_start3A_1949 : memref<1x8x128xi32, #tpu.memory_space<vmem>> -> memref<8x128xi32, #tpu.memory_space<vmem>>
    %dma_start3A_1951 = tpu.memref_slice %arg2[%dma_start3A_1945, %add3A_1872] : memref<200x16384xi32, #tpu.memory_space<hbm>> -> memref<8x128xi32, #tpu.memory_space<hbm>>
    %dma_start3A_1952 = arith.constant 0 : i32
    %dma_start3A_1953 = arith.constant 0 : i32
    %dma_start3A_1954 = tpu.memref_slice %arg6[%dma_start3A_1946, %dma_start3A_1952, %dma_start3A_1953] : memref<25x8x128xi32, #tpu.memory_space<vmem>> -> memref<1x8x128xi32, #tpu.memory_space<vmem>>
    %dma_start3A_1955 = tpu.memref_squeeze %dma_start3A_1954 : memref<1x8x128xi32, #tpu.memory_space<vmem>> -> memref<8x128xi32, #tpu.memory_space<vmem>>
    %dma_start3A_1956 = tpu.memref_slice %arg2[%dma_start3A_1945, %add3A_1872] : memref<200x16384xi32, #tpu.memory_space<hbm>> -> memref<8x128xi32, #tpu.memory_space<hbm>>
    tpu.enqueue_dma source(%dma_start3A_1956 : memref<8x128xi32, #tpu.memory_space<hbm>>) target(%dma_start3A_1955 : memref<8x128xi32, #tpu.memory_space<vmem>>) target_semaphore(%arg10 : memref<!tpu.dma_semaphore, #tpu.memory_space<semaphore_mem>>)
    %dma_start3A_1957 = arith.constant 56 : i32
    %dma_start3A_1958 = arith.constant 7 : i32
    %dma_start3A_1959 = arith.constant 0 : i32
    %dma_start3A_1960 = arith.constant 0 : i32
    %dma_start3A_1961 = tpu.memref_slice %arg6[%dma_start3A_1958, %dma_start3A_1959, %dma_start3A_1960] : memref<25x8x128xi32, #tpu.memory_space<vmem>> -> memref<1x8x128xi32, #tpu.memory_space<vmem>>
    %dma_start3A_1962 = tpu.memref_squeeze %dma_start3A_1961 : memref<1x8x128xi32, #tpu.memory_space<vmem>> -> memref<8x128xi32, #tpu.memory_space<vmem>>
    %dma_start3A_1963 = tpu.memref_slice %arg2[%dma_start3A_1957, %add3A_1872] : memref<200x16384xi32, #tpu.memory_space<hbm>> -> memref<8x128xi32, #tpu.memory_space<hbm>>
    %dma_start3A_1964 = arith.constant 0 : i32
    %dma_start3A_1965 = arith.constant 0 : i32
    %dma_start3A_1966 = tpu.memref_slice %arg6[%dma_start3A_1958, %dma_start3A_1964, %dma_start3A_1965] : memref<25x8x128xi32, #tpu.memory_space<vmem>> -> memref<1x8x128xi32, #tpu.memory_space<vmem>>
    %dma_start3A_1967 = tpu.memref_squeeze %dma_start3A_1966 : memref<1x8x128xi32, #tpu.memory_space<vmem>> -> memref<8x128xi32, #tpu.memory_space<vmem>>
    %dma_start3A_1968 = tpu.memref_slice %arg2[%dma_start3A_1957, %add3A_1872] : memref<200x16384xi32, #tpu.memory_space<hbm>> -> memref<8x128xi32, #tpu.memory_space<hbm>>
    tpu.enqueue_dma source(%dma_start3A_1968 : memref<8x128xi32, #tpu.memory_space<hbm>>) target(%dma_start3A_1967 : memref<8x128xi32, #tpu.memory_space<vmem>>) target_semaphore(%arg10 : memref<!tpu.dma_semaphore, #tpu.memory_space<semaphore_mem>>)
    %dma_start3A_1969 = arith.constant 64 : i32
    %dma_start3A_1970 = arith.constant 8 : i32
    %dma_start3A_1971 = arith.constant 0 : i32
    %dma_start3A_1972 = arith.constant 0 : i32
    %dma_start3A_1973 = tpu.memref_slice %arg6[%dma_start3A_1970, %dma_start3A_1971, %dma_start3A_1972] : memref<25x8x128xi32, #tpu.memory_space<vmem>> -> memref<1x8x128xi32, #tpu.memory_space<vmem>>
    %dma_start3A_1974 = tpu.memref_squeeze %dma_start3A_1973 : memref<1x8x128xi32, #tpu.memory_space<vmem>> -> memref<8x128xi32, #tpu.memory_space<vmem>>
    %dma_start3A_1975 = tpu.memref_slice %arg2[%dma_start3A_1969, %add3A_1872] : memref<200x16384xi32, #tpu.memory_space<hbm>> -> memref<8x128xi32, #tpu.memory_space<hbm>>
    %dma_start3A_1976 = arith.constant 0 : i32
    %dma_start3A_1977 = arith.constant 0 : i32
    %dma_start3A_1978 = tpu.memref_slice %arg6[%dma_start3A_1970, %dma_start3A_1976, %dma_start3A_1977] : memref<25x8x128xi32, #tpu.memory_space<vmem>> -> memref<1x8x128xi32, #tpu.memory_space<vmem>>
    %dma_start3A_1979 = tpu.memref_squeeze %dma_start3A_1978 : memref<1x8x128xi32, #tpu.memory_space<vmem>> -> memref<8x128xi32, #tpu.memory_space<vmem>>
    %dma_start3A_1980 = tpu.memref_slice %arg2[%dma_start3A_1969, %add3A_1872] : memref<200x16384xi32, #tpu.memory_space<hbm>> -> memref<8x128xi32, #tpu.memory_space<hbm>>
    tpu.enqueue_dma source(%dma_start3A_1980 : memref<8x128xi32, #tpu.memory_space<hbm>>) target(%dma_start3A_1979 : memref<8x128xi32, #tpu.memory_space<vmem>>) target_semaphore(%arg10 : memref<!tpu.dma_semaphore, #tpu.memory_space<semaphore_mem>>)
    %dma_start3A_1981 = arith.constant 72 : i32
    %dma_start3A_1982 = arith.constant 9 : i32
    %dma_start3A_1983 = arith.constant 0 : i32
    %dma_start3A_1984 = arith.constant 0 : i32
    %dma_start3A_1985 = tpu.memref_slice %arg6[%dma_start3A_1982, %dma_start3A_1983, %dma_start3A_1984] : memref<25x8x128xi32, #tpu.memory_space<vmem>> -> memref<1x8x128xi32, #tpu.memory_space<vmem>>
    %dma_start3A_1986 = tpu.memref_squeeze %dma_start3A_1985 : memref<1x8x128xi32, #tpu.memory_space<vmem>> -> memref<8x128xi32, #tpu.memory_space<vmem>>
    %dma_start3A_1987 = tpu.memref_slice %arg2[%dma_start3A_1981, %add3A_1872] : memref<200x16384xi32, #tpu.memory_space<hbm>> -> memref<8x128xi32, #tpu.memory_space<hbm>>
    %dma_start3A_1988 = arith.constant 0 : i32
    %dma_start3A_1989 = arith.constant 0 : i32
    %dma_start3A_1990 = tpu.memref_slice %arg6[%dma_start3A_1982, %dma_start3A_1988, %dma_start3A_1989] : memref<25x8x128xi32, #tpu.memory_space<vmem>> -> memref<1x8x128xi32, #tpu.memory_space<vmem>>
    %dma_start3A_1991 = tpu.memref_squeeze %dma_start3A_1990 : memref<1x8x128xi32, #tpu.memory_space<vmem>> -> memref<8x128xi32, #tpu.memory_space<vmem>>
    %dma_start3A_1992 = tpu.memref_slice %arg2[%dma_start3A_1981, %add3A_1872] : memref<200x16384xi32, #tpu.memory_space<hbm>> -> memref<8x128xi32, #tpu.memory_space<hbm>>
    tpu.enqueue_dma source(%dma_start3A_1992 : memref<8x128xi32, #tpu.memory_space<hbm>>) target(%dma_start3A_1991 : memref<8x128xi32, #tpu.memory_space<vmem>>) target_semaphore(%arg10 : memref<!tpu.dma_semaphore, #tpu.memory_space<semaphore_mem>>)
    %dma_start3A_1993 = arith.constant 80 : i32
    %dma_start3A_1994 = arith.constant 10 : i32
    %dma_start3A_1995 = arith.constant 0 : i32
    %dma_start3A_1996 = arith.constant 0 : i32
    %dma_start3A_1997 = tpu.memref_slice %arg6[%dma_start3A_1994, %dma_start3A_1995, %dma_start3A_1996] : memref<25x8x128xi32, #tpu.memory_space<vmem>> -> memref<1x8x128xi32, #tpu.memory_space<vmem>>
    %dma_start3A_1998 = tpu.memref_squeeze %dma_start3A_1997 : memref<1x8x128xi32, #tpu.memory_space<vmem>> -> memref<8x128xi32, #tpu.memory_space<vmem>>
    %dma_start3A_1999 = tpu.memref_slice %arg2[%dma_start3A_1993, %add3A_1872] : memref<200x16384xi32, #tpu.memory_space<hbm>> -> memref<8x128xi32, #tpu.memory_space<hbm>>
    %dma_start3A_2000 = arith.constant 0 : i32
    %dma_start3A_2001 = arith.constant 0 : i32
    %dma_start3A_2002 = tpu.memref_slice %arg6[%dma_start3A_1994, %dma_start3A_2000, %dma_start3A_2001] : memref<25x8x128xi32, #tpu.memory_space<vmem>> -> memref<1x8x128xi32, #tpu.memory_space<vmem>>
    %dma_start3A_2003 = tpu.memref_squeeze %dma_start3A_2002 : memref<1x8x128xi32, #tpu.memory_space<vmem>> -> memref<8x128xi32, #tpu.memory_space<vmem>>
    %dma_start3A_2004 = tpu.memref_slice %arg2[%dma_start3A_1993, %add3A_1872] : memref<200x16384xi32, #tpu.memory_space<hbm>> -> memref<8x128xi32, #tpu.memory_space<hbm>>
    tpu.enqueue_dma source(%dma_start3A_2004 : memref<8x128xi32, #tpu.memory_space<hbm>>) target(%dma_start3A_2003 : memref<8x128xi32, #tpu.memory_space<vmem>>) target_semaphore(%arg10 : memref<!tpu.dma_semaphore, #tpu.memory_space<semaphore_mem>>)
    %dma_start3A_2005 = arith.constant 88 : i32
    %dma_start3A_2006 = arith.constant 11 : i32
    %dma_start3A_2007 = arith.constant 0 : i32
    %dma_start3A_2008 = arith.constant 0 : i32
    %dma_start3A_2009 = tpu.memref_slice %arg6[%dma_start3A_2006, %dma_start3A_2007, %dma_start3A_2008] : memref<25x8x128xi32, #tpu.memory_space<vmem>> -> memref<1x8x128xi32, #tpu.memory_space<vmem>>
    %dma_start3A_2010 = tpu.memref_squeeze %dma_start3A_2009 : memref<1x8x128xi32, #tpu.memory_space<vmem>> -> memref<8x128xi32, #tpu.memory_space<vmem>>
    %dma_start3A_2011 = tpu.memref_slice %arg2[%dma_start3A_2005, %add3A_1872] : memref<200x16384xi32, #tpu.memory_space<hbm>> -> memref<8x128xi32, #tpu.memory_space<hbm>>
    %dma_start3A_2012 = arith.constant 0 : i32
    %dma_start3A_2013 = arith.constant 0 : i32
    %dma_start3A_2014 = tpu.memref_slice %arg6[%dma_start3A_2006, %dma_start3A_2012, %dma_start3A_2013] : memref<25x8x128xi32, #tpu.memory_space<vmem>> -> memref<1x8x128xi32, #tpu.memory_space<vmem>>
    %dma_start3A_2015 = tpu.memref_squeeze %dma_start3A_2014 : memref<1x8x128xi32, #tpu.memory_space<vmem>> -> memref<8x128xi32, #tpu.memory_space<vmem>>
    %dma_start3A_2016 = tpu.memref_slice %arg2[%dma_start3A_2005, %add3A_1872] : memref<200x16384xi32, #tpu.memory_space<hbm>> -> memref<8x128xi32, #tpu.memory_space<hbm>>
    tpu.enqueue_dma source(%dma_start3A_2016 : memref<8x128xi32, #tpu.memory_space<hbm>>) target(%dma_start3A_2015 : memref<8x128xi32, #tpu.memory_space<vmem>>) target_semaphore(%arg10 : memref<!tpu.dma_semaphore, #tpu.memory_space<semaphore_mem>>)
    %dma_start3A_2017 = arith.constant 96 : i32
    %dma_start3A_2018 = arith.constant 12 : i32
    %dma_start3A_2019 = arith.constant 0 : i32
    %dma_start3A_2020 = arith.constant 0 : i32
    %dma_start3A_2021 = tpu.memref_slice %arg6[%dma_start3A_2018, %dma_start3A_2019, %dma_start3A_2020] : memref<25x8x128xi32, #tpu.memory_space<vmem>> -> memref<1x8x128xi32, #tpu.memory_space<vmem>>
    %dma_start3A_2022 = tpu.memref_squeeze %dma_start3A_2021 : memref<1x8x128xi32, #tpu.memory_space<vmem>> -> memref<8x128xi32, #tpu.memory_space<vmem>>
    %dma_start3A_2023 = tpu.memref_slice %arg2[%dma_start3A_2017, %add3A_1872] : memref<200x16384xi32, #tpu.memory_space<hbm>> -> memref<8x128xi32, #tpu.memory_space<hbm>>
    %dma_start3A_2024 = arith.constant 0 : i32
    %dma_start3A_2025 = arith.constant 0 : i32
    %dma_start3A_2026 = tpu.memref_slice %arg6[%dma_start3A_2018, %dma_start3A_2024, %dma_start3A_2025] : memref<25x8x128xi32, #tpu.memory_space<vmem>> -> memref<1x8x128xi32, #tpu.memory_space<vmem>>
    %dma_start3A_2027 = tpu.memref_squeeze %dma_start3A_2026 : memref<1x8x128xi32, #tpu.memory_space<vmem>> -> memref<8x128xi32, #tpu.memory_space<vmem>>
    %dma_start3A_2028 = tpu.memref_slice %arg2[%dma_start3A_2017, %add3A_1872] : memref<200x16384xi32, #tpu.memory_space<hbm>> -> memref<8x128xi32, #tpu.memory_space<hbm>>
    tpu.enqueue_dma source(%dma_start3A_2028 : memref<8x128xi32, #tpu.memory_space<hbm>>) target(%dma_start3A_2027 : memref<8x128xi32, #tpu.memory_space<vmem>>) target_semaphore(%arg10 : memref<!tpu.dma_semaphore, #tpu.memory_space<semaphore_mem>>)
    %dma_start3A_2029 = arith.constant 104 : i32
    %dma_start3A_2030 = arith.constant 13 : i32
    %dma_start3A_2031 = arith.constant 0 : i32
    %dma_start3A_2032 = arith.constant 0 : i32
    %dma_start3A_2033 = tpu.memref_slice %arg6[%dma_start3A_2030, %dma_start3A_2031, %dma_start3A_2032] : memref<25x8x128xi32, #tpu.memory_space<vmem>> -> memref<1x8x128xi32, #tpu.memory_space<vmem>>
    %dma_start3A_2034 = tpu.memref_squeeze %dma_start3A_2033 : memref<1x8x128xi32, #tpu.memory_space<vmem>> -> memref<8x128xi32, #tpu.memory_space<vmem>>
    %dma_start3A_2035 = tpu.memref_slice %arg2[%dma_start3A_2029, %add3A_1872] : memref<200x16384xi32, #tpu.memory_space<hbm>> -> memref<8x128xi32, #tpu.memory_space<hbm>>
    %dma_start3A_2036 = arith.constant 0 : i32
    %dma_start3A_2037 = arith.constant 0 : i32
    %dma_start3A_2038 = tpu.memref_slice %arg6[%dma_start3A_2030, %dma_start3A_2036, %dma_start3A_2037] : memref<25x8x128xi32, #tpu.memory_space<vmem>> -> memref<1x8x128xi32, #tpu.memory_space<vmem>>
    %dma_start3A_2039 = tpu.memref_squeeze %dma_start3A_2038 : memref<1x8x128xi32, #tpu.memory_space<vmem>> -> memref<8x128xi32, #tpu.memory_space<vmem>>
    %dma_start3A_2040 = tpu.memref_slice %arg2[%dma_start3A_2029, %add3A_1872] : memref<200x16384xi32, #tpu.memory_space<hbm>> -> memref<8x128xi32, #tpu.memory_space<hbm>>
    tpu.enqueue_dma source(%dma_start3A_2040 : memref<8x128xi32, #tpu.memory_space<hbm>>) target(%dma_start3A_2039 : memref<8x128xi32, #tpu.memory_space<vmem>>) target_semaphore(%arg10 : memref<!tpu.dma_semaphore, #tpu.memory_space<semaphore_mem>>)
    %dma_start3A_2041 = arith.constant 112 : i32
    %dma_start3A_2042 = arith.constant 14 : i32
    %dma_start3A_2043 = arith.constant 0 : i32
    %dma_start3A_2044 = arith.constant 0 : i32
    %dma_start3A_2045 = tpu.memref_slice %arg6[%dma_start3A_2042, %dma_start3A_2043, %dma_start3A_2044] : memref<25x8x128xi32, #tpu.memory_space<vmem>> -> memref<1x8x128xi32, #tpu.memory_space<vmem>>
    %dma_start3A_2046 = tpu.memref_squeeze %dma_start3A_2045 : memref<1x8x128xi32, #tpu.memory_space<vmem>> -> memref<8x128xi32, #tpu.memory_space<vmem>>
    %dma_start3A_2047 = tpu.memref_slice %arg2[%dma_start3A_2041, %add3A_1872] : memref<200x16384xi32, #tpu.memory_space<hbm>> -> memref<8x128xi32, #tpu.memory_space<hbm>>
    %dma_start3A_2048 = arith.constant 0 : i32
    %dma_start3A_2049 = arith.constant 0 : i32
    %dma_start3A_2050 = tpu.memref_slice %arg6[%dma_start3A_2042, %dma_start3A_2048, %dma_start3A_2049] : memref<25x8x128xi32, #tpu.memory_space<vmem>> -> memref<1x8x128xi32, #tpu.memory_space<vmem>>
    %dma_start3A_2051 = tpu.memref_squeeze %dma_start3A_2050 : memref<1x8x128xi32, #tpu.memory_space<vmem>> -> memref<8x128xi32, #tpu.memory_space<vmem>>
    %dma_start3A_2052 = tpu.memref_slice %arg2[%dma_start3A_2041, %add3A_1872] : memref<200x16384xi32, #tpu.memory_space<hbm>> -> memref<8x128xi32, #tpu.memory_space<hbm>>
    tpu.enqueue_dma source(%dma_start3A_2052 : memref<8x128xi32, #tpu.memory_space<hbm>>) target(%dma_start3A_2051 : memref<8x128xi32, #tpu.memory_space<vmem>>) target_semaphore(%arg10 : memref<!tpu.dma_semaphore, #tpu.memory_space<semaphore_mem>>)
    %dma_start3A_2053 = arith.constant 120 : i32
    %dma_start3A_2054 = arith.constant 15 : i32
    %dma_start3A_2055 = arith.constant 0 : i32
    %dma_start3A_2056 = arith.constant 0 : i32
    %dma_start3A_2057 = tpu.memref_slice %arg6[%dma_start3A_2054, %dma_start3A_2055, %dma_start3A_2056] : memref<25x8x128xi32, #tpu.memory_space<vmem>> -> memref<1x8x128xi32, #tpu.memory_space<vmem>>
    %dma_start3A_2058 = tpu.memref_squeeze %dma_start3A_2057 : memref<1x8x128xi32, #tpu.memory_space<vmem>> -> memref<8x128xi32, #tpu.memory_space<vmem>>
    %dma_start3A_2059 = tpu.memref_slice %arg2[%dma_start3A_2053, %add3A_1872] : memref<200x16384xi32, #tpu.memory_space<hbm>> -> memref<8x128xi32, #tpu.memory_space<hbm>>
    %dma_start3A_2060 = arith.constant 0 : i32
    %dma_start3A_2061 = arith.constant 0 : i32
    %dma_start3A_2062 = tpu.memref_slice %arg6[%dma_start3A_2054, %dma_start3A_2060, %dma_start3A_2061] : memref<25x8x128xi32, #tpu.memory_space<vmem>> -> memref<1x8x128xi32, #tpu.memory_space<vmem>>
    %dma_start3A_2063 = tpu.memref_squeeze %dma_start3A_2062 : memref<1x8x128xi32, #tpu.memory_space<vmem>> -> memref<8x128xi32, #tpu.memory_space<vmem>>
    %dma_start3A_2064 = tpu.memref_slice %arg2[%dma_start3A_2053, %add3A_1872] : memref<200x16384xi32, #tpu.memory_space<hbm>> -> memref<8x128xi32, #tpu.memory_space<hbm>>
    tpu.enqueue_dma source(%dma_start3A_2064 : memref<8x128xi32, #tpu.memory_space<hbm>>) target(%dma_start3A_2063 : memref<8x128xi32, #tpu.memory_space<vmem>>) target_semaphore(%arg10 : memref<!tpu.dma_semaphore, #tpu.memory_space<semaphore_mem>>)
    %dma_start3A_2065 = arith.constant 128 : i32
    %dma_start3A_2066 = arith.constant 16 : i32
    %dma_start3A_2067 = arith.constant 0 : i32
    %dma_start3A_2068 = arith.constant 0 : i32
    %dma_start3A_2069 = tpu.memref_slice %arg6[%dma_start3A_2066, %dma_start3A_2067, %dma_start3A_2068] : memref<25x8x128xi32, #tpu.memory_space<vmem>> -> memref<1x8x128xi32, #tpu.memory_space<vmem>>
    %dma_start3A_2070 = tpu.memref_squeeze %dma_start3A_2069 : memref<1x8x128xi32, #tpu.memory_space<vmem>> -> memref<8x128xi32, #tpu.memory_space<vmem>>
    %dma_start3A_2071 = tpu.memref_slice %arg2[%dma_start3A_2065, %add3A_1872] : memref<200x16384xi32, #tpu.memory_space<hbm>> -> memref<8x128xi32, #tpu.memory_space<hbm>>
    %dma_start3A_2072 = arith.constant 0 : i32
    %dma_start3A_2073 = arith.constant 0 : i32
    %dma_start3A_2074 = tpu.memref_slice %arg6[%dma_start3A_2066, %dma_start3A_2072, %dma_start3A_2073] : memref<25x8x128xi32, #tpu.memory_space<vmem>> -> memref<1x8x128xi32, #tpu.memory_space<vmem>>
    %dma_start3A_2075 = tpu.memref_squeeze %dma_start3A_2074 : memref<1x8x128xi32, #tpu.memory_space<vmem>> -> memref<8x128xi32, #tpu.memory_space<vmem>>
    %dma_start3A_2076 = tpu.memref_slice %arg2[%dma_start3A_2065, %add3A_1872] : memref<200x16384xi32, #tpu.memory_space<hbm>> -> memref<8x128xi32, #tpu.memory_space<hbm>>
    tpu.enqueue_dma source(%dma_start3A_2076 : memref<8x128xi32, #tpu.memory_space<hbm>>) target(%dma_start3A_2075 : memref<8x128xi32, #tpu.memory_space<vmem>>) target_semaphore(%arg10 : memref<!tpu.dma_semaphore, #tpu.memory_space<semaphore_mem>>)
    %dma_start3A_2077 = arith.constant 136 : i32
    %dma_start3A_2078 = arith.constant 17 : i32
    %dma_start3A_2079 = arith.constant 0 : i32
    %dma_start3A_2080 = arith.constant 0 : i32
    %dma_start3A_2081 = tpu.memref_slice %arg6[%dma_start3A_2078, %dma_start3A_2079, %dma_start3A_2080] : memref<25x8x128xi32, #tpu.memory_space<vmem>> -> memref<1x8x128xi32, #tpu.memory_space<vmem>>
    %dma_start3A_2082 = tpu.memref_squeeze %dma_start3A_2081 : memref<1x8x128xi32, #tpu.memory_space<vmem>> -> memref<8x128xi32, #tpu.memory_space<vmem>>
    %dma_start3A_2083 = tpu.memref_slice %arg2[%dma_start3A_2077, %add3A_1872] : memref<200x16384xi32, #tpu.memory_space<hbm>> -> memref<8x128xi32, #tpu.memory_space<hbm>>
    %dma_start3A_2084 = arith.constant 0 : i32
    %dma_start3A_2085 = arith.constant 0 : i32
    %dma_start3A_2086 = tpu.memref_slice %arg6[%dma_start3A_2078, %dma_start3A_2084, %dma_start3A_2085] : memref<25x8x128xi32, #tpu.memory_space<vmem>> -> memref<1x8x128xi32, #tpu.memory_space<vmem>>
    %dma_start3A_2087 = tpu.memref_squeeze %dma_start3A_2086 : memref<1x8x128xi32, #tpu.memory_space<vmem>> -> memref<8x128xi32, #tpu.memory_space<vmem>>
    %dma_start3A_2088 = tpu.memref_slice %arg2[%dma_start3A_2077, %add3A_1872] : memref<200x16384xi32, #tpu.memory_space<hbm>> -> memref<8x128xi32, #tpu.memory_space<hbm>>
    tpu.enqueue_dma source(%dma_start3A_2088 : memref<8x128xi32, #tpu.memory_space<hbm>>) target(%dma_start3A_2087 : memref<8x128xi32, #tpu.memory_space<vmem>>) target_semaphore(%arg10 : memref<!tpu.dma_semaphore, #tpu.memory_space<semaphore_mem>>)
    %dma_start3A_2089 = arith.constant 144 : i32
    %dma_start3A_2090 = arith.constant 18 : i32
    %dma_start3A_2091 = arith.constant 0 : i32
    %dma_start3A_2092 = arith.constant 0 : i32
    %dma_start3A_2093 = tpu.memref_slice %arg6[%dma_start3A_2090, %dma_start3A_2091, %dma_start3A_2092] : memref<25x8x128xi32, #tpu.memory_space<vmem>> -> memref<1x8x128xi32, #tpu.memory_space<vmem>>
    %dma_start3A_2094 = tpu.memref_squeeze %dma_start3A_2093 : memref<1x8x128xi32, #tpu.memory_space<vmem>> -> memref<8x128xi32, #tpu.memory_space<vmem>>
    %dma_start3A_2095 = tpu.memref_slice %arg2[%dma_start3A_2089, %add3A_1872] : memref<200x16384xi32, #tpu.memory_space<hbm>> -> memref<8x128xi32, #tpu.memory_space<hbm>>
    %dma_start3A_2096 = arith.constant 0 : i32
    %dma_start3A_2097 = arith.constant 0 : i32
    %dma_start3A_2098 = tpu.memref_slice %arg6[%dma_start3A_2090, %dma_start3A_2096, %dma_start3A_2097] : memref<25x8x128xi32, #tpu.memory_space<vmem>> -> memref<1x8x128xi32, #tpu.memory_space<vmem>>
    %dma_start3A_2099 = tpu.memref_squeeze %dma_start3A_2098 : memref<1x8x128xi32, #tpu.memory_space<vmem>> -> memref<8x128xi32, #tpu.memory_space<vmem>>
    %dma_start3A_2100 = tpu.memref_slice %arg2[%dma_start3A_2089, %add3A_1872] : memref<200x16384xi32, #tpu.memory_space<hbm>> -> memref<8x128xi32, #tpu.memory_space<hbm>>
    tpu.enqueue_dma source(%dma_start3A_2100 : memref<8x128xi32, #tpu.memory_space<hbm>>) target(%dma_start3A_2099 : memref<8x128xi32, #tpu.memory_space<vmem>>) target_semaphore(%arg10 : memref<!tpu.dma_semaphore, #tpu.memory_space<semaphore_mem>>)
    %dma_start3A_2101 = arith.constant 152 : i32
    %dma_start3A_2102 = arith.constant 19 : i32
    %dma_start3A_2103 = arith.constant 0 : i32
    %dma_start3A_2104 = arith.constant 0 : i32
    %dma_start3A_2105 = tpu.memref_slice %arg6[%dma_start3A_2102, %dma_start3A_2103, %dma_start3A_2104] : memref<25x8x128xi32, #tpu.memory_space<vmem>> -> memref<1x8x128xi32, #tpu.memory_space<vmem>>
    %dma_start3A_2106 = tpu.memref_squeeze %dma_start3A_2105 : memref<1x8x128xi32, #tpu.memory_space<vmem>> -> memref<8x128xi32, #tpu.memory_space<vmem>>
    %dma_start3A_2107 = tpu.memref_slice %arg2[%dma_start3A_2101, %add3A_1872] : memref<200x16384xi32, #tpu.memory_space<hbm>> -> memref<8x128xi32, #tpu.memory_space<hbm>>
    %dma_start3A_2108 = arith.constant 0 : i32
    %dma_start3A_2109 = arith.constant 0 : i32
    %dma_start3A_2110 = tpu.memref_slice %arg6[%dma_start3A_2102, %dma_start3A_2108, %dma_start3A_2109] : memref<25x8x128xi32, #tpu.memory_space<vmem>> -> memref<1x8x128xi32, #tpu.memory_space<vmem>>
    %dma_start3A_2111 = tpu.memref_squeeze %dma_start3A_2110 : memref<1x8x128xi32, #tpu.memory_space<vmem>> -> memref<8x128xi32, #tpu.memory_space<vmem>>
    %dma_start3A_2112 = tpu.memref_slice %arg2[%dma_start3A_2101, %add3A_1872] : memref<200x16384xi32, #tpu.memory_space<hbm>> -> memref<8x128xi32, #tpu.memory_space<hbm>>
    tpu.enqueue_dma source(%dma_start3A_2112 : memref<8x128xi32, #tpu.memory_space<hbm>>) target(%dma_start3A_2111 : memref<8x128xi32, #tpu.memory_space<vmem>>) target_semaphore(%arg10 : memref<!tpu.dma_semaphore, #tpu.memory_space<semaphore_mem>>)
    %dma_start3A_2113 = arith.constant 160 : i32
    %dma_start3A_2114 = arith.constant 20 : i32
    %dma_start3A_2115 = arith.constant 0 : i32
    %dma_start3A_2116 = arith.constant 0 : i32
    %dma_start3A_2117 = tpu.memref_slice %arg6[%dma_start3A_2114, %dma_start3A_2115, %dma_start3A_2116] : memref<25x8x128xi32, #tpu.memory_space<vmem>> -> memref<1x8x128xi32, #tpu.memory_space<vmem>>
    %dma_start3A_2118 = tpu.memref_squeeze %dma_start3A_2117 : memref<1x8x128xi32, #tpu.memory_space<vmem>> -> memref<8x128xi32, #tpu.memory_space<vmem>>
    %dma_start3A_2119 = tpu.memref_slice %arg2[%dma_start3A_2113, %add3A_1872] : memref<200x16384xi32, #tpu.memory_space<hbm>> -> memref<8x128xi32, #tpu.memory_space<hbm>>
    %dma_start3A_2120 = arith.constant 0 : i32
    %dma_start3A_2121 = arith.constant 0 : i32
    %dma_start3A_2122 = tpu.memref_slice %arg6[%dma_start3A_2114, %dma_start3A_2120, %dma_start3A_2121] : memref<25x8x128xi32, #tpu.memory_space<vmem>> -> memref<1x8x128xi32, #tpu.memory_space<vmem>>
    %dma_start3A_2123 = tpu.memref_squeeze %dma_start3A_2122 : memref<1x8x128xi32, #tpu.memory_space<vmem>> -> memref<8x128xi32, #tpu.memory_space<vmem>>
    %dma_start3A_2124 = tpu.memref_slice %arg2[%dma_start3A_2113, %add3A_1872] : memref<200x16384xi32, #tpu.memory_space<hbm>> -> memref<8x128xi32, #tpu.memory_space<hbm>>
    tpu.enqueue_dma source(%dma_start3A_2124 : memref<8x128xi32, #tpu.memory_space<hbm>>) target(%dma_start3A_2123 : memref<8x128xi32, #tpu.memory_space<vmem>>) target_semaphore(%arg10 : memref<!tpu.dma_semaphore, #tpu.memory_space<semaphore_mem>>)
    %dma_start3A_2125 = arith.constant 168 : i32
    %dma_start3A_2126 = arith.constant 21 : i32
    %dma_start3A_2127 = arith.constant 0 : i32
    %dma_start3A_2128 = arith.constant 0 : i32
    %dma_start3A_2129 = tpu.memref_slice %arg6[%dma_start3A_2126, %dma_start3A_2127, %dma_start3A_2128] : memref<25x8x128xi32, #tpu.memory_space<vmem>> -> memref<1x8x128xi32, #tpu.memory_space<vmem>>
    %dma_start3A_2130 = tpu.memref_squeeze %dma_start3A_2129 : memref<1x8x128xi32, #tpu.memory_space<vmem>> -> memref<8x128xi32, #tpu.memory_space<vmem>>
    %dma_start3A_2131 = tpu.memref_slice %arg2[%dma_start3A_2125, %add3A_1872] : memref<200x16384xi32, #tpu.memory_space<hbm>> -> memref<8x128xi32, #tpu.memory_space<hbm>>
    %dma_start3A_2132 = arith.constant 0 : i32
    %dma_start3A_2133 = arith.constant 0 : i32
    %dma_start3A_2134 = tpu.memref_slice %arg6[%dma_start3A_2126, %dma_start3A_2132, %dma_start3A_2133] : memref<25x8x128xi32, #tpu.memory_space<vmem>> -> memref<1x8x128xi32, #tpu.memory_space<vmem>>
    %dma_start3A_2135 = tpu.memref_squeeze %dma_start3A_2134 : memref<1x8x128xi32, #tpu.memory_space<vmem>> -> memref<8x128xi32, #tpu.memory_space<vmem>>
    %dma_start3A_2136 = tpu.memref_slice %arg2[%dma_start3A_2125, %add3A_1872] : memref<200x16384xi32, #tpu.memory_space<hbm>> -> memref<8x128xi32, #tpu.memory_space<hbm>>
    tpu.enqueue_dma source(%dma_start3A_2136 : memref<8x128xi32, #tpu.memory_space<hbm>>) target(%dma_start3A_2135 : memref<8x128xi32, #tpu.memory_space<vmem>>) target_semaphore(%arg10 : memref<!tpu.dma_semaphore, #tpu.memory_space<semaphore_mem>>)
    %dma_start3A_2137 = arith.constant 176 : i32
    %dma_start3A_2138 = arith.constant 22 : i32
    %dma_start3A_2139 = arith.constant 0 : i32
    %dma_start3A_2140 = arith.constant 0 : i32
    %dma_start3A_2141 = tpu.memref_slice %arg6[%dma_start3A_2138, %dma_start3A_2139, %dma_start3A_2140] : memref<25x8x128xi32, #tpu.memory_space<vmem>> -> memref<1x8x128xi32, #tpu.memory_space<vmem>>
    %dma_start3A_2142 = tpu.memref_squeeze %dma_start3A_2141 : memref<1x8x128xi32, #tpu.memory_space<vmem>> -> memref<8x128xi32, #tpu.memory_space<vmem>>
    %dma_start3A_2143 = tpu.memref_slice %arg2[%dma_start3A_2137, %add3A_1872] : memref<200x16384xi32, #tpu.memory_space<hbm>> -> memref<8x128xi32, #tpu.memory_space<hbm>>
    %dma_start3A_2144 = arith.constant 0 : i32
    %dma_start3A_2145 = arith.constant 0 : i32
    %dma_start3A_2146 = tpu.memref_slice %arg6[%dma_start3A_2138, %dma_start3A_2144, %dma_start3A_2145] : memref<25x8x128xi32, #tpu.memory_space<vmem>> -> memref<1x8x128xi32, #tpu.memory_space<vmem>>
    %dma_start3A_2147 = tpu.memref_squeeze %dma_start3A_2146 : memref<1x8x128xi32, #tpu.memory_space<vmem>> -> memref<8x128xi32, #tpu.memory_space<vmem>>
    %dma_start3A_2148 = tpu.memref_slice %arg2[%dma_start3A_2137, %add3A_1872] : memref<200x16384xi32, #tpu.memory_space<hbm>> -> memref<8x128xi32, #tpu.memory_space<hbm>>
    tpu.enqueue_dma source(%dma_start3A_2148 : memref<8x128xi32, #tpu.memory_space<hbm>>) target(%dma_start3A_2147 : memref<8x128xi32, #tpu.memory_space<vmem>>) target_semaphore(%arg10 : memref<!tpu.dma_semaphore, #tpu.memory_space<semaphore_mem>>)
    %dma_start3A_2149 = arith.constant 184 : i32
    %dma_start3A_2150 = arith.constant 23 : i32
    %dma_start3A_2151 = arith.constant 0 : i32
    %dma_start3A_2152 = arith.constant 0 : i32
    %dma_start3A_2153 = tpu.memref_slice %arg6[%dma_start3A_2150, %dma_start3A_2151, %dma_start3A_2152] : memref<25x8x128xi32, #tpu.memory_space<vmem>> -> memref<1x8x128xi32, #tpu.memory_space<vmem>>
    %dma_start3A_2154 = tpu.memref_squeeze %dma_start3A_2153 : memref<1x8x128xi32, #tpu.memory_space<vmem>> -> memref<8x128xi32, #tpu.memory_space<vmem>>
    %dma_start3A_2155 = tpu.memref_slice %arg2[%dma_start3A_2149, %add3A_1872] : memref<200x16384xi32, #tpu.memory_space<hbm>> -> memref<8x128xi32, #tpu.memory_space<hbm>>
    %dma_start3A_2156 = arith.constant 0 : i32
    %dma_start3A_2157 = arith.constant 0 : i32
    %dma_start3A_2158 = tpu.memref_slice %arg6[%dma_start3A_2150, %dma_start3A_2156, %dma_start3A_2157] : memref<25x8x128xi32, #tpu.memory_space<vmem>> -> memref<1x8x128xi32, #tpu.memory_space<vmem>>
    %dma_start3A_2159 = tpu.memref_squeeze %dma_start3A_2158 : memref<1x8x128xi32, #tpu.memory_space<vmem>> -> memref<8x128xi32, #tpu.memory_space<vmem>>
    %dma_start3A_2160 = tpu.memref_slice %arg2[%dma_start3A_2149, %add3A_1872] : memref<200x16384xi32, #tpu.memory_space<hbm>> -> memref<8x128xi32, #tpu.memory_space<hbm>>
    tpu.enqueue_dma source(%dma_start3A_2160 : memref<8x128xi32, #tpu.memory_space<hbm>>) target(%dma_start3A_2159 : memref<8x128xi32, #tpu.memory_space<vmem>>) target_semaphore(%arg10 : memref<!tpu.dma_semaphore, #tpu.memory_space<semaphore_mem>>)
    %dma_start3A_2161 = arith.constant 192 : i32
    %dma_start3A_2162 = arith.constant 24 : i32
    %dma_start3A_2163 = arith.constant 0 : i32
    %dma_start3A_2164 = arith.constant 0 : i32
    %dma_start3A_2165 = tpu.memref_slice %arg6[%dma_start3A_2162, %dma_start3A_2163, %dma_start3A_2164] : memref<25x8x128xi32, #tpu.memory_space<vmem>> -> memref<1x8x128xi32, #tpu.memory_space<vmem>>
    %dma_start3A_2166 = tpu.memref_squeeze %dma_start3A_2165 : memref<1x8x128xi32, #tpu.memory_space<vmem>> -> memref<8x128xi32, #tpu.memory_space<vmem>>
    %dma_start3A_2167 = tpu.memref_slice %arg2[%dma_start3A_2161, %add3A_1872] : memref<200x16384xi32, #tpu.memory_space<hbm>> -> memref<8x128xi32, #tpu.memory_space<hbm>>
    %dma_start3A_2168 = arith.constant 0 : i32
    %dma_start3A_2169 = arith.constant 0 : i32
    %dma_start3A_2170 = tpu.memref_slice %arg6[%dma_start3A_2162, %dma_start3A_2168, %dma_start3A_2169] : memref<25x8x128xi32, #tpu.memory_space<vmem>> -> memref<1x8x128xi32, #tpu.memory_space<vmem>>
    %dma_start3A_2171 = tpu.memref_squeeze %dma_start3A_2170 : memref<1x8x128xi32, #tpu.memory_space<vmem>> -> memref<8x128xi32, #tpu.memory_space<vmem>>
    %dma_start3A_2172 = tpu.memref_slice %arg2[%dma_start3A_2161, %add3A_1872] : memref<200x16384xi32, #tpu.memory_space<hbm>> -> memref<8x128xi32, #tpu.memory_space<hbm>>
    tpu.enqueue_dma source(%dma_start3A_2172 : memref<8x128xi32, #tpu.memory_space<hbm>>) target(%dma_start3A_2171 : memref<8x128xi32, #tpu.memory_space<vmem>>) target_semaphore(%arg10 : memref<!tpu.dma_semaphore, #tpu.memory_space<semaphore_mem>>)
    %dma_wait3A_2173 = tpu.memref_slice %arg4[%mul3A_957] : memref<3276800xi32, #tpu.memory_space<hbm>> -> memref<25600xi32, #tpu.memory_space<hbm>>
    %dma_wait3A_2174 = tpu.memref_slice %arg4[%mul3A_957] : memref<3276800xi32, #tpu.memory_space<hbm>> -> memref<25600xi32, #tpu.memory_space<hbm>>
    tpu.wait_dma2 semaphore(%arg11 : memref<!tpu.dma_semaphore, #tpu.memory_space<semaphore_mem>>) src(%arg7 : memref<25600xi32, #tpu.memory_space<vmem>>) dst(%dma_wait3A_2174 : memref<25600xi32, #tpu.memory_space<hbm>>)
    %parallel_loop3A_2175 = arith.constant 0 : i32
    %parallel_loop3A_2176 = arith.constant 200 : i32
    %parallel_loop3A_2177 = arith.constant 1 : i32
    scf.for %parallel_loop3A_2499 = %parallel_loop3A_2175 to %parallel_loop3A_2176 step %parallel_loop3A_2177  : i32 {
      %parallel_loop3A_2500 = arith.constant 3 : i32
      %parallel_loop3A_2501 = arith.shrsi %parallel_loop3A_2499, %parallel_loop3A_2500 : i32
      %parallel_loop3A_2502 = arith.constant 7 : i32
      %parallel_loop3A_2503 = arith.andi %parallel_loop3A_2499, %parallel_loop3A_2502 : i32
      %parallel_loop3A_2504 = arith.constant 3 : i32
      %parallel_loop3A_2505 = arith.shli %parallel_loop3A_2501, %parallel_loop3A_2504 : i32
      %parallel_loop3A_2506 = arith.addi %parallel_loop3A_2505, %parallel_loop3A_2503 : i32
      %parallel_loop3A_2507 = arith.constant 0 : i32
      %parallel_loop3A_2508 = arith.index_cast %parallel_loop3A_2501 : i32 to index
      %parallel_loop3A_2509 = arith.index_cast %parallel_loop3A_2503 : i32 to index
      %parallel_loop3A_2510 = arith.index_cast %parallel_loop3A_2507 : i32 to index
      %parallel_loop3A_2511 = tpu.vector_load %arg5[%parallel_loop3A_2508, %parallel_loop3A_2509, %parallel_loop3A_2510] {strides = array<i32>} : memref<25x8x128xi32, #tpu.memory_space<vmem>>, vector<16xi32>,
      %parallel_loop3A_2512 = vector.bitcast %parallel_loop3A_2511 : vector<16xi32> to vector<16xi32>
      %parallel_loop3A_2513 = arith.cmpi eq, %parallel_loop3A_2512, %gather3A_5 : vector<16xi32>
      %parallel_loop3A_2514 = arith.cmpi eq, %parallel_loop3A_2512, %gather3A_10 : vector<16xi32>
      %parallel_loop3A_2515 = arith.select %parallel_loop3A_2514, %gather3A_20, %broadcast_in_dim3A_22 : vector<16xi1>, vector<16xi32>
      %parallel_loop3A_2516 = arith.select %parallel_loop3A_2513, %gather3A_15, %parallel_loop3A_2515 : vector<16xi1>, vector<16xi32>
      %parallel_loop3A_2517 = vector.broadcast %parallel_loop3A_2506 : i32 to vector<16xi32>
      %parallel_loop3A_2518 = arith.addi %parallel_loop3A_2517, %add3A_28 : vector<16xi32>
      tpu.vector_store_idx %arg7[%parallel_loop3A_2518], %parallel_loop3A_2516 : memref<25600xi32, #tpu.memory_space<vmem>>[vector<16xi32>], vector<16xi32>,
      %parallel_loop3A_2519 = arith.constant 16 : i32
      %parallel_loop3A_2520 = arith.index_cast %parallel_loop3A_2501 : i32 to index
      %parallel_loop3A_2521 = arith.index_cast %parallel_loop3A_2503 : i32 to index
      %parallel_loop3A_2522 = arith.index_cast %parallel_loop3A_2519 : i32 to index
      %parallel_loop3A_2523 = tpu.vector_load %arg5[%parallel_loop3A_2520, %parallel_loop3A_2521, %parallel_loop3A_2522] {strides = array<i32>} : memref<25x8x128xi32, #tpu.memory_space<vmem>>, vector<16xi32>,
      %parallel_loop3A_2524 = vector.bitcast %parallel_loop3A_2523 : vector<16xi32> to vector<16xi32>
      %parallel_loop3A_2525 = arith.cmpi eq, %parallel_loop3A_2524, %gather3A_5 : vector<16xi32>
      %parallel_loop3A_2526 = arith.cmpi eq, %parallel_loop3A_2524, %gather3A_10 : vector<16xi32>
      %parallel_loop3A_2527 = arith.select %parallel_loop3A_2526, %gather3A_20, %broadcast_in_dim3A_22 : vector<16xi1>, vector<16xi32>
      %parallel_loop3A_2528 = arith.select %parallel_loop3A_2525, %gather3A_15, %parallel_loop3A_2527 : vector<16xi1>, vector<16xi32>
      %parallel_loop3A_2529 = vector.broadcast %parallel_loop3A_2506 : i32 to vector<16xi32>
      %parallel_loop3A_2530 = arith.addi %parallel_loop3A_2529, %add3A_31 : vector<16xi32>
      tpu.vector_store_idx %arg7[%parallel_loop3A_2530], %parallel_loop3A_2528 : memref<25600xi32, #tpu.memory_space<vmem>>[vector<16xi32>], vector<16xi32>,
      %parallel_loop3A_2531 = arith.constant 32 : i32
      %parallel_loop3A_2532 = arith.index_cast %parallel_loop3A_2501 : i32 to index
      %parallel_loop3A_2533 = arith.index_cast %parallel_loop3A_2503 : i32 to index
      %parallel_loop3A_2534 = arith.index_cast %parallel_loop3A_2531 : i32 to index
      %parallel_loop3A_2535 = tpu.vector_load %arg5[%parallel_loop3A_2532, %parallel_loop3A_2533, %parallel_loop3A_2534] {strides = array<i32>} : memref<25x8x128xi32, #tpu.memory_space<vmem>>, vector<16xi32>,
      %parallel_loop3A_2536 = vector.bitcast %parallel_loop3A_2535 : vector<16xi32> to vector<16xi32>
      %parallel_loop3A_2537 = arith.cmpi eq, %parallel_loop3A_2536, %gather3A_5 : vector<16xi32>
      %parallel_loop3A_2538 = arith.cmpi eq, %parallel_loop3A_2536, %gather3A_10 : vector<16xi32>
      %parallel_loop3A_2539 = arith.select %parallel_loop3A_2538, %gather3A_20, %broadcast_in_dim3A_22 : vector<16xi1>, vector<16xi32>
      %parallel_loop3A_2540 = arith.select %parallel_loop3A_2537, %gather3A_15, %parallel_loop3A_2539 : vector<16xi1>, vector<16xi32>
      %parallel_loop3A_2541 = vector.broadcast %parallel_loop3A_2506 : i32 to vector<16xi32>
      %parallel_loop3A_2542 = arith.addi %parallel_loop3A_2541, %add3A_34 : vector<16xi32>
      tpu.vector_store_idx %arg7[%parallel_loop3A_2542], %parallel_loop3A_2540 : memref<25600xi32, #tpu.memory_space<vmem>>[vector<16xi32>], vector<16xi32>,
      %parallel_loop3A_2543 = arith.constant 48 : i32
      %parallel_loop3A_2544 = arith.index_cast %parallel_loop3A_2501 : i32 to index
      %parallel_loop3A_2545 = arith.index_cast %parallel_loop3A_2503 : i32 to index
      %parallel_loop3A_2546 = arith.index_cast %parallel_loop3A_2543 : i32 to index
      %parallel_loop3A_2547 = tpu.vector_load %arg5[%parallel_loop3A_2544, %parallel_loop3A_2545, %parallel_loop3A_2546] {strides = array<i32>} : memref<25x8x128xi32, #tpu.memory_space<vmem>>, vector<16xi32>,
      %parallel_loop3A_2548 = vector.bitcast %parallel_loop3A_2547 : vector<16xi32> to vector<16xi32>
      %parallel_loop3A_2549 = arith.cmpi eq, %parallel_loop3A_2548, %gather3A_5 : vector<16xi32>
      %parallel_loop3A_2550 = arith.cmpi eq, %parallel_loop3A_2548, %gather3A_10 : vector<16xi32>
      %parallel_loop3A_2551 = arith.select %parallel_loop3A_2550, %gather3A_20, %broadcast_in_dim3A_22 : vector<16xi1>, vector<16xi32>
      %parallel_loop3A_2552 = arith.select %parallel_loop3A_2549, %gather3A_15, %parallel_loop3A_2551 : vector<16xi1>, vector<16xi32>
      %parallel_loop3A_2553 = vector.broadcast %parallel_loop3A_2506 : i32 to vector<16xi32>
      %parallel_loop3A_2554 = arith.addi %parallel_loop3A_2553, %add3A_37 : vector<16xi32>
      tpu.vector_store_idx %arg7[%parallel_loop3A_2554], %parallel_loop3A_2552 : memref<25600xi32, #tpu.memory_space<vmem>>[vector<16xi32>], vector<16xi32>,
      %parallel_loop3A_2555 = arith.constant 64 : i32
      %parallel_loop3A_2556 = arith.index_cast %parallel_loop3A_2501 : i32 to index
      %parallel_loop3A_2557 = arith.index_cast %parallel_loop3A_2503 : i32 to index
      %parallel_loop3A_2558 = arith.index_cast %parallel_loop3A_2555 : i32 to index
      %parallel_loop3A_2559 = tpu.vector_load %arg5[%parallel_loop3A_2556, %parallel_loop3A_2557, %parallel_loop3A_2558] {strides = array<i32>} : memref<25x8x128xi32, #tpu.memory_space<vmem>>, vector<16xi32>,
      %parallel_loop3A_2560 = vector.bitcast %parallel_loop3A_2559 : vector<16xi32> to vector<16xi32>
      %parallel_loop3A_2561 = arith.cmpi eq, %parallel_loop3A_2560, %gather3A_5 : vector<16xi32>
      %parallel_loop3A_2562 = arith.cmpi eq, %parallel_loop3A_2560, %gather3A_10 : vector<16xi32>
      %parallel_loop3A_2563 = arith.select %parallel_loop3A_2562, %gather3A_20, %broadcast_in_dim3A_22 : vector<16xi1>, vector<16xi32>
      %parallel_loop3A_2564 = arith.select %parallel_loop3A_2561, %gather3A_15, %parallel_loop3A_2563 : vector<16xi1>, vector<16xi32>
      %parallel_loop3A_2565 = vector.broadcast %parallel_loop3A_2506 : i32 to vector<16xi32>
      %parallel_loop3A_2566 = arith.addi %parallel_loop3A_2565, %add3A_40 : vector<16xi32>
      tpu.vector_store_idx %arg7[%parallel_loop3A_2566], %parallel_loop3A_2564 : memref<25600xi32, #tpu.memory_space<vmem>>[vector<16xi32>], vector<16xi32>,
      %parallel_loop3A_2567 = arith.constant 80 : i32
      %parallel_loop3A_2568 = arith.index_cast %parallel_loop3A_2501 : i32 to index
      %parallel_loop3A_2569 = arith.index_cast %parallel_loop3A_2503 : i32 to index
      %parallel_loop3A_2570 = arith.index_cast %parallel_loop3A_2567 : i32 to index
      %parallel_loop3A_2571 = tpu.vector_load %arg5[%parallel_loop3A_2568, %parallel_loop3A_2569, %parallel_loop3A_2570] {strides = array<i32>} : memref<25x8x128xi32, #tpu.memory_space<vmem>>, vector<16xi32>,
      %parallel_loop3A_2572 = vector.bitcast %parallel_loop3A_2571 : vector<16xi32> to vector<16xi32>
      %parallel_loop3A_2573 = arith.cmpi eq, %parallel_loop3A_2572, %gather3A_5 : vector<16xi32>
      %parallel_loop3A_2574 = arith.cmpi eq, %parallel_loop3A_2572, %gather3A_10 : vector<16xi32>
      %parallel_loop3A_2575 = arith.select %parallel_loop3A_2574, %gather3A_20, %broadcast_in_dim3A_22 : vector<16xi1>, vector<16xi32>
      %parallel_loop3A_2576 = arith.select %parallel_loop3A_2573, %gather3A_15, %parallel_loop3A_2575 : vector<16xi1>, vector<16xi32>
      %parallel_loop3A_2577 = vector.broadcast %parallel_loop3A_2506 : i32 to vector<16xi32>
      %parallel_loop3A_2578 = arith.addi %parallel_loop3A_2577, %add3A_43 : vector<16xi32>
      tpu.vector_store_idx %arg7[%parallel_loop3A_2578], %parallel_loop3A_2576 : memref<25600xi32, #tpu.memory_space<vmem>>[vector<16xi32>], vector<16xi32>,
      %parallel_loop3A_2579 = arith.constant 96 : i32
      %parallel_loop3A_2580 = arith.index_cast %parallel_loop3A_2501 : i32 to index
      %parallel_loop3A_2581 = arith.index_cast %parallel_loop3A_2503 : i32 to index
      %parallel_loop3A_2582 = arith.index_cast %parallel_loop3A_2579 : i32 to index
      %parallel_loop3A_2583 = tpu.vector_load %arg5[%parallel_loop3A_2580, %parallel_loop3A_2581, %parallel_loop3A_2582] {strides = array<i32>} : memref<25x8x128xi32, #tpu.memory_space<vmem>>, vector<16xi32>,
      %parallel_loop3A_2584 = vector.bitcast %parallel_loop3A_2583 : vector<16xi32> to vector<16xi32>
      %parallel_loop3A_2585 = arith.cmpi eq, %parallel_loop3A_2584, %gather3A_5 : vector<16xi32>
      %parallel_loop3A_2586 = arith.cmpi eq, %parallel_loop3A_2584, %gather3A_10 : vector<16xi32>
      %parallel_loop3A_2587 = arith.select %parallel_loop3A_2586, %gather3A_20, %broadcast_in_dim3A_22 : vector<16xi1>, vector<16xi32>
      %parallel_loop3A_2588 = arith.select %parallel_loop3A_2585, %gather3A_15, %parallel_loop3A_2587 : vector<16xi1>, vector<16xi32>
      %parallel_loop3A_2589 = vector.broadcast %parallel_loop3A_2506 : i32 to vector<16xi32>
      %parallel_loop3A_2590 = arith.addi %parallel_loop3A_2589, %add3A_46 : vector<16xi32>
      tpu.vector_store_idx %arg7[%parallel_loop3A_2590], %parallel_loop3A_2588 : memref<25600xi32, #tpu.memory_space<vmem>>[vector<16xi32>], vector<16xi32>,
      %parallel_loop3A_2591 = arith.constant 112 : i32
      %parallel_loop3A_2592 = arith.index_cast %parallel_loop3A_2501 : i32 to index
      %parallel_loop3A_2593 = arith.index_cast %parallel_loop3A_2503 : i32 to index
      %parallel_loop3A_2594 = arith.index_cast %parallel_loop3A_2591 : i32 to index
      %parallel_loop3A_2595 = tpu.vector_load %arg5[%parallel_loop3A_2592, %parallel_loop3A_2593, %parallel_loop3A_2594] {strides = array<i32>} : memref<25x8x128xi32, #tpu.memory_space<vmem>>, vector<16xi32>,
      %parallel_loop3A_2596 = vector.bitcast %parallel_loop3A_2595 : vector<16xi32> to vector<16xi32>
      %parallel_loop3A_2597 = arith.cmpi eq, %parallel_loop3A_2596, %gather3A_5 : vector<16xi32>
      %parallel_loop3A_2598 = arith.cmpi eq, %parallel_loop3A_2596, %gather3A_10 : vector<16xi32>
      %parallel_loop3A_2599 = arith.select %parallel_loop3A_2598, %gather3A_20, %broadcast_in_dim3A_22 : vector<16xi1>, vector<16xi32>
      %parallel_loop3A_2600 = arith.select %parallel_loop3A_2597, %gather3A_15, %parallel_loop3A_2599 : vector<16xi1>, vector<16xi32>
      %parallel_loop3A_2601 = vector.broadcast %parallel_loop3A_2506 : i32 to vector<16xi32>
      %parallel_loop3A_2602 = arith.addi %parallel_loop3A_2601, %add3A_49 : vector<16xi32>
      tpu.vector_store_idx %arg7[%parallel_loop3A_2602], %parallel_loop3A_2600 : memref<25600xi32, #tpu.memory_space<vmem>>[vector<16xi32>], vector<16xi32>,
    } {sc.loop_unroll_factor = 2 : i64, sc.parallel_access}
    %add3A_2178 = arith.constant 256 : i32
    %add3A_2179 = arith.addi %mul3A_2, %add3A_2178 : i32
    %mul3A_2180 = arith.constant 200 : i32
    %mul3A_2181 = arith.muli %add3A_2179, %mul3A_2180 : i32
    %dma_start3A_2182 = tpu.memref_slice %arg4[%mul3A_2181] : memref<3276800xi32, #tpu.memory_space<hbm>> -> memref<25600xi32, #tpu.memory_space<hbm>>
    %dma_start3A_2183 = tpu.memref_slice %arg4[%mul3A_2181] : memref<3276800xi32, #tpu.memory_space<hbm>> -> memref<25600xi32, #tpu.memory_space<hbm>>
    tpu.enqueue_dma source(%arg7 : memref<25600xi32, #tpu.memory_space<vmem>>) target(%dma_start3A_2183 : memref<25600xi32, #tpu.memory_space<hbm>>) target_semaphore(%arg11 : memref<!tpu.dma_semaphore, #tpu.memory_space<semaphore_mem>>)
    %dma_wait3A_2184 = arith.constant 0 : i32
    %dma_wait3A_2185 = arith.constant 0 : i32
    %dma_wait3A_2186 = arith.constant 0 : i32
    %dma_wait3A_2187 = arith.constant 0 : i32
    %dma_wait3A_2188 = tpu.memref_slice %arg6[%dma_wait3A_2185, %dma_wait3A_2186, %dma_wait3A_2187] : memref<25x8x128xi32, #tpu.memory_space<vmem>> -> memref<1x8x128xi32, #tpu.memory_space<vmem>>
    %dma_wait3A_2189 = tpu.memref_squeeze %dma_wait3A_2188 : memref<1x8x128xi32, #tpu.memory_space<vmem>> -> memref<8x128xi32, #tpu.memory_space<vmem>>
    %dma_wait3A_2190 = tpu.memref_slice %arg2[%dma_wait3A_2184, %add3A_1872] : memref<200x16384xi32, #tpu.memory_space<hbm>> -> memref<8x128xi32, #tpu.memory_space<hbm>>
    %dma_wait3A_2191 = arith.constant 0 : i32
    %dma_wait3A_2192 = arith.constant 0 : i32
    %dma_wait3A_2193 = tpu.memref_slice %arg6[%dma_wait3A_2185, %dma_wait3A_2191, %dma_wait3A_2192] : memref<25x8x128xi32, #tpu.memory_space<vmem>> -> memref<1x8x128xi32, #tpu.memory_space<vmem>>
    %dma_wait3A_2194 = tpu.memref_squeeze %dma_wait3A_2193 : memref<1x8x128xi32, #tpu.memory_space<vmem>> -> memref<8x128xi32, #tpu.memory_space<vmem>>
    %dma_wait3A_2195 = tpu.memref_slice %arg2[%dma_wait3A_2184, %add3A_1872] : memref<200x16384xi32, #tpu.memory_space<hbm>> -> memref<8x128xi32, #tpu.memory_space<hbm>>
    tpu.wait_dma2 semaphore(%arg10 : memref<!tpu.dma_semaphore, #tpu.memory_space<semaphore_mem>>) src(%dma_wait3A_2195 : memref<8x128xi32, #tpu.memory_space<hbm>>) dst(%dma_wait3A_2194 : memref<8x128xi32, #tpu.memory_space<vmem>>)
    %dma_wait3A_2196 = arith.constant 8 : i32
    %dma_wait3A_2197 = arith.constant 1 : i32
    %dma_wait3A_2198 = arith.constant 0 : i32
    %dma_wait3A_2199 = arith.constant 0 : i32
    %dma_wait3A_2200 = tpu.memref_slice %arg6[%dma_wait3A_2197, %dma_wait3A_2198, %dma_wait3A_2199] : memref<25x8x128xi32, #tpu.memory_space<vmem>> -> memref<1x8x128xi32, #tpu.memory_space<vmem>>
    %dma_wait3A_2201 = tpu.memref_squeeze %dma_wait3A_2200 : memref<1x8x128xi32, #tpu.memory_space<vmem>> -> memref<8x128xi32, #tpu.memory_space<vmem>>
    %dma_wait3A_2202 = tpu.memref_slice %arg2[%dma_wait3A_2196, %add3A_1872] : memref<200x16384xi32, #tpu.memory_space<hbm>> -> memref<8x128xi32, #tpu.memory_space<hbm>>
    %dma_wait3A_2203 = arith.constant 0 : i32
    %dma_wait3A_2204 = arith.constant 0 : i32
    %dma_wait3A_2205 = tpu.memref_slice %arg6[%dma_wait3A_2197, %dma_wait3A_2203, %dma_wait3A_2204] : memref<25x8x128xi32, #tpu.memory_space<vmem>> -> memref<1x8x128xi32, #tpu.memory_space<vmem>>
    %dma_wait3A_2206 = tpu.memref_squeeze %dma_wait3A_2205 : memref<1x8x128xi32, #tpu.memory_space<vmem>> -> memref<8x128xi32, #tpu.memory_space<vmem>>
    %dma_wait3A_2207 = tpu.memref_slice %arg2[%dma_wait3A_2196, %add3A_1872] : memref<200x16384xi32, #tpu.memory_space<hbm>> -> memref<8x128xi32, #tpu.memory_space<hbm>>
    tpu.wait_dma2 semaphore(%arg10 : memref<!tpu.dma_semaphore, #tpu.memory_space<semaphore_mem>>) src(%dma_wait3A_2207 : memref<8x128xi32, #tpu.memory_space<hbm>>) dst(%dma_wait3A_2206 : memref<8x128xi32, #tpu.memory_space<vmem>>)
    %dma_wait3A_2208 = arith.constant 16 : i32
    %dma_wait3A_2209 = arith.constant 2 : i32
    %dma_wait3A_2210 = arith.constant 0 : i32
    %dma_wait3A_2211 = arith.constant 0 : i32
    %dma_wait3A_2212 = tpu.memref_slice %arg6[%dma_wait3A_2209, %dma_wait3A_2210, %dma_wait3A_2211] : memref<25x8x128xi32, #tpu.memory_space<vmem>> -> memref<1x8x128xi32, #tpu.memory_space<vmem>>
    %dma_wait3A_2213 = tpu.memref_squeeze %dma_wait3A_2212 : memref<1x8x128xi32, #tpu.memory_space<vmem>> -> memref<8x128xi32, #tpu.memory_space<vmem>>
    %dma_wait3A_2214 = tpu.memref_slice %arg2[%dma_wait3A_2208, %add3A_1872] : memref<200x16384xi32, #tpu.memory_space<hbm>> -> memref<8x128xi32, #tpu.memory_space<hbm>>
    %dma_wait3A_2215 = arith.constant 0 : i32
    %dma_wait3A_2216 = arith.constant 0 : i32
    %dma_wait3A_2217 = tpu.memref_slice %arg6[%dma_wait3A_2209, %dma_wait3A_2215, %dma_wait3A_2216] : memref<25x8x128xi32, #tpu.memory_space<vmem>> -> memref<1x8x128xi32, #tpu.memory_space<vmem>>
    %dma_wait3A_2218 = tpu.memref_squeeze %dma_wait3A_2217 : memref<1x8x128xi32, #tpu.memory_space<vmem>> -> memref<8x128xi32, #tpu.memory_space<vmem>>
    %dma_wait3A_2219 = tpu.memref_slice %arg2[%dma_wait3A_2208, %add3A_1872] : memref<200x16384xi32, #tpu.memory_space<hbm>> -> memref<8x128xi32, #tpu.memory_space<hbm>>
    tpu.wait_dma2 semaphore(%arg10 : memref<!tpu.dma_semaphore, #tpu.memory_space<semaphore_mem>>) src(%dma_wait3A_2219 : memref<8x128xi32, #tpu.memory_space<hbm>>) dst(%dma_wait3A_2218 : memref<8x128xi32, #tpu.memory_space<vmem>>)
    %dma_wait3A_2220 = arith.constant 24 : i32
    %dma_wait3A_2221 = arith.constant 3 : i32
    %dma_wait3A_2222 = arith.constant 0 : i32
    %dma_wait3A_2223 = arith.constant 0 : i32
    %dma_wait3A_2224 = tpu.memref_slice %arg6[%dma_wait3A_2221, %dma_wait3A_2222, %dma_wait3A_2223] : memref<25x8x128xi32, #tpu.memory_space<vmem>> -> memref<1x8x128xi32, #tpu.memory_space<vmem>>
    %dma_wait3A_2225 = tpu.memref_squeeze %dma_wait3A_2224 : memref<1x8x128xi32, #tpu.memory_space<vmem>> -> memref<8x128xi32, #tpu.memory_space<vmem>>
    %dma_wait3A_2226 = tpu.memref_slice %arg2[%dma_wait3A_2220, %add3A_1872] : memref<200x16384xi32, #tpu.memory_space<hbm>> -> memref<8x128xi32, #tpu.memory_space<hbm>>
    %dma_wait3A_2227 = arith.constant 0 : i32
    %dma_wait3A_2228 = arith.constant 0 : i32
    %dma_wait3A_2229 = tpu.memref_slice %arg6[%dma_wait3A_2221, %dma_wait3A_2227, %dma_wait3A_2228] : memref<25x8x128xi32, #tpu.memory_space<vmem>> -> memref<1x8x128xi32, #tpu.memory_space<vmem>>
    %dma_wait3A_2230 = tpu.memref_squeeze %dma_wait3A_2229 : memref<1x8x128xi32, #tpu.memory_space<vmem>> -> memref<8x128xi32, #tpu.memory_space<vmem>>
    %dma_wait3A_2231 = tpu.memref_slice %arg2[%dma_wait3A_2220, %add3A_1872] : memref<200x16384xi32, #tpu.memory_space<hbm>> -> memref<8x128xi32, #tpu.memory_space<hbm>>
    tpu.wait_dma2 semaphore(%arg10 : memref<!tpu.dma_semaphore, #tpu.memory_space<semaphore_mem>>) src(%dma_wait3A_2231 : memref<8x128xi32, #tpu.memory_space<hbm>>) dst(%dma_wait3A_2230 : memref<8x128xi32, #tpu.memory_space<vmem>>)
    %dma_wait3A_2232 = arith.constant 32 : i32
    %dma_wait3A_2233 = arith.constant 4 : i32
    %dma_wait3A_2234 = arith.constant 0 : i32
    %dma_wait3A_2235 = arith.constant 0 : i32
    %dma_wait3A_2236 = tpu.memref_slice %arg6[%dma_wait3A_2233, %dma_wait3A_2234, %dma_wait3A_2235] : memref<25x8x128xi32, #tpu.memory_space<vmem>> -> memref<1x8x128xi32, #tpu.memory_space<vmem>>
    %dma_wait3A_2237 = tpu.memref_squeeze %dma_wait3A_2236 : memref<1x8x128xi32, #tpu.memory_space<vmem>> -> memref<8x128xi32, #tpu.memory_space<vmem>>
    %dma_wait3A_2238 = tpu.memref_slice %arg2[%dma_wait3A_2232, %add3A_1872] : memref<200x16384xi32, #tpu.memory_space<hbm>> -> memref<8x128xi32, #tpu.memory_space<hbm>>
    %dma_wait3A_2239 = arith.constant 0 : i32
    %dma_wait3A_2240 = arith.constant 0 : i32
    %dma_wait3A_2241 = tpu.memref_slice %arg6[%dma_wait3A_2233, %dma_wait3A_2239, %dma_wait3A_2240] : memref<25x8x128xi32, #tpu.memory_space<vmem>> -> memref<1x8x128xi32, #tpu.memory_space<vmem>>
    %dma_wait3A_2242 = tpu.memref_squeeze %dma_wait3A_2241 : memref<1x8x128xi32, #tpu.memory_space<vmem>> -> memref<8x128xi32, #tpu.memory_space<vmem>>
    %dma_wait3A_2243 = tpu.memref_slice %arg2[%dma_wait3A_2232, %add3A_1872] : memref<200x16384xi32, #tpu.memory_space<hbm>> -> memref<8x128xi32, #tpu.memory_space<hbm>>
    tpu.wait_dma2 semaphore(%arg10 : memref<!tpu.dma_semaphore, #tpu.memory_space<semaphore_mem>>) src(%dma_wait3A_2243 : memref<8x128xi32, #tpu.memory_space<hbm>>) dst(%dma_wait3A_2242 : memref<8x128xi32, #tpu.memory_space<vmem>>)
    %dma_wait3A_2244 = arith.constant 40 : i32
    %dma_wait3A_2245 = arith.constant 5 : i32
    %dma_wait3A_2246 = arith.constant 0 : i32
    %dma_wait3A_2247 = arith.constant 0 : i32
    %dma_wait3A_2248 = tpu.memref_slice %arg6[%dma_wait3A_2245, %dma_wait3A_2246, %dma_wait3A_2247] : memref<25x8x128xi32, #tpu.memory_space<vmem>> -> memref<1x8x128xi32, #tpu.memory_space<vmem>>
    %dma_wait3A_2249 = tpu.memref_squeeze %dma_wait3A_2248 : memref<1x8x128xi32, #tpu.memory_space<vmem>> -> memref<8x128xi32, #tpu.memory_space<vmem>>
    %dma_wait3A_2250 = tpu.memref_slice %arg2[%dma_wait3A_2244, %add3A_1872] : memref<200x16384xi32, #tpu.memory_space<hbm>> -> memref<8x128xi32, #tpu.memory_space<hbm>>
    %dma_wait3A_2251 = arith.constant 0 : i32
    %dma_wait3A_2252 = arith.constant 0 : i32
    %dma_wait3A_2253 = tpu.memref_slice %arg6[%dma_wait3A_2245, %dma_wait3A_2251, %dma_wait3A_2252] : memref<25x8x128xi32, #tpu.memory_space<vmem>> -> memref<1x8x128xi32, #tpu.memory_space<vmem>>
    %dma_wait3A_2254 = tpu.memref_squeeze %dma_wait3A_2253 : memref<1x8x128xi32, #tpu.memory_space<vmem>> -> memref<8x128xi32, #tpu.memory_space<vmem>>
    %dma_wait3A_2255 = tpu.memref_slice %arg2[%dma_wait3A_2244, %add3A_1872] : memref<200x16384xi32, #tpu.memory_space<hbm>> -> memref<8x128xi32, #tpu.memory_space<hbm>>
    tpu.wait_dma2 semaphore(%arg10 : memref<!tpu.dma_semaphore, #tpu.memory_space<semaphore_mem>>) src(%dma_wait3A_2255 : memref<8x128xi32, #tpu.memory_space<hbm>>) dst(%dma_wait3A_2254 : memref<8x128xi32, #tpu.memory_space<vmem>>)
    %dma_wait3A_2256 = arith.constant 48 : i32
    %dma_wait3A_2257 = arith.constant 6 : i32
    %dma_wait3A_2258 = arith.constant 0 : i32
    %dma_wait3A_2259 = arith.constant 0 : i32
    %dma_wait3A_2260 = tpu.memref_slice %arg6[%dma_wait3A_2257, %dma_wait3A_2258, %dma_wait3A_2259] : memref<25x8x128xi32, #tpu.memory_space<vmem>> -> memref<1x8x128xi32, #tpu.memory_space<vmem>>
    %dma_wait3A_2261 = tpu.memref_squeeze %dma_wait3A_2260 : memref<1x8x128xi32, #tpu.memory_space<vmem>> -> memref<8x128xi32, #tpu.memory_space<vmem>>
    %dma_wait3A_2262 = tpu.memref_slice %arg2[%dma_wait3A_2256, %add3A_1872] : memref<200x16384xi32, #tpu.memory_space<hbm>> -> memref<8x128xi32, #tpu.memory_space<hbm>>
    %dma_wait3A_2263 = arith.constant 0 : i32
    %dma_wait3A_2264 = arith.constant 0 : i32
    %dma_wait3A_2265 = tpu.memref_slice %arg6[%dma_wait3A_2257, %dma_wait3A_2263, %dma_wait3A_2264] : memref<25x8x128xi32, #tpu.memory_space<vmem>> -> memref<1x8x128xi32, #tpu.memory_space<vmem>>
    %dma_wait3A_2266 = tpu.memref_squeeze %dma_wait3A_2265 : memref<1x8x128xi32, #tpu.memory_space<vmem>> -> memref<8x128xi32, #tpu.memory_space<vmem>>
    %dma_wait3A_2267 = tpu.memref_slice %arg2[%dma_wait3A_2256, %add3A_1872] : memref<200x16384xi32, #tpu.memory_space<hbm>> -> memref<8x128xi32, #tpu.memory_space<hbm>>
    tpu.wait_dma2 semaphore(%arg10 : memref<!tpu.dma_semaphore, #tpu.memory_space<semaphore_mem>>) src(%dma_wait3A_2267 : memref<8x128xi32, #tpu.memory_space<hbm>>) dst(%dma_wait3A_2266 : memref<8x128xi32, #tpu.memory_space<vmem>>)
    %dma_wait3A_2268 = arith.constant 56 : i32
    %dma_wait3A_2269 = arith.constant 7 : i32
    %dma_wait3A_2270 = arith.constant 0 : i32
    %dma_wait3A_2271 = arith.constant 0 : i32
    %dma_wait3A_2272 = tpu.memref_slice %arg6[%dma_wait3A_2269, %dma_wait3A_2270, %dma_wait3A_2271] : memref<25x8x128xi32, #tpu.memory_space<vmem>> -> memref<1x8x128xi32, #tpu.memory_space<vmem>>
    %dma_wait3A_2273 = tpu.memref_squeeze %dma_wait3A_2272 : memref<1x8x128xi32, #tpu.memory_space<vmem>> -> memref<8x128xi32, #tpu.memory_space<vmem>>
    %dma_wait3A_2274 = tpu.memref_slice %arg2[%dma_wait3A_2268, %add3A_1872] : memref<200x16384xi32, #tpu.memory_space<hbm>> -> memref<8x128xi32, #tpu.memory_space<hbm>>
    %dma_wait3A_2275 = arith.constant 0 : i32
    %dma_wait3A_2276 = arith.constant 0 : i32
    %dma_wait3A_2277 = tpu.memref_slice %arg6[%dma_wait3A_2269, %dma_wait3A_2275, %dma_wait3A_2276] : memref<25x8x128xi32, #tpu.memory_space<vmem>> -> memref<1x8x128xi32, #tpu.memory_space<vmem>>
    %dma_wait3A_2278 = tpu.memref_squeeze %dma_wait3A_2277 : memref<1x8x128xi32, #tpu.memory_space<vmem>> -> memref<8x128xi32, #tpu.memory_space<vmem>>
    %dma_wait3A_2279 = tpu.memref_slice %arg2[%dma_wait3A_2268, %add3A_1872] : memref<200x16384xi32, #tpu.memory_space<hbm>> -> memref<8x128xi32, #tpu.memory_space<hbm>>
    tpu.wait_dma2 semaphore(%arg10 : memref<!tpu.dma_semaphore, #tpu.memory_space<semaphore_mem>>) src(%dma_wait3A_2279 : memref<8x128xi32, #tpu.memory_space<hbm>>) dst(%dma_wait3A_2278 : memref<8x128xi32, #tpu.memory_space<vmem>>)
    %dma_wait3A_2280 = arith.constant 64 : i32
    %dma_wait3A_2281 = arith.constant 8 : i32
    %dma_wait3A_2282 = arith.constant 0 : i32
    %dma_wait3A_2283 = arith.constant 0 : i32
    %dma_wait3A_2284 = tpu.memref_slice %arg6[%dma_wait3A_2281, %dma_wait3A_2282, %dma_wait3A_2283] : memref<25x8x128xi32, #tpu.memory_space<vmem>> -> memref<1x8x128xi32, #tpu.memory_space<vmem>>
    %dma_wait3A_2285 = tpu.memref_squeeze %dma_wait3A_2284 : memref<1x8x128xi32, #tpu.memory_space<vmem>> -> memref<8x128xi32, #tpu.memory_space<vmem>>
    %dma_wait3A_2286 = tpu.memref_slice %arg2[%dma_wait3A_2280, %add3A_1872] : memref<200x16384xi32, #tpu.memory_space<hbm>> -> memref<8x128xi32, #tpu.memory_space<hbm>>
    %dma_wait3A_2287 = arith.constant 0 : i32
    %dma_wait3A_2288 = arith.constant 0 : i32
    %dma_wait3A_2289 = tpu.memref_slice %arg6[%dma_wait3A_2281, %dma_wait3A_2287, %dma_wait3A_2288] : memref<25x8x128xi32, #tpu.memory_space<vmem>> -> memref<1x8x128xi32, #tpu.memory_space<vmem>>
    %dma_wait3A_2290 = tpu.memref_squeeze %dma_wait3A_2289 : memref<1x8x128xi32, #tpu.memory_space<vmem>> -> memref<8x128xi32, #tpu.memory_space<vmem>>
    %dma_wait3A_2291 = tpu.memref_slice %arg2[%dma_wait3A_2280, %add3A_1872] : memref<200x16384xi32, #tpu.memory_space<hbm>> -> memref<8x128xi32, #tpu.memory_space<hbm>>
    tpu.wait_dma2 semaphore(%arg10 : memref<!tpu.dma_semaphore, #tpu.memory_space<semaphore_mem>>) src(%dma_wait3A_2291 : memref<8x128xi32, #tpu.memory_space<hbm>>) dst(%dma_wait3A_2290 : memref<8x128xi32, #tpu.memory_space<vmem>>)
    %dma_wait3A_2292 = arith.constant 72 : i32
    %dma_wait3A_2293 = arith.constant 9 : i32
    %dma_wait3A_2294 = arith.constant 0 : i32
    %dma_wait3A_2295 = arith.constant 0 : i32
    %dma_wait3A_2296 = tpu.memref_slice %arg6[%dma_wait3A_2293, %dma_wait3A_2294, %dma_wait3A_2295] : memref<25x8x128xi32, #tpu.memory_space<vmem>> -> memref<1x8x128xi32, #tpu.memory_space<vmem>>
    %dma_wait3A_2297 = tpu.memref_squeeze %dma_wait3A_2296 : memref<1x8x128xi32, #tpu.memory_space<vmem>> -> memref<8x128xi32, #tpu.memory_space<vmem>>
    %dma_wait3A_2298 = tpu.memref_slice %arg2[%dma_wait3A_2292, %add3A_1872] : memref<200x16384xi32, #tpu.memory_space<hbm>> -> memref<8x128xi32, #tpu.memory_space<hbm>>
    %dma_wait3A_2299 = arith.constant 0 : i32
    %dma_wait3A_2300 = arith.constant 0 : i32
    %dma_wait3A_2301 = tpu.memref_slice %arg6[%dma_wait3A_2293, %dma_wait3A_2299, %dma_wait3A_2300] : memref<25x8x128xi32, #tpu.memory_space<vmem>> -> memref<1x8x128xi32, #tpu.memory_space<vmem>>
    %dma_wait3A_2302 = tpu.memref_squeeze %dma_wait3A_2301 : memref<1x8x128xi32, #tpu.memory_space<vmem>> -> memref<8x128xi32, #tpu.memory_space<vmem>>
    %dma_wait3A_2303 = tpu.memref_slice %arg2[%dma_wait3A_2292, %add3A_1872] : memref<200x16384xi32, #tpu.memory_space<hbm>> -> memref<8x128xi32, #tpu.memory_space<hbm>>
    tpu.wait_dma2 semaphore(%arg10 : memref<!tpu.dma_semaphore, #tpu.memory_space<semaphore_mem>>) src(%dma_wait3A_2303 : memref<8x128xi32, #tpu.memory_space<hbm>>) dst(%dma_wait3A_2302 : memref<8x128xi32, #tpu.memory_space<vmem>>)
    %dma_wait3A_2304 = arith.constant 80 : i32
    %dma_wait3A_2305 = arith.constant 10 : i32
    %dma_wait3A_2306 = arith.constant 0 : i32
    %dma_wait3A_2307 = arith.constant 0 : i32
    %dma_wait3A_2308 = tpu.memref_slice %arg6[%dma_wait3A_2305, %dma_wait3A_2306, %dma_wait3A_2307] : memref<25x8x128xi32, #tpu.memory_space<vmem>> -> memref<1x8x128xi32, #tpu.memory_space<vmem>>
    %dma_wait3A_2309 = tpu.memref_squeeze %dma_wait3A_2308 : memref<1x8x128xi32, #tpu.memory_space<vmem>> -> memref<8x128xi32, #tpu.memory_space<vmem>>
    %dma_wait3A_2310 = tpu.memref_slice %arg2[%dma_wait3A_2304, %add3A_1872] : memref<200x16384xi32, #tpu.memory_space<hbm>> -> memref<8x128xi32, #tpu.memory_space<hbm>>
    %dma_wait3A_2311 = arith.constant 0 : i32
    %dma_wait3A_2312 = arith.constant 0 : i32
    %dma_wait3A_2313 = tpu.memref_slice %arg6[%dma_wait3A_2305, %dma_wait3A_2311, %dma_wait3A_2312] : memref<25x8x128xi32, #tpu.memory_space<vmem>> -> memref<1x8x128xi32, #tpu.memory_space<vmem>>
    %dma_wait3A_2314 = tpu.memref_squeeze %dma_wait3A_2313 : memref<1x8x128xi32, #tpu.memory_space<vmem>> -> memref<8x128xi32, #tpu.memory_space<vmem>>
    %dma_wait3A_2315 = tpu.memref_slice %arg2[%dma_wait3A_2304, %add3A_1872] : memref<200x16384xi32, #tpu.memory_space<hbm>> -> memref<8x128xi32, #tpu.memory_space<hbm>>
    tpu.wait_dma2 semaphore(%arg10 : memref<!tpu.dma_semaphore, #tpu.memory_space<semaphore_mem>>) src(%dma_wait3A_2315 : memref<8x128xi32, #tpu.memory_space<hbm>>) dst(%dma_wait3A_2314 : memref<8x128xi32, #tpu.memory_space<vmem>>)
    %dma_wait3A_2316 = arith.constant 88 : i32
    %dma_wait3A_2317 = arith.constant 11 : i32
    %dma_wait3A_2318 = arith.constant 0 : i32
    %dma_wait3A_2319 = arith.constant 0 : i32
    %dma_wait3A_2320 = tpu.memref_slice %arg6[%dma_wait3A_2317, %dma_wait3A_2318, %dma_wait3A_2319] : memref<25x8x128xi32, #tpu.memory_space<vmem>> -> memref<1x8x128xi32, #tpu.memory_space<vmem>>
    %dma_wait3A_2321 = tpu.memref_squeeze %dma_wait3A_2320 : memref<1x8x128xi32, #tpu.memory_space<vmem>> -> memref<8x128xi32, #tpu.memory_space<vmem>>
    %dma_wait3A_2322 = tpu.memref_slice %arg2[%dma_wait3A_2316, %add3A_1872] : memref<200x16384xi32, #tpu.memory_space<hbm>> -> memref<8x128xi32, #tpu.memory_space<hbm>>
    %dma_wait3A_2323 = arith.constant 0 : i32
    %dma_wait3A_2324 = arith.constant 0 : i32
    %dma_wait3A_2325 = tpu.memref_slice %arg6[%dma_wait3A_2317, %dma_wait3A_2323, %dma_wait3A_2324] : memref<25x8x128xi32, #tpu.memory_space<vmem>> -> memref<1x8x128xi32, #tpu.memory_space<vmem>>
    %dma_wait3A_2326 = tpu.memref_squeeze %dma_wait3A_2325 : memref<1x8x128xi32, #tpu.memory_space<vmem>> -> memref<8x128xi32, #tpu.memory_space<vmem>>
    %dma_wait3A_2327 = tpu.memref_slice %arg2[%dma_wait3A_2316, %add3A_1872] : memref<200x16384xi32, #tpu.memory_space<hbm>> -> memref<8x128xi32, #tpu.memory_space<hbm>>
    tpu.wait_dma2 semaphore(%arg10 : memref<!tpu.dma_semaphore, #tpu.memory_space<semaphore_mem>>) src(%dma_wait3A_2327 : memref<8x128xi32, #tpu.memory_space<hbm>>) dst(%dma_wait3A_2326 : memref<8x128xi32, #tpu.memory_space<vmem>>)
    %dma_wait3A_2328 = arith.constant 96 : i32
    %dma_wait3A_2329 = arith.constant 12 : i32
    %dma_wait3A_2330 = arith.constant 0 : i32
    %dma_wait3A_2331 = arith.constant 0 : i32
    %dma_wait3A_2332 = tpu.memref_slice %arg6[%dma_wait3A_2329, %dma_wait3A_2330, %dma_wait3A_2331] : memref<25x8x128xi32, #tpu.memory_space<vmem>> -> memref<1x8x128xi32, #tpu.memory_space<vmem>>
    %dma_wait3A_2333 = tpu.memref_squeeze %dma_wait3A_2332 : memref<1x8x128xi32, #tpu.memory_space<vmem>> -> memref<8x128xi32, #tpu.memory_space<vmem>>
    %dma_wait3A_2334 = tpu.memref_slice %arg2[%dma_wait3A_2328, %add3A_1872] : memref<200x16384xi32, #tpu.memory_space<hbm>> -> memref<8x128xi32, #tpu.memory_space<hbm>>
    %dma_wait3A_2335 = arith.constant 0 : i32
    %dma_wait3A_2336 = arith.constant 0 : i32
    %dma_wait3A_2337 = tpu.memref_slice %arg6[%dma_wait3A_2329, %dma_wait3A_2335, %dma_wait3A_2336] : memref<25x8x128xi32, #tpu.memory_space<vmem>> -> memref<1x8x128xi32, #tpu.memory_space<vmem>>
    %dma_wait3A_2338 = tpu.memref_squeeze %dma_wait3A_2337 : memref<1x8x128xi32, #tpu.memory_space<vmem>> -> memref<8x128xi32, #tpu.memory_space<vmem>>
    %dma_wait3A_2339 = tpu.memref_slice %arg2[%dma_wait3A_2328, %add3A_1872] : memref<200x16384xi32, #tpu.memory_space<hbm>> -> memref<8x128xi32, #tpu.memory_space<hbm>>
    tpu.wait_dma2 semaphore(%arg10 : memref<!tpu.dma_semaphore, #tpu.memory_space<semaphore_mem>>) src(%dma_wait3A_2339 : memref<8x128xi32, #tpu.memory_space<hbm>>) dst(%dma_wait3A_2338 : memref<8x128xi32, #tpu.memory_space<vmem>>)
    %dma_wait3A_2340 = arith.constant 104 : i32
    %dma_wait3A_2341 = arith.constant 13 : i32
    %dma_wait3A_2342 = arith.constant 0 : i32
    %dma_wait3A_2343 = arith.constant 0 : i32
    %dma_wait3A_2344 = tpu.memref_slice %arg6[%dma_wait3A_2341, %dma_wait3A_2342, %dma_wait3A_2343] : memref<25x8x128xi32, #tpu.memory_space<vmem>> -> memref<1x8x128xi32, #tpu.memory_space<vmem>>
    %dma_wait3A_2345 = tpu.memref_squeeze %dma_wait3A_2344 : memref<1x8x128xi32, #tpu.memory_space<vmem>> -> memref<8x128xi32, #tpu.memory_space<vmem>>
    %dma_wait3A_2346 = tpu.memref_slice %arg2[%dma_wait3A_2340, %add3A_1872] : memref<200x16384xi32, #tpu.memory_space<hbm>> -> memref<8x128xi32, #tpu.memory_space<hbm>>
    %dma_wait3A_2347 = arith.constant 0 : i32
    %dma_wait3A_2348 = arith.constant 0 : i32
    %dma_wait3A_2349 = tpu.memref_slice %arg6[%dma_wait3A_2341, %dma_wait3A_2347, %dma_wait3A_2348] : memref<25x8x128xi32, #tpu.memory_space<vmem>> -> memref<1x8x128xi32, #tpu.memory_space<vmem>>
    %dma_wait3A_2350 = tpu.memref_squeeze %dma_wait3A_2349 : memref<1x8x128xi32, #tpu.memory_space<vmem>> -> memref<8x128xi32, #tpu.memory_space<vmem>>
    %dma_wait3A_2351 = tpu.memref_slice %arg2[%dma_wait3A_2340, %add3A_1872] : memref<200x16384xi32, #tpu.memory_space<hbm>> -> memref<8x128xi32, #tpu.memory_space<hbm>>
    tpu.wait_dma2 semaphore(%arg10 : memref<!tpu.dma_semaphore, #tpu.memory_space<semaphore_mem>>) src(%dma_wait3A_2351 : memref<8x128xi32, #tpu.memory_space<hbm>>) dst(%dma_wait3A_2350 : memref<8x128xi32, #tpu.memory_space<vmem>>)
    %dma_wait3A_2352 = arith.constant 112 : i32
    %dma_wait3A_2353 = arith.constant 14 : i32
    %dma_wait3A_2354 = arith.constant 0 : i32
    %dma_wait3A_2355 = arith.constant 0 : i32
    %dma_wait3A_2356 = tpu.memref_slice %arg6[%dma_wait3A_2353, %dma_wait3A_2354, %dma_wait3A_2355] : memref<25x8x128xi32, #tpu.memory_space<vmem>> -> memref<1x8x128xi32, #tpu.memory_space<vmem>>
    %dma_wait3A_2357 = tpu.memref_squeeze %dma_wait3A_2356 : memref<1x8x128xi32, #tpu.memory_space<vmem>> -> memref<8x128xi32, #tpu.memory_space<vmem>>
    %dma_wait3A_2358 = tpu.memref_slice %arg2[%dma_wait3A_2352, %add3A_1872] : memref<200x16384xi32, #tpu.memory_space<hbm>> -> memref<8x128xi32, #tpu.memory_space<hbm>>
    %dma_wait3A_2359 = arith.constant 0 : i32
    %dma_wait3A_2360 = arith.constant 0 : i32
    %dma_wait3A_2361 = tpu.memref_slice %arg6[%dma_wait3A_2353, %dma_wait3A_2359, %dma_wait3A_2360] : memref<25x8x128xi32, #tpu.memory_space<vmem>> -> memref<1x8x128xi32, #tpu.memory_space<vmem>>
    %dma_wait3A_2362 = tpu.memref_squeeze %dma_wait3A_2361 : memref<1x8x128xi32, #tpu.memory_space<vmem>> -> memref<8x128xi32, #tpu.memory_space<vmem>>
    %dma_wait3A_2363 = tpu.memref_slice %arg2[%dma_wait3A_2352, %add3A_1872] : memref<200x16384xi32, #tpu.memory_space<hbm>> -> memref<8x128xi32, #tpu.memory_space<hbm>>
    tpu.wait_dma2 semaphore(%arg10 : memref<!tpu.dma_semaphore, #tpu.memory_space<semaphore_mem>>) src(%dma_wait3A_2363 : memref<8x128xi32, #tpu.memory_space<hbm>>) dst(%dma_wait3A_2362 : memref<8x128xi32, #tpu.memory_space<vmem>>)
    %dma_wait3A_2364 = arith.constant 120 : i32
    %dma_wait3A_2365 = arith.constant 15 : i32
    %dma_wait3A_2366 = arith.constant 0 : i32
    %dma_wait3A_2367 = arith.constant 0 : i32
    %dma_wait3A_2368 = tpu.memref_slice %arg6[%dma_wait3A_2365, %dma_wait3A_2366, %dma_wait3A_2367] : memref<25x8x128xi32, #tpu.memory_space<vmem>> -> memref<1x8x128xi32, #tpu.memory_space<vmem>>
    %dma_wait3A_2369 = tpu.memref_squeeze %dma_wait3A_2368 : memref<1x8x128xi32, #tpu.memory_space<vmem>> -> memref<8x128xi32, #tpu.memory_space<vmem>>
    %dma_wait3A_2370 = tpu.memref_slice %arg2[%dma_wait3A_2364, %add3A_1872] : memref<200x16384xi32, #tpu.memory_space<hbm>> -> memref<8x128xi32, #tpu.memory_space<hbm>>
    %dma_wait3A_2371 = arith.constant 0 : i32
    %dma_wait3A_2372 = arith.constant 0 : i32
    %dma_wait3A_2373 = tpu.memref_slice %arg6[%dma_wait3A_2365, %dma_wait3A_2371, %dma_wait3A_2372] : memref<25x8x128xi32, #tpu.memory_space<vmem>> -> memref<1x8x128xi32, #tpu.memory_space<vmem>>
    %dma_wait3A_2374 = tpu.memref_squeeze %dma_wait3A_2373 : memref<1x8x128xi32, #tpu.memory_space<vmem>> -> memref<8x128xi32, #tpu.memory_space<vmem>>
    %dma_wait3A_2375 = tpu.memref_slice %arg2[%dma_wait3A_2364, %add3A_1872] : memref<200x16384xi32, #tpu.memory_space<hbm>> -> memref<8x128xi32, #tpu.memory_space<hbm>>
    tpu.wait_dma2 semaphore(%arg10 : memref<!tpu.dma_semaphore, #tpu.memory_space<semaphore_mem>>) src(%dma_wait3A_2375 : memref<8x128xi32, #tpu.memory_space<hbm>>) dst(%dma_wait3A_2374 : memref<8x128xi32, #tpu.memory_space<vmem>>)
    %dma_wait3A_2376 = arith.constant 128 : i32
    %dma_wait3A_2377 = arith.constant 16 : i32
    %dma_wait3A_2378 = arith.constant 0 : i32
    %dma_wait3A_2379 = arith.constant 0 : i32
    %dma_wait3A_2380 = tpu.memref_slice %arg6[%dma_wait3A_2377, %dma_wait3A_2378, %dma_wait3A_2379] : memref<25x8x128xi32, #tpu.memory_space<vmem>> -> memref<1x8x128xi32, #tpu.memory_space<vmem>>
    %dma_wait3A_2381 = tpu.memref_squeeze %dma_wait3A_2380 : memref<1x8x128xi32, #tpu.memory_space<vmem>> -> memref<8x128xi32, #tpu.memory_space<vmem>>
    %dma_wait3A_2382 = tpu.memref_slice %arg2[%dma_wait3A_2376, %add3A_1872] : memref<200x16384xi32, #tpu.memory_space<hbm>> -> memref<8x128xi32, #tpu.memory_space<hbm>>
    %dma_wait3A_2383 = arith.constant 0 : i32
    %dma_wait3A_2384 = arith.constant 0 : i32
    %dma_wait3A_2385 = tpu.memref_slice %arg6[%dma_wait3A_2377, %dma_wait3A_2383, %dma_wait3A_2384] : memref<25x8x128xi32, #tpu.memory_space<vmem>> -> memref<1x8x128xi32, #tpu.memory_space<vmem>>
    %dma_wait3A_2386 = tpu.memref_squeeze %dma_wait3A_2385 : memref<1x8x128xi32, #tpu.memory_space<vmem>> -> memref<8x128xi32, #tpu.memory_space<vmem>>
    %dma_wait3A_2387 = tpu.memref_slice %arg2[%dma_wait3A_2376, %add3A_1872] : memref<200x16384xi32, #tpu.memory_space<hbm>> -> memref<8x128xi32, #tpu.memory_space<hbm>>
    tpu.wait_dma2 semaphore(%arg10 : memref<!tpu.dma_semaphore, #tpu.memory_space<semaphore_mem>>) src(%dma_wait3A_2387 : memref<8x128xi32, #tpu.memory_space<hbm>>) dst(%dma_wait3A_2386 : memref<8x128xi32, #tpu.memory_space<vmem>>)
    %dma_wait3A_2388 = arith.constant 136 : i32
    %dma_wait3A_2389 = arith.constant 17 : i32
    %dma_wait3A_2390 = arith.constant 0 : i32
    %dma_wait3A_2391 = arith.constant 0 : i32
    %dma_wait3A_2392 = tpu.memref_slice %arg6[%dma_wait3A_2389, %dma_wait3A_2390, %dma_wait3A_2391] : memref<25x8x128xi32, #tpu.memory_space<vmem>> -> memref<1x8x128xi32, #tpu.memory_space<vmem>>
    %dma_wait3A_2393 = tpu.memref_squeeze %dma_wait3A_2392 : memref<1x8x128xi32, #tpu.memory_space<vmem>> -> memref<8x128xi32, #tpu.memory_space<vmem>>
    %dma_wait3A_2394 = tpu.memref_slice %arg2[%dma_wait3A_2388, %add3A_1872] : memref<200x16384xi32, #tpu.memory_space<hbm>> -> memref<8x128xi32, #tpu.memory_space<hbm>>
    %dma_wait3A_2395 = arith.constant 0 : i32
    %dma_wait3A_2396 = arith.constant 0 : i32
    %dma_wait3A_2397 = tpu.memref_slice %arg6[%dma_wait3A_2389, %dma_wait3A_2395, %dma_wait3A_2396] : memref<25x8x128xi32, #tpu.memory_space<vmem>> -> memref<1x8x128xi32, #tpu.memory_space<vmem>>
    %dma_wait3A_2398 = tpu.memref_squeeze %dma_wait3A_2397 : memref<1x8x128xi32, #tpu.memory_space<vmem>> -> memref<8x128xi32, #tpu.memory_space<vmem>>
    %dma_wait3A_2399 = tpu.memref_slice %arg2[%dma_wait3A_2388, %add3A_1872] : memref<200x16384xi32, #tpu.memory_space<hbm>> -> memref<8x128xi32, #tpu.memory_space<hbm>>
    tpu.wait_dma2 semaphore(%arg10 : memref<!tpu.dma_semaphore, #tpu.memory_space<semaphore_mem>>) src(%dma_wait3A_2399 : memref<8x128xi32, #tpu.memory_space<hbm>>) dst(%dma_wait3A_2398 : memref<8x128xi32, #tpu.memory_space<vmem>>)
    %dma_wait3A_2400 = arith.constant 144 : i32
    %dma_wait3A_2401 = arith.constant 18 : i32
    %dma_wait3A_2402 = arith.constant 0 : i32
    %dma_wait3A_2403 = arith.constant 0 : i32
    %dma_wait3A_2404 = tpu.memref_slice %arg6[%dma_wait3A_2401, %dma_wait3A_2402, %dma_wait3A_2403] : memref<25x8x128xi32, #tpu.memory_space<vmem>> -> memref<1x8x128xi32, #tpu.memory_space<vmem>>
    %dma_wait3A_2405 = tpu.memref_squeeze %dma_wait3A_2404 : memref<1x8x128xi32, #tpu.memory_space<vmem>> -> memref<8x128xi32, #tpu.memory_space<vmem>>
    %dma_wait3A_2406 = tpu.memref_slice %arg2[%dma_wait3A_2400, %add3A_1872] : memref<200x16384xi32, #tpu.memory_space<hbm>> -> memref<8x128xi32, #tpu.memory_space<hbm>>
    %dma_wait3A_2407 = arith.constant 0 : i32
    %dma_wait3A_2408 = arith.constant 0 : i32
    %dma_wait3A_2409 = tpu.memref_slice %arg6[%dma_wait3A_2401, %dma_wait3A_2407, %dma_wait3A_2408] : memref<25x8x128xi32, #tpu.memory_space<vmem>> -> memref<1x8x128xi32, #tpu.memory_space<vmem>>
    %dma_wait3A_2410 = tpu.memref_squeeze %dma_wait3A_2409 : memref<1x8x128xi32, #tpu.memory_space<vmem>> -> memref<8x128xi32, #tpu.memory_space<vmem>>
    %dma_wait3A_2411 = tpu.memref_slice %arg2[%dma_wait3A_2400, %add3A_1872] : memref<200x16384xi32, #tpu.memory_space<hbm>> -> memref<8x128xi32, #tpu.memory_space<hbm>>
    tpu.wait_dma2 semaphore(%arg10 : memref<!tpu.dma_semaphore, #tpu.memory_space<semaphore_mem>>) src(%dma_wait3A_2411 : memref<8x128xi32, #tpu.memory_space<hbm>>) dst(%dma_wait3A_2410 : memref<8x128xi32, #tpu.memory_space<vmem>>)
    %dma_wait3A_2412 = arith.constant 152 : i32
    %dma_wait3A_2413 = arith.constant 19 : i32
    %dma_wait3A_2414 = arith.constant 0 : i32
    %dma_wait3A_2415 = arith.constant 0 : i32
    %dma_wait3A_2416 = tpu.memref_slice %arg6[%dma_wait3A_2413, %dma_wait3A_2414, %dma_wait3A_2415] : memref<25x8x128xi32, #tpu.memory_space<vmem>> -> memref<1x8x128xi32, #tpu.memory_space<vmem>>
    %dma_wait3A_2417 = tpu.memref_squeeze %dma_wait3A_2416 : memref<1x8x128xi32, #tpu.memory_space<vmem>> -> memref<8x128xi32, #tpu.memory_space<vmem>>
    %dma_wait3A_2418 = tpu.memref_slice %arg2[%dma_wait3A_2412, %add3A_1872] : memref<200x16384xi32, #tpu.memory_space<hbm>> -> memref<8x128xi32, #tpu.memory_space<hbm>>
    %dma_wait3A_2419 = arith.constant 0 : i32
    %dma_wait3A_2420 = arith.constant 0 : i32
    %dma_wait3A_2421 = tpu.memref_slice %arg6[%dma_wait3A_2413, %dma_wait3A_2419, %dma_wait3A_2420] : memref<25x8x128xi32, #tpu.memory_space<vmem>> -> memref<1x8x128xi32, #tpu.memory_space<vmem>>
    %dma_wait3A_2422 = tpu.memref_squeeze %dma_wait3A_2421 : memref<1x8x128xi32, #tpu.memory_space<vmem>> -> memref<8x128xi32, #tpu.memory_space<vmem>>
    %dma_wait3A_2423 = tpu.memref_slice %arg2[%dma_wait3A_2412, %add3A_1872] : memref<200x16384xi32, #tpu.memory_space<hbm>> -> memref<8x128xi32, #tpu.memory_space<hbm>>
    tpu.wait_dma2 semaphore(%arg10 : memref<!tpu.dma_semaphore, #tpu.memory_space<semaphore_mem>>) src(%dma_wait3A_2423 : memref<8x128xi32, #tpu.memory_space<hbm>>) dst(%dma_wait3A_2422 : memref<8x128xi32, #tpu.memory_space<vmem>>)
    %dma_wait3A_2424 = arith.constant 160 : i32
    %dma_wait3A_2425 = arith.constant 20 : i32
    %dma_wait3A_2426 = arith.constant 0 : i32
    %dma_wait3A_2427 = arith.constant 0 : i32
    %dma_wait3A_2428 = tpu.memref_slice %arg6[%dma_wait3A_2425, %dma_wait3A_2426, %dma_wait3A_2427] : memref<25x8x128xi32, #tpu.memory_space<vmem>> -> memref<1x8x128xi32, #tpu.memory_space<vmem>>
    %dma_wait3A_2429 = tpu.memref_squeeze %dma_wait3A_2428 : memref<1x8x128xi32, #tpu.memory_space<vmem>> -> memref<8x128xi32, #tpu.memory_space<vmem>>
    %dma_wait3A_2430 = tpu.memref_slice %arg2[%dma_wait3A_2424, %add3A_1872] : memref<200x16384xi32, #tpu.memory_space<hbm>> -> memref<8x128xi32, #tpu.memory_space<hbm>>
    %dma_wait3A_2431 = arith.constant 0 : i32
    %dma_wait3A_2432 = arith.constant 0 : i32
    %dma_wait3A_2433 = tpu.memref_slice %arg6[%dma_wait3A_2425, %dma_wait3A_2431, %dma_wait3A_2432] : memref<25x8x128xi32, #tpu.memory_space<vmem>> -> memref<1x8x128xi32, #tpu.memory_space<vmem>>
    %dma_wait3A_2434 = tpu.memref_squeeze %dma_wait3A_2433 : memref<1x8x128xi32, #tpu.memory_space<vmem>> -> memref<8x128xi32, #tpu.memory_space<vmem>>
    %dma_wait3A_2435 = tpu.memref_slice %arg2[%dma_wait3A_2424, %add3A_1872] : memref<200x16384xi32, #tpu.memory_space<hbm>> -> memref<8x128xi32, #tpu.memory_space<hbm>>
    tpu.wait_dma2 semaphore(%arg10 : memref<!tpu.dma_semaphore, #tpu.memory_space<semaphore_mem>>) src(%dma_wait3A_2435 : memref<8x128xi32, #tpu.memory_space<hbm>>) dst(%dma_wait3A_2434 : memref<8x128xi32, #tpu.memory_space<vmem>>)
    %dma_wait3A_2436 = arith.constant 168 : i32
    %dma_wait3A_2437 = arith.constant 21 : i32
    %dma_wait3A_2438 = arith.constant 0 : i32
    %dma_wait3A_2439 = arith.constant 0 : i32
    %dma_wait3A_2440 = tpu.memref_slice %arg6[%dma_wait3A_2437, %dma_wait3A_2438, %dma_wait3A_2439] : memref<25x8x128xi32, #tpu.memory_space<vmem>> -> memref<1x8x128xi32, #tpu.memory_space<vmem>>
    %dma_wait3A_2441 = tpu.memref_squeeze %dma_wait3A_2440 : memref<1x8x128xi32, #tpu.memory_space<vmem>> -> memref<8x128xi32, #tpu.memory_space<vmem>>
    %dma_wait3A_2442 = tpu.memref_slice %arg2[%dma_wait3A_2436, %add3A_1872] : memref<200x16384xi32, #tpu.memory_space<hbm>> -> memref<8x128xi32, #tpu.memory_space<hbm>>
    %dma_wait3A_2443 = arith.constant 0 : i32
    %dma_wait3A_2444 = arith.constant 0 : i32
    %dma_wait3A_2445 = tpu.memref_slice %arg6[%dma_wait3A_2437, %dma_wait3A_2443, %dma_wait3A_2444] : memref<25x8x128xi32, #tpu.memory_space<vmem>> -> memref<1x8x128xi32, #tpu.memory_space<vmem>>
    %dma_wait3A_2446 = tpu.memref_squeeze %dma_wait3A_2445 : memref<1x8x128xi32, #tpu.memory_space<vmem>> -> memref<8x128xi32, #tpu.memory_space<vmem>>
    %dma_wait3A_2447 = tpu.memref_slice %arg2[%dma_wait3A_2436, %add3A_1872] : memref<200x16384xi32, #tpu.memory_space<hbm>> -> memref<8x128xi32, #tpu.memory_space<hbm>>
    tpu.wait_dma2 semaphore(%arg10 : memref<!tpu.dma_semaphore, #tpu.memory_space<semaphore_mem>>) src(%dma_wait3A_2447 : memref<8x128xi32, #tpu.memory_space<hbm>>) dst(%dma_wait3A_2446 : memref<8x128xi32, #tpu.memory_space<vmem>>)
    %dma_wait3A_2448 = arith.constant 176 : i32
    %dma_wait3A_2449 = arith.constant 22 : i32
    %dma_wait3A_2450 = arith.constant 0 : i32
    %dma_wait3A_2451 = arith.constant 0 : i32
    %dma_wait3A_2452 = tpu.memref_slice %arg6[%dma_wait3A_2449, %dma_wait3A_2450, %dma_wait3A_2451] : memref<25x8x128xi32, #tpu.memory_space<vmem>> -> memref<1x8x128xi32, #tpu.memory_space<vmem>>
    %dma_wait3A_2453 = tpu.memref_squeeze %dma_wait3A_2452 : memref<1x8x128xi32, #tpu.memory_space<vmem>> -> memref<8x128xi32, #tpu.memory_space<vmem>>
    %dma_wait3A_2454 = tpu.memref_slice %arg2[%dma_wait3A_2448, %add3A_1872] : memref<200x16384xi32, #tpu.memory_space<hbm>> -> memref<8x128xi32, #tpu.memory_space<hbm>>
    %dma_wait3A_2455 = arith.constant 0 : i32
    %dma_wait3A_2456 = arith.constant 0 : i32
    %dma_wait3A_2457 = tpu.memref_slice %arg6[%dma_wait3A_2449, %dma_wait3A_2455, %dma_wait3A_2456] : memref<25x8x128xi32, #tpu.memory_space<vmem>> -> memref<1x8x128xi32, #tpu.memory_space<vmem>>
    %dma_wait3A_2458 = tpu.memref_squeeze %dma_wait3A_2457 : memref<1x8x128xi32, #tpu.memory_space<vmem>> -> memref<8x128xi32, #tpu.memory_space<vmem>>
    %dma_wait3A_2459 = tpu.memref_slice %arg2[%dma_wait3A_2448, %add3A_1872] : memref<200x16384xi32, #tpu.memory_space<hbm>> -> memref<8x128xi32, #tpu.memory_space<hbm>>
    tpu.wait_dma2 semaphore(%arg10 : memref<!tpu.dma_semaphore, #tpu.memory_space<semaphore_mem>>) src(%dma_wait3A_2459 : memref<8x128xi32, #tpu.memory_space<hbm>>) dst(%dma_wait3A_2458 : memref<8x128xi32, #tpu.memory_space<vmem>>)
    %dma_wait3A_2460 = arith.constant 184 : i32
    %dma_wait3A_2461 = arith.constant 23 : i32
    %dma_wait3A_2462 = arith.constant 0 : i32
    %dma_wait3A_2463 = arith.constant 0 : i32
    %dma_wait3A_2464 = tpu.memref_slice %arg6[%dma_wait3A_2461, %dma_wait3A_2462, %dma_wait3A_2463] : memref<25x8x128xi32, #tpu.memory_space<vmem>> -> memref<1x8x128xi32, #tpu.memory_space<vmem>>
    %dma_wait3A_2465 = tpu.memref_squeeze %dma_wait3A_2464 : memref<1x8x128xi32, #tpu.memory_space<vmem>> -> memref<8x128xi32, #tpu.memory_space<vmem>>
    %dma_wait3A_2466 = tpu.memref_slice %arg2[%dma_wait3A_2460, %add3A_1872] : memref<200x16384xi32, #tpu.memory_space<hbm>> -> memref<8x128xi32, #tpu.memory_space<hbm>>
    %dma_wait3A_2467 = arith.constant 0 : i32
    %dma_wait3A_2468 = arith.constant 0 : i32
    %dma_wait3A_2469 = tpu.memref_slice %arg6[%dma_wait3A_2461, %dma_wait3A_2467, %dma_wait3A_2468] : memref<25x8x128xi32, #tpu.memory_space<vmem>> -> memref<1x8x128xi32, #tpu.memory_space<vmem>>
    %dma_wait3A_2470 = tpu.memref_squeeze %dma_wait3A_2469 : memref<1x8x128xi32, #tpu.memory_space<vmem>> -> memref<8x128xi32, #tpu.memory_space<vmem>>
    %dma_wait3A_2471 = tpu.memref_slice %arg2[%dma_wait3A_2460, %add3A_1872] : memref<200x16384xi32, #tpu.memory_space<hbm>> -> memref<8x128xi32, #tpu.memory_space<hbm>>
    tpu.wait_dma2 semaphore(%arg10 : memref<!tpu.dma_semaphore, #tpu.memory_space<semaphore_mem>>) src(%dma_wait3A_2471 : memref<8x128xi32, #tpu.memory_space<hbm>>) dst(%dma_wait3A_2470 : memref<8x128xi32, #tpu.memory_space<vmem>>)
    %dma_wait3A_2472 = arith.constant 192 : i32
    %dma_wait3A_2473 = arith.constant 24 : i32
    %dma_wait3A_2474 = arith.constant 0 : i32
    %dma_wait3A_2475 = arith.constant 0 : i32
    %dma_wait3A_2476 = tpu.memref_slice %arg6[%dma_wait3A_2473, %dma_wait3A_2474, %dma_wait3A_2475] : memref<25x8x128xi32, #tpu.memory_space<vmem>> -> memref<1x8x128xi32, #tpu.memory_space<vmem>>
    %dma_wait3A_2477 = tpu.memref_squeeze %dma_wait3A_2476 : memref<1x8x128xi32, #tpu.memory_space<vmem>> -> memref<8x128xi32, #tpu.memory_space<vmem>>
    %dma_wait3A_2478 = tpu.memref_slice %arg2[%dma_wait3A_2472, %add3A_1872] : memref<200x16384xi32, #tpu.memory_space<hbm>> -> memref<8x128xi32, #tpu.memory_space<hbm>>
    %dma_wait3A_2479 = arith.constant 0 : i32
    %dma_wait3A_2480 = arith.constant 0 : i32
    %dma_wait3A_2481 = tpu.memref_slice %arg6[%dma_wait3A_2473, %dma_wait3A_2479, %dma_wait3A_2480] : memref<25x8x128xi32, #tpu.memory_space<vmem>> -> memref<1x8x128xi32, #tpu.memory_space<vmem>>
    %dma_wait3A_2482 = tpu.memref_squeeze %dma_wait3A_2481 : memref<1x8x128xi32, #tpu.memory_space<vmem>> -> memref<8x128xi32, #tpu.memory_space<vmem>>
    %dma_wait3A_2483 = tpu.memref_slice %arg2[%dma_wait3A_2472, %add3A_1872] : memref<200x16384xi32, #tpu.memory_space<hbm>> -> memref<8x128xi32, #tpu.memory_space<hbm>>
    tpu.wait_dma2 semaphore(%arg10 : memref<!tpu.dma_semaphore, #tpu.memory_space<semaphore_mem>>) src(%dma_wait3A_2483 : memref<8x128xi32, #tpu.memory_space<hbm>>) dst(%dma_wait3A_2482 : memref<8x128xi32, #tpu.memory_space<vmem>>)
    %dma_wait3A_2484 = tpu.memref_slice %arg4[%mul3A_1568] : memref<3276800xi32, #tpu.memory_space<hbm>> -> memref<25600xi32, #tpu.memory_space<hbm>>
    %dma_wait3A_2485 = tpu.memref_slice %arg4[%mul3A_1568] : memref<3276800xi32, #tpu.memory_space<hbm>> -> memref<25600xi32, #tpu.memory_space<hbm>>
    tpu.wait_dma2 semaphore(%arg11 : memref<!tpu.dma_semaphore, #tpu.memory_space<semaphore_mem>>) src(%arg8 : memref<25600xi32, #tpu.memory_space<vmem>>) dst(%dma_wait3A_2485 : memref<25600xi32, #tpu.memory_space<hbm>>)
    %parallel_loop3A_2486 = arith.constant 0 : i32
    %parallel_loop3A_2487 = arith.constant 200 : i32
    %parallel_loop3A_2488 = arith.constant 1 : i32
    scf.for %parallel_loop3A_2499 = %parallel_loop3A_2486 to %parallel_loop3A_2487 step %parallel_loop3A_2488  : i32 {
      %parallel_loop3A_2500 = arith.constant 3 : i32
      %parallel_loop3A_2501 = arith.shrsi %parallel_loop3A_2499, %parallel_loop3A_2500 : i32
      %parallel_loop3A_2502 = arith.constant 7 : i32
      %parallel_loop3A_2503 = arith.andi %parallel_loop3A_2499, %parallel_loop3A_2502 : i32
      %parallel_loop3A_2504 = arith.constant 3 : i32
      %parallel_loop3A_2505 = arith.shli %parallel_loop3A_2501, %parallel_loop3A_2504 : i32
      %parallel_loop3A_2506 = arith.addi %parallel_loop3A_2505, %parallel_loop3A_2503 : i32
      %parallel_loop3A_2507 = arith.constant 0 : i32
      %parallel_loop3A_2508 = arith.index_cast %parallel_loop3A_2501 : i32 to index
      %parallel_loop3A_2509 = arith.index_cast %parallel_loop3A_2503 : i32 to index
      %parallel_loop3A_2510 = arith.index_cast %parallel_loop3A_2507 : i32 to index
      %parallel_loop3A_2511 = tpu.vector_load %arg6[%parallel_loop3A_2508, %parallel_loop3A_2509, %parallel_loop3A_2510] {strides = array<i32>} : memref<25x8x128xi32, #tpu.memory_space<vmem>>, vector<16xi32>,
      %parallel_loop3A_2512 = vector.bitcast %parallel_loop3A_2511 : vector<16xi32> to vector<16xi32>
      %parallel_loop3A_2513 = arith.cmpi eq, %parallel_loop3A_2512, %gather3A_5 : vector<16xi32>
      %parallel_loop3A_2514 = arith.cmpi eq, %parallel_loop3A_2512, %gather3A_10 : vector<16xi32>
      %parallel_loop3A_2515 = arith.select %parallel_loop3A_2514, %gather3A_20, %broadcast_in_dim3A_22 : vector<16xi1>, vector<16xi32>
      %parallel_loop3A_2516 = arith.select %parallel_loop3A_2513, %gather3A_15, %parallel_loop3A_2515 : vector<16xi1>, vector<16xi32>
      %parallel_loop3A_2517 = vector.broadcast %parallel_loop3A_2506 : i32 to vector<16xi32>
      %parallel_loop3A_2518 = arith.addi %parallel_loop3A_2517, %add3A_28 : vector<16xi32>
      tpu.vector_store_idx %arg8[%parallel_loop3A_2518], %parallel_loop3A_2516 : memref<25600xi32, #tpu.memory_space<vmem>>[vector<16xi32>], vector<16xi32>,
      %parallel_loop3A_2519 = arith.constant 16 : i32
      %parallel_loop3A_2520 = arith.index_cast %parallel_loop3A_2501 : i32 to index
      %parallel_loop3A_2521 = arith.index_cast %parallel_loop3A_2503 : i32 to index
      %parallel_loop3A_2522 = arith.index_cast %parallel_loop3A_2519 : i32 to index
      %parallel_loop3A_2523 = tpu.vector_load %arg6[%parallel_loop3A_2520, %parallel_loop3A_2521, %parallel_loop3A_2522] {strides = array<i32>} : memref<25x8x128xi32, #tpu.memory_space<vmem>>, vector<16xi32>,
      %parallel_loop3A_2524 = vector.bitcast %parallel_loop3A_2523 : vector<16xi32> to vector<16xi32>
      %parallel_loop3A_2525 = arith.cmpi eq, %parallel_loop3A_2524, %gather3A_5 : vector<16xi32>
      %parallel_loop3A_2526 = arith.cmpi eq, %parallel_loop3A_2524, %gather3A_10 : vector<16xi32>
      %parallel_loop3A_2527 = arith.select %parallel_loop3A_2526, %gather3A_20, %broadcast_in_dim3A_22 : vector<16xi1>, vector<16xi32>
      %parallel_loop3A_2528 = arith.select %parallel_loop3A_2525, %gather3A_15, %parallel_loop3A_2527 : vector<16xi1>, vector<16xi32>
      %parallel_loop3A_2529 = vector.broadcast %parallel_loop3A_2506 : i32 to vector<16xi32>
      %parallel_loop3A_2530 = arith.addi %parallel_loop3A_2529, %add3A_31 : vector<16xi32>
      tpu.vector_store_idx %arg8[%parallel_loop3A_2530], %parallel_loop3A_2528 : memref<25600xi32, #tpu.memory_space<vmem>>[vector<16xi32>], vector<16xi32>,
      %parallel_loop3A_2531 = arith.constant 32 : i32
      %parallel_loop3A_2532 = arith.index_cast %parallel_loop3A_2501 : i32 to index
      %parallel_loop3A_2533 = arith.index_cast %parallel_loop3A_2503 : i32 to index
      %parallel_loop3A_2534 = arith.index_cast %parallel_loop3A_2531 : i32 to index
      %parallel_loop3A_2535 = tpu.vector_load %arg6[%parallel_loop3A_2532, %parallel_loop3A_2533, %parallel_loop3A_2534] {strides = array<i32>} : memref<25x8x128xi32, #tpu.memory_space<vmem>>, vector<16xi32>,
      %parallel_loop3A_2536 = vector.bitcast %parallel_loop3A_2535 : vector<16xi32> to vector<16xi32>
      %parallel_loop3A_2537 = arith.cmpi eq, %parallel_loop3A_2536, %gather3A_5 : vector<16xi32>
      %parallel_loop3A_2538 = arith.cmpi eq, %parallel_loop3A_2536, %gather3A_10 : vector<16xi32>
      %parallel_loop3A_2539 = arith.select %parallel_loop3A_2538, %gather3A_20, %broadcast_in_dim3A_22 : vector<16xi1>, vector<16xi32>
      %parallel_loop3A_2540 = arith.select %parallel_loop3A_2537, %gather3A_15, %parallel_loop3A_2539 : vector<16xi1>, vector<16xi32>
      %parallel_loop3A_2541 = vector.broadcast %parallel_loop3A_2506 : i32 to vector<16xi32>
      %parallel_loop3A_2542 = arith.addi %parallel_loop3A_2541, %add3A_34 : vector<16xi32>
      tpu.vector_store_idx %arg8[%parallel_loop3A_2542], %parallel_loop3A_2540 : memref<25600xi32, #tpu.memory_space<vmem>>[vector<16xi32>], vector<16xi32>,
      %parallel_loop3A_2543 = arith.constant 48 : i32
      %parallel_loop3A_2544 = arith.index_cast %parallel_loop3A_2501 : i32 to index
      %parallel_loop3A_2545 = arith.index_cast %parallel_loop3A_2503 : i32 to index
      %parallel_loop3A_2546 = arith.index_cast %parallel_loop3A_2543 : i32 to index
      %parallel_loop3A_2547 = tpu.vector_load %arg6[%parallel_loop3A_2544, %parallel_loop3A_2545, %parallel_loop3A_2546] {strides = array<i32>} : memref<25x8x128xi32, #tpu.memory_space<vmem>>, vector<16xi32>,
      %parallel_loop3A_2548 = vector.bitcast %parallel_loop3A_2547 : vector<16xi32> to vector<16xi32>
      %parallel_loop3A_2549 = arith.cmpi eq, %parallel_loop3A_2548, %gather3A_5 : vector<16xi32>
      %parallel_loop3A_2550 = arith.cmpi eq, %parallel_loop3A_2548, %gather3A_10 : vector<16xi32>
      %parallel_loop3A_2551 = arith.select %parallel_loop3A_2550, %gather3A_20, %broadcast_in_dim3A_22 : vector<16xi1>, vector<16xi32>
      %parallel_loop3A_2552 = arith.select %parallel_loop3A_2549, %gather3A_15, %parallel_loop3A_2551 : vector<16xi1>, vector<16xi32>
      %parallel_loop3A_2553 = vector.broadcast %parallel_loop3A_2506 : i32 to vector<16xi32>
      %parallel_loop3A_2554 = arith.addi %parallel_loop3A_2553, %add3A_37 : vector<16xi32>
      tpu.vector_store_idx %arg8[%parallel_loop3A_2554], %parallel_loop3A_2552 : memref<25600xi32, #tpu.memory_space<vmem>>[vector<16xi32>], vector<16xi32>,
      %parallel_loop3A_2555 = arith.constant 64 : i32
      %parallel_loop3A_2556 = arith.index_cast %parallel_loop3A_2501 : i32 to index
      %parallel_loop3A_2557 = arith.index_cast %parallel_loop3A_2503 : i32 to index
      %parallel_loop3A_2558 = arith.index_cast %parallel_loop3A_2555 : i32 to index
      %parallel_loop3A_2559 = tpu.vector_load %arg6[%parallel_loop3A_2556, %parallel_loop3A_2557, %parallel_loop3A_2558] {strides = array<i32>} : memref<25x8x128xi32, #tpu.memory_space<vmem>>, vector<16xi32>,
      %parallel_loop3A_2560 = vector.bitcast %parallel_loop3A_2559 : vector<16xi32> to vector<16xi32>
      %parallel_loop3A_2561 = arith.cmpi eq, %parallel_loop3A_2560, %gather3A_5 : vector<16xi32>
      %parallel_loop3A_2562 = arith.cmpi eq, %parallel_loop3A_2560, %gather3A_10 : vector<16xi32>
      %parallel_loop3A_2563 = arith.select %parallel_loop3A_2562, %gather3A_20, %broadcast_in_dim3A_22 : vector<16xi1>, vector<16xi32>
      %parallel_loop3A_2564 = arith.select %parallel_loop3A_2561, %gather3A_15, %parallel_loop3A_2563 : vector<16xi1>, vector<16xi32>
      %parallel_loop3A_2565 = vector.broadcast %parallel_loop3A_2506 : i32 to vector<16xi32>
      %parallel_loop3A_2566 = arith.addi %parallel_loop3A_2565, %add3A_40 : vector<16xi32>
      tpu.vector_store_idx %arg8[%parallel_loop3A_2566], %parallel_loop3A_2564 : memref<25600xi32, #tpu.memory_space<vmem>>[vector<16xi32>], vector<16xi32>,
      %parallel_loop3A_2567 = arith.constant 80 : i32
      %parallel_loop3A_2568 = arith.index_cast %parallel_loop3A_2501 : i32 to index
      %parallel_loop3A_2569 = arith.index_cast %parallel_loop3A_2503 : i32 to index
      %parallel_loop3A_2570 = arith.index_cast %parallel_loop3A_2567 : i32 to index
      %parallel_loop3A_2571 = tpu.vector_load %arg6[%parallel_loop3A_2568, %parallel_loop3A_2569, %parallel_loop3A_2570] {strides = array<i32>} : memref<25x8x128xi32, #tpu.memory_space<vmem>>, vector<16xi32>,
      %parallel_loop3A_2572 = vector.bitcast %parallel_loop3A_2571 : vector<16xi32> to vector<16xi32>
      %parallel_loop3A_2573 = arith.cmpi eq, %parallel_loop3A_2572, %gather3A_5 : vector<16xi32>
      %parallel_loop3A_2574 = arith.cmpi eq, %parallel_loop3A_2572, %gather3A_10 : vector<16xi32>
      %parallel_loop3A_2575 = arith.select %parallel_loop3A_2574, %gather3A_20, %broadcast_in_dim3A_22 : vector<16xi1>, vector<16xi32>
      %parallel_loop3A_2576 = arith.select %parallel_loop3A_2573, %gather3A_15, %parallel_loop3A_2575 : vector<16xi1>, vector<16xi32>
      %parallel_loop3A_2577 = vector.broadcast %parallel_loop3A_2506 : i32 to vector<16xi32>
      %parallel_loop3A_2578 = arith.addi %parallel_loop3A_2577, %add3A_43 : vector<16xi32>
      tpu.vector_store_idx %arg8[%parallel_loop3A_2578], %parallel_loop3A_2576 : memref<25600xi32, #tpu.memory_space<vmem>>[vector<16xi32>], vector<16xi32>,
      %parallel_loop3A_2579 = arith.constant 96 : i32
      %parallel_loop3A_2580 = arith.index_cast %parallel_loop3A_2501 : i32 to index
      %parallel_loop3A_2581 = arith.index_cast %parallel_loop3A_2503 : i32 to index
      %parallel_loop3A_2582 = arith.index_cast %parallel_loop3A_2579 : i32 to index
      %parallel_loop3A_2583 = tpu.vector_load %arg6[%parallel_loop3A_2580, %parallel_loop3A_2581, %parallel_loop3A_2582] {strides = array<i32>} : memref<25x8x128xi32, #tpu.memory_space<vmem>>, vector<16xi32>,
      %parallel_loop3A_2584 = vector.bitcast %parallel_loop3A_2583 : vector<16xi32> to vector<16xi32>
      %parallel_loop3A_2585 = arith.cmpi eq, %parallel_loop3A_2584, %gather3A_5 : vector<16xi32>
      %parallel_loop3A_2586 = arith.cmpi eq, %parallel_loop3A_2584, %gather3A_10 : vector<16xi32>
      %parallel_loop3A_2587 = arith.select %parallel_loop3A_2586, %gather3A_20, %broadcast_in_dim3A_22 : vector<16xi1>, vector<16xi32>
      %parallel_loop3A_2588 = arith.select %parallel_loop3A_2585, %gather3A_15, %parallel_loop3A_2587 : vector<16xi1>, vector<16xi32>
      %parallel_loop3A_2589 = vector.broadcast %parallel_loop3A_2506 : i32 to vector<16xi32>
      %parallel_loop3A_2590 = arith.addi %parallel_loop3A_2589, %add3A_46 : vector<16xi32>
      tpu.vector_store_idx %arg8[%parallel_loop3A_2590], %parallel_loop3A_2588 : memref<25600xi32, #tpu.memory_space<vmem>>[vector<16xi32>], vector<16xi32>,
      %parallel_loop3A_2591 = arith.constant 112 : i32
      %parallel_loop3A_2592 = arith.index_cast %parallel_loop3A_2501 : i32 to index
      %parallel_loop3A_2593 = arith.index_cast %parallel_loop3A_2503 : i32 to index
      %parallel_loop3A_2594 = arith.index_cast %parallel_loop3A_2591 : i32 to index
      %parallel_loop3A_2595 = tpu.vector_load %arg6[%parallel_loop3A_2592, %parallel_loop3A_2593, %parallel_loop3A_2594] {strides = array<i32>} : memref<25x8x128xi32, #tpu.memory_space<vmem>>, vector<16xi32>,
      %parallel_loop3A_2596 = vector.bitcast %parallel_loop3A_2595 : vector<16xi32> to vector<16xi32>
      %parallel_loop3A_2597 = arith.cmpi eq, %parallel_loop3A_2596, %gather3A_5 : vector<16xi32>
      %parallel_loop3A_2598 = arith.cmpi eq, %parallel_loop3A_2596, %gather3A_10 : vector<16xi32>
      %parallel_loop3A_2599 = arith.select %parallel_loop3A_2598, %gather3A_20, %broadcast_in_dim3A_22 : vector<16xi1>, vector<16xi32>
      %parallel_loop3A_2600 = arith.select %parallel_loop3A_2597, %gather3A_15, %parallel_loop3A_2599 : vector<16xi1>, vector<16xi32>
      %parallel_loop3A_2601 = vector.broadcast %parallel_loop3A_2506 : i32 to vector<16xi32>
      %parallel_loop3A_2602 = arith.addi %parallel_loop3A_2601, %add3A_49 : vector<16xi32>
      tpu.vector_store_idx %arg8[%parallel_loop3A_2602], %parallel_loop3A_2600 : memref<25600xi32, #tpu.memory_space<vmem>>[vector<16xi32>], vector<16xi32>,
    } {sc.loop_unroll_factor = 2 : i64, sc.parallel_access}
    %add3A_2489 = arith.constant 384 : i32
    %add3A_2490 = arith.addi %mul3A_2, %add3A_2489 : i32
    %mul3A_2491 = arith.constant 200 : i32
    %mul3A_2492 = arith.muli %add3A_2490, %mul3A_2491 : i32
    %dma_start3A_2493 = tpu.memref_slice %arg4[%mul3A_2492] : memref<3276800xi32, #tpu.memory_space<hbm>> -> memref<25600xi32, #tpu.memory_space<hbm>>
    %dma_start3A_2494 = tpu.memref_slice %arg4[%mul3A_2492] : memref<3276800xi32, #tpu.memory_space<hbm>> -> memref<25600xi32, #tpu.memory_space<hbm>>
    tpu.enqueue_dma source(%arg8 : memref<25600xi32, #tpu.memory_space<vmem>>) target(%dma_start3A_2494 : memref<25600xi32, #tpu.memory_space<hbm>>) target_semaphore(%arg11 : memref<!tpu.dma_semaphore, #tpu.memory_space<semaphore_mem>>)
    %dma_wait3A_2495 = tpu.memref_slice %arg4[%mul3A_2181] : memref<3276800xi32, #tpu.memory_space<hbm>> -> memref<25600xi32, #tpu.memory_space<hbm>>
    %dma_wait3A_2496 = tpu.memref_slice %arg4[%mul3A_2181] : memref<3276800xi32, #tpu.memory_space<hbm>> -> memref<25600xi32, #tpu.memory_space<hbm>>
    tpu.wait_dma2 semaphore(%arg11 : memref<!tpu.dma_semaphore, #tpu.memory_space<semaphore_mem>>) src(%arg7 : memref<25600xi32, #tpu.memory_space<vmem>>) dst(%dma_wait3A_2496 : memref<25600xi32, #tpu.memory_space<hbm>>)
    %dma_wait3A_2497 = tpu.memref_slice %arg4[%mul3A_2492] : memref<3276800xi32, #tpu.memory_space<hbm>> -> memref<25600xi32, #tpu.memory_space<hbm>>
    %dma_wait3A_2498 = tpu.memref_slice %arg4[%mul3A_2492] : memref<3276800xi32, #tpu.memory_space<hbm>> -> memref<25600xi32, #tpu.memory_space<hbm>>
    tpu.wait_dma2 semaphore(%arg11 : memref<!tpu.dma_semaphore, #tpu.memory_space<semaphore_mem>>) src(%arg8 : memref<25600xi32, #tpu.memory_space<vmem>>) dst(%dma_wait3A_2498 : memref<25600xi32, #tpu.memory_space<hbm>>)
    return
  }
}

</mosaic_0001>

<sc_bundles>
// kernel: kernel.3.cloned.1.call-start
scs
__scs_entry_jumppad:
0x0: {  	(pc) =	sbr.rel $0x88, $3  }
0x1: {  	(tag) =	ssettag $0x0;
	lr =	simm.s32 $0x1  }
0x2: {  	[smem:$0x3F9E] =	sst lr;
	_ =	strace $0xD0000000  }
0x3: {  	_ = 	snop  }
0x4: {  	_ = 	snop  }
0x5: {  	_ = 	snop  }
0x6: {  	_ = 	snop  }
0x7: {  	_ = 	snop  }
__scs_overlays_trampoline_lowered:
0x8: {  	[smem:$0x3FAD] =	sst s0  }
0x9: {  	[smem:$0x3FAE] =	sst s1  }
0xa: {  	[smem:$0x3FAF] =	sst s2  }
0xb: {  	[smem:$0x3FB0] =	sst s3  }
0xc: {  	[smem:$0x3FB1] =	sst s4  }
0xd: {  	[smem:$0x3FB2] =	sst s5  }
0xe: {  	[smem:$0x3FB3] =	sst s6  }
0xf: {  	[smem:$0x3FB4] =	sst s7  }
0x10: {  	[smem:$0x3FB5] =	sst s8  }
0x11: {  	[smem:$0x3FB6] =	sst s9;
	s0 =	simm.s32 @!p0 $0x0  }
0x12: {  	s1 =	sld [smem:$0x3F9C];
	s0 =	simm.s32 @p0 $0x1  }
0x13: {  	[smem:$0x3FB7] =	sst s0;
	s0 =	simm.s32 @!p1 $0x0  }
0x14: {  	s2 =	sld [smem:$0x3F9B];
	s0 =	simm.s32 @p1 $0x1  }
0x15: {  	[smem:$0x3FB8] =	sst s0;
	s0 =	simm.s32 @!p2 $0x0  }
0x16: {  	s3 =	sld [smem:$0x3FDB];
	s0 =	simm.s32 @p2 $0x1  }
0x17: {  	s4 =	simm.s32 $0x1BF5;
	[smem:$0x3FBA] =	sst s0  }
0x18: {  	s0 =	sld [smem:$0x3F9D];
	_ =	swait.ge [sflag:s4], $0x0  }
0x19: {  	s7 =	sld [smem:$0x3F9E]  }
0x1a: {  	s8 =	sadd.s32 $0xFFFFE003, lr  }
0x1b: {  	s9 =	sadd.s32 $0xFFFFFEF7, lr;
	s5 =	simm.s32 $0xFFFFFFFF;
	p2 =	slt.u32 s8, $0xFFFFF086  }
0x1c: {  	p1 =	slt.u32 s9, $0xF7A;
	s5 =	simm.s32 @!p2 $0x0  }
0x1d: {  	s5 =	simm.s32 @p1 $0x1;
	p0 =	seq.s32 s7, s2  }
0x1e: {  	s7 =	smul.u32 @!p0 $0xF7A, s2;
	p2 =	seq.s32 @!p0 s5, $0x0  }
0x1f: {  	s9 =	smul.u32 $0xF7A, s1;
	s8 =	simm.s32 @!p0 $0x1BF5;
	p2 =	por !p2, p0  }
0x20: {  	[sflag:s8] =	ssyncset.s32 @!p0 $0xFFFFF086;
	s6 =	sadd.s32 @!p0 s3, s7;
	s7 =	simm.s32 @!p0 $0x108  }
0x21: {  	s3 =	sadd.s32 s3, s9;
	s6 =	sadd.s32 @!p0 $0x88, s6;
	s7 =	simm.s32 @p2 $0x1082  }
0x22: {  	[simem:s7], [sflag:s8] =	dma.local @!p0 [hbm:s6], $0xF7A  }
0x23: {  	s9 =	sor.u32 $0xD0000000, s2;
	s6 =	simm.s32 $0x108;
	_ =	swait.ge @!p0 [sflag:s8], $0x0  }
0x24: {  	s3 =	sadd.s32 $0x88, s3;
	s6 =	simm.s32 @!p1 $0x1082;
	[sflag:s4] =	ssyncset.s32 $0xFFFFF086  }
0x25: {  	[simem:s6], [sflag:s4] =	dma.local [hbm:s3], $0xF7A  }
0x26: {  	[smem:$0x3F9E] =	sst s1;
	(tag) =	ssettag s2;
	_ =	strace s9  }
0x27: {  	s1 =	sld [smem:$0x3FAE]  }
0x28: {  	s2 =	sld [smem:$0x3FAF]  }
0x29: {  	s4 =	sld [smem:$0x3FB1]  }
0x2a: {  	p0 =	seq.s32 s5, $0x0;
	s5 =	sld [smem:$0x3FB2]  }
0x2b: {  	s6 =	sld [smem:$0x3FB3]  }
0x2c: {  	s7 =	sld [smem:$0x3FB4]  }
0x2d: {  	s3 =	simm.s32 $0x108;
	s8 =	sld [smem:$0x3FB5]  }
0x2e: {  	s3 =	simm.s32 @!p0 $0x1082;
	s9 =	sld [smem:$0x3FB6]  }
0x2f: {  	lr =	sadd.s32 s0, s3;
	s0 =	sld [smem:$0x3FAD]  }
0x30: {  	s3 =	sld [smem:$0x3FB0]  }
0x31: {  	[smem:$0x3FB9] =	sst s10  }
0x32: {  	s10 =	sld [smem:$0x3FB7];
	_ =	sdelay $0x3  }
0x33: {  	p0 =	seq.s32 s10, $0x1;
	s10 =	sld [smem:$0x3FB9];
	_ =	sdelay $0x3  }
0x34: {  	[smem:$0x3FB9] =	sst s10  }
0x35: {  	s10 =	sld [smem:$0x3FB8];
	_ =	sdelay $0x3  }
0x36: {  	p1 =	seq.s32 s10, $0x1;
	s10 =	sld [smem:$0x3FB9];
	_ =	sdelay $0x3  }
0x37: {  	[smem:$0x3FB9] =	sst s10  }
0x38: {  	s10 =	sld [smem:$0x3FBA]  }
0x39: {  	_ = 	snop;
	(pc) =	sbr.ind lr, $3  }
0x3a: {  	_ = 	snop  }
0x3b: {  	_ = 	snop  }
0x3c: {  	p2 =	seq.s32 s10, $0x1;
	s10 =	sld [smem:$0x3FB9]  }
0x3d: {  	_ =	shalt  }
0x3e: {  	_ =	shalt  }
0x3f: {  	_ =	shalt  }
0x40: {  	_ =	shalt  }
0x41: {  	_ =	shalt  }
0x42: {  	_ =	shalt  }
0x43: {  	_ =	shalt  }
0x44: {  	_ =	shalt  }
0x45: {  	_ =	shalt  }
0x46: {  	_ =	shalt  }
0x47: {  	_ =	shalt  }
0x48: {  	_ =	shalt  }
0x49: {  	_ =	shalt  }
0x4a: {  	_ =	shalt  }
0x4b: {  	_ =	shalt  }
0x4c: {  	_ =	shalt  }
0x4d: {  	_ =	shalt  }
0x4e: {  	_ =	shalt  }
0x4f: {  	_ =	shalt  }
0x50: {  	_ =	shalt  }
0x51: {  	_ =	shalt  }
0x52: {  	_ =	shalt  }
0x53: {  	_ =	shalt  }
0x54: {  	_ =	shalt  }
0x55: {  	_ =	shalt  }
0x56: {  	_ =	shalt  }
0x57: {  	_ =	shalt  }
0x58: {  	_ =	shalt  }
0x59: {  	_ =	shalt  }
0x5a: {  	_ =	shalt  }
0x5b: {  	_ =	shalt  }
0x5c: {  	_ =	shalt  }
0x5d: {  	_ =	shalt  }
0x5e: {  	_ =	shalt  }
0x5f: {  	_ =	shalt  }
0x60: {  	_ =	shalt  }
0x61: {  	_ =	shalt  }
0x62: {  	_ =	shalt  }
0x63: {  	_ =	shalt  }
0x64: {  	_ =	shalt  }
0x65: {  	_ =	shalt  }
0x66: {  	_ =	shalt  }
0x67: {  	_ =	shalt  }
0x68: {  	_ =	shalt  }
0x69: {  	_ =	shalt  }
0x6a: {  	_ =	shalt  }
0x6b: {  	_ =	shalt  }
0x6c: {  	_ =	shalt  }
0x6d: {  	_ =	shalt  }
0x6e: {  	_ =	shalt  }
0x6f: {  	_ =	shalt  }
0x70: {  	_ =	shalt  }
0x71: {  	_ =	shalt  }
0x72: {  	_ =	shalt  }
0x73: {  	_ =	shalt  }
0x74: {  	_ =	shalt  }
0x75: {  	_ =	shalt  }
0x76: {  	_ =	shalt  }
0x77: {  	_ =	shalt  }
0x78: {  	_ =	shalt  }
0x79: {  	_ =	shalt  }
0x7a: {  	_ =	shalt  }
0x7b: {  	_ =	shalt  }
0x7c: {  	_ =	shalt  }
0x7d: {  	_ =	shalt  }
0x7e: {  	_ =	shalt  }
0x7f: {  	_ =	shalt  }
0x80: {  	_ =	shalt  }
0x81: {  	_ =	shalt  }
0x82: {  	_ =	shalt  }
0x83: {  	_ =	shalt  }
0x84: {  	_ =	shalt  }
0x85: {  	_ =	shalt  }
0x86: {  	_ =	shalt  }
0x87: {  	_ =	shalt  }
.Lfunc_end0:
.L_simem_size_0:
called_computation_lowered:
.L_overlay_start_0:
0x88: {  	s2 =	sld [smem:$0x3FD9]  }
0x89: {  	s3 =	sld [smem:$0x3FFE];
	_ =	sdelay $0x1  }
0x8a: {  	s1 =	srdreg.scid  }
0x8b: {  	s0 =	sand.u32 $0x1, s1  }
0x8c: {  	s17 =	sshll.u32 s0, $0xA;
	s2 =	sadd.s32 s3, s2  }
0x8d: {  	s2 =	sadd.s32 s2, s17  }
0x8e: {  	[smem:$0x3FC5] =	sst s2  }
0x8f: {  	_ = 	snop  }
0x90: {  	s2 =	sld [smem:$0x3FD0];
	(tm) =	ssettm $0x1  }
0x91: {  	s18 =	sld [smem:$0x3FFB];
	_ =	sdelay $0x3  }
0x92: {  	_ =	strace s18  }
0x93: {  	s3 =	sld [smem:$0x3FFC];
	_ =	sdelay $0x3  }
0x94: {  	_ =	strace s3  }
0x95: {  	s3 =	sld [smem:$0x3FFD];
	_ =	sdelay $0x3  }
0x96: {  	_ =	strace s3  }
0x97: {  	_ =	strace $0x8FFFFFFF  }
0x98: {  	s19 =	sld [smem:$0x3FDB];
	_ =	sdelay $0x1  }
0x99: {  	s4 =	simm.s32 $_scs_section_size  }
0x9a: {  	s5 =	simm.s32 $_size__tile_overlayer_lowered;
	s6 =	simm.s32 $_tile_overlayer_lowered  }
0x9b: {  	s22 =	simm.s32 $0x1BFF;
	s21 =	sshll.u32 s6, $0x1;
	s3 =	sadd.s32 s4, s19  }
0x9c: {  	s7 =	simm.s32 $0x0;
	s20 =	sshll.u32 s5, $0x1;
	s5 =	sadd.s32 s21, s3  }
0x9d: {  	[timem:s7], [sflag:s22] =	dma.local [hbm:s5], s20  }
0x9e: {  	_ =	swait.ge [sflag:s22], s20  }
0x9f: {  	s4 =	ssub.s32 $0x0, s20;
	[sflag:s22] =	ssyncset.done $0x0  }
0xa0: {  	[sflag:s22] =	ssyncadd.s32 s4;
	_ =	sdelay $0x1  }
0xa1: {  	s23 =	simm.s32 $0x1B8B  }
0xa2: {  	_ =	swait.ge [sflag:s23], $0x1  }
0xa3: {  	[sflag:s23] =	ssyncset.done $0x0  }
0xa4: {  	s25 =	simm.s32 $0x1B8E;
	s24 =	sld [smem:$0x3FFE];
	[sflag:s23] =	ssyncadd.s32 $0xFFFFFFFF  }
0xa5: {  	s26 =	simm.s32 $execute0_lowered;
	[smem:$0x3FD2] =	sst s25  }
0xa6: {  	s5 =	sshll.u32 s26, $0x1;
	_ =	strace $0x80000046;
	[dreg:$0x1] =	wrdreg $0xFFFFFFFF  }
0xa7: {  	s28 =	simm.s32 $_size_execute0_lowered;
	s3 =	sadd.s32 s3, s5;
	[dreg:$0x0] =	wrdreg $0x0  }
0xa8: {  	s5 =	sshll.u32 s28, $0x1;
	[dreg:$0x2] =	wrdreg s3  }
0xa9: {  	[dreg:$0x3] =	wrdreg s5  }
0xaa: {  	[dreg:$0x4] =	wrdreg $0xC0  }
0xab: {  	_ =	task [dreg:s7], $0x5FFFF  }
0xac: {  	[dreg:$0x1] =	wrdreg $0xFFFFFFFF  }
0xad: {  	[dreg:$0x0] =	wrdreg $0x60  }
0xae: {  	[dreg:$0x2] =	wrdreg s2  }
0xaf: {  	[dreg:$0x3] =	wrdreg s24  }
0xb0: {  	[dreg:$0x4] =	wrdreg $0x9  }
0xb1: {  	_ =	task.clear_ibuf [dreg:s7], $0x5FFFF;
	_ =	strace $0x90000046  }
0xb2: {  	s29 =	simm.s32 $0x9;
	_ =	strace $0x80000048  }
0xb3: {  	_ =	swait.ge [sflag:s29], $0x1  }
0xb4: {  	[sflag:s29] =	ssyncadd.s32 $0xFFFFFFFF  }
0xb5: {  	_ =	strace $0x90000048  }
0xb6: {  	_ =	sfence  }
0xb7: {  	s30 =	sld [smem:$0x0];
	_ =	sdelay $0x2  }
0xb8: {  	s31 =	sshll.u32 s1, $0xD;
	s1 =	sshrl.u32 s1, $0x2  }
0xb9: {  	s3 =	sand.u32 $0x4000, s31;
	s1 =	sadd.s32 s1, s30  }
0xba: {  	s0 =	sor.u32 s3, s0;
	s1 =	sshll.u32 s1, $0x11  }
0xbb: {  	s0 =	sor.u32 s1, s0  }
0xbc: {  	s0 =	sadd.s32 $0x8F2B, s0  }
0xbd: {  	[sflag:s0] =	ssyncadd.remote.s32 $0x1  }
0xbe: {  	_ =	sfence.sel $0xFFFF  }
0xbf: {  	[dreg:$0x0] =	wrdreg $0xFFFFFFFF;
	(pc) =	sbr.abs _section_cstart, $3  }
0xc0: {  	[dreg:$0x1] =	wrdreg $0xFFFFFFFF  }
0xc1: {  	_ =	task.clear_ibuf [dreg:s7], $0x2FFFF;
	_ =	strace $0x9FFFFFFF  }
0xc2: {  	(tm) =	ssettm $0x7FFFFFFF  }
0xc3: {  	_ =	shalt  }
tec
execute0_lowered:
.L_overlay_start_1:
0x0: {  	(tag) =	ssettag $0x1  }
0x1: {  	s3 =	srdreg.scid;
	s4 =	stileid.u32  }
0x2: {  	s3 =	sand.u32 $0x1, s3;
	s4 =	sshll.u32 s4, $0x1  }
0x3: {  	s0 =	rddreg [dreg:$0x0];
	s5 =	sor.u32 s3, s4  }
0x4: {  	s1 =	rddreg [dreg:$0x1];
	s2 =	simm.s32 $0x0;
	s6 =	sshll.u32 s5, $0x9  }
0x5: {  	[smem:$0x7FF] =	sst s2;
	s15 =	sadd.s32 $0x600, s1;
	s4 =	sadd.s32 s0, s6  }
0x6: {  	_ =	strace $0x80000047;
	[dreg:$0x3] =	wrdreg s15;
	s16 =	sadd.s32 $0x4000, s4  }
0x7: {  	s17 =	sadd.s32 $0x8000, s4;
	[dreg:$0x4] =	wrdreg s16  }
0x8: {  	s18 =	sadd.s32 $0xC000, s4;
	[dreg:$0x5] =	wrdreg s17  }
0x9: {  	s19 =	sadd.s32 $0x10000, s4;
	[dreg:$0x6] =	wrdreg s18  }
0xa: {  	s20 =	sadd.s32 $0x14000, s4;
	[dreg:$0x7] =	wrdreg s19  }
0xb: {  	s21 =	sadd.s32 $0x18000, s4;
	[dreg:$0x8] =	wrdreg s20  }
0xc: {  	s22 =	sadd.s32 $0x1C000, s4;
	[dreg:$0x9] =	wrdreg s21  }
0xd: {  	s3 =	ssub.s32 $0x2, s3;
	s23 =	sadd.s32 $0x20000, s4;
	[dreg:$0xa] =	wrdreg s22  }
0xe: {  	s7 =	sshrl.u32 s3, $0x1;
	s24 =	sadd.s32 $0x24000, s4;
	[dreg:$0xb] =	wrdreg s23  }
0xf: {  	s3 =	ssub.s32 s3, s7;
	s8 =	sadd.s32 $0x28000, s4;
	[dreg:$0xc] =	wrdreg s24  }
0x10: {  	s25 =	sor.u32 $0x80, s6;
	s10 =	sadd.s32 $0x2C000, s4;
	[dreg:$0xd] =	wrdreg s8  }
0x11: {  	s26 =	sor.u32 $0x100, s6;
	s7 =	sadd.s32 s0, s25;
	[dreg:$0xe] =	wrdreg s10  }
0x12: {  	s6 =	sor.u32 $0x180, s6;
	s11 =	sadd.s32 s0, s26;
	[dreg:$0xf] =	wrdreg s7  }
0x13: {  	s5 =	smul.u32 $0x3200, s5;
	s0 =	sadd.s32 s0, s6;
	[dreg:$0x10] =	wrdreg s11  }
0x14: {  	s1 =	sadd.s32 $0x800, s1;
	s13 =	sadd.s32 $0x30000, s4;
	[dreg:$0x11] =	wrdreg s0  }
0x15: {  	s14 =	sadd.s32 s1, s5;
	[dreg:$0x12] =	wrdreg s13  }
0x16: {  	s9 =	smul.u32 $0x19, s25;
	s25 =	sadd.s32 $0x4C000, s4;
	[dreg:$0x13] =	wrdreg s14  }
0x17: {  	s30 =	smul.u32 $0x19, s26;
	s26 =	sadd.s32 $0x50000, s4;
	[dreg:$0x1e] =	wrdreg s25  }
0x18: {  	s5 =	sadd.s32 $0x60000, s4;
	[dreg:$0x1f] =	wrdreg s26  }
0x19: {  	s12 =	smul.u32 $0x19, s6;
	s6 =	sadd.s32 $0x4080, s4;
	[smem:$0x7B5] =	sst s5  }
0x1a: {  	s18 =	sadd.s32 $0x34000, s4;
	[smem:$0x7B6] =	sst s6  }
0x1b: {  	s19 =	smax.u32 s3, $0x1;
	[dreg:$0x17] =	wrdreg s18  }
0x1c: {  	s20 =	sadd.s32 $0x38000, s4;
	[dreg:$0x18] =	wrdreg s19  }
0x1d: {  	s21 =	sadd.s32 $0x3C000, s4;
	[dreg:$0x19] =	wrdreg s20  }
0x1e: {  	s22 =	sadd.s32 $0x40000, s4;
	[dreg:$0x1a] =	wrdreg s21  }
0x1f: {  	s23 =	sadd.s32 $0x44000, s4;
	[dreg:$0x1b] =	wrdreg s22  }
0x20: {  	s24 =	sadd.s32 $0x48000, s4;
	[dreg:$0x1c] =	wrdreg s23  }
0x21: {  	s3 =	sadd.s32 $0x5C000, s4;
	[dreg:$0x1d] =	wrdreg s24  }
0x22: {  	s7 =	sadd.s32 $0x8080, s4;
	[smem:$0x7B4] =	sst s3  }
0x23: {  	s8 =	sadd.s32 $0xC080, s4;
	[smem:$0x7B7] =	sst s7  }
0x24: {  	s10 =	sadd.s32 $0x14080, s4;
	[smem:$0x7B8] =	sst s8  }
0x25: {  	s11 =	sadd.s32 $0x18080, s4;
	[smem:$0x7BA] =	sst s10  }
0x26: {  	s13 =	sadd.s32 $0x20080, s4;
	[smem:$0x7BB] =	sst s11  }
0x27: {  	s14 =	sadd.s32 $0x24080, s4;
	[smem:$0x7BD] =	sst s13  }
0x28: {  	s25 =	sadd.s32 $0x50080, s4;
	[smem:$0x7BE] =	sst s14  }
0x29: {  	s26 =	sadd.s32 $0x54080, s4;
	[smem:$0x7C9] =	sst s25  }
0x2a: {  	s5 =	sadd.s32 $0x4100, s4;
	[smem:$0x7CA] =	sst s26  }
0x2b: {  	s6 =	sadd.s32 $0x8100, s4;
	[smem:$0x7CE] =	sst s5  }
0x2c: {  	s15 =	sadd.s32 s1, s9;
	[smem:$0x7CF] =	sst s6  }
0x2d: {  	s16 =	sadd.s32 s1, s30;
	[dreg:$0x14] =	wrdreg s15  }
0x2e: {  	s17 =	sadd.s32 s1, s12;
	[dreg:$0x15] =	wrdreg s16  }
0x2f: {  	s30 =	sadd.s32 $0x54000, s4;
	[dreg:$0x16] =	wrdreg s17  }
0x30: {  	s1 =	sadd.s32 $0x58000, s4;
	[smem:$0x7B2] =	sst s30  }
0x31: {  	s9 =	sadd.s32 $0x10080, s4;
	[smem:$0x7B3] =	sst s1  }
0x32: {  	s12 =	sadd.s32 $0x1C080, s4;
	[smem:$0x7B9] =	sst s9  }
0x33: {  	s18 =	sadd.s32 $0x34080, s4;
	[smem:$0x7BC] =	sst s12  }
0x34: {  	s19 =	sadd.s32 $0x38080, s4;
	[smem:$0x7C2] =	sst s18  }
0x35: {  	s20 =	sadd.s32 $0x3C080, s4;
	[smem:$0x7C3] =	sst s19  }
0x36: {  	s21 =	sadd.s32 $0x40080, s4;
	[smem:$0x7C4] =	sst s20  }
0x37: {  	s22 =	sadd.s32 $0x44080, s4;
	[smem:$0x7C5] =	sst s21  }
0x38: {  	s23 =	sadd.s32 $0x48080, s4;
	[smem:$0x7C6] =	sst s22  }
0x39: {  	s24 =	sadd.s32 $0x4C080, s4;
	[smem:$0x7C7] =	sst s23  }
0x3a: {  	s3 =	sadd.s32 $0x60080, s4;
	[smem:$0x7C8] =	sst s24  }
0x3b: {  	s7 =	sadd.s32 $0xC100, s4;
	[smem:$0x7CD] =	sst s3  }
0x3c: {  	s8 =	sadd.s32 $0x10100, s4;
	[smem:$0x7D0] =	sst s7  }
0x3d: {  	s10 =	sadd.s32 $0x18100, s4;
	[smem:$0x7D1] =	sst s8  }
0x3e: {  	s11 =	sadd.s32 $0x1C100, s4;
	[smem:$0x7D3] =	sst s10  }
0x3f: {  	s13 =	sadd.s32 $0x24100, s4;
	[smem:$0x7D4] =	sst s11  }
0x40: {  	s14 =	sadd.s32 $0x28100, s4;
	[smem:$0x7D6] =	sst s13  }
0x41: {  	s25 =	sadd.s32 $0x54100, s4;
	[smem:$0x7D7] =	sst s14  }
0x42: {  	s26 =	sadd.s32 $0x58100, s4;
	[smem:$0x7E2] =	sst s25  }
0x43: {  	s5 =	sadd.s32 $0x8180, s4;
	[smem:$0x7E3] =	sst s26  }
0x44: {  	s6 =	sadd.s32 $0xC180, s4;
	[smem:$0x7E7] =	sst s5  }
0x45: {  	s15 =	sadd.s32 $0x28080, s4;
	[smem:$0x7E8] =	sst s6  }
0x46: {  	s16 =	sadd.s32 $0x2C080, s4;
	[smem:$0x7BF] =	sst s15  }
0x47: {  	s17 =	sadd.s32 $0x30080, s4;
	[smem:$0x7C0] =	sst s16  }
0x48: {  	s30 =	sadd.s32 $0x58080, s4;
	[smem:$0x7C1] =	sst s17  }
0x49: {  	s1 =	sadd.s32 $0x5C080, s4;
	[smem:$0x7CB] =	sst s30  }
0x4a: {  	s9 =	sadd.s32 $0x14100, s4;
	[smem:$0x7CC] =	sst s1  }
0x4b: {  	s12 =	sadd.s32 $0x20100, s4;
	[smem:$0x7D2] =	sst s9  }
0x4c: {  	s18 =	sadd.s32 $0x38100, s4;
	[smem:$0x7D5] =	sst s12  }
0x4d: {  	s19 =	sadd.s32 $0x3C100, s4;
	[smem:$0x7DB] =	sst s18  }
0x4e: {  	s20 =	sadd.s32 $0x40100, s4;
	[smem:$0x7DC] =	sst s19  }
0x4f: {  	s21 =	sadd.s32 $0x44100, s4;
	[smem:$0x7DD] =	sst s20  }
0x50: {  	s22 =	sadd.s32 $0x48100, s4;
	[smem:$0x7DE] =	sst s21  }
0x51: {  	s23 =	sadd.s32 $0x4C100, s4;
	[smem:$0x7DF] =	sst s22  }
0x52: {  	s24 =	sadd.s32 $0x50100, s4;
	[smem:$0x7E0] =	sst s23  }
0x53: {  	s3 =	sadd.s32 $0x4180, s4;
	[smem:$0x7E1] =	sst s24  }
0x54: {  	s7 =	sadd.s32 $0x10180, s4;
	[smem:$0x7E6] =	sst s3  }
0x55: {  	s8 =	sadd.s32 $0x14180, s4;
	[smem:$0x7E9] =	sst s7  }
0x56: {  	s10 =	sadd.s32 $0x1C180, s4;
	[smem:$0x7EA] =	sst s8  }
0x57: {  	s11 =	sadd.s32 $0x20180, s4;
	[smem:$0x7EC] =	sst s10  }
0x58: {  	s13 =	sadd.s32 $0x28180, s4;
	[smem:$0x7ED] =	sst s11  }
0x59: {  	s14 =	sadd.s32 $0x2C180, s4;
	[smem:$0x7EF] =	sst s13  }
0x5a: {  	s25 =	sadd.s32 $0x58180, s4;
	[smem:$0x7F0] =	sst s14  }
0x5b: {  	s26 =	sadd.s32 $0x5C180, s4;
	[smem:$0x7FB] =	sst s25  }
0x5c: {  	s15 =	sadd.s32 $0x2C100, s4;
	[smem:$0x7FC] =	sst s26  }
0x5d: {  	s31 =	simm.s32 $0x9800;
	s16 =	sadd.s32 $0x30100, s4;
	[smem:$0x7D8] =	sst s15  }
0x5e: {  	s28 =	simm.s32 $0xAC00;
	s17 =	sadd.s32 $0x34100, s4;
	[smem:$0x7D9] =	sst s16  }
0x5f: {  	s29 =	simm.s32 $0x12C00;
	s30 =	sadd.s32 $0x5C100, s4;
	[smem:$0x7DA] =	sst s17  }
0x60: {  	s0 =	simm.s32 $0xA400;
	s1 =	sadd.s32 $0x60100, s4;
	[smem:$0x7E4] =	sst s30  }
0x61: {  	s5 =	simm.s32 $0x0;
	s9 =	sadd.s32 $0x18180, s4;
	[smem:$0x7E5] =	sst s1  }
0x62: {  	s12 =	sadd.s32 $0x24180, s4;
	s18 =	sadd.s32 $0x3C180, s4;
	[smem:$0x7EB] =	sst s9  }
0x63: {  	s19 =	sadd.s32 $0x40180, s4;
	s20 =	sadd.s32 $0x44180, s4;
	[smem:$0x7EE] =	sst s12  }
0x64: {  	s21 =	sadd.s32 $0x48180, s4;
	s22 =	sadd.s32 $0x4C180, s4;
	[smem:$0x7F4] =	sst s18  }
0x65: {  	s23 =	sadd.s32 $0x50180, s4;
	s24 =	sadd.s32 $0x54180, s4;
	[smem:$0x7F5] =	sst s19  }
0x66: {  	s8 =	simm.s32 $0x9400;
	s10 =	simm.s32 $0xA000;
	[smem:$0x7F6] =	sst s20  }
0x67: {  	s11 =	simm.s32 $0xA800;
	s13 =	simm.s32 $0xB800;
	[smem:$0x7F7] =	sst s21  }
0x68: {  	s25 =	simm.s32 $0xBC00;
	s14 =	simm.s32 $0xC000;
	[smem:$0x7F8] =	sst s22  }
0x69: {  	v0 =	vlaneseq.u32;
	s3 =	simm.s32 $0xC400;
	s15 =	sadd.s32 $0x30180, s4;
	[smem:$0x7F9] =	sst s23  }
0x6a: {  	v0 =	vmul.u32 $0xC8, v0;
	s16 =	sadd.s32 $0x34180, s4;
	s17 =	sadd.s32 $0x38180, s4;
	[smem:$0x7FA] =	sst s24  }
0x6b: {  	v1 =	vimm.s32 $0x0;
	v2 =	vimm.s32 $0x1;
	s30 =	sadd.s32 $0x60180, s4;
	s22 =	simm.s32 $0x3;
	[smem:$0x7F1] =	sst s15  }
0x6c: {  	v3 =	vimm.s32 $0x2;
	v4 =	vimm.s32 $0x3;
	v5 =	vadd.s32 $0xC80, v0;
	s23 =	simm.s32 $0x1;
	s9 =	simm.s32 $0x9C00;
	[smem:$0x7F2] =	sst s16  }
0x6d: {  	v6 =	vadd.s32 $0x1900, v0;
	v7 =	vadd.s32 $0x2580, v0;
	v8 =	vadd.s32 $0x3200, v0;
	s12 =	simm.s32 $0xB000;
	s1 =	simm.s32 $0xB400;
	[smem:$0x7F3] =	sst s17  }
0x6e: {  	v9 =	vadd.s32 $0x3E80, v0;
	v10 =	vadd.s32 $0x4B00, v0;
	v11 =	vadd.s32 $0x5780, v0;
	[smem:$0x7FD] =	sst s30;
	s15 =	simm.s32 $0xC800;
	s16 =	simm.s32 $0x2  }
.LBB2_1:
0x6f: {  	s6 =	rddreg [dreg:$0x3];
	s7 =	simm.s32 $0x19000  }
0x70: {  	[tilespmem:s7], [sflag:$0x3] =	stream.linear.gather [hbm4b:s6+s2], $0x80, $0x38;
	[tilespmem:$0x19080] =	vst v63  }
0x71: {  	_ =	swait.ge [sflag:s22], $0x80  }
0x72: {  	[sflag:s22] =	ssyncset.done $0x0  }
0x73: {  	s18 =	rddreg [dreg:$0x4];
	[sflag:s22] =	ssyncadd.s32 $0xFFFFFF80  }
0x74: {  	v12 =	vld [tilespmem:$0x19000];
	[tilespmem:s2], [sflag:$0x1] =	stream.linear.gather [hbm4b:s4+s2], $0x400, $0x38  }
0x75: {  	s19 =	simm.s32 $0x400;
	s20 =	rddreg [dreg:$0x5]  }
0x76: {  	[tilespmem:s19], [sflag:$0x1] =	stream.linear.gather [hbm4b:s18+s2], $0x400, $0x38;
	[tilespmem:$0x19080] =	vst v63  }
0x77: {  	s21 =	simm.s32 $0x800;
	s24 =	rddreg [dreg:$0x6]  }
0x78: {  	[tilespmem:s21], [sflag:$0x1] =	stream.linear.gather [hbm4b:s20+s2], $0x400, $0x38;
	[tilespmem:$0x19080] =	vst v63  }
0x79: {  	s26 =	simm.s32 $0xC00;
	s7 =	rddreg [dreg:$0x7]  }
0x7a: {  	[tilespmem:s26], [sflag:$0x1] =	stream.linear.gather [hbm4b:s24+s2], $0x400, $0x38;
	[tilespmem:$0x19080] =	vst v63  }
0x7b: {  	s17 =	simm.s32 $0x1000;
	s18 =	rddreg [dreg:$0x8]  }
0x7c: {  	[tilespmem:s17], [sflag:$0x1] =	stream.linear.gather [hbm4b:s7+s2], $0x400, $0x38;
	[tilespmem:$0x19080] =	vst v63  }
0x7d: {  	s19 =	simm.s32 $0x1400;
	s20 =	rddreg [dreg:$0x9]  }
0x7e: {  	[tilespmem:s19], [sflag:$0x1] =	stream.linear.gather [hbm4b:s18+s2], $0x400, $0x38;
	[tilespmem:$0x19080] =	vst v63  }
0x7f: {  	s21 =	simm.s32 $0x1800;
	s24 =	rddreg [dreg:$0xa]  }
0x80: {  	[tilespmem:s21], [sflag:$0x1] =	stream.linear.gather [hbm4b:s20+s2], $0x400, $0x38;
	[tilespmem:$0x19080] =	vst v63  }
0x81: {  	s26 =	simm.s32 $0x1C00;
	s7 =	rddreg [dreg:$0xb]  }
0x82: {  	[tilespmem:s26], [sflag:$0x1] =	stream.linear.gather [hbm4b:s24+s2], $0x400, $0x38;
	[tilespmem:$0x19080] =	vst v63  }
0x83: {  	s17 =	simm.s32 $0x2000;
	s18 =	rddreg [dreg:$0xc]  }
0x84: {  	[tilespmem:s17], [sflag:$0x1] =	stream.linear.gather [hbm4b:s7+s2], $0x400, $0x38;
	[tilespmem:$0x19080] =	vst v63  }
0x85: {  	s19 =	simm.s32 $0x2400;
	s20 =	rddreg [dreg:$0xd]  }
0x86: {  	[tilespmem:s19], [sflag:$0x1] =	stream.linear.gather [hbm4b:s18+s2], $0x400, $0x38;
	[tilespmem:$0x19080] =	vst v63  }
0x87: {  	s21 =	simm.s32 $0x2800;
	s24 =	rddreg [dreg:$0xe]  }
0x88: {  	[tilespmem:s21], [sflag:$0x1] =	stream.linear.gather [hbm4b:s20+s2], $0x400, $0x38;
	[tilespmem:$0x19080] =	vst v63  }
0x89: {  	s26 =	simm.s32 $0x2C00;
	s7 =	rddreg [dreg:$0x12]  }
0x8a: {  	[tilespmem:s26], [sflag:$0x1] =	stream.linear.gather [hbm4b:s24+s2], $0x400, $0x38;
	[tilespmem:$0x19080] =	vst v63  }
0x8b: {  	s17 =	simm.s32 $0x3000;
	s18 =	rddreg [dreg:$0x17]  }
0x8c: {  	[tilespmem:s17], [sflag:$0x1] =	stream.linear.gather [hbm4b:s7+s2], $0x400, $0x38;
	[tilespmem:$0x19080] =	vst v63  }
0x8d: {  	s19 =	simm.s32 $0x3400;
	s20 =	rddreg [dreg:$0x19]  }
0x8e: {  	[tilespmem:s19], [sflag:$0x1] =	stream.linear.gather [hbm4b:s18+s2], $0x400, $0x38;
	[tilespmem:$0x19080] =	vst v63  }
0x8f: {  	s21 =	simm.s32 $0x3800;
	s24 =	rddreg [dreg:$0x1a]  }
0x90: {  	[tilespmem:s21], [sflag:$0x1] =	stream.linear.gather [hbm4b:s20+s2], $0x400, $0x38;
	[tilespmem:$0x19080] =	vst v63  }
0x91: {  	s26 =	simm.s32 $0x3C00;
	s7 =	rddreg [dreg:$0x1b]  }
0x92: {  	[tilespmem:s26], [sflag:$0x1] =	stream.linear.gather [hbm4b:s24+s2], $0x400, $0x38;
	[tilespmem:$0x19080] =	vst v63  }
0x93: {  	s17 =	simm.s32 $0x4000;
	s18 =	rddreg [dreg:$0x1c]  }
0x94: {  	[tilespmem:s17], [sflag:$0x1] =	stream.linear.gather [hbm4b:s7+s2], $0x400, $0x38;
	[tilespmem:$0x19080] =	vst v63  }
0x95: {  	s19 =	simm.s32 $0x4400;
	s20 =	rddreg [dreg:$0x1d]  }
0x96: {  	[tilespmem:s19], [sflag:$0x1] =	stream.linear.gather [hbm4b:s18+s2], $0x400, $0x38;
	[tilespmem:$0x19080] =	vst v63  }
0x97: {  	s21 =	simm.s32 $0x4800;
	s24 =	rddreg [dreg:$0x1e]  }
0x98: {  	[tilespmem:s21], [sflag:$0x1] =	stream.linear.gather [hbm4b:s20+s2], $0x400, $0x38;
	[tilespmem:$0x19080] =	vst v63  }
0x99: {  	s26 =	simm.s32 $0x4C00;
	s7 =	rddreg [dreg:$0x1f]  }
0x9a: {  	[tilespmem:s26], [sflag:$0x1] =	stream.linear.gather [hbm4b:s24+s2], $0x400, $0x38;
	[tilespmem:$0x19080] =	vst v63  }
0x9b: {  	s17 =	simm.s32 $0x5000;
	s18 =	sld [smem:$0x7B2]  }
0x9c: {  	[tilespmem:s17], [sflag:$0x1] =	stream.linear.gather [hbm4b:s7+s2], $0x400, $0x38;
	[tilespmem:$0x19080] =	vst v63  }
0x9d: {  	s19 =	simm.s32 $0x5400;
	s20 =	sld [smem:$0x7B3]  }
0x9e: {  	[tilespmem:s19], [sflag:$0x1] =	stream.linear.gather [hbm4b:s18+s2], $0x400, $0x38;
	[tilespmem:$0x19080] =	vst v63  }
0x9f: {  	s21 =	simm.s32 $0x5800;
	s24 =	sld [smem:$0x7B4]  }
0xa0: {  	[tilespmem:s21], [sflag:$0x1] =	stream.linear.gather [hbm4b:s20+s2], $0x400, $0x38;
	[tilespmem:$0x19080] =	vst v63  }
0xa1: {  	s26 =	simm.s32 $0x5C00;
	s7 =	sld [smem:$0x7B5]  }
0xa2: {  	[tilespmem:s26], [sflag:$0x1] =	stream.linear.gather [hbm4b:s24+s2], $0x400, $0x38;
	[tilespmem:$0x19080] =	vst v63  }
0xa3: {  	s17 =	simm.s32 $0x6000  }
0xa4: {  	[tilespmem:s17], [sflag:$0x1] =	stream.linear.gather [hbm4b:s7+s2], $0x400, $0x38;
	[tilespmem:$0x19080] =	vst v63  }
0xa5: {  	_ =	swait.ge [sflag:s23], $0x400  }
0xa6: {  	[sflag:s23] =	ssyncset.done $0x0  }
0xa7: {  	[sflag:s23] =	ssyncadd.s32 $0xFFFFFC00  }
0xa8: {  	_ =	swait.ge [sflag:s23], $0x400  }
0xa9: {  	[sflag:s23] =	ssyncset.done $0x0  }
0xaa: {  	[sflag:s23] =	ssyncadd.s32 $0xFFFFFC00  }
0xab: {  	_ =	swait.ge [sflag:s23], $0x400  }
0xac: {  	[sflag:s23] =	ssyncset.done $0x0  }
0xad: {  	[sflag:s23] =	ssyncadd.s32 $0xFFFFFC00  }
0xae: {  	_ =	swait.ge [sflag:s23], $0x400  }
0xaf: {  	[sflag:s23] =	ssyncset.done $0x0  }
0xb0: {  	[sflag:s23] =	ssyncadd.s32 $0xFFFFFC00  }
0xb1: {  	_ =	swait.ge [sflag:s23], $0x400  }
0xb2: {  	[sflag:s23] =	ssyncset.done $0x0  }
0xb3: {  	[sflag:s23] =	ssyncadd.s32 $0xFFFFFC00  }
0xb4: {  	_ =	swait.ge [sflag:s23], $0x400  }
0xb5: {  	[sflag:s23] =	ssyncset.done $0x0  }
0xb6: {  	[sflag:s23] =	ssyncadd.s32 $0xFFFFFC00  }
0xb7: {  	_ =	swait.ge [sflag:s23], $0x400  }
0xb8: {  	[sflag:s23] =	ssyncset.done $0x0  }
0xb9: {  	[sflag:s23] =	ssyncadd.s32 $0xFFFFFC00  }
0xba: {  	_ =	swait.ge [sflag:s23], $0x400  }
0xbb: {  	[sflag:s23] =	ssyncset.done $0x0  }
0xbc: {  	[sflag:s23] =	ssyncadd.s32 $0xFFFFFC00  }
0xbd: {  	_ =	swait.ge [sflag:s23], $0x400  }
0xbe: {  	[sflag:s23] =	ssyncset.done $0x0  }
0xbf: {  	[sflag:s23] =	ssyncadd.s32 $0xFFFFFC00  }
0xc0: {  	_ =	swait.ge [sflag:s23], $0x400  }
0xc1: {  	[sflag:s23] =	ssyncset.done $0x0  }
0xc2: {  	[sflag:s23] =	ssyncadd.s32 $0xFFFFFC00  }
0xc3: {  	_ =	swait.ge [sflag:s23], $0x400  }
0xc4: {  	[sflag:s23] =	ssyncset.done $0x0  }
0xc5: {  	[sflag:s23] =	ssyncadd.s32 $0xFFFFFC00  }
0xc6: {  	_ =	swait.ge [sflag:s23], $0x400  }
0xc7: {  	[sflag:s23] =	ssyncset.done $0x0  }
0xc8: {  	[sflag:s23] =	ssyncadd.s32 $0xFFFFFC00  }
0xc9: {  	_ =	swait.ge [sflag:s23], $0x400  }
0xca: {  	[sflag:s23] =	ssyncset.done $0x0  }
0xcb: {  	[sflag:s23] =	ssyncadd.s32 $0xFFFFFC00  }
0xcc: {  	_ =	swait.ge [sflag:s23], $0x400  }
0xcd: {  	[sflag:s23] =	ssyncset.done $0x0  }
0xce: {  	[sflag:s23] =	ssyncadd.s32 $0xFFFFFC00  }
0xcf: {  	_ =	swait.ge [sflag:s23], $0x400  }
0xd0: {  	[sflag:s23] =	ssyncset.done $0x0  }
0xd1: {  	[sflag:s23] =	ssyncadd.s32 $0xFFFFFC00  }
0xd2: {  	_ =	swait.ge [sflag:s23], $0x400  }
0xd3: {  	[sflag:s23] =	ssyncset.done $0x0  }
0xd4: {  	[sflag:s23] =	ssyncadd.s32 $0xFFFFFC00  }
0xd5: {  	_ =	swait.ge [sflag:s23], $0x400  }
0xd6: {  	[sflag:s23] =	ssyncset.done $0x0  }
0xd7: {  	[sflag:s23] =	ssyncadd.s32 $0xFFFFFC00  }
0xd8: {  	_ =	swait.ge [sflag:s23], $0x400  }
0xd9: {  	[sflag:s23] =	ssyncset.done $0x0  }
0xda: {  	[sflag:s23] =	ssyncadd.s32 $0xFFFFFC00  }
0xdb: {  	_ =	swait.ge [sflag:s23], $0x400  }
0xdc: {  	[sflag:s23] =	ssyncset.done $0x0  }
0xdd: {  	[sflag:s23] =	ssyncadd.s32 $0xFFFFFC00  }
0xde: {  	_ =	swait.ge [sflag:s23], $0x400  }
0xdf: {  	[sflag:s23] =	ssyncset.done $0x0  }
0xe0: {  	[sflag:s23] =	ssyncadd.s32 $0xFFFFFC00  }
0xe1: {  	_ =	swait.ge [sflag:s23], $0x400  }
0xe2: {  	[sflag:s23] =	ssyncset.done $0x0  }
0xe3: {  	[sflag:s23] =	ssyncadd.s32 $0xFFFFFC00  }
0xe4: {  	_ =	swait.ge [sflag:s23], $0x400  }
0xe5: {  	[sflag:s23] =	ssyncset.done $0x0  }
0xe6: {  	[sflag:s23] =	ssyncadd.s32 $0xFFFFFC00  }
0xe7: {  	_ =	swait.ge [sflag:s23], $0x400  }
0xe8: {  	[sflag:s23] =	ssyncset.done $0x0  }
0xe9: {  	[sflag:s23] =	ssyncadd.s32 $0xFFFFFC00  }
0xea: {  	_ =	swait.ge [sflag:s23], $0x400  }
0xeb: {  	[sflag:s23] =	ssyncset.done $0x0  }
0xec: {  	[sflag:s23] =	ssyncadd.s32 $0xFFFFFC00  }
0xed: {  	_ =	swait.ge [sflag:s23], $0x400  }
0xee: {  	[sflag:s23] =	ssyncset.done $0x0;
	s18 =	rddreg [dreg:$0xf]  }
0xef: {  	s19 =	simm.s32 $0x6400;
	s20 =	sld [smem:$0x7B6];
	[sflag:s23] =	ssyncadd.s32 $0xFFFFFC00  }
0xf0: {  	[tilespmem:s19], [sflag:$0x1] =	stream.linear.gather [hbm4b:s18+s2], $0x400, $0x38;
	[tilespmem:$0x19080] =	vst v63  }
0xf1: {  	s21 =	simm.s32 $0x6800;
	s24 =	sld [smem:$0x7B7]  }
0xf2: {  	[tilespmem:s21], [sflag:$0x1] =	stream.linear.gather [hbm4b:s20+s2], $0x400, $0x38;
	[tilespmem:$0x19080] =	vst v63  }
0xf3: {  	s26 =	simm.s32 $0x6C00;
	s7 =	sld [smem:$0x7B8]  }
0xf4: {  	[tilespmem:s26], [sflag:$0x1] =	stream.linear.gather [hbm4b:s24+s2], $0x400, $0x38;
	[tilespmem:$0x19080] =	vst v63  }
0xf5: {  	s17 =	simm.s32 $0x7000;
	s18 =	sld [smem:$0x7B9]  }
0xf6: {  	[tilespmem:s17], [sflag:$0x1] =	stream.linear.gather [hbm4b:s7+s2], $0x400, $0x38;
	[tilespmem:$0x19080] =	vst v63  }
0xf7: {  	s19 =	simm.s32 $0x7400;
	s20 =	sld [smem:$0x7BA]  }
0xf8: {  	[tilespmem:s19], [sflag:$0x1] =	stream.linear.gather [hbm4b:s18+s2], $0x400, $0x38;
	[tilespmem:$0x19080] =	vst v63  }
0xf9: {  	s21 =	simm.s32 $0x7800;
	s24 =	sld [smem:$0x7BB]  }
0xfa: {  	[tilespmem:s21], [sflag:$0x1] =	stream.linear.gather [hbm4b:s20+s2], $0x400, $0x38;
	[tilespmem:$0x19080] =	vst v63  }
0xfb: {  	s26 =	simm.s32 $0x7C00;
	s7 =	sld [smem:$0x7BC]  }
0xfc: {  	[tilespmem:s26], [sflag:$0x1] =	stream.linear.gather [hbm4b:s24+s2], $0x400, $0x38;
	[tilespmem:$0x19080] =	vst v63  }
0xfd: {  	s17 =	simm.s32 $0x8000;
	s18 =	sld [smem:$0x7BD]  }
0xfe: {  	[tilespmem:s17], [sflag:$0x1] =	stream.linear.gather [hbm4b:s7+s2], $0x400, $0x38;
	[tilespmem:$0x19080] =	vst v63  }
0xff: {  	s19 =	simm.s32 $0x8400;
	s20 =	sld [smem:$0x7BE]  }
0x100: {  	[tilespmem:s19], [sflag:$0x1] =	stream.linear.gather [hbm4b:s18+s2], $0x400, $0x38;
	[tilespmem:$0x19080] =	vst v63  }
0x101: {  	s21 =	simm.s32 $0x8800;
	s24 =	sld [smem:$0x7BF]  }
0x102: {  	[tilespmem:s21], [sflag:$0x1] =	stream.linear.gather [hbm4b:s20+s2], $0x400, $0x38;
	[tilespmem:$0x19080] =	vst v63  }
0x103: {  	s26 =	simm.s32 $0x8C00;
	s17 =	sld [smem:$0x7C0]  }
0x104: {  	[tilespmem:s26], [sflag:$0x1] =	stream.linear.gather [hbm4b:s24+s2], $0x400, $0x38;
	[tilespmem:$0x19080] =	vst v63  }
0x105: {  	s18 =	simm.s32 $0x9000;
	s19 =	sld [smem:$0x7C1]  }
0x106: {  	[tilespmem:s18], [sflag:$0x1] =	stream.linear.gather [hbm4b:s17+s2], $0x400, $0x38;
	[tilespmem:$0x19080] =	vst v63  }
0x107: {  	s20 =	sld [smem:$0x7C2]  }
0x108: {  	[tilespmem:s8], [sflag:$0x1] =	stream.linear.gather [hbm4b:s19+s2], $0x400, $0x38;
	[tilespmem:$0x19080] =	vst v63  }
0x109: {  	s21 =	sld [smem:$0x7C3]  }
0x10a: {  	[tilespmem:s31], [sflag:$0x1] =	stream.linear.gather [hbm4b:s20+s2], $0x400, $0x38;
	[tilespmem:$0x19080] =	vst v63  }
0x10b: {  	s24 =	sld [smem:$0x7C4]  }
0x10c: {  	[tilespmem:s9], [sflag:$0x1] =	stream.linear.gather [hbm4b:s21+s2], $0x400, $0x38;
	[tilespmem:$0x19080] =	vst v63  }
0x10d: {  	s26 =	sld [smem:$0x7C5]  }
0x10e: {  	[tilespmem:s10], [sflag:$0x1] =	stream.linear.gather [hbm4b:s24+s2], $0x400, $0x38;
	[tilespmem:$0x19080] =	vst v63  }
0x10f: {  	s7 =	sld [smem:$0x7C6]  }
0x110: {  	[tilespmem:s0], [sflag:$0x1] =	stream.linear.gather [hbm4b:s26+s2], $0x400, $0x38;
	[tilespmem:$0x19080] =	vst v63  }
0x111: {  	s17 =	sld [smem:$0x7C7]  }
0x112: {  	[tilespmem:s11], [sflag:$0x1] =	stream.linear.gather [hbm4b:s7+s2], $0x400, $0x38;
	[tilespmem:$0x19080] =	vst v63  }
0x113: {  	s18 =	sld [smem:$0x7C8]  }
0x114: {  	[tilespmem:s28], [sflag:$0x1] =	stream.linear.gather [hbm4b:s17+s2], $0x400, $0x38;
	[tilespmem:$0x19080] =	vst v63  }
0x115: {  	s19 =	sld [smem:$0x7C9]  }
0x116: {  	[tilespmem:s12], [sflag:$0x1] =	stream.linear.gather [hbm4b:s18+s2], $0x400, $0x38;
	[tilespmem:$0x19080] =	vst v63  }
0x117: {  	s20 =	sld [smem:$0x7CA]  }
0x118: {  	[tilespmem:s1], [sflag:$0x1] =	stream.linear.gather [hbm4b:s19+s2], $0x400, $0x38;
	[tilespmem:$0x19080] =	vst v63  }
0x119: {  	s21 =	sld [smem:$0x7CB]  }
0x11a: {  	[tilespmem:s13], [sflag:$0x1] =	stream.linear.gather [hbm4b:s20+s2], $0x400, $0x38;
	[tilespmem:$0x19080] =	vst v63  }
0x11b: {  	s24 =	sld [smem:$0x7CC]  }
0x11c: {  	[tilespmem:s25], [sflag:$0x1] =	stream.linear.gather [hbm4b:s21+s2], $0x400, $0x38;
	[tilespmem:$0x19080] =	vst v63  }
0x11d: {  	s26 =	sld [smem:$0x7CD]  }
0x11e: {  	[tilespmem:s14], [sflag:$0x1] =	stream.linear.gather [hbm4b:s24+s2], $0x400, $0x38;
	[tilespmem:$0x19080] =	vst v63  }
0x11f: {  	s24 =	simm.s32 $0x80  }
0x120: {  	[tilespmem:s3], [sflag:$0x1] =	stream.linear.gather [hbm4b:s26+s2], $0x400, $0x38;
	[tilespmem:$0x19080] =	vst v63  }
0x121: {  	v16 =	vld [tilespmem:s24+$0x0];
	_ =	sdelay $0x1  }
0x122: {  	s17 =	simm.s32 $0x1  }
0x123: {  	v14 =	vperm.xlane v12, v2;
	v18 =	vadd.s32 s17, v0;
	v17 =	vld [tilespmem:s24+$0xFFFFFF80]  }
0x124: {  	v13 =	vperm.xlane v12, v1;
	v15 =	vperm.xlane v12, v4  }
0x125: {  	v12 =	vperm.xlane v12, v3;
	vm0 =	veq.s32 v16, v14  }
0x126: {  	v19 =	vadd.s32 s2, v0;
	vm1 =	veq.s32 v16, v13;
	v16 =	vnsel vm0, $0xFFFFFFFF, v15  }
0x127: {  	v16 =	vsel vm1, v12, v16  }
0x128: {  	vm7 =	veq.s32 v17, v14;
	[tilespmem:v18+s15+$0x0] =	vst.idx.msk $0xffff, v16  }
0x129: {  	vm8 =	veq.s32 v17, v13;
	v17 =	vnsel vm7, $0xFFFFFFFF, v15;
	v16 =	vld [tilespmem:s24+$0x10]  }
0x12a: {  	v17 =	vsel vm8, v12, v17  }
0x12b: {  	[tilespmem:v19+s15+$0x0] =	vst.idx.msk $0xffff, v17  }
0x12c: {  	v18 =	vadd.s32 s17, v5;
	v17 =	vld [tilespmem:s24+$0xFFFFFF90];
	_ =	sdelay $0x1  }
0x12d: {  	vm9 =	veq.s32 v16, v14  }
0x12e: {  	v19 =	vadd.s32 s2, v5;
	vm10 =	veq.s32 v16, v13;
	v16 =	vnsel vm9, $0xFFFFFFFF, v15  }
0x12f: {  	v16 =	vsel vm10, v12, v16  }
0x130: {  	vm11 =	veq.s32 v17, v14;
	[tilespmem:v18+s15+$0x0] =	vst.idx.msk $0xffff, v16  }
0x131: {  	vm12 =	veq.s32 v17, v13;
	v16 =	vnsel vm11, $0xFFFFFFFF, v15;
	v17 =	vld [tilespmem:s24+$0x20]  }
0x132: {  	v16 =	vsel vm12, v12, v16  }
0x133: {  	[tilespmem:v19+s15+$0x0] =	vst.idx.msk $0xffff, v16  }
0x134: {  	v18 =	vadd.s32 s17, v6;
	v16 =	vld [tilespmem:s24+$0xFFFFFFA0];
	_ =	sdelay $0x1  }
0x135: {  	vm13 =	veq.s32 v17, v14  }
0x136: {  	s19 =	simm.s32 $0x180;
	v19 =	vadd.s32 s2, v6;
	vm14 =	veq.s32 v17, v13;
	v17 =	vnsel vm13, $0xFFFFFFFF, v15  }
0x137: {  	v20 =	vld [tilespmem:s19+$0x0];
	v17 =	vsel vm14, v12, v17  }
0x138: {  	vm15 =	veq.s32 v16, v14;
	[tilespmem:v18+s15+$0x0] =	vst.idx.msk $0xffff, v17  }
0x139: {  	s18 =	simm.s32 $0x3;
	vm4 =	veq.s32 v16, v13;
	v16 =	vnsel vm15, $0xFFFFFFFF, v15;
	v17 =	vld [tilespmem:s24+$0x30]  }
0x13a: {  	v21 =	vadd.s32 s18, v0;
	v16 =	vsel vm4, v12, v16  }
0x13b: {  	v18 =	vld [tilespmem:s19+$0xFFFFFF80];
	[tilespmem:v19+s15+$0x0] =	vst.idx.msk $0xffff, v16  }
0x13c: {  	vm5 =	veq.s32 v20, v14;
	v19 =	vadd.s32 s17, v7;
	v16 =	vld [tilespmem:s24+$0xFFFFFFB0]  }
0x13d: {  	s6 =	simm.s32 $0x2;
	vm6 =	veq.s32 v20, v13;
	v20 =	vnsel vm5, $0xFFFFFFFF, v15  }
0x13e: {  	v22 =	vadd.s32 s6, v0;
	v20 =	vsel vm6, v12, v20;
	vm7 =	veq.s32 v17, v14  }
0x13f: {  	v23 =	vadd.s32 s2, v7;
	[tilespmem:v21+s15+$0x0] =	vst.idx.msk $0xffff, v20;
	vm8 =	veq.s32 v17, v13;
	v17 =	vnsel vm7, $0xFFFFFFFF, v15  }
0x140: {  	v20 =	vld [tilespmem:s19+$0x10];
	vm9 =	veq.s32 v18, v14;
	v17 =	vsel vm8, v12, v17  }
0x141: {  	vm10 =	veq.s32 v18, v13;
	v18 =	vnsel vm9, $0xFFFFFFFF, v15;
	vm11 =	veq.s32 v16, v14;
	[tilespmem:v19+s15+$0x0] =	vst.idx.msk $0xffff, v17  }
0x142: {  	vm12 =	veq.s32 v16, v13;
	v17 =	vsel vm10, v12, v18;
	v16 =	vnsel vm11, $0xFFFFFFFF, v15;
	v18 =	vld [tilespmem:s24+$0x40]  }
0x143: {  	[tilespmem:v22+s15+$0x0] =	vst.idx.msk $0xffff, v17;
	v16 =	vsel vm12, v12, v16  }
0x144: {  	v19 =	vadd.s32 s18, v5;
	v17 =	vld [tilespmem:s19+$0xFFFFFF90];
	[tilespmem:v23+s15+$0x0] =	vst.idx.msk $0xffff, v16  }
0x145: {  	vm13 =	veq.s32 v20, v14;
	v16 =	vadd.s32 s17, v8;
	v21 =	vld [tilespmem:s24+$0xFFFFFFC0]  }
0x146: {  	vm14 =	veq.s32 v20, v13;
	v20 =	vnsel vm13, $0xFFFFFFFF, v15  }
0x147: {  	v20 =	vsel vm14, v12, v20;
	v23 =	vadd.s32 s6, v5;
	vm15 =	veq.s32 v18, v14  }
0x148: {  	v22 =	vadd.s32 s2, v8;
	vm4 =	veq.s32 v18, v13;
	v18 =	vnsel vm15, $0xFFFFFFFF, v15  }
0x149: {  	[tilespmem:v19+s15+$0x0] =	vst.idx.msk $0xffff, v20;
	vm5 =	veq.s32 v17, v14;
	v18 =	vsel vm4, v12, v18  }
0x14a: {  	vm6 =	veq.s32 v17, v13;
	v17 =	vld [tilespmem:s19+$0x20];
	vm7 =	veq.s32 v21, v14;
	[tilespmem:v16+s15+$0x0] =	vst.idx.msk $0xffff, v18;
	v16 =	vnsel vm5, $0xFFFFFFFF, v15  }
0x14b: {  	vm8 =	veq.s32 v21, v13;
	v18 =	vnsel vm7, $0xFFFFFFFF, v15;
	v16 =	vsel vm6, v12, v16;
	v20 =	vld [tilespmem:s24+$0x50]  }
0x14c: {  	[tilespmem:v23+s15+$0x0] =	vst.idx.msk $0xffff, v16;
	v16 =	vsel vm8, v12, v18  }
0x14d: {  	v23 =	vadd.s32 s18, v6;
	v21 =	vld [tilespmem:s19+$0xFFFFFFA0];
	[tilespmem:v22+s15+$0x0] =	vst.idx.msk $0xffff, v16  }
0x14e: {  	v26 =	vadd.s32 s17, v9;
	v18 =	vadd.s32 s2, v9;
	v19 =	vld [tilespmem:s24+$0xFFFFFFD0]  }
0x14f: {  	v16 =	vadd.s32 s2, v10;
	v22 =	vadd.s32 s6, v6;
	vm9 =	veq.s32 v17, v14  }
0x150: {  	s30 =	simm.s32 $0x280;
	vm10 =	veq.s32 v17, v13;
	v17 =	vnsel vm9, $0xFFFFFFFF, v15;
	vm11 =	veq.s32 v20, v14  }
0x151: {  	v25 =	vld [tilespmem:s30+$0x0];
	v27 =	vsel vm10, v12, v17;
	vm12 =	veq.s32 v20, v13;
	v20 =	vnsel vm11, $0xFFFFFFFF, v15  }
0x152: {  	v24 =	vld [tilespmem:s30+$0xFFFFFF80];
	v17 =	vadd.s32 s6, v8;
	[tilespmem:v23+s15+$0x0] =	vst.idx.msk $0xffff, v27;
	vm13 =	veq.s32 v21, v14;
	v20 =	vsel vm12, v12, v20  }
0x153: {  	s21 =	simm.s32 $0x5;
	vm14 =	veq.s32 v21, v13;
	v23 =	vld [tilespmem:s19+$0x30];
	v21 =	vnsel vm13, $0xFFFFFFFF, v15;
	vm15 =	veq.s32 v19, v14;
	[tilespmem:v26+s15+$0x0] =	vst.idx.msk $0xffff, v20  }
0x154: {  	s7 =	simm.s32 $0x0;
	s20 =	simm.s32 $0x4;
	s26 =	simm.s32 $0x6;
	v27 =	vadd.s32 s21, v0;
	v26 =	vsel vm14, v12, v21;
	v21 =	vnsel vm15, $0xFFFFFFFF, v15;
	v20 =	vld [tilespmem:s24+$0x60]  }
.LBB2_2:
0x155: {  	p0 =	slt.u32 s26, $0xC6;
	v28 =	vadd.s32 s20, v0;
	[tilespmem:v22+s15+$0x0] =	vst.idx.msk $0xffff, v26;
	v22 =	vadd.s32 s6, v7;
	vm0 =	veq.s32 v19, v13  }
0x156: {  	v26 =	vadd.s32 s18, v7;
	vm1 =	veq.s32 v25, v14;
	v19 =	vld [tilespmem:s19+$0xFFFFFFB0];
	v21 =	vsel vm0, v12, v21  }
0x157: {  	vm0 =	veq.s32 v25, v13;
	v25 =	vnsel vm1, $0xFFFFFFFF, v15;
	[tilespmem:v18+s15+$0x0] =	vst.idx.msk $0xffff, v21;
	v18 =	vadd.s32 s17, v10  }
0x158: {  	vm1 =	veq.s32 v24, v14;
	v21 =	vsel vm0, v12, v25;
	vm0 =	veq.s32 v23, v14;
	v25 =	vld [tilespmem:s24+$0xFFFFFFE0]  }
0x159: {  	vm2 =	veq.s32 v23, v13;
	[tilespmem:v27+s15+$0x0] =	vst.idx.msk $0xffff, v21;
	v21 =	vnsel vm0, $0xFFFFFFFF, v15;
	vm0 =	veq.s32 v20, v14  }
0x15a: {  	v23 =	vld [tilespmem:s30+$0x10];
	v21 =	vsel vm2, v12, v21;
	vm2 =	veq.s32 v20, v13;
	v20 =	vnsel vm0, $0xFFFFFFFF, v15  }
0x15b: {  	vm0 =	veq.s32 v24, v13;
	v24 =	vnsel vm1, $0xFFFFFFFF, v15;
	[tilespmem:v26+s15+$0x0] =	vst.idx.msk $0xffff, v21;
	v20 =	vsel vm2, v12, v20  }
0x15c: {  	v21 =	vsel vm0, v12, v24;
	v24 =	vadd.s32 s20, v5;
	vm0 =	veq.s32 v19, v14;
	v26 =	vld [tilespmem:s19+$0x40];
	[tilespmem:v18+s15+$0x0] =	vst.idx.msk $0xffff, v20  }
0x15d: {  	vm1 =	veq.s32 v19, v13;
	v18 =	vnsel vm0, $0xFFFFFFFF, v15;
	[tilespmem:v28+s15+$0x0] =	vst.idx.msk $0xffff, v21;
	vm0 =	veq.s32 v25, v14;
	v19 =	vld [tilespmem:s24+$0x70]  }
0x15e: {  	v21 =	vadd.s32 s21, v5;
	v18 =	vsel vm1, v12, v18;
	v20 =	vld [tilespmem:s30+$0xFFFFFF90];
	v27 =	vnsel vm0, $0xFFFFFFFF, v15  }
0x15f: {  	vm1 =	veq.s32 v25, v13;
	vm0 =	veq.s32 v23, v14;
	[tilespmem:v22+s15+$0x0] =	vst.idx.msk $0xffff, v18;
	v18 =	vadd.s32 s18, v8  }
0x160: {  	v25 =	vadd.s32 s17, v11;
	s17 =	smov.u32 s18;
	vm2 =	veq.s32 v23, v13;
	s18 =	smov.u32 s21;
	v22 =	vnsel vm0, $0xFFFFFFFF, v15;
	v23 =	vld [tilespmem:s19+$0xFFFFFFC0]  }
0x161: {  	v27 =	vsel vm1, v12, v27;
	v22 =	vsel vm2, v12, v22;
	vm0 =	veq.s32 v26, v14  }
0x162: {  	vm1 =	veq.s32 v26, v13;
	v26 =	vnsel vm0, $0xFFFFFFFF, v15;
	[tilespmem:v16+s15+$0x0] =	vst.idx.msk $0xffff, v27;
	vm0 =	veq.s32 v19, v14  }
0x163: {  	[tilespmem:v21+s15+$0x0] =	vst.idx.msk $0xffff, v22;
	v16 =	vsel vm1, v12, v26;
	v21 =	vld [tilespmem:s24+$0xFFFFFFF0];
	vm1 =	veq.s32 v19, v13;
	v19 =	vnsel vm0, $0xFFFFFFFF, v15;
	s24 =	smov.u32 s19;
	s19 =	smov.u32 s30  }
0x164: {  	vm0 =	veq.s32 v20, v14;
	v26 =	vadd.s32 s7, v11;
	s7 =	smov.u32 s6;
	s6 =	smov.u32 s20;
	s20 =	smov.u32 s26;
	[tilespmem:v18+s15+$0x0] =	vst.idx.msk $0xffff, v16;
	v16 =	vsel vm1, v12, v19  }
0x165: {  	vm1 =	veq.s32 v20, v13;
	v18 =	vnsel vm0, $0xFFFFFFFF, v15;
	v20 =	vld [tilespmem:s30+$0x20];
	vm0 =	veq.s32 v23, v14;
	[tilespmem:v25+s15+$0x0] =	vst.idx.msk $0xffff, v16  }
0x166: {  	v16 =	vsel vm1, v12, v18;
	vm1 =	veq.s32 v23, v13;
	v18 =	vnsel vm0, $0xFFFFFFFF, v15;
	v23 =	vld [tilespmem:s24+$0x50]  }
0x167: {  	[tilespmem:v24+s15+$0x0] =	vst.idx.msk $0xffff, v16;
	v18 =	vsel vm1, v12, v18;
	v16 =	vadd.s32 s7, v10  }
0x168: {  	v28 =	vadd.s32 s18, v6;
	v27 =	vld [tilespmem:s30+$0xFFFFFFA0];
	[tilespmem:v17+s15+$0x0] =	vst.idx.msk $0xffff, v18;
	vm0 =	veq.s32 v21, v13;
	vm1 =	veq.s32 v21, v14  }
0x169: {  	v18 =	vadd.s32 s7, v9;
	v21 =	vadd.s32 s17, v9;
	v19 =	vld [tilespmem:s24+$0xFFFFFFD0];
	v17 =	vnsel vm1, $0xFFFFFFFF, v15  }
0x16a: {  	v22 =	vadd.s32 s6, v6;
	vm1 =	veq.s32 v20, v14;
	v17 =	vsel vm0, v12, v17  }
.Ltmp0:
0x16b: {  	s30 =	sadd.s32 $0x100, s30;
	vm0 =	veq.s32 v20, v13;
	v20 =	vnsel vm1, $0xFFFFFFFF, v15;
	vm1 =	veq.s32 v23, v14;
	[tilespmem:v26+s15+$0x0] =	vst.idx.msk $0xffff, v17;
	(pc) =	sbr.rel @p0 .LBB2_2-.Ltmp0, $4  }
0x16c: {  	v25 =	vld [tilespmem:s30+$0x0];
	v20 =	vsel vm0, v12, v20;
	vm0 =	veq.s32 v23, v13;
	v23 =	vnsel vm1, $0xFFFFFFFF, v15  }
0x16d: {  	v17 =	vadd.s32 s6, v8;
	v24 =	vld [tilespmem:s30+$0xFFFFFF80];
	vm1 =	veq.s32 v27, v14;
	[tilespmem:v28+s15+$0x0] =	vst.idx.msk $0xffff, v20;
	v20 =	vsel vm0, v12, v23  }
0x16e: {  	s21 =	sadd.s32 $0x1, s26;
	vm0 =	veq.s32 v27, v13;
	v26 =	vnsel vm1, $0xFFFFFFFF, v15;
	v23 =	vld [tilespmem:s19+$0x30];
	vm1 =	veq.s32 v19, v14;
	[tilespmem:v21+s15+$0x0] =	vst.idx.msk $0xffff, v20  }
0x16f: {  	s26 =	sadd.s32 $0x2, s26;
	v27 =	vadd.s32 s21, v0;
	v26 =	vsel vm0, v12, v26;
	v21 =	vnsel vm1, $0xFFFFFFFF, v15;
	v20 =	vld [tilespmem:s24+$0x60]  }
0x170: {  	_ = 	snop  }
0x171: {  	v28 =	vadd.s32 s20, v0;
	vm0 =	veq.s32 v25, v14  }
0x172: {  	vm1 =	veq.s32 v25, v13;
	v25 =	vnsel vm0, $0xFFFFFFFF, v15  }
0x173: {  	vm7 =	veq.s32 v24, v14;
	v25 =	vsel vm1, v12, v25  }
0x174: {  	vm8 =	veq.s32 v24, v13;
	v24 =	vnsel vm7, $0xFFFFFFFF, v15;
	[tilespmem:v27+s15+$0x0] =	vst.idx.msk $0xffff, v25  }
0x175: {  	v24 =	vsel vm8, v12, v24;
	v25 =	vld [tilespmem:s30+$0x10]  }
0x176: {  	[tilespmem:v28+s15+$0x0] =	vst.idx.msk $0xffff, v24  }
0x177: {  	v24 =	vld [tilespmem:s30+$0xFFFFFF90]  }
0x178: {  	v27 =	vadd.s32 s21, v5;
	_ =	sdelay $0x1  }
0x179: {  	v28 =	vadd.s32 s20, v5;
	vm9 =	veq.s32 v25, v14  }
0x17a: {  	vm10 =	veq.s32 v25, v13;
	v25 =	vnsel vm9, $0xFFFFFFFF, v15  }
0x17b: {  	vm11 =	veq.s32 v24, v14;
	v25 =	vsel vm10, v12, v25  }
0x17c: {  	vm12 =	veq.s32 v24, v13;
	v24 =	vnsel vm11, $0xFFFFFFFF, v15;
	[tilespmem:v27+s15+$0x0] =	vst.idx.msk $0xffff, v25  }
0x17d: {  	v24 =	vsel vm12, v12, v24;
	v25 =	vld [tilespmem:s30+$0x20]  }
0x17e: {  	[tilespmem:v28+s15+$0x0] =	vst.idx.msk $0xffff, v24  }
0x17f: {  	v24 =	vld [tilespmem:s30+$0xFFFFFFA0]  }
0x180: {  	v27 =	vadd.s32 s21, v6;
	_ =	sdelay $0x1  }
0x181: {  	v28 =	vadd.s32 s20, v6;
	vm13 =	veq.s32 v25, v14  }
0x182: {  	[tilespmem:v22+s15+$0x0] =	vst.idx.msk $0xffff, v26;
	vm14 =	veq.s32 v25, v13;
	v22 =	vnsel vm13, $0xFFFFFFFF, v15  }
0x183: {  	v25 =	vld [tilespmem:s19+$0xFFFFFFB0];
	vm15 =	veq.s32 v24, v14;
	v22 =	vsel vm14, v12, v22  }
0x184: {  	vm4 =	veq.s32 v24, v13;
	[tilespmem:v27+s15+$0x0] =	vst.idx.msk $0xffff, v22;
	v22 =	vnsel vm15, $0xFFFFFFFF, v15  }
0x185: {  	v24 =	vadd.s32 s18, v7;
	v26 =	vld [tilespmem:s30+$0x30];
	v22 =	vsel vm4, v12, v22  }
0x186: {  	v27 =	vadd.s32 s6, v7;
	[tilespmem:v28+s15+$0x0] =	vst.idx.msk $0xffff, v22  }
0x187: {  	vm5 =	veq.s32 v23, v14;
	vm6 =	veq.s32 v23, v13;
	v22 =	vld [tilespmem:s30+$0xFFFFFFB0]  }
0x188: {  	v23 =	vnsel vm5, $0xFFFFFFFF, v15;
	vm7 =	veq.s32 v25, v14;
	v28 =	vadd.s32 s21, v7  }
0x189: {  	v23 =	vsel vm6, v12, v23;
	vm8 =	veq.s32 v25, v13;
	v25 =	vnsel vm7, $0xFFFFFFFF, v15  }
0x18a: {  	[tilespmem:v24+s15+$0x0] =	vst.idx.msk $0xffff, v23;
	v24 =	vadd.s32 s20, v7;
	v23 =	vsel vm8, v12, v25;
	vm9 =	veq.s32 v26, v14  }
0x18b: {  	v25 =	vld [tilespmem:s19+$0x40];
	[tilespmem:v27+s15+$0x0] =	vst.idx.msk $0xffff, v23;
	vm10 =	veq.s32 v26, v13;
	v23 =	vnsel vm9, $0xFFFFFFFF, v15  }
0x18c: {  	v26 =	vld [tilespmem:s19+$0xFFFFFFC0];
	v23 =	vsel vm10, v12, v23;
	vm11 =	veq.s32 v22, v14  }
0x18d: {  	vm12 =	veq.s32 v22, v13;
	[tilespmem:v28+s15+$0x0] =	vst.idx.msk $0xffff, v23;
	v22 =	vnsel vm11, $0xFFFFFFFF, v15  }
0x18e: {  	v23 =	vadd.s32 s18, v8;
	v27 =	vld [tilespmem:s30+$0x40];
	v22 =	vsel vm12, v12, v22  }
0x18f: {  	[tilespmem:v24+s15+$0x0] =	vst.idx.msk $0xffff, v22  }
0x190: {  	vm13 =	veq.s32 v25, v14;
	vm14 =	veq.s32 v25, v13;
	v22 =	vld [tilespmem:s30+$0xFFFFFFC0]  }
0x191: {  	v25 =	vadd.s32 s21, v8;
	v24 =	vnsel vm13, $0xFFFFFFFF, v15;
	vm15 =	veq.s32 v26, v14  }
0x192: {  	vm4 =	veq.s32 v26, v13;
	v24 =	vsel vm14, v12, v24;
	v26 =	vnsel vm15, $0xFFFFFFFF, v15  }
0x193: {  	[tilespmem:v23+s15+$0x0] =	vst.idx.msk $0xffff, v24;
	v23 =	vsel vm4, v12, v26;
	v24 =	vadd.s32 s20, v8;
	vm5 =	veq.s32 v27, v14  }
0x194: {  	vm6 =	veq.s32 v19, v13;
	v19 =	vld [tilespmem:s19+$0x50];
	[tilespmem:v17+s15+$0x0] =	vst.idx.msk $0xffff, v23;
	vm2 =	veq.s32 v27, v13;
	v17 =	vnsel vm5, $0xFFFFFFFF, v15  }
0x195: {  	v21 =	vsel vm6, v12, v21;
	v23 =	vld [tilespmem:s19+$0xFFFFFFD0];
	v17 =	vsel vm2, v12, v17;
	vm7 =	veq.s32 v22, v14  }
0x196: {  	v26 =	vadd.s32 s17, v10;
	vm8 =	veq.s32 v22, v13;
	[tilespmem:v25+s15+$0x0] =	vst.idx.msk $0xffff, v17;
	v17 =	vnsel vm7, $0xFFFFFFFF, v15  }
0x197: {  	[tilespmem:v18+s15+$0x0] =	vst.idx.msk $0xffff, v21;
	v18 =	vadd.s32 s18, v9;
	vm9 =	veq.s32 v20, v14;
	v21 =	vld [tilespmem:s30+$0x50];
	v17 =	vsel vm8, v12, v17  }
0x198: {  	vm10 =	veq.s32 v20, v13;
	v20 =	vnsel vm9, $0xFFFFFFFF, v15;
	v22 =	vadd.s32 s6, v9;
	[tilespmem:v24+s15+$0x0] =	vst.idx.msk $0xffff, v17  }
0x199: {  	v25 =	vadd.s32 s21, v9;
	vm11 =	veq.s32 v19, v14;
	vm12 =	veq.s32 v19, v13;
	v19 =	vld [tilespmem:s30+$0xFFFFFFD0]  }
0x19a: {  	v17 =	vsel vm10, v12, v20;
	v20 =	vld [tilespmem:s24+$0xFFFFFFE0];
	v24 =	vnsel vm11, $0xFFFFFFFF, v15;
	vm13 =	veq.s32 v23, v14  }
0x19b: {  	[tilespmem:v26+s15+$0x0] =	vst.idx.msk $0xffff, v17;
	vm14 =	veq.s32 v23, v13;
	v17 =	vsel vm12, v12, v24;
	v24 =	vnsel vm13, $0xFFFFFFFF, v15  }
0x19c: {  	[tilespmem:v18+s15+$0x0] =	vst.idx.msk $0xffff, v17;
	v17 =	vsel vm14, v12, v24;
	v18 =	vadd.s32 s20, v9;
	vm15 =	veq.s32 v21, v14  }
0x19d: {  	v23 =	vld [tilespmem:s24+$0x70];
	[tilespmem:v22+s15+$0x0] =	vst.idx.msk $0xffff, v17;
	vm4 =	veq.s32 v21, v13;
	v17 =	vnsel vm15, $0xFFFFFFFF, v15  }
0x19e: {  	v24 =	vld [tilespmem:s19+$0x60];
	v17 =	vsel vm4, v12, v17;
	vm5 =	veq.s32 v19, v14  }
0x19f: {  	v21 =	vld [tilespmem:s19+$0xFFFFFFE0];
	vm6 =	veq.s32 v20, v14;
	vm7 =	veq.s32 v19, v13;
	[tilespmem:v25+s15+$0x0] =	vst.idx.msk $0xffff, v17;
	v17 =	vnsel vm5, $0xFFFFFFFF, v15  }
0x1a0: {  	vm8 =	veq.s32 v20, v13;
	v19 =	vnsel vm6, $0xFFFFFFFF, v15;
	v17 =	vsel vm7, v12, v17  }
0x1a1: {  	v22 =	vadd.s32 s18, v10;
	v19 =	vsel vm8, v12, v19;
	v20 =	vld [tilespmem:s30+$0x60];
	[tilespmem:v18+s15+$0x0] =	vst.idx.msk $0xffff, v17  }
0x1a2: {  	vm9 =	veq.s32 v23, v14;
	vm5 =	veq.s32 v23, v13;
	v17 =	vadd.s32 s6, v10;
	v18 =	vld [tilespmem:s30+$0xFFFFFFE0]  }
0x1a3: {  	v25 =	vadd.s32 s21, v10;
	[tilespmem:v16+s15+$0x0] =	vst.idx.msk $0xffff, v19;
	vm10 =	veq.s32 v24, v14;
	vm11 =	veq.s32 v24, v13  }
0x1a4: {  	v19 =	vld [tilespmem:s24+$0xFFFFFFF0];
	v16 =	vnsel vm10, $0xFFFFFFFF, v15;
	vm12 =	veq.s32 v21, v14;
	vm13 =	veq.s32 v21, v13  }
0x1a5: {  	v21 =	vadd.s32 s20, v10;
	v16 =	vsel vm11, v12, v16;
	v24 =	vnsel vm12, $0xFFFFFFFF, v15  }
0x1a6: {  	[tilespmem:v22+s15+$0x0] =	vst.idx.msk $0xffff, v16;
	v16 =	vsel vm13, v12, v24;
	v22 =	vadd.s32 s17, v11;
	vm14 =	veq.s32 v20, v14  }
0x1a7: {  	vm15 =	veq.s32 v20, v13;
	v24 =	vld [tilespmem:s19+$0x70];
	v20 =	vnsel vm14, $0xFFFFFFFF, v15;
	[tilespmem:v17+s15+$0x0] =	vst.idx.msk $0xffff, v16;
	vm4 =	veq.s32 v18, v14  }
0x1a8: {  	v16 =	vsel vm15, v12, v20;
	v17 =	vld [tilespmem:s19+$0xFFFFFFF0];
	vm6 =	veq.s32 v18, v13;
	v20 =	vnsel vm4, $0xFFFFFFFF, v15  }
0x1a9: {  	vm7 =	veq.s32 v19, v14;
	v18 =	vadd.s32 s7, v11;
	[tilespmem:v25+s15+$0x0] =	vst.idx.msk $0xffff, v16;
	v20 =	vsel vm6, v12, v20  }
0x1aa: {  	vm8 =	veq.s32 v19, v13;
	v19 =	vnsel vm7, $0xFFFFFFFF, v15;
	v16 =	vnsel vm9, $0xFFFFFFFF, v15;
	v23 =	vld [tilespmem:s30+$0x70];
	[tilespmem:v21+s15+$0x0] =	vst.idx.msk $0xffff, v20  }
0x1ab: {  	v19 =	vsel vm8, v12, v19;
	v16 =	vsel vm5, v12, v16;
	v20 =	vadd.s32 s18, v11;
	v21 =	vld [tilespmem:s30+$0xFFFFFFF0]  }
0x1ac: {  	vm9 =	veq.s32 v24, v14;
	vm10 =	veq.s32 v24, v13;
	v24 =	vadd.s32 s6, v11  }
0x1ad: {  	[tilespmem:v22+s15+$0x0] =	vst.idx.msk $0xffff, v16;
	v22 =	vadd.s32 s21, v11;
	v16 =	vnsel vm9, $0xFFFFFFFF, v15;
	vm11 =	veq.s32 v17, v14  }
0x1ae: {  	[tilespmem:v18+s15+$0x0] =	vst.idx.msk $0xffff, v19;
	vm12 =	veq.s32 v17, v13;
	v18 =	vadd.s32 s20, v11;
	v17 =	vnsel vm11, $0xFFFFFFFF, v15  }
0x1af: {  	v16 =	vsel vm10, v12, v16;
	v17 =	vsel vm12, v12, v17;
	vm13 =	veq.s32 v23, v14  }
0x1b0: {  	vm14 =	veq.s32 v23, v13;
	[tilespmem:v20+s15+$0x0] =	vst.idx.msk $0xffff, v16;
	v16 =	vnsel vm13, $0xFFFFFFFF, v15;
	vm15 =	veq.s32 v21, v14  }
0x1b1: {  	[tilespmem:v24+s15+$0x0] =	vst.idx.msk $0xffff, v17;
	v16 =	vsel vm14, v12, v16;
	vm4 =	veq.s32 v21, v13;
	v17 =	vnsel vm15, $0xFFFFFFFF, v15  }
0x1b2: {  	[tilespmem:v22+s15+$0x0] =	vst.idx.msk $0xffff, v16;
	v16 =	vsel vm4, v12, v17  }
0x1b3: {  	[tilespmem:v18+s15+$0x0] =	vst.idx.msk $0xffff, v16  }
0x1b4: {  	s17 =	simm.s32 $0x0;
	s26 =	rddreg [dreg:$0x13]  }
0x1b5: {  	[hbm4b:s26+s17] =	stream.linear.scatter [tilespmem:s15], [sflag:$0x2], $0x6400, $0x38;
	[tilespmem:$0x19080] =	vst v63  }
0x1b6: {  	_ =	swait.ge [sflag:s23], $0x400  }
0x1b7: {  	[sflag:s23] =	ssyncset.done $0x0  }
0x1b8: {  	[sflag:s23] =	ssyncadd.s32 $0xFFFFFC00  }
0x1b9: {  	_ =	swait.ge [sflag:s23], $0x400  }
0x1ba: {  	[sflag:s23] =	ssyncset.done $0x0  }
0x1bb: {  	[sflag:s23] =	ssyncadd.s32 $0xFFFFFC00  }
0x1bc: {  	_ =	swait.ge [sflag:s23], $0x400  }
0x1bd: {  	[sflag:s23] =	ssyncset.done $0x0  }
0x1be: {  	[sflag:s23] =	ssyncadd.s32 $0xFFFFFC00  }
0x1bf: {  	_ =	swait.ge [sflag:s23], $0x400  }
0x1c0: {  	[sflag:s23] =	ssyncset.done $0x0  }
0x1c1: {  	[sflag:s23] =	ssyncadd.s32 $0xFFFFFC00  }
0x1c2: {  	_ =	swait.ge [sflag:s23], $0x400  }
0x1c3: {  	[sflag:s23] =	ssyncset.done $0x0  }
0x1c4: {  	[sflag:s23] =	ssyncadd.s32 $0xFFFFFC00  }
0x1c5: {  	_ =	swait.ge [sflag:s23], $0x400  }
0x1c6: {  	[sflag:s23] =	ssyncset.done $0x0  }
0x1c7: {  	[sflag:s23] =	ssyncadd.s32 $0xFFFFFC00  }
0x1c8: {  	_ =	swait.ge [sflag:s23], $0x400  }
0x1c9: {  	[sflag:s23] =	ssyncset.done $0x0  }
0x1ca: {  	[sflag:s23] =	ssyncadd.s32 $0xFFFFFC00  }
0x1cb: {  	_ =	swait.ge [sflag:s23], $0x400  }
0x1cc: {  	[sflag:s23] =	ssyncset.done $0x0  }
0x1cd: {  	[sflag:s23] =	ssyncadd.s32 $0xFFFFFC00  }
0x1ce: {  	_ =	swait.ge [sflag:s23], $0x400  }
0x1cf: {  	[sflag:s23] =	ssyncset.done $0x0  }
0x1d0: {  	[sflag:s23] =	ssyncadd.s32 $0xFFFFFC00  }
0x1d1: {  	_ =	swait.ge [sflag:s23], $0x400  }
0x1d2: {  	[sflag:s23] =	ssyncset.done $0x0  }
0x1d3: {  	[sflag:s23] =	ssyncadd.s32 $0xFFFFFC00  }
0x1d4: {  	_ =	swait.ge [sflag:s23], $0x400  }
0x1d5: {  	[sflag:s23] =	ssyncset.done $0x0  }
0x1d6: {  	[sflag:s23] =	ssyncadd.s32 $0xFFFFFC00  }
0x1d7: {  	_ =	swait.ge [sflag:s23], $0x400  }
0x1d8: {  	[sflag:s23] =	ssyncset.done $0x0  }
0x1d9: {  	[sflag:s23] =	ssyncadd.s32 $0xFFFFFC00  }
0x1da: {  	_ =	swait.ge [sflag:s23], $0x400  }
0x1db: {  	[sflag:s23] =	ssyncset.done $0x0  }
0x1dc: {  	[sflag:s23] =	ssyncadd.s32 $0xFFFFFC00  }
0x1dd: {  	_ =	swait.ge [sflag:s23], $0x400  }
0x1de: {  	[sflag:s23] =	ssyncset.done $0x0  }
0x1df: {  	[sflag:s23] =	ssyncadd.s32 $0xFFFFFC00  }
0x1e0: {  	_ =	swait.ge [sflag:s23], $0x400  }
0x1e1: {  	[sflag:s23] =	ssyncset.done $0x0  }
0x1e2: {  	[sflag:s23] =	ssyncadd.s32 $0xFFFFFC00  }
0x1e3: {  	_ =	swait.ge [sflag:s23], $0x400  }
0x1e4: {  	[sflag:s23] =	ssyncset.done $0x0  }
0x1e5: {  	[sflag:s23] =	ssyncadd.s32 $0xFFFFFC00  }
0x1e6: {  	_ =	swait.ge [sflag:s23], $0x400  }
0x1e7: {  	[sflag:s23] =	ssyncset.done $0x0  }
0x1e8: {  	[sflag:s23] =	ssyncadd.s32 $0xFFFFFC00  }
0x1e9: {  	_ =	swait.ge [sflag:s23], $0x400  }
0x1ea: {  	[sflag:s23] =	ssyncset.done $0x0  }
0x1eb: {  	[sflag:s23] =	ssyncadd.s32 $0xFFFFFC00  }
0x1ec: {  	_ =	swait.ge [sflag:s23], $0x400  }
0x1ed: {  	[sflag:s23] =	ssyncset.done $0x0  }
0x1ee: {  	[sflag:s23] =	ssyncadd.s32 $0xFFFFFC00  }
0x1ef: {  	_ =	swait.ge [sflag:s23], $0x400  }
0x1f0: {  	[sflag:s23] =	ssyncset.done $0x0  }
0x1f1: {  	[sflag:s23] =	ssyncadd.s32 $0xFFFFFC00  }
0x1f2: {  	_ =	swait.ge [sflag:s23], $0x400  }
0x1f3: {  	[sflag:s23] =	ssyncset.done $0x0  }
0x1f4: {  	[sflag:s23] =	ssyncadd.s32 $0xFFFFFC00  }
0x1f5: {  	_ =	swait.ge [sflag:s23], $0x400  }
0x1f6: {  	[sflag:s23] =	ssyncset.done $0x0  }
0x1f7: {  	[sflag:s23] =	ssyncadd.s32 $0xFFFFFC00  }
0x1f8: {  	_ =	swait.ge [sflag:s23], $0x400  }
0x1f9: {  	[sflag:s23] =	ssyncset.done $0x0  }
0x1fa: {  	[sflag:s23] =	ssyncadd.s32 $0xFFFFFC00  }
0x1fb: {  	_ =	swait.ge [sflag:s23], $0x400  }
0x1fc: {  	[sflag:s23] =	ssyncset.done $0x0  }
0x1fd: {  	[sflag:s23] =	ssyncadd.s32 $0xFFFFFC00  }
0x1fe: {  	_ =	swait.ge [sflag:s23], $0x400  }
0x1ff: {  	[sflag:s23] =	ssyncset.done $0x0;
	s7 =	rddreg [dreg:$0x10]  }
0x200: {  	s18 =	sld [smem:$0x7CE];
	[sflag:s23] =	ssyncadd.s32 $0xFFFFFC00  }
0x201: {  	[tilespmem:s17], [sflag:$0x1] =	stream.linear.gather [hbm4b:s7+s17], $0x400, $0x38;
	[tilespmem:$0x19080] =	vst v63  }
0x202: {  	s19 =	simm.s32 $0x400;
	s20 =	sld [smem:$0x7CF]  }
0x203: {  	[tilespmem:s19], [sflag:$0x1] =	stream.linear.gather [hbm4b:s18+s17], $0x400, $0x38;
	[tilespmem:$0x19080] =	vst v63  }
0x204: {  	s21 =	simm.s32 $0x800;
	s24 =	sld [smem:$0x7D0]  }
0x205: {  	[tilespmem:s21], [sflag:$0x1] =	stream.linear.gather [hbm4b:s20+s17], $0x400, $0x38;
	[tilespmem:$0x19080] =	vst v63  }
0x206: {  	s26 =	simm.s32 $0xC00;
	s18 =	sld [smem:$0x7D1]  }
0x207: {  	[tilespmem:s26], [sflag:$0x1] =	stream.linear.gather [hbm4b:s24+s17], $0x400, $0x38;
	[tilespmem:$0x19080] =	vst v63  }
0x208: {  	s19 =	simm.s32 $0x1000;
	s20 =	sld [smem:$0x7D2]  }
0x209: {  	[tilespmem:s19], [sflag:$0x1] =	stream.linear.gather [hbm4b:s18+s17], $0x400, $0x38;
	[tilespmem:$0x19080] =	vst v63  }
0x20a: {  	s21 =	simm.s32 $0x1400;
	s24 =	sld [smem:$0x7D3]  }
0x20b: {  	[tilespmem:s21], [sflag:$0x1] =	stream.linear.gather [hbm4b:s20+s17], $0x400, $0x38;
	[tilespmem:$0x19080] =	vst v63  }
0x20c: {  	s26 =	simm.s32 $0x1800;
	s18 =	sld [smem:$0x7D4]  }
0x20d: {  	[tilespmem:s26], [sflag:$0x1] =	stream.linear.gather [hbm4b:s24+s17], $0x400, $0x38;
	[tilespmem:$0x19080] =	vst v63  }
0x20e: {  	s19 =	simm.s32 $0x1C00;
	s20 =	sld [smem:$0x7D5]  }
0x20f: {  	[tilespmem:s19], [sflag:$0x1] =	stream.linear.gather [hbm4b:s18+s17], $0x400, $0x38;
	[tilespmem:$0x19080] =	vst v63  }
0x210: {  	s21 =	simm.s32 $0x2000;
	s24 =	sld [smem:$0x7D6]  }
0x211: {  	[tilespmem:s21], [sflag:$0x1] =	stream.linear.gather [hbm4b:s20+s17], $0x400, $0x38;
	[tilespmem:$0x19080] =	vst v63  }
0x212: {  	s26 =	simm.s32 $0x2400;
	s18 =	sld [smem:$0x7D7]  }
0x213: {  	[tilespmem:s26], [sflag:$0x1] =	stream.linear.gather [hbm4b:s24+s17], $0x400, $0x38;
	[tilespmem:$0x19080] =	vst v63  }
0x214: {  	s19 =	simm.s32 $0x2800;
	s20 =	sld [smem:$0x7D8]  }
0x215: {  	[tilespmem:s19], [sflag:$0x1] =	stream.linear.gather [hbm4b:s18+s17], $0x400, $0x38;
	[tilespmem:$0x19080] =	vst v63  }
0x216: {  	s21 =	simm.s32 $0x2C00;
	s24 =	sld [smem:$0x7D9]  }
0x217: {  	[tilespmem:s21], [sflag:$0x1] =	stream.linear.gather [hbm4b:s20+s17], $0x400, $0x38;
	[tilespmem:$0x19080] =	vst v63  }
0x218: {  	s26 =	simm.s32 $0x3000;
	s18 =	sld [smem:$0x7DA]  }
0x219: {  	[tilespmem:s26], [sflag:$0x1] =	stream.linear.gather [hbm4b:s24+s17], $0x400, $0x38;
	[tilespmem:$0x19080] =	vst v63  }
0x21a: {  	s19 =	simm.s32 $0x3400;
	s20 =	sld [smem:$0x7DB]  }
0x21b: {  	[tilespmem:s19], [sflag:$0x1] =	stream.linear.gather [hbm4b:s18+s17], $0x400, $0x38;
	[tilespmem:$0x19080] =	vst v63  }
0x21c: {  	s21 =	simm.s32 $0x3800;
	s24 =	sld [smem:$0x7DC]  }
0x21d: {  	[tilespmem:s21], [sflag:$0x1] =	stream.linear.gather [hbm4b:s20+s17], $0x400, $0x38;
	[tilespmem:$0x19080] =	vst v63  }
0x21e: {  	s26 =	simm.s32 $0x3C00;
	s18 =	sld [smem:$0x7DD]  }
0x21f: {  	[tilespmem:s26], [sflag:$0x1] =	stream.linear.gather [hbm4b:s24+s17], $0x400, $0x38;
	[tilespmem:$0x19080] =	vst v63  }
0x220: {  	s19 =	simm.s32 $0x4000;
	s20 =	sld [smem:$0x7DE]  }
0x221: {  	[tilespmem:s19], [sflag:$0x1] =	stream.linear.gather [hbm4b:s18+s17], $0x400, $0x38;
	[tilespmem:$0x19080] =	vst v63  }
0x222: {  	s21 =	simm.s32 $0x4400;
	s24 =	sld [smem:$0x7DF]  }
0x223: {  	[tilespmem:s21], [sflag:$0x1] =	stream.linear.gather [hbm4b:s20+s17], $0x400, $0x38;
	[tilespmem:$0x19080] =	vst v63  }
0x224: {  	s26 =	simm.s32 $0x4800;
	s18 =	sld [smem:$0x7E0]  }
0x225: {  	[tilespmem:s26], [sflag:$0x1] =	stream.linear.gather [hbm4b:s24+s17], $0x400, $0x38;
	[tilespmem:$0x19080] =	vst v63  }
0x226: {  	s19 =	simm.s32 $0x4C00;
	s20 =	sld [smem:$0x7E1]  }
0x227: {  	[tilespmem:s19], [sflag:$0x1] =	stream.linear.gather [hbm4b:s18+s17], $0x400, $0x38;
	[tilespmem:$0x19080] =	vst v63  }
0x228: {  	s21 =	simm.s32 $0x5000;
	s24 =	sld [smem:$0x7E2]  }
0x229: {  	[tilespmem:s21], [sflag:$0x1] =	stream.linear.gather [hbm4b:s20+s17], $0x400, $0x38;
	[tilespmem:$0x19080] =	vst v63  }
0x22a: {  	s26 =	simm.s32 $0x5400;
	s18 =	sld [smem:$0x7E3]  }
0x22b: {  	[tilespmem:s26], [sflag:$0x1] =	stream.linear.gather [hbm4b:s24+s17], $0x400, $0x38;
	[tilespmem:$0x19080] =	vst v63  }
0x22c: {  	s19 =	simm.s32 $0x5800;
	s20 =	sld [smem:$0x7E4]  }
0x22d: {  	[tilespmem:s19], [sflag:$0x1] =	stream.linear.gather [hbm4b:s18+s17], $0x400, $0x38;
	[tilespmem:$0x19080] =	vst v63  }
0x22e: {  	s21 =	simm.s32 $0x5C00;
	s24 =	sld [smem:$0x7E5]  }
0x22f: {  	[tilespmem:s21], [sflag:$0x1] =	stream.linear.gather [hbm4b:s20+s17], $0x400, $0x38;
	[tilespmem:$0x19080] =	vst v63  }
0x230: {  	s26 =	simm.s32 $0x6000;
	s18 =	simm.s32 $0x6480  }
0x231: {  	[tilespmem:s26], [sflag:$0x1] =	stream.linear.gather [hbm4b:s24+s17], $0x400, $0x38;
	[tilespmem:$0x19080] =	vst v63  }
0x232: {  	v16 =	vld [tilespmem:s18+$0x0];
	_ =	sdelay $0x1  }
0x233: {  	s24 =	simm.s32 $0x1  }
0x234: {  	v17 =	vld [tilespmem:s18+$0xFFFFFF80];
	v18 =	vadd.s32 s24, v0;
	_ =	sdelay $0x1  }
0x235: {  	vm5 =	veq.s32 v16, v14  }
0x236: {  	v19 =	vadd.s32 s17, v0;
	vm6 =	veq.s32 v16, v13;
	v16 =	vnsel vm5, $0xFFFFFFFF, v15  }
0x237: {  	v16 =	vsel vm6, v12, v16  }
0x238: {  	vm7 =	veq.s32 v17, v14;
	[tilespmem:v18+s29+$0x0] =	vst.idx.msk $0xffff, v16  }
0x239: {  	vm8 =	veq.s32 v17, v13;
	v17 =	vnsel vm7, $0xFFFFFFFF, v15;
	v16 =	vld [tilespmem:s18+$0x10]  }
0x23a: {  	v17 =	vsel vm8, v12, v17  }
0x23b: {  	[tilespmem:v19+s29+$0x0] =	vst.idx.msk $0xffff, v17  }
0x23c: {  	v18 =	vadd.s32 s24, v5;
	v17 =	vld [tilespmem:s18+$0xFFFFFF90];
	_ =	sdelay $0x1  }
0x23d: {  	vm9 =	veq.s32 v16, v14  }
0x23e: {  	v19 =	vadd.s32 s17, v5;
	vm10 =	veq.s32 v16, v13;
	v16 =	vnsel vm9, $0xFFFFFFFF, v15  }
0x23f: {  	v16 =	vsel vm10, v12, v16  }
0x240: {  	vm11 =	veq.s32 v17, v14;
	[tilespmem:v18+s29+$0x0] =	vst.idx.msk $0xffff, v16  }
0x241: {  	vm12 =	veq.s32 v17, v13;
	v16 =	vnsel vm11, $0xFFFFFFFF, v15;
	v17 =	vld [tilespmem:s18+$0x20]  }
0x242: {  	v16 =	vsel vm12, v12, v16  }
0x243: {  	[tilespmem:v19+s29+$0x0] =	vst.idx.msk $0xffff, v16  }
0x244: {  	v18 =	vadd.s32 s24, v6;
	v16 =	vld [tilespmem:s18+$0xFFFFFFA0];
	_ =	sdelay $0x1  }
0x245: {  	vm13 =	veq.s32 v17, v14  }
0x246: {  	s30 =	simm.s32 $0x6580;
	v19 =	vadd.s32 s17, v6;
	vm14 =	veq.s32 v17, v13;
	v17 =	vnsel vm13, $0xFFFFFFFF, v15  }
0x247: {  	v20 =	vld [tilespmem:s30+$0x0];
	v17 =	vsel vm14, v12, v17  }
0x248: {  	vm15 =	veq.s32 v16, v14;
	[tilespmem:v18+s29+$0x0] =	vst.idx.msk $0xffff, v17  }
0x249: {  	s6 =	simm.s32 $0x3;
	vm4 =	veq.s32 v16, v13;
	v16 =	vnsel vm15, $0xFFFFFFFF, v15;
	v17 =	vld [tilespmem:s18+$0x30]  }
0x24a: {  	v21 =	vadd.s32 s6, v0;
	v16 =	vsel vm4, v12, v16  }
0x24b: {  	v18 =	vld [tilespmem:s30+$0xFFFFFF80];
	[tilespmem:v19+s29+$0x0] =	vst.idx.msk $0xffff, v16  }
0x24c: {  	vm5 =	veq.s32 v20, v14;
	v19 =	vadd.s32 s24, v7;
	v16 =	vld [tilespmem:s18+$0xFFFFFFB0]  }
0x24d: {  	s19 =	simm.s32 $0x2;
	vm6 =	veq.s32 v20, v13;
	v20 =	vnsel vm5, $0xFFFFFFFF, v15  }
0x24e: {  	v22 =	vadd.s32 s19, v0;
	v20 =	vsel vm6, v12, v20;
	vm7 =	veq.s32 v17, v14  }
0x24f: {  	v23 =	vadd.s32 s17, v7;
	[tilespmem:v21+s29+$0x0] =	vst.idx.msk $0xffff, v20;
	vm8 =	veq.s32 v17, v13;
	v17 =	vnsel vm7, $0xFFFFFFFF, v15  }
0x250: {  	v20 =	vld [tilespmem:s30+$0x10];
	vm9 =	veq.s32 v18, v14;
	v17 =	vsel vm8, v12, v17  }
0x251: {  	vm10 =	veq.s32 v18, v13;
	v18 =	vnsel vm9, $0xFFFFFFFF, v15;
	vm11 =	veq.s32 v16, v14;
	[tilespmem:v19+s29+$0x0] =	vst.idx.msk $0xffff, v17  }
0x252: {  	vm12 =	veq.s32 v16, v13;
	v17 =	vsel vm10, v12, v18;
	v16 =	vnsel vm11, $0xFFFFFFFF, v15;
	v18 =	vld [tilespmem:s18+$0x40]  }
0x253: {  	[tilespmem:v22+s29+$0x0] =	vst.idx.msk $0xffff, v17;
	v16 =	vsel vm12, v12, v16  }
0x254: {  	v19 =	vadd.s32 s6, v5;
	v17 =	vld [tilespmem:s30+$0xFFFFFF90];
	[tilespmem:v23+s29+$0x0] =	vst.idx.msk $0xffff, v16  }
0x255: {  	vm13 =	veq.s32 v20, v14;
	v16 =	vadd.s32 s24, v8;
	v21 =	vld [tilespmem:s18+$0xFFFFFFC0]  }
0x256: {  	vm14 =	veq.s32 v20, v13;
	v20 =	vnsel vm13, $0xFFFFFFFF, v15  }
0x257: {  	v20 =	vsel vm14, v12, v20;
	v23 =	vadd.s32 s19, v5;
	vm15 =	veq.s32 v18, v14  }
0x258: {  	v22 =	vadd.s32 s17, v8;
	vm4 =	veq.s32 v18, v13;
	v18 =	vnsel vm15, $0xFFFFFFFF, v15  }
0x259: {  	[tilespmem:v19+s29+$0x0] =	vst.idx.msk $0xffff, v20;
	vm5 =	veq.s32 v17, v14;
	v18 =	vsel vm4, v12, v18  }
0x25a: {  	vm6 =	veq.s32 v17, v13;
	v17 =	vld [tilespmem:s30+$0x20];
	vm7 =	veq.s32 v21, v14;
	[tilespmem:v16+s29+$0x0] =	vst.idx.msk $0xffff, v18;
	v16 =	vnsel vm5, $0xFFFFFFFF, v15  }
0x25b: {  	vm8 =	veq.s32 v21, v13;
	v18 =	vnsel vm7, $0xFFFFFFFF, v15;
	v16 =	vsel vm6, v12, v16;
	v20 =	vld [tilespmem:s18+$0x50]  }
0x25c: {  	[tilespmem:v23+s29+$0x0] =	vst.idx.msk $0xffff, v16;
	v16 =	vsel vm8, v12, v18  }
0x25d: {  	v23 =	vadd.s32 s6, v6;
	v21 =	vld [tilespmem:s30+$0xFFFFFFA0];
	[tilespmem:v22+s29+$0x0] =	vst.idx.msk $0xffff, v16  }
0x25e: {  	v26 =	vadd.s32 s24, v9;
	v18 =	vadd.s32 s17, v9;
	v19 =	vld [tilespmem:s18+$0xFFFFFFD0]  }
0x25f: {  	v16 =	vadd.s32 s17, v10;
	v22 =	vadd.s32 s19, v6;
	vm9 =	veq.s32 v17, v14  }
0x260: {  	s20 =	simm.s32 $0x6680;
	vm10 =	veq.s32 v17, v13;
	v17 =	vnsel vm9, $0xFFFFFFFF, v15;
	vm11 =	veq.s32 v20, v14  }
0x261: {  	v25 =	vld [tilespmem:s20+$0x0];
	v27 =	vsel vm10, v12, v17;
	vm12 =	veq.s32 v20, v13;
	v20 =	vnsel vm11, $0xFFFFFFFF, v15  }
0x262: {  	v24 =	vld [tilespmem:s20+$0xFFFFFF80];
	v17 =	vadd.s32 s19, v8;
	[tilespmem:v23+s29+$0x0] =	vst.idx.msk $0xffff, v27;
	vm13 =	veq.s32 v21, v14;
	v20 =	vsel vm12, v12, v20  }
0x263: {  	s21 =	simm.s32 $0x5;
	vm14 =	veq.s32 v21, v13;
	v23 =	vld [tilespmem:s30+$0x30];
	v21 =	vnsel vm13, $0xFFFFFFFF, v15;
	vm15 =	veq.s32 v19, v14;
	[tilespmem:v26+s29+$0x0] =	vst.idx.msk $0xffff, v20  }
0x264: {  	s7 =	simm.s32 $0x4;
	s26 =	simm.s32 $0x6;
	v27 =	vadd.s32 s21, v0;
	v26 =	vsel vm14, v12, v21;
	v21 =	vnsel vm15, $0xFFFFFFFF, v15;
	v20 =	vld [tilespmem:s18+$0x60]  }
.LBB2_4:
0x265: {  	p0 =	slt.u32 s26, $0xC6;
	v28 =	vadd.s32 s7, v0;
	[tilespmem:v22+s29+$0x0] =	vst.idx.msk $0xffff, v26;
	v22 =	vadd.s32 s19, v7;
	vm0 =	veq.s32 v19, v13  }
0x266: {  	v26 =	vadd.s32 s6, v7;
	vm1 =	veq.s32 v25, v14;
	v19 =	vld [tilespmem:s30+$0xFFFFFFB0];
	v21 =	vsel vm0, v12, v21  }
0x267: {  	vm0 =	veq.s32 v25, v13;
	v25 =	vnsel vm1, $0xFFFFFFFF, v15;
	[tilespmem:v18+s29+$0x0] =	vst.idx.msk $0xffff, v21;
	v18 =	vadd.s32 s24, v10  }
0x268: {  	vm1 =	veq.s32 v24, v14;
	v21 =	vsel vm0, v12, v25;
	vm0 =	veq.s32 v23, v14;
	v25 =	vld [tilespmem:s18+$0xFFFFFFE0]  }
0x269: {  	vm2 =	veq.s32 v23, v13;
	[tilespmem:v27+s29+$0x0] =	vst.idx.msk $0xffff, v21;
	v21 =	vnsel vm0, $0xFFFFFFFF, v15;
	vm0 =	veq.s32 v20, v14  }
0x26a: {  	v23 =	vld [tilespmem:s20+$0x10];
	v21 =	vsel vm2, v12, v21;
	vm2 =	veq.s32 v20, v13;
	v20 =	vnsel vm0, $0xFFFFFFFF, v15  }
0x26b: {  	vm0 =	veq.s32 v24, v13;
	v24 =	vnsel vm1, $0xFFFFFFFF, v15;
	[tilespmem:v26+s29+$0x0] =	vst.idx.msk $0xffff, v21;
	v20 =	vsel vm2, v12, v20  }
0x26c: {  	v21 =	vsel vm0, v12, v24;
	v24 =	vadd.s32 s7, v5;
	vm0 =	veq.s32 v19, v14;
	v26 =	vld [tilespmem:s30+$0x40];
	[tilespmem:v18+s29+$0x0] =	vst.idx.msk $0xffff, v20  }
0x26d: {  	vm1 =	veq.s32 v19, v13;
	v18 =	vnsel vm0, $0xFFFFFFFF, v15;
	[tilespmem:v28+s29+$0x0] =	vst.idx.msk $0xffff, v21;
	vm0 =	veq.s32 v25, v14;
	v19 =	vld [tilespmem:s18+$0x70]  }
0x26e: {  	v21 =	vadd.s32 s21, v5;
	v18 =	vsel vm1, v12, v18;
	v20 =	vld [tilespmem:s20+$0xFFFFFF90];
	v27 =	vnsel vm0, $0xFFFFFFFF, v15  }
0x26f: {  	vm1 =	veq.s32 v25, v13;
	vm0 =	veq.s32 v23, v14;
	[tilespmem:v22+s29+$0x0] =	vst.idx.msk $0xffff, v18;
	v18 =	vadd.s32 s6, v8  }
0x270: {  	v25 =	vadd.s32 s24, v11;
	s24 =	smov.u32 s6;
	vm2 =	veq.s32 v23, v13;
	s6 =	smov.u32 s21;
	v22 =	vnsel vm0, $0xFFFFFFFF, v15;
	v23 =	vld [tilespmem:s30+$0xFFFFFFC0]  }
0x271: {  	v27 =	vsel vm1, v12, v27;
	v22 =	vsel vm2, v12, v22;
	vm0 =	veq.s32 v26, v14  }
0x272: {  	vm1 =	veq.s32 v26, v13;
	v26 =	vnsel vm0, $0xFFFFFFFF, v15;
	[tilespmem:v16+s29+$0x0] =	vst.idx.msk $0xffff, v27;
	vm0 =	veq.s32 v19, v14  }
0x273: {  	[tilespmem:v21+s29+$0x0] =	vst.idx.msk $0xffff, v22;
	v16 =	vsel vm1, v12, v26;
	v21 =	vld [tilespmem:s18+$0xFFFFFFF0];
	vm1 =	veq.s32 v19, v13;
	v19 =	vnsel vm0, $0xFFFFFFFF, v15;
	s18 =	smov.u32 s30;
	s30 =	smov.u32 s20  }
0x274: {  	vm0 =	veq.s32 v20, v14;
	v26 =	vadd.s32 s17, v11;
	s17 =	smov.u32 s19;
	s19 =	smov.u32 s7;
	s7 =	smov.u32 s26;
	[tilespmem:v18+s29+$0x0] =	vst.idx.msk $0xffff, v16;
	v16 =	vsel vm1, v12, v19  }
0x275: {  	vm1 =	veq.s32 v20, v13;
	v18 =	vnsel vm0, $0xFFFFFFFF, v15;
	v20 =	vld [tilespmem:s20+$0x20];
	vm0 =	veq.s32 v23, v14;
	[tilespmem:v25+s29+$0x0] =	vst.idx.msk $0xffff, v16  }
0x276: {  	v16 =	vsel vm1, v12, v18;
	vm1 =	veq.s32 v23, v13;
	v18 =	vnsel vm0, $0xFFFFFFFF, v15;
	v23 =	vld [tilespmem:s18+$0x50]  }
0x277: {  	[tilespmem:v24+s29+$0x0] =	vst.idx.msk $0xffff, v16;
	v18 =	vsel vm1, v12, v18;
	v16 =	vadd.s32 s17, v10  }
0x278: {  	v28 =	vadd.s32 s6, v6;
	v27 =	vld [tilespmem:s20+$0xFFFFFFA0];
	[tilespmem:v17+s29+$0x0] =	vst.idx.msk $0xffff, v18;
	vm0 =	veq.s32 v21, v13;
	vm1 =	veq.s32 v21, v14  }
0x279: {  	v18 =	vadd.s32 s17, v9;
	v21 =	vadd.s32 s24, v9;
	v19 =	vld [tilespmem:s18+$0xFFFFFFD0];
	v17 =	vnsel vm1, $0xFFFFFFFF, v15  }
0x27a: {  	v22 =	vadd.s32 s19, v6;
	vm1 =	veq.s32 v20, v14;
	v17 =	vsel vm0, v12, v17  }
.Ltmp1:
0x27b: {  	s20 =	sadd.s32 $0x100, s20;
	vm0 =	veq.s32 v20, v13;
	v20 =	vnsel vm1, $0xFFFFFFFF, v15;
	vm1 =	veq.s32 v23, v14;
	[tilespmem:v26+s29+$0x0] =	vst.idx.msk $0xffff, v17;
	(pc) =	sbr.rel @p0 .LBB2_4-.Ltmp1, $4  }
0x27c: {  	v25 =	vld [tilespmem:s20+$0x0];
	v20 =	vsel vm0, v12, v20;
	vm0 =	veq.s32 v23, v13;
	v23 =	vnsel vm1, $0xFFFFFFFF, v15  }
0x27d: {  	v17 =	vadd.s32 s19, v8;
	v24 =	vld [tilespmem:s20+$0xFFFFFF80];
	vm1 =	veq.s32 v27, v14;
	[tilespmem:v28+s29+$0x0] =	vst.idx.msk $0xffff, v20;
	v20 =	vsel vm0, v12, v23  }
0x27e: {  	s21 =	sadd.s32 $0x1, s26;
	vm0 =	veq.s32 v27, v13;
	v26 =	vnsel vm1, $0xFFFFFFFF, v15;
	v23 =	vld [tilespmem:s30+$0x30];
	vm1 =	veq.s32 v19, v14;
	[tilespmem:v21+s29+$0x0] =	vst.idx.msk $0xffff, v20  }
0x27f: {  	s26 =	sadd.s32 $0x2, s26;
	v27 =	vadd.s32 s21, v0;
	v26 =	vsel vm0, v12, v26;
	v21 =	vnsel vm1, $0xFFFFFFFF, v15;
	v20 =	vld [tilespmem:s18+$0x60]  }
0x280: {  	_ = 	snop  }
0x281: {  	v28 =	vadd.s32 s7, v0;
	vm0 =	veq.s32 v25, v14  }
0x282: {  	vm1 =	veq.s32 v25, v13;
	v25 =	vnsel vm0, $0xFFFFFFFF, v15  }
0x283: {  	vm7 =	veq.s32 v24, v14;
	v25 =	vsel vm1, v12, v25  }
0x284: {  	vm8 =	veq.s32 v24, v13;
	v24 =	vnsel vm7, $0xFFFFFFFF, v15;
	[tilespmem:v27+s29+$0x0] =	vst.idx.msk $0xffff, v25  }
0x285: {  	v24 =	vsel vm8, v12, v24;
	v25 =	vld [tilespmem:s20+$0x10]  }
0x286: {  	[tilespmem:v28+s29+$0x0] =	vst.idx.msk $0xffff, v24  }
0x287: {  	v24 =	vld [tilespmem:s20+$0xFFFFFF90]  }
0x288: {  	v27 =	vadd.s32 s21, v5;
	_ =	sdelay $0x1  }
0x289: {  	v28 =	vadd.s32 s7, v5;
	vm9 =	veq.s32 v25, v14  }
0x28a: {  	vm10 =	veq.s32 v25, v13;
	v25 =	vnsel vm9, $0xFFFFFFFF, v15  }
0x28b: {  	vm11 =	veq.s32 v24, v14;
	v25 =	vsel vm10, v12, v25  }
0x28c: {  	vm12 =	veq.s32 v24, v13;
	v24 =	vnsel vm11, $0xFFFFFFFF, v15;
	[tilespmem:v27+s29+$0x0] =	vst.idx.msk $0xffff, v25  }
0x28d: {  	v24 =	vsel vm12, v12, v24;
	v25 =	vld [tilespmem:s20+$0x20]  }
0x28e: {  	[tilespmem:v28+s29+$0x0] =	vst.idx.msk $0xffff, v24  }
0x28f: {  	v24 =	vld [tilespmem:s20+$0xFFFFFFA0]  }
0x290: {  	v27 =	vadd.s32 s21, v6;
	_ =	sdelay $0x1  }
0x291: {  	v28 =	vadd.s32 s7, v6;
	vm13 =	veq.s32 v25, v14  }
0x292: {  	[tilespmem:v22+s29+$0x0] =	vst.idx.msk $0xffff, v26;
	vm14 =	veq.s32 v25, v13;
	v22 =	vnsel vm13, $0xFFFFFFFF, v15  }
0x293: {  	v25 =	vld [tilespmem:s30+$0xFFFFFFB0];
	vm15 =	veq.s32 v24, v14;
	v22 =	vsel vm14, v12, v22  }
0x294: {  	vm4 =	veq.s32 v24, v13;
	[tilespmem:v27+s29+$0x0] =	vst.idx.msk $0xffff, v22;
	v22 =	vnsel vm15, $0xFFFFFFFF, v15  }
0x295: {  	v24 =	vadd.s32 s6, v7;
	v26 =	vld [tilespmem:s20+$0x30];
	v22 =	vsel vm4, v12, v22  }
0x296: {  	v27 =	vadd.s32 s19, v7;
	[tilespmem:v28+s29+$0x0] =	vst.idx.msk $0xffff, v22  }
0x297: {  	vm5 =	veq.s32 v23, v14;
	vm6 =	veq.s32 v23, v13;
	v22 =	vld [tilespmem:s20+$0xFFFFFFB0]  }
0x298: {  	v23 =	vnsel vm5, $0xFFFFFFFF, v15;
	vm7 =	veq.s32 v25, v14;
	v28 =	vadd.s32 s21, v7  }
0x299: {  	v23 =	vsel vm6, v12, v23;
	vm8 =	veq.s32 v25, v13;
	v25 =	vnsel vm7, $0xFFFFFFFF, v15  }
0x29a: {  	[tilespmem:v24+s29+$0x0] =	vst.idx.msk $0xffff, v23;
	v24 =	vadd.s32 s7, v7;
	v23 =	vsel vm8, v12, v25;
	vm9 =	veq.s32 v26, v14  }
0x29b: {  	v25 =	vld [tilespmem:s30+$0x40];
	[tilespmem:v27+s29+$0x0] =	vst.idx.msk $0xffff, v23;
	vm10 =	veq.s32 v26, v13;
	v23 =	vnsel vm9, $0xFFFFFFFF, v15  }
0x29c: {  	v26 =	vld [tilespmem:s30+$0xFFFFFFC0];
	v23 =	vsel vm10, v12, v23;
	vm11 =	veq.s32 v22, v14  }
0x29d: {  	vm12 =	veq.s32 v22, v13;
	[tilespmem:v28+s29+$0x0] =	vst.idx.msk $0xffff, v23;
	v22 =	vnsel vm11, $0xFFFFFFFF, v15  }
0x29e: {  	v23 =	vadd.s32 s6, v8;
	v27 =	vld [tilespmem:s20+$0x40];
	v22 =	vsel vm12, v12, v22  }
0x29f: {  	[tilespmem:v24+s29+$0x0] =	vst.idx.msk $0xffff, v22  }
0x2a0: {  	vm13 =	veq.s32 v25, v14;
	vm14 =	veq.s32 v25, v13;
	v22 =	vld [tilespmem:s20+$0xFFFFFFC0]  }
0x2a1: {  	v25 =	vadd.s32 s21, v8;
	v24 =	vnsel vm13, $0xFFFFFFFF, v15;
	vm15 =	veq.s32 v26, v14  }
0x2a2: {  	vm4 =	veq.s32 v26, v13;
	v24 =	vsel vm14, v12, v24;
	v26 =	vnsel vm15, $0xFFFFFFFF, v15  }
0x2a3: {  	[tilespmem:v23+s29+$0x0] =	vst.idx.msk $0xffff, v24;
	v23 =	vsel vm4, v12, v26;
	v24 =	vadd.s32 s7, v8;
	vm5 =	veq.s32 v27, v14  }
0x2a4: {  	vm6 =	veq.s32 v19, v13;
	v19 =	vld [tilespmem:s30+$0x50];
	[tilespmem:v17+s29+$0x0] =	vst.idx.msk $0xffff, v23;
	vm2 =	veq.s32 v27, v13;
	v17 =	vnsel vm5, $0xFFFFFFFF, v15  }
0x2a5: {  	v21 =	vsel vm6, v12, v21;
	v23 =	vld [tilespmem:s30+$0xFFFFFFD0];
	v17 =	vsel vm2, v12, v17;
	vm7 =	veq.s32 v22, v14  }
0x2a6: {  	v26 =	vadd.s32 s24, v10;
	vm8 =	veq.s32 v22, v13;
	[tilespmem:v25+s29+$0x0] =	vst.idx.msk $0xffff, v17;
	v17 =	vnsel vm7, $0xFFFFFFFF, v15  }
0x2a7: {  	[tilespmem:v18+s29+$0x0] =	vst.idx.msk $0xffff, v21;
	v18 =	vadd.s32 s6, v9;
	vm9 =	veq.s32 v20, v14;
	v21 =	vld [tilespmem:s20+$0x50];
	v17 =	vsel vm8, v12, v17  }
0x2a8: {  	vm10 =	veq.s32 v20, v13;
	v20 =	vnsel vm9, $0xFFFFFFFF, v15;
	v22 =	vadd.s32 s19, v9;
	[tilespmem:v24+s29+$0x0] =	vst.idx.msk $0xffff, v17  }
0x2a9: {  	v25 =	vadd.s32 s21, v9;
	vm11 =	veq.s32 v19, v14;
	vm12 =	veq.s32 v19, v13;
	v19 =	vld [tilespmem:s20+$0xFFFFFFD0]  }
0x2aa: {  	v17 =	vsel vm10, v12, v20;
	v20 =	vld [tilespmem:s18+$0xFFFFFFE0];
	v24 =	vnsel vm11, $0xFFFFFFFF, v15;
	vm13 =	veq.s32 v23, v14  }
0x2ab: {  	[tilespmem:v26+s29+$0x0] =	vst.idx.msk $0xffff, v17;
	vm14 =	veq.s32 v23, v13;
	v17 =	vsel vm12, v12, v24;
	v24 =	vnsel vm13, $0xFFFFFFFF, v15  }
0x2ac: {  	[tilespmem:v18+s29+$0x0] =	vst.idx.msk $0xffff, v17;
	v17 =	vsel vm14, v12, v24;
	v18 =	vadd.s32 s7, v9;
	vm15 =	veq.s32 v21, v14  }
0x2ad: {  	v23 =	vld [tilespmem:s18+$0x70];
	[tilespmem:v22+s29+$0x0] =	vst.idx.msk $0xffff, v17;
	vm4 =	veq.s32 v21, v13;
	v17 =	vnsel vm15, $0xFFFFFFFF, v15  }
0x2ae: {  	v24 =	vld [tilespmem:s30+$0x60];
	v17 =	vsel vm4, v12, v17;
	vm5 =	veq.s32 v19, v14  }
0x2af: {  	v21 =	vld [tilespmem:s30+$0xFFFFFFE0];
	vm6 =	veq.s32 v20, v14;
	vm7 =	veq.s32 v19, v13;
	[tilespmem:v25+s29+$0x0] =	vst.idx.msk $0xffff, v17;
	v17 =	vnsel vm5, $0xFFFFFFFF, v15  }
0x2b0: {  	vm8 =	veq.s32 v20, v13;
	v19 =	vnsel vm6, $0xFFFFFFFF, v15;
	v17 =	vsel vm7, v12, v17  }
0x2b1: {  	v22 =	vadd.s32 s6, v10;
	v19 =	vsel vm8, v12, v19;
	v20 =	vld [tilespmem:s20+$0x60];
	[tilespmem:v18+s29+$0x0] =	vst.idx.msk $0xffff, v17  }
0x2b2: {  	vm9 =	veq.s32 v23, v14;
	vm5 =	veq.s32 v23, v13;
	v17 =	vadd.s32 s19, v10;
	v18 =	vld [tilespmem:s20+$0xFFFFFFE0]  }
0x2b3: {  	v25 =	vadd.s32 s21, v10;
	[tilespmem:v16+s29+$0x0] =	vst.idx.msk $0xffff, v19;
	vm10 =	veq.s32 v24, v14;
	vm11 =	veq.s32 v24, v13  }
0x2b4: {  	v19 =	vld [tilespmem:s18+$0xFFFFFFF0];
	v16 =	vnsel vm10, $0xFFFFFFFF, v15;
	vm12 =	veq.s32 v21, v14;
	vm13 =	veq.s32 v21, v13  }
0x2b5: {  	v21 =	vadd.s32 s7, v10;
	v16 =	vsel vm11, v12, v16;
	v24 =	vnsel vm12, $0xFFFFFFFF, v15  }
0x2b6: {  	[tilespmem:v22+s29+$0x0] =	vst.idx.msk $0xffff, v16;
	v16 =	vsel vm13, v12, v24;
	v22 =	vadd.s32 s24, v11;
	vm14 =	veq.s32 v20, v14  }
0x2b7: {  	vm15 =	veq.s32 v20, v13;
	v24 =	vld [tilespmem:s30+$0x70];
	v20 =	vnsel vm14, $0xFFFFFFFF, v15;
	[tilespmem:v17+s29+$0x0] =	vst.idx.msk $0xffff, v16;
	vm4 =	veq.s32 v18, v14  }
0x2b8: {  	v16 =	vsel vm15, v12, v20;
	v17 =	vld [tilespmem:s30+$0xFFFFFFF0];
	vm6 =	veq.s32 v18, v13;
	v20 =	vnsel vm4, $0xFFFFFFFF, v15  }
0x2b9: {  	vm7 =	veq.s32 v19, v14;
	v18 =	vadd.s32 s17, v11;
	[tilespmem:v25+s29+$0x0] =	vst.idx.msk $0xffff, v16;
	v20 =	vsel vm6, v12, v20  }
0x2ba: {  	vm8 =	veq.s32 v19, v13;
	v19 =	vnsel vm7, $0xFFFFFFFF, v15;
	v16 =	vnsel vm9, $0xFFFFFFFF, v15;
	v23 =	vld [tilespmem:s20+$0x70];
	[tilespmem:v21+s29+$0x0] =	vst.idx.msk $0xffff, v20  }
0x2bb: {  	v19 =	vsel vm8, v12, v19;
	v16 =	vsel vm5, v12, v16;
	v20 =	vadd.s32 s6, v11;
	v21 =	vld [tilespmem:s20+$0xFFFFFFF0]  }
0x2bc: {  	vm9 =	veq.s32 v24, v14;
	vm10 =	veq.s32 v24, v13;
	v24 =	vadd.s32 s19, v11  }
0x2bd: {  	[tilespmem:v22+s29+$0x0] =	vst.idx.msk $0xffff, v16;
	v22 =	vadd.s32 s21, v11;
	v16 =	vnsel vm9, $0xFFFFFFFF, v15;
	vm11 =	veq.s32 v17, v14  }
0x2be: {  	[tilespmem:v18+s29+$0x0] =	vst.idx.msk $0xffff, v19;
	vm12 =	veq.s32 v17, v13;
	v18 =	vadd.s32 s7, v11;
	v17 =	vnsel vm11, $0xFFFFFFFF, v15  }
0x2bf: {  	v16 =	vsel vm10, v12, v16;
	v17 =	vsel vm12, v12, v17;
	vm13 =	veq.s32 v23, v14  }
0x2c0: {  	vm14 =	veq.s32 v23, v13;
	[tilespmem:v20+s29+$0x0] =	vst.idx.msk $0xffff, v16;
	v16 =	vnsel vm13, $0xFFFFFFFF, v15;
	vm15 =	veq.s32 v21, v14  }
0x2c1: {  	[tilespmem:v24+s29+$0x0] =	vst.idx.msk $0xffff, v17;
	v16 =	vsel vm14, v12, v16;
	vm4 =	veq.s32 v21, v13;
	v17 =	vnsel vm15, $0xFFFFFFFF, v15  }
0x2c2: {  	[tilespmem:v22+s29+$0x0] =	vst.idx.msk $0xffff, v16;
	v16 =	vsel vm4, v12, v17  }
0x2c3: {  	[tilespmem:v18+s29+$0x0] =	vst.idx.msk $0xffff, v16  }
0x2c4: {  	s17 =	simm.s32 $0x0;
	s7 =	rddreg [dreg:$0x14]  }
0x2c5: {  	[hbm4b:s7+s17] =	stream.linear.scatter [tilespmem:s29], [sflag:$0x2], $0x6400, $0x38;
	[tilespmem:$0x19080] =	vst v63  }
0x2c6: {  	_ =	swait.ge [sflag:s23], $0x400  }
0x2c7: {  	[sflag:s23] =	ssyncset.done $0x0  }
0x2c8: {  	[sflag:s23] =	ssyncadd.s32 $0xFFFFFC00  }
0x2c9: {  	_ =	swait.ge [sflag:s23], $0x400  }
0x2ca: {  	[sflag:s23] =	ssyncset.done $0x0  }
0x2cb: {  	[sflag:s23] =	ssyncadd.s32 $0xFFFFFC00  }
0x2cc: {  	_ =	swait.ge [sflag:s23], $0x400  }
0x2cd: {  	[sflag:s23] =	ssyncset.done $0x0  }
0x2ce: {  	[sflag:s23] =	ssyncadd.s32 $0xFFFFFC00  }
0x2cf: {  	_ =	swait.ge [sflag:s23], $0x400  }
0x2d0: {  	[sflag:s23] =	ssyncset.done $0x0  }
0x2d1: {  	[sflag:s23] =	ssyncadd.s32 $0xFFFFFC00  }
0x2d2: {  	_ =	swait.ge [sflag:s23], $0x400  }
0x2d3: {  	[sflag:s23] =	ssyncset.done $0x0  }
0x2d4: {  	[sflag:s23] =	ssyncadd.s32 $0xFFFFFC00  }
0x2d5: {  	_ =	swait.ge [sflag:s23], $0x400  }
0x2d6: {  	[sflag:s23] =	ssyncset.done $0x0  }
0x2d7: {  	[sflag:s23] =	ssyncadd.s32 $0xFFFFFC00  }
0x2d8: {  	_ =	swait.ge [sflag:s23], $0x400  }
0x2d9: {  	[sflag:s23] =	ssyncset.done $0x0  }
0x2da: {  	[sflag:s23] =	ssyncadd.s32 $0xFFFFFC00  }
0x2db: {  	_ =	swait.ge [sflag:s23], $0x400  }
0x2dc: {  	[sflag:s23] =	ssyncset.done $0x0  }
0x2dd: {  	[sflag:s23] =	ssyncadd.s32 $0xFFFFFC00  }
0x2de: {  	_ =	swait.ge [sflag:s23], $0x400  }
0x2df: {  	[sflag:s23] =	ssyncset.done $0x0  }
0x2e0: {  	[sflag:s23] =	ssyncadd.s32 $0xFFFFFC00  }
0x2e1: {  	_ =	swait.ge [sflag:s23], $0x400  }
0x2e2: {  	[sflag:s23] =	ssyncset.done $0x0  }
0x2e3: {  	[sflag:s23] =	ssyncadd.s32 $0xFFFFFC00  }
0x2e4: {  	_ =	swait.ge [sflag:s23], $0x400  }
0x2e5: {  	[sflag:s23] =	ssyncset.done $0x0  }
0x2e6: {  	[sflag:s23] =	ssyncadd.s32 $0xFFFFFC00  }
0x2e7: {  	_ =	swait.ge [sflag:s23], $0x400  }
0x2e8: {  	[sflag:s23] =	ssyncset.done $0x0  }
0x2e9: {  	[sflag:s23] =	ssyncadd.s32 $0xFFFFFC00  }
0x2ea: {  	_ =	swait.ge [sflag:s23], $0x400  }
0x2eb: {  	[sflag:s23] =	ssyncset.done $0x0  }
0x2ec: {  	[sflag:s23] =	ssyncadd.s32 $0xFFFFFC00  }
0x2ed: {  	_ =	swait.ge [sflag:s23], $0x400  }
0x2ee: {  	[sflag:s23] =	ssyncset.done $0x0  }
0x2ef: {  	[sflag:s23] =	ssyncadd.s32 $0xFFFFFC00  }
0x2f0: {  	_ =	swait.ge [sflag:s23], $0x400  }
0x2f1: {  	[sflag:s23] =	ssyncset.done $0x0  }
0x2f2: {  	[sflag:s23] =	ssyncadd.s32 $0xFFFFFC00  }
0x2f3: {  	_ =	swait.ge [sflag:s23], $0x400  }
0x2f4: {  	[sflag:s23] =	ssyncset.done $0x0  }
0x2f5: {  	[sflag:s23] =	ssyncadd.s32 $0xFFFFFC00  }
0x2f6: {  	_ =	swait.ge [sflag:s23], $0x400  }
0x2f7: {  	[sflag:s23] =	ssyncset.done $0x0  }
0x2f8: {  	[sflag:s23] =	ssyncadd.s32 $0xFFFFFC00  }
0x2f9: {  	_ =	swait.ge [sflag:s23], $0x400  }
0x2fa: {  	[sflag:s23] =	ssyncset.done $0x0  }
0x2fb: {  	[sflag:s23] =	ssyncadd.s32 $0xFFFFFC00  }
0x2fc: {  	_ =	swait.ge [sflag:s23], $0x400  }
0x2fd: {  	[sflag:s23] =	ssyncset.done $0x0  }
0x2fe: {  	[sflag:s23] =	ssyncadd.s32 $0xFFFFFC00  }
0x2ff: {  	_ =	swait.ge [sflag:s23], $0x400  }
0x300: {  	[sflag:s23] =	ssyncset.done $0x0  }
0x301: {  	[sflag:s23] =	ssyncadd.s32 $0xFFFFFC00  }
0x302: {  	_ =	swait.ge [sflag:s23], $0x400  }
0x303: {  	[sflag:s23] =	ssyncset.done $0x0  }
0x304: {  	[sflag:s23] =	ssyncadd.s32 $0xFFFFFC00  }
0x305: {  	_ =	swait.ge [sflag:s23], $0x400  }
0x306: {  	[sflag:s23] =	ssyncset.done $0x0  }
0x307: {  	[sflag:s23] =	ssyncadd.s32 $0xFFFFFC00  }
0x308: {  	_ =	swait.ge [sflag:s23], $0x400  }
0x309: {  	[sflag:s23] =	ssyncset.done $0x0  }
0x30a: {  	[sflag:s23] =	ssyncadd.s32 $0xFFFFFC00  }
0x30b: {  	_ =	swait.ge [sflag:s23], $0x400  }
0x30c: {  	[sflag:s23] =	ssyncset.done $0x0  }
0x30d: {  	[sflag:s23] =	ssyncadd.s32 $0xFFFFFC00  }
0x30e: {  	_ =	swait.ge [sflag:s23], $0x400  }
0x30f: {  	[sflag:s23] =	ssyncset.done $0x0;
	s18 =	rddreg [dreg:$0x11]  }
0x310: {  	s19 =	simm.s32 $0x6400;
	s20 =	sld [smem:$0x7E6];
	[sflag:s23] =	ssyncadd.s32 $0xFFFFFC00  }
0x311: {  	[tilespmem:s19], [sflag:$0x1] =	stream.linear.gather [hbm4b:s18+s17], $0x400, $0x38;
	[tilespmem:$0x19080] =	vst v63  }
0x312: {  	s21 =	simm.s32 $0x6800;
	s24 =	sld [smem:$0x7E7]  }
0x313: {  	[tilespmem:s21], [sflag:$0x1] =	stream.linear.gather [hbm4b:s20+s17], $0x400, $0x38;
	[tilespmem:$0x19080] =	vst v63  }
0x314: {  	s26 =	simm.s32 $0x6C00;
	s18 =	sld [smem:$0x7E8]  }
0x315: {  	[tilespmem:s26], [sflag:$0x1] =	stream.linear.gather [hbm4b:s24+s17], $0x400, $0x38;
	[tilespmem:$0x19080] =	vst v63  }
0x316: {  	s19 =	simm.s32 $0x7000;
	s20 =	sld [smem:$0x7E9]  }
0x317: {  	[tilespmem:s19], [sflag:$0x1] =	stream.linear.gather [hbm4b:s18+s17], $0x400, $0x38;
	[tilespmem:$0x19080] =	vst v63  }
0x318: {  	s21 =	simm.s32 $0x7400;
	s24 =	sld [smem:$0x7EA]  }
0x319: {  	[tilespmem:s21], [sflag:$0x1] =	stream.linear.gather [hbm4b:s20+s17], $0x400, $0x38;
	[tilespmem:$0x19080] =	vst v63  }
0x31a: {  	s26 =	simm.s32 $0x7800;
	s18 =	sld [smem:$0x7EB]  }
0x31b: {  	[tilespmem:s26], [sflag:$0x1] =	stream.linear.gather [hbm4b:s24+s17], $0x400, $0x38;
	[tilespmem:$0x19080] =	vst v63  }
0x31c: {  	s19 =	simm.s32 $0x7C00;
	s20 =	sld [smem:$0x7EC]  }
0x31d: {  	[tilespmem:s19], [sflag:$0x1] =	stream.linear.gather [hbm4b:s18+s17], $0x400, $0x38;
	[tilespmem:$0x19080] =	vst v63  }
0x31e: {  	s21 =	simm.s32 $0x8000;
	s24 =	sld [smem:$0x7ED]  }
0x31f: {  	[tilespmem:s21], [sflag:$0x1] =	stream.linear.gather [hbm4b:s20+s17], $0x400, $0x38;
	[tilespmem:$0x19080] =	vst v63  }
0x320: {  	s26 =	simm.s32 $0x8400;
	s18 =	sld [smem:$0x7EE]  }
0x321: {  	[tilespmem:s26], [sflag:$0x1] =	stream.linear.gather [hbm4b:s24+s17], $0x400, $0x38;
	[tilespmem:$0x19080] =	vst v63  }
0x322: {  	s19 =	simm.s32 $0x8800;
	s20 =	sld [smem:$0x7EF]  }
0x323: {  	[tilespmem:s19], [sflag:$0x1] =	stream.linear.gather [hbm4b:s18+s17], $0x400, $0x38;
	[tilespmem:$0x19080] =	vst v63  }
0x324: {  	s21 =	simm.s32 $0x8C00;
	s24 =	sld [smem:$0x7F0]  }
0x325: {  	[tilespmem:s21], [sflag:$0x1] =	stream.linear.gather [hbm4b:s20+s17], $0x400, $0x38;
	[tilespmem:$0x19080] =	vst v63  }
0x326: {  	s26 =	simm.s32 $0x9000;
	s18 =	sld [smem:$0x7F1]  }
0x327: {  	[tilespmem:s26], [sflag:$0x1] =	stream.linear.gather [hbm4b:s24+s17], $0x400, $0x38;
	[tilespmem:$0x19080] =	vst v63  }
0x328: {  	s19 =	sld [smem:$0x7F2]  }
0x329: {  	[tilespmem:s8], [sflag:$0x1] =	stream.linear.gather [hbm4b:s18+s17], $0x400, $0x38;
	[tilespmem:$0x19080] =	vst v63  }
0x32a: {  	s20 =	sld [smem:$0x7F3]  }
0x32b: {  	[tilespmem:s31], [sflag:$0x1] =	stream.linear.gather [hbm4b:s19+s17], $0x400, $0x38;
	[tilespmem:$0x19080] =	vst v63  }
0x32c: {  	s21 =	sld [smem:$0x7F4]  }
0x32d: {  	[tilespmem:s9], [sflag:$0x1] =	stream.linear.gather [hbm4b:s20+s17], $0x400, $0x38;
	[tilespmem:$0x19080] =	vst v63  }
0x32e: {  	s24 =	sld [smem:$0x7F5]  }
0x32f: {  	[tilespmem:s10], [sflag:$0x1] =	stream.linear.gather [hbm4b:s21+s17], $0x400, $0x38;
	[tilespmem:$0x19080] =	vst v63  }
0x330: {  	s26 =	sld [smem:$0x7F6]  }
0x331: {  	[tilespmem:s0], [sflag:$0x1] =	stream.linear.gather [hbm4b:s24+s17], $0x400, $0x38;
	[tilespmem:$0x19080] =	vst v63  }
0x332: {  	s7 =	sld [smem:$0x7F7]  }
0x333: {  	[tilespmem:s11], [sflag:$0x1] =	stream.linear.gather [hbm4b:s26+s17], $0x400, $0x38;
	[tilespmem:$0x19080] =	vst v63  }
0x334: {  	s18 =	sld [smem:$0x7F8]  }
0x335: {  	[tilespmem:s28], [sflag:$0x1] =	stream.linear.gather [hbm4b:s7+s17], $0x400, $0x38;
	[tilespmem:$0x19080] =	vst v63  }
0x336: {  	s19 =	sld [smem:$0x7F9]  }
0x337: {  	[tilespmem:s12], [sflag:$0x1] =	stream.linear.gather [hbm4b:s18+s17], $0x400, $0x38;
	[tilespmem:$0x19080] =	vst v63  }
0x338: {  	s20 =	sld [smem:$0x7FA]  }
0x339: {  	[tilespmem:s1], [sflag:$0x1] =	stream.linear.gather [hbm4b:s19+s17], $0x400, $0x38;
	[tilespmem:$0x19080] =	vst v63  }
0x33a: {  	s21 =	sld [smem:$0x7FB]  }
0x33b: {  	[tilespmem:s13], [sflag:$0x1] =	stream.linear.gather [hbm4b:s20+s17], $0x400, $0x38;
	[tilespmem:$0x19080] =	vst v63  }
0x33c: {  	s24 =	sld [smem:$0x7FC]  }
0x33d: {  	[tilespmem:s25], [sflag:$0x1] =	stream.linear.gather [hbm4b:s21+s17], $0x400, $0x38;
	[tilespmem:$0x19080] =	vst v63  }
0x33e: {  	s26 =	sld [smem:$0x7FD]  }
0x33f: {  	[tilespmem:s14], [sflag:$0x1] =	stream.linear.gather [hbm4b:s24+s17], $0x400, $0x38;
	[tilespmem:$0x19080] =	vst v63  }
0x340: {  	_ = 	snop  }
0x341: {  	[tilespmem:s3], [sflag:$0x1] =	stream.linear.gather [hbm4b:s26+s17], $0x400, $0x38;
	[tilespmem:$0x19080] =	vst v63  }
0x342: {  	_ =	swait.ge [sflag:s16], $0x6400  }
0x343: {  	[sflag:s16] =	ssyncset.done $0x0  }
0x344: {  	s18 =	simm.s32 $0x80;
	[sflag:s16] =	ssyncadd.s32 $0xFFFF9C00  }
0x345: {  	v16 =	vld [tilespmem:s18+$0x0];
	_ =	sdelay $0x1  }
0x346: {  	s24 =	simm.s32 $0x1  }
0x347: {  	v18 =	vadd.s32 s24, v0;
	v17 =	vld [tilespmem:s18+$0xFFFFFF80];
	_ =	sdelay $0x1  }
0x348: {  	vm5 =	veq.s32 v16, v14  }
0x349: {  	v19 =	vadd.s32 s17, v0;
	vm6 =	veq.s32 v16, v13;
	v16 =	vnsel vm5, $0xFFFFFFFF, v15  }
0x34a: {  	v16 =	vsel vm6, v12, v16  }
0x34b: {  	vm7 =	veq.s32 v17, v14;
	[tilespmem:v18+s15+$0x0] =	vst.idx.msk $0xffff, v16  }
0x34c: {  	vm8 =	veq.s32 v17, v13;
	v17 =	vnsel vm7, $0xFFFFFFFF, v15;
	v16 =	vld [tilespmem:s18+$0x10]  }
0x34d: {  	v17 =	vsel vm8, v12, v17  }
0x34e: {  	[tilespmem:v19+s15+$0x0] =	vst.idx.msk $0xffff, v17  }
0x34f: {  	v18 =	vadd.s32 s24, v5;
	v17 =	vld [tilespmem:s18+$0xFFFFFF90];
	_ =	sdelay $0x1  }
0x350: {  	vm9 =	veq.s32 v16, v14  }
0x351: {  	v19 =	vadd.s32 s17, v5;
	vm10 =	veq.s32 v16, v13;
	v16 =	vnsel vm9, $0xFFFFFFFF, v15  }
0x352: {  	v16 =	vsel vm10, v12, v16  }
0x353: {  	vm11 =	veq.s32 v17, v14;
	[tilespmem:v18+s15+$0x0] =	vst.idx.msk $0xffff, v16  }
0x354: {  	vm12 =	veq.s32 v17, v13;
	v16 =	vnsel vm11, $0xFFFFFFFF, v15;
	v17 =	vld [tilespmem:s18+$0x20]  }
0x355: {  	v16 =	vsel vm12, v12, v16  }
0x356: {  	[tilespmem:v19+s15+$0x0] =	vst.idx.msk $0xffff, v16  }
0x357: {  	v18 =	vadd.s32 s24, v6;
	v16 =	vld [tilespmem:s18+$0xFFFFFFA0];
	_ =	sdelay $0x1  }
0x358: {  	vm13 =	veq.s32 v17, v14  }
0x359: {  	s30 =	simm.s32 $0x180;
	v19 =	vadd.s32 s17, v6;
	vm14 =	veq.s32 v17, v13;
	v17 =	vnsel vm13, $0xFFFFFFFF, v15  }
0x35a: {  	v20 =	vld [tilespmem:s30+$0x0];
	v17 =	vsel vm14, v12, v17  }
0x35b: {  	vm15 =	veq.s32 v16, v14;
	[tilespmem:v18+s15+$0x0] =	vst.idx.msk $0xffff, v17  }
0x35c: {  	s6 =	simm.s32 $0x3;
	vm4 =	veq.s32 v16, v13;
	v16 =	vnsel vm15, $0xFFFFFFFF, v15;
	v17 =	vld [tilespmem:s18+$0x30]  }
0x35d: {  	v21 =	vadd.s32 s6, v0;
	v16 =	vsel vm4, v12, v16  }
0x35e: {  	v18 =	vld [tilespmem:s30+$0xFFFFFF80];
	[tilespmem:v19+s15+$0x0] =	vst.idx.msk $0xffff, v16  }
0x35f: {  	vm5 =	veq.s32 v20, v14;
	v19 =	vadd.s32 s24, v7;
	v16 =	vld [tilespmem:s18+$0xFFFFFFB0]  }
0x360: {  	s19 =	simm.s32 $0x2;
	vm6 =	veq.s32 v20, v13;
	v20 =	vnsel vm5, $0xFFFFFFFF, v15  }
0x361: {  	v22 =	vadd.s32 s19, v0;
	v20 =	vsel vm6, v12, v20;
	vm7 =	veq.s32 v17, v14  }
0x362: {  	v23 =	vadd.s32 s17, v7;
	[tilespmem:v21+s15+$0x0] =	vst.idx.msk $0xffff, v20;
	vm8 =	veq.s32 v17, v13;
	v17 =	vnsel vm7, $0xFFFFFFFF, v15  }
0x363: {  	v20 =	vld [tilespmem:s30+$0x10];
	vm9 =	veq.s32 v18, v14;
	v17 =	vsel vm8, v12, v17  }
0x364: {  	vm10 =	veq.s32 v18, v13;
	v18 =	vnsel vm9, $0xFFFFFFFF, v15;
	vm11 =	veq.s32 v16, v14;
	[tilespmem:v19+s15+$0x0] =	vst.idx.msk $0xffff, v17  }
0x365: {  	vm12 =	veq.s32 v16, v13;
	v17 =	vsel vm10, v12, v18;
	v16 =	vnsel vm11, $0xFFFFFFFF, v15;
	v18 =	vld [tilespmem:s18+$0x40]  }
0x366: {  	[tilespmem:v22+s15+$0x0] =	vst.idx.msk $0xffff, v17;
	v16 =	vsel vm12, v12, v16  }
0x367: {  	v19 =	vadd.s32 s6, v5;
	v17 =	vld [tilespmem:s30+$0xFFFFFF90];
	[tilespmem:v23+s15+$0x0] =	vst.idx.msk $0xffff, v16  }
0x368: {  	vm13 =	veq.s32 v20, v14;
	v16 =	vadd.s32 s24, v8;
	v21 =	vld [tilespmem:s18+$0xFFFFFFC0]  }
0x369: {  	vm14 =	veq.s32 v20, v13;
	v20 =	vnsel vm13, $0xFFFFFFFF, v15  }
0x36a: {  	v20 =	vsel vm14, v12, v20;
	v23 =	vadd.s32 s19, v5;
	vm15 =	veq.s32 v18, v14  }
0x36b: {  	v22 =	vadd.s32 s17, v8;
	vm4 =	veq.s32 v18, v13;
	v18 =	vnsel vm15, $0xFFFFFFFF, v15  }
0x36c: {  	[tilespmem:v19+s15+$0x0] =	vst.idx.msk $0xffff, v20;
	vm5 =	veq.s32 v17, v14;
	v18 =	vsel vm4, v12, v18  }
0x36d: {  	vm6 =	veq.s32 v17, v13;
	v17 =	vld [tilespmem:s30+$0x20];
	vm7 =	veq.s32 v21, v14;
	[tilespmem:v16+s15+$0x0] =	vst.idx.msk $0xffff, v18;
	v16 =	vnsel vm5, $0xFFFFFFFF, v15  }
0x36e: {  	vm8 =	veq.s32 v21, v13;
	v18 =	vnsel vm7, $0xFFFFFFFF, v15;
	v16 =	vsel vm6, v12, v16;
	v20 =	vld [tilespmem:s18+$0x50]  }
0x36f: {  	[tilespmem:v23+s15+$0x0] =	vst.idx.msk $0xffff, v16;
	v16 =	vsel vm8, v12, v18  }
0x370: {  	v23 =	vadd.s32 s6, v6;
	v21 =	vld [tilespmem:s30+$0xFFFFFFA0];
	[tilespmem:v22+s15+$0x0] =	vst.idx.msk $0xffff, v16  }
0x371: {  	v26 =	vadd.s32 s24, v9;
	v18 =	vadd.s32 s17, v9;
	v19 =	vld [tilespmem:s18+$0xFFFFFFD0]  }
0x372: {  	v16 =	vadd.s32 s17, v10;
	v22 =	vadd.s32 s19, v6;
	vm9 =	veq.s32 v17, v14  }
0x373: {  	s20 =	simm.s32 $0x280;
	vm10 =	veq.s32 v17, v13;
	v17 =	vnsel vm9, $0xFFFFFFFF, v15;
	vm11 =	veq.s32 v20, v14  }
0x374: {  	v25 =	vld [tilespmem:s20+$0x0];
	v27 =	vsel vm10, v12, v17;
	vm12 =	veq.s32 v20, v13;
	v20 =	vnsel vm11, $0xFFFFFFFF, v15  }
0x375: {  	v24 =	vld [tilespmem:s20+$0xFFFFFF80];
	v17 =	vadd.s32 s19, v8;
	[tilespmem:v23+s15+$0x0] =	vst.idx.msk $0xffff, v27;
	vm13 =	veq.s32 v21, v14;
	v20 =	vsel vm12, v12, v20  }
0x376: {  	s21 =	simm.s32 $0x5;
	vm14 =	veq.s32 v21, v13;
	v23 =	vld [tilespmem:s30+$0x30];
	v21 =	vnsel vm13, $0xFFFFFFFF, v15;
	vm15 =	veq.s32 v19, v14;
	[tilespmem:v26+s15+$0x0] =	vst.idx.msk $0xffff, v20  }
0x377: {  	s7 =	simm.s32 $0x4;
	s26 =	simm.s32 $0x6;
	v27 =	vadd.s32 s21, v0;
	v26 =	vsel vm14, v12, v21;
	v21 =	vnsel vm15, $0xFFFFFFFF, v15;
	v20 =	vld [tilespmem:s18+$0x60]  }
.LBB2_6:
0x378: {  	p0 =	slt.u32 s26, $0xC6;
	v28 =	vadd.s32 s7, v0;
	[tilespmem:v22+s15+$0x0] =	vst.idx.msk $0xffff, v26;
	v22 =	vadd.s32 s19, v7;
	vm0 =	veq.s32 v19, v13  }
0x379: {  	v26 =	vadd.s32 s6, v7;
	vm1 =	veq.s32 v25, v14;
	v19 =	vld [tilespmem:s30+$0xFFFFFFB0];
	v21 =	vsel vm0, v12, v21  }
0x37a: {  	vm0 =	veq.s32 v25, v13;
	v25 =	vnsel vm1, $0xFFFFFFFF, v15;
	[tilespmem:v18+s15+$0x0] =	vst.idx.msk $0xffff, v21;
	v18 =	vadd.s32 s24, v10  }
0x37b: {  	vm1 =	veq.s32 v24, v14;
	v21 =	vsel vm0, v12, v25;
	vm0 =	veq.s32 v23, v14;
	v25 =	vld [tilespmem:s18+$0xFFFFFFE0]  }
0x37c: {  	vm2 =	veq.s32 v23, v13;
	[tilespmem:v27+s15+$0x0] =	vst.idx.msk $0xffff, v21;
	v21 =	vnsel vm0, $0xFFFFFFFF, v15;
	vm0 =	veq.s32 v20, v14  }
0x37d: {  	v23 =	vld [tilespmem:s20+$0x10];
	v21 =	vsel vm2, v12, v21;
	vm2 =	veq.s32 v20, v13;
	v20 =	vnsel vm0, $0xFFFFFFFF, v15  }
0x37e: {  	vm0 =	veq.s32 v24, v13;
	v24 =	vnsel vm1, $0xFFFFFFFF, v15;
	[tilespmem:v26+s15+$0x0] =	vst.idx.msk $0xffff, v21;
	v20 =	vsel vm2, v12, v20  }
0x37f: {  	v21 =	vsel vm0, v12, v24;
	v24 =	vadd.s32 s7, v5;
	vm0 =	veq.s32 v19, v14;
	v26 =	vld [tilespmem:s30+$0x40];
	[tilespmem:v18+s15+$0x0] =	vst.idx.msk $0xffff, v20  }
0x380: {  	vm1 =	veq.s32 v19, v13;
	v18 =	vnsel vm0, $0xFFFFFFFF, v15;
	[tilespmem:v28+s15+$0x0] =	vst.idx.msk $0xffff, v21;
	vm0 =	veq.s32 v25, v14;
	v19 =	vld [tilespmem:s18+$0x70]  }
0x381: {  	v21 =	vadd.s32 s21, v5;
	v18 =	vsel vm1, v12, v18;
	v20 =	vld [tilespmem:s20+$0xFFFFFF90];
	v27 =	vnsel vm0, $0xFFFFFFFF, v15  }
0x382: {  	vm1 =	veq.s32 v25, v13;
	vm0 =	veq.s32 v23, v14;
	[tilespmem:v22+s15+$0x0] =	vst.idx.msk $0xffff, v18;
	v18 =	vadd.s32 s6, v8  }
0x383: {  	v25 =	vadd.s32 s24, v11;
	s24 =	smov.u32 s6;
	vm2 =	veq.s32 v23, v13;
	s6 =	smov.u32 s21;
	v22 =	vnsel vm0, $0xFFFFFFFF, v15;
	v23 =	vld [tilespmem:s30+$0xFFFFFFC0]  }
0x384: {  	v27 =	vsel vm1, v12, v27;
	v22 =	vsel vm2, v12, v22;
	vm0 =	veq.s32 v26, v14  }
0x385: {  	vm1 =	veq.s32 v26, v13;
	v26 =	vnsel vm0, $0xFFFFFFFF, v15;
	[tilespmem:v16+s15+$0x0] =	vst.idx.msk $0xffff, v27;
	vm0 =	veq.s32 v19, v14  }
0x386: {  	[tilespmem:v21+s15+$0x0] =	vst.idx.msk $0xffff, v22;
	v16 =	vsel vm1, v12, v26;
	v21 =	vld [tilespmem:s18+$0xFFFFFFF0];
	vm1 =	veq.s32 v19, v13;
	v19 =	vnsel vm0, $0xFFFFFFFF, v15;
	s18 =	smov.u32 s30;
	s30 =	smov.u32 s20  }
0x387: {  	vm0 =	veq.s32 v20, v14;
	v26 =	vadd.s32 s17, v11;
	s17 =	smov.u32 s19;
	s19 =	smov.u32 s7;
	s7 =	smov.u32 s26;
	[tilespmem:v18+s15+$0x0] =	vst.idx.msk $0xffff, v16;
	v16 =	vsel vm1, v12, v19  }
0x388: {  	vm1 =	veq.s32 v20, v13;
	v18 =	vnsel vm0, $0xFFFFFFFF, v15;
	v20 =	vld [tilespmem:s20+$0x20];
	vm0 =	veq.s32 v23, v14;
	[tilespmem:v25+s15+$0x0] =	vst.idx.msk $0xffff, v16  }
0x389: {  	v16 =	vsel vm1, v12, v18;
	vm1 =	veq.s32 v23, v13;
	v18 =	vnsel vm0, $0xFFFFFFFF, v15;
	v23 =	vld [tilespmem:s18+$0x50]  }
0x38a: {  	[tilespmem:v24+s15+$0x0] =	vst.idx.msk $0xffff, v16;
	v18 =	vsel vm1, v12, v18;
	v16 =	vadd.s32 s17, v10  }
0x38b: {  	v28 =	vadd.s32 s6, v6;
	v27 =	vld [tilespmem:s20+$0xFFFFFFA0];
	[tilespmem:v17+s15+$0x0] =	vst.idx.msk $0xffff, v18;
	vm0 =	veq.s32 v21, v13;
	vm1 =	veq.s32 v21, v14  }
0x38c: {  	v18 =	vadd.s32 s17, v9;
	v21 =	vadd.s32 s24, v9;
	v19 =	vld [tilespmem:s18+$0xFFFFFFD0];
	v17 =	vnsel vm1, $0xFFFFFFFF, v15  }
0x38d: {  	v22 =	vadd.s32 s19, v6;
	vm1 =	veq.s32 v20, v14;
	v17 =	vsel vm0, v12, v17  }
.Ltmp2:
0x38e: {  	s20 =	sadd.s32 $0x100, s20;
	vm0 =	veq.s32 v20, v13;
	v20 =	vnsel vm1, $0xFFFFFFFF, v15;
	vm1 =	veq.s32 v23, v14;
	[tilespmem:v26+s15+$0x0] =	vst.idx.msk $0xffff, v17;
	(pc) =	sbr.rel @p0 .LBB2_6-.Ltmp2, $4  }
0x38f: {  	v25 =	vld [tilespmem:s20+$0x0];
	v20 =	vsel vm0, v12, v20;
	vm0 =	veq.s32 v23, v13;
	v23 =	vnsel vm1, $0xFFFFFFFF, v15  }
0x390: {  	v17 =	vadd.s32 s19, v8;
	v24 =	vld [tilespmem:s20+$0xFFFFFF80];
	vm1 =	veq.s32 v27, v14;
	[tilespmem:v28+s15+$0x0] =	vst.idx.msk $0xffff, v20;
	v20 =	vsel vm0, v12, v23  }
0x391: {  	s21 =	sadd.s32 $0x1, s26;
	vm0 =	veq.s32 v27, v13;
	v26 =	vnsel vm1, $0xFFFFFFFF, v15;
	v23 =	vld [tilespmem:s30+$0x30];
	vm1 =	veq.s32 v19, v14;
	[tilespmem:v21+s15+$0x0] =	vst.idx.msk $0xffff, v20  }
0x392: {  	s26 =	sadd.s32 $0x2, s26;
	v27 =	vadd.s32 s21, v0;
	v26 =	vsel vm0, v12, v26;
	v21 =	vnsel vm1, $0xFFFFFFFF, v15;
	v20 =	vld [tilespmem:s18+$0x60]  }
0x393: {  	_ = 	snop  }
0x394: {  	v28 =	vadd.s32 s7, v0;
	vm0 =	veq.s32 v25, v14  }
0x395: {  	vm1 =	veq.s32 v25, v13;
	v25 =	vnsel vm0, $0xFFFFFFFF, v15  }
0x396: {  	vm7 =	veq.s32 v24, v14;
	v25 =	vsel vm1, v12, v25  }
0x397: {  	vm8 =	veq.s32 v24, v13;
	v24 =	vnsel vm7, $0xFFFFFFFF, v15;
	[tilespmem:v27+s15+$0x0] =	vst.idx.msk $0xffff, v25  }
0x398: {  	v24 =	vsel vm8, v12, v24;
	v25 =	vld [tilespmem:s20+$0x10]  }
0x399: {  	[tilespmem:v28+s15+$0x0] =	vst.idx.msk $0xffff, v24  }
0x39a: {  	v24 =	vld [tilespmem:s20+$0xFFFFFF90]  }
0x39b: {  	v27 =	vadd.s32 s21, v5;
	_ =	sdelay $0x1  }
0x39c: {  	v28 =	vadd.s32 s7, v5;
	vm9 =	veq.s32 v25, v14  }
0x39d: {  	vm10 =	veq.s32 v25, v13;
	v25 =	vnsel vm9, $0xFFFFFFFF, v15  }
0x39e: {  	vm11 =	veq.s32 v24, v14;
	v25 =	vsel vm10, v12, v25  }
0x39f: {  	vm12 =	veq.s32 v24, v13;
	v24 =	vnsel vm11, $0xFFFFFFFF, v15;
	[tilespmem:v27+s15+$0x0] =	vst.idx.msk $0xffff, v25  }
0x3a0: {  	v24 =	vsel vm12, v12, v24;
	v25 =	vld [tilespmem:s20+$0x20]  }
0x3a1: {  	[tilespmem:v28+s15+$0x0] =	vst.idx.msk $0xffff, v24  }
0x3a2: {  	v24 =	vld [tilespmem:s20+$0xFFFFFFA0]  }
0x3a3: {  	v27 =	vadd.s32 s21, v6;
	_ =	sdelay $0x1  }
0x3a4: {  	v28 =	vadd.s32 s7, v6;
	vm13 =	veq.s32 v25, v14  }
0x3a5: {  	[tilespmem:v22+s15+$0x0] =	vst.idx.msk $0xffff, v26;
	vm14 =	veq.s32 v25, v13;
	v22 =	vnsel vm13, $0xFFFFFFFF, v15  }
0x3a6: {  	v25 =	vld [tilespmem:s30+$0xFFFFFFB0];
	vm15 =	veq.s32 v24, v14;
	v22 =	vsel vm14, v12, v22  }
0x3a7: {  	vm4 =	veq.s32 v24, v13;
	[tilespmem:v27+s15+$0x0] =	vst.idx.msk $0xffff, v22;
	v22 =	vnsel vm15, $0xFFFFFFFF, v15  }
0x3a8: {  	v24 =	vadd.s32 s6, v7;
	v26 =	vld [tilespmem:s20+$0x30];
	v22 =	vsel vm4, v12, v22  }
0x3a9: {  	v27 =	vadd.s32 s19, v7;
	[tilespmem:v28+s15+$0x0] =	vst.idx.msk $0xffff, v22  }
0x3aa: {  	vm5 =	veq.s32 v23, v14;
	vm6 =	veq.s32 v23, v13;
	v22 =	vld [tilespmem:s20+$0xFFFFFFB0]  }
0x3ab: {  	v23 =	vnsel vm5, $0xFFFFFFFF, v15;
	vm7 =	veq.s32 v25, v14;
	v28 =	vadd.s32 s21, v7  }
0x3ac: {  	v23 =	vsel vm6, v12, v23;
	vm8 =	veq.s32 v25, v13;
	v25 =	vnsel vm7, $0xFFFFFFFF, v15  }
0x3ad: {  	[tilespmem:v24+s15+$0x0] =	vst.idx.msk $0xffff, v23;
	v24 =	vadd.s32 s7, v7;
	v23 =	vsel vm8, v12, v25;
	vm9 =	veq.s32 v26, v14  }
0x3ae: {  	v25 =	vld [tilespmem:s30+$0x40];
	[tilespmem:v27+s15+$0x0] =	vst.idx.msk $0xffff, v23;
	vm10 =	veq.s32 v26, v13;
	v23 =	vnsel vm9, $0xFFFFFFFF, v15  }
0x3af: {  	v26 =	vld [tilespmem:s30+$0xFFFFFFC0];
	v23 =	vsel vm10, v12, v23;
	vm11 =	veq.s32 v22, v14  }
0x3b0: {  	vm12 =	veq.s32 v22, v13;
	[tilespmem:v28+s15+$0x0] =	vst.idx.msk $0xffff, v23;
	v22 =	vnsel vm11, $0xFFFFFFFF, v15  }
0x3b1: {  	v23 =	vadd.s32 s6, v8;
	v27 =	vld [tilespmem:s20+$0x40];
	v22 =	vsel vm12, v12, v22  }
0x3b2: {  	[tilespmem:v24+s15+$0x0] =	vst.idx.msk $0xffff, v22  }
0x3b3: {  	vm13 =	veq.s32 v25, v14;
	vm14 =	veq.s32 v25, v13;
	v22 =	vld [tilespmem:s20+$0xFFFFFFC0]  }
0x3b4: {  	v25 =	vadd.s32 s21, v8;
	v24 =	vnsel vm13, $0xFFFFFFFF, v15;
	vm15 =	veq.s32 v26, v14  }
0x3b5: {  	vm4 =	veq.s32 v26, v13;
	v24 =	vsel vm14, v12, v24;
	v26 =	vnsel vm15, $0xFFFFFFFF, v15  }
0x3b6: {  	[tilespmem:v23+s15+$0x0] =	vst.idx.msk $0xffff, v24;
	v23 =	vsel vm4, v12, v26;
	v24 =	vadd.s32 s7, v8;
	vm5 =	veq.s32 v27, v14  }
0x3b7: {  	vm6 =	veq.s32 v19, v13;
	v19 =	vld [tilespmem:s30+$0x50];
	[tilespmem:v17+s15+$0x0] =	vst.idx.msk $0xffff, v23;
	vm2 =	veq.s32 v27, v13;
	v17 =	vnsel vm5, $0xFFFFFFFF, v15  }
0x3b8: {  	v21 =	vsel vm6, v12, v21;
	v23 =	vld [tilespmem:s30+$0xFFFFFFD0];
	v17 =	vsel vm2, v12, v17;
	vm7 =	veq.s32 v22, v14  }
0x3b9: {  	v26 =	vadd.s32 s24, v10;
	vm8 =	veq.s32 v22, v13;
	[tilespmem:v25+s15+$0x0] =	vst.idx.msk $0xffff, v17;
	v17 =	vnsel vm7, $0xFFFFFFFF, v15  }
0x3ba: {  	[tilespmem:v18+s15+$0x0] =	vst.idx.msk $0xffff, v21;
	v18 =	vadd.s32 s6, v9;
	vm9 =	veq.s32 v20, v14;
	v21 =	vld [tilespmem:s20+$0x50];
	v17 =	vsel vm8, v12, v17  }
0x3bb: {  	vm10 =	veq.s32 v20, v13;
	v20 =	vnsel vm9, $0xFFFFFFFF, v15;
	v22 =	vadd.s32 s19, v9;
	[tilespmem:v24+s15+$0x0] =	vst.idx.msk $0xffff, v17  }
0x3bc: {  	v25 =	vadd.s32 s21, v9;
	vm11 =	veq.s32 v19, v14;
	vm12 =	veq.s32 v19, v13;
	v19 =	vld [tilespmem:s20+$0xFFFFFFD0]  }
0x3bd: {  	v17 =	vsel vm10, v12, v20;
	v20 =	vld [tilespmem:s18+$0xFFFFFFE0];
	v24 =	vnsel vm11, $0xFFFFFFFF, v15;
	vm13 =	veq.s32 v23, v14  }
0x3be: {  	[tilespmem:v26+s15+$0x0] =	vst.idx.msk $0xffff, v17;
	vm14 =	veq.s32 v23, v13;
	v17 =	vsel vm12, v12, v24;
	v24 =	vnsel vm13, $0xFFFFFFFF, v15  }
0x3bf: {  	[tilespmem:v18+s15+$0x0] =	vst.idx.msk $0xffff, v17;
	v17 =	vsel vm14, v12, v24;
	v18 =	vadd.s32 s7, v9;
	vm15 =	veq.s32 v21, v14  }
0x3c0: {  	v23 =	vld [tilespmem:s18+$0x70];
	[tilespmem:v22+s15+$0x0] =	vst.idx.msk $0xffff, v17;
	vm4 =	veq.s32 v21, v13;
	v17 =	vnsel vm15, $0xFFFFFFFF, v15  }
0x3c1: {  	v24 =	vld [tilespmem:s30+$0x60];
	v17 =	vsel vm4, v12, v17;
	vm5 =	veq.s32 v19, v14  }
0x3c2: {  	v21 =	vld [tilespmem:s30+$0xFFFFFFE0];
	vm6 =	veq.s32 v20, v14;
	vm7 =	veq.s32 v19, v13;
	[tilespmem:v25+s15+$0x0] =	vst.idx.msk $0xffff, v17;
	v17 =	vnsel vm5, $0xFFFFFFFF, v15  }
0x3c3: {  	vm8 =	veq.s32 v20, v13;
	v19 =	vnsel vm6, $0xFFFFFFFF, v15;
	v17 =	vsel vm7, v12, v17  }
0x3c4: {  	v22 =	vadd.s32 s6, v10;
	v19 =	vsel vm8, v12, v19;
	v20 =	vld [tilespmem:s20+$0x60];
	[tilespmem:v18+s15+$0x0] =	vst.idx.msk $0xffff, v17  }
0x3c5: {  	vm9 =	veq.s32 v23, v14;
	vm5 =	veq.s32 v23, v13;
	v17 =	vadd.s32 s19, v10;
	v18 =	vld [tilespmem:s20+$0xFFFFFFE0]  }
0x3c6: {  	v25 =	vadd.s32 s21, v10;
	[tilespmem:v16+s15+$0x0] =	vst.idx.msk $0xffff, v19;
	vm10 =	veq.s32 v24, v14;
	vm11 =	veq.s32 v24, v13  }
0x3c7: {  	v19 =	vld [tilespmem:s18+$0xFFFFFFF0];
	v16 =	vnsel vm10, $0xFFFFFFFF, v15;
	vm12 =	veq.s32 v21, v14;
	vm13 =	veq.s32 v21, v13  }
0x3c8: {  	v21 =	vadd.s32 s7, v10;
	v16 =	vsel vm11, v12, v16;
	v24 =	vnsel vm12, $0xFFFFFFFF, v15  }
0x3c9: {  	[tilespmem:v22+s15+$0x0] =	vst.idx.msk $0xffff, v16;
	v16 =	vsel vm13, v12, v24;
	v22 =	vadd.s32 s24, v11;
	vm14 =	veq.s32 v20, v14  }
0x3ca: {  	vm15 =	veq.s32 v20, v13;
	v24 =	vld [tilespmem:s30+$0x70];
	v20 =	vnsel vm14, $0xFFFFFFFF, v15;
	[tilespmem:v17+s15+$0x0] =	vst.idx.msk $0xffff, v16;
	vm4 =	veq.s32 v18, v14  }
0x3cb: {  	v16 =	vsel vm15, v12, v20;
	v17 =	vld [tilespmem:s30+$0xFFFFFFF0];
	vm6 =	veq.s32 v18, v13;
	v20 =	vnsel vm4, $0xFFFFFFFF, v15  }
0x3cc: {  	vm7 =	veq.s32 v19, v14;
	v18 =	vadd.s32 s17, v11;
	[tilespmem:v25+s15+$0x0] =	vst.idx.msk $0xffff, v16;
	v20 =	vsel vm6, v12, v20  }
0x3cd: {  	vm8 =	veq.s32 v19, v13;
	v19 =	vnsel vm7, $0xFFFFFFFF, v15;
	v16 =	vnsel vm9, $0xFFFFFFFF, v15;
	v23 =	vld [tilespmem:s20+$0x70];
	[tilespmem:v21+s15+$0x0] =	vst.idx.msk $0xffff, v20  }
0x3ce: {  	v19 =	vsel vm8, v12, v19;
	v16 =	vsel vm5, v12, v16;
	v20 =	vadd.s32 s6, v11;
	v21 =	vld [tilespmem:s20+$0xFFFFFFF0]  }
0x3cf: {  	vm9 =	veq.s32 v24, v14;
	vm10 =	veq.s32 v24, v13;
	v24 =	vadd.s32 s19, v11  }
0x3d0: {  	[tilespmem:v22+s15+$0x0] =	vst.idx.msk $0xffff, v16;
	v22 =	vadd.s32 s21, v11;
	v16 =	vnsel vm9, $0xFFFFFFFF, v15;
	vm11 =	veq.s32 v17, v14  }
0x3d1: {  	[tilespmem:v18+s15+$0x0] =	vst.idx.msk $0xffff, v19;
	vm12 =	veq.s32 v17, v13;
	v18 =	vadd.s32 s7, v11;
	v17 =	vnsel vm11, $0xFFFFFFFF, v15  }
0x3d2: {  	v16 =	vsel vm10, v12, v16;
	v17 =	vsel vm12, v12, v17;
	vm13 =	veq.s32 v23, v14  }
0x3d3: {  	vm14 =	veq.s32 v23, v13;
	[tilespmem:v20+s15+$0x0] =	vst.idx.msk $0xffff, v16;
	v16 =	vnsel vm13, $0xFFFFFFFF, v15;
	vm15 =	veq.s32 v21, v14  }
0x3d4: {  	[tilespmem:v24+s15+$0x0] =	vst.idx.msk $0xffff, v17;
	v16 =	vsel vm14, v12, v16;
	vm4 =	veq.s32 v21, v13;
	v17 =	vnsel vm15, $0xFFFFFFFF, v15  }
0x3d5: {  	[tilespmem:v22+s15+$0x0] =	vst.idx.msk $0xffff, v16;
	v16 =	vsel vm4, v12, v17  }
0x3d6: {  	[tilespmem:v18+s15+$0x0] =	vst.idx.msk $0xffff, v16  }
0x3d7: {  	s17 =	simm.s32 $0x0;
	s26 =	rddreg [dreg:$0x15]  }
0x3d8: {  	[hbm4b:s26+s17] =	stream.linear.scatter [tilespmem:s15], [sflag:$0x2], $0x6400, $0x38;
	[tilespmem:$0x19080] =	vst v63  }
0x3d9: {  	_ =	swait.ge [sflag:s23], $0x400  }
0x3da: {  	[sflag:s23] =	ssyncset.done $0x0  }
0x3db: {  	[sflag:s23] =	ssyncadd.s32 $0xFFFFFC00  }
0x3dc: {  	_ =	swait.ge [sflag:s23], $0x400  }
0x3dd: {  	[sflag:s23] =	ssyncset.done $0x0  }
0x3de: {  	[sflag:s23] =	ssyncadd.s32 $0xFFFFFC00  }
0x3df: {  	_ =	swait.ge [sflag:s23], $0x400  }
0x3e0: {  	[sflag:s23] =	ssyncset.done $0x0  }
0x3e1: {  	[sflag:s23] =	ssyncadd.s32 $0xFFFFFC00  }
0x3e2: {  	_ =	swait.ge [sflag:s23], $0x400  }
0x3e3: {  	[sflag:s23] =	ssyncset.done $0x0  }
0x3e4: {  	[sflag:s23] =	ssyncadd.s32 $0xFFFFFC00  }
0x3e5: {  	_ =	swait.ge [sflag:s23], $0x400  }
0x3e6: {  	[sflag:s23] =	ssyncset.done $0x0  }
0x3e7: {  	[sflag:s23] =	ssyncadd.s32 $0xFFFFFC00  }
0x3e8: {  	_ =	swait.ge [sflag:s23], $0x400  }
0x3e9: {  	[sflag:s23] =	ssyncset.done $0x0  }
0x3ea: {  	[sflag:s23] =	ssyncadd.s32 $0xFFFFFC00  }
0x3eb: {  	_ =	swait.ge [sflag:s23], $0x400  }
0x3ec: {  	[sflag:s23] =	ssyncset.done $0x0  }
0x3ed: {  	[sflag:s23] =	ssyncadd.s32 $0xFFFFFC00  }
0x3ee: {  	_ =	swait.ge [sflag:s23], $0x400  }
0x3ef: {  	[sflag:s23] =	ssyncset.done $0x0  }
0x3f0: {  	[sflag:s23] =	ssyncadd.s32 $0xFFFFFC00  }
0x3f1: {  	_ =	swait.ge [sflag:s23], $0x400  }
0x3f2: {  	[sflag:s23] =	ssyncset.done $0x0  }
0x3f3: {  	[sflag:s23] =	ssyncadd.s32 $0xFFFFFC00  }
0x3f4: {  	_ =	swait.ge [sflag:s23], $0x400  }
0x3f5: {  	[sflag:s23] =	ssyncset.done $0x0  }
0x3f6: {  	[sflag:s23] =	ssyncadd.s32 $0xFFFFFC00  }
0x3f7: {  	_ =	swait.ge [sflag:s23], $0x400  }
0x3f8: {  	[sflag:s23] =	ssyncset.done $0x0  }
0x3f9: {  	[sflag:s23] =	ssyncadd.s32 $0xFFFFFC00  }
0x3fa: {  	_ =	swait.ge [sflag:s23], $0x400  }
0x3fb: {  	[sflag:s23] =	ssyncset.done $0x0  }
0x3fc: {  	[sflag:s23] =	ssyncadd.s32 $0xFFFFFC00  }
0x3fd: {  	_ =	swait.ge [sflag:s23], $0x400  }
0x3fe: {  	[sflag:s23] =	ssyncset.done $0x0  }
0x3ff: {  	[sflag:s23] =	ssyncadd.s32 $0xFFFFFC00  }
0x400: {  	_ =	swait.ge [sflag:s23], $0x400  }
0x401: {  	[sflag:s23] =	ssyncset.done $0x0  }
0x402: {  	[sflag:s23] =	ssyncadd.s32 $0xFFFFFC00  }
0x403: {  	_ =	swait.ge [sflag:s23], $0x400  }
0x404: {  	[sflag:s23] =	ssyncset.done $0x0  }
0x405: {  	[sflag:s23] =	ssyncadd.s32 $0xFFFFFC00  }
0x406: {  	_ =	swait.ge [sflag:s23], $0x400  }
0x407: {  	[sflag:s23] =	ssyncset.done $0x0  }
0x408: {  	[sflag:s23] =	ssyncadd.s32 $0xFFFFFC00  }
0x409: {  	_ =	swait.ge [sflag:s23], $0x400  }
0x40a: {  	[sflag:s23] =	ssyncset.done $0x0  }
0x40b: {  	[sflag:s23] =	ssyncadd.s32 $0xFFFFFC00  }
0x40c: {  	_ =	swait.ge [sflag:s23], $0x400  }
0x40d: {  	[sflag:s23] =	ssyncset.done $0x0  }
0x40e: {  	[sflag:s23] =	ssyncadd.s32 $0xFFFFFC00  }
0x40f: {  	_ =	swait.ge [sflag:s23], $0x400  }
0x410: {  	[sflag:s23] =	ssyncset.done $0x0  }
0x411: {  	[sflag:s23] =	ssyncadd.s32 $0xFFFFFC00  }
0x412: {  	_ =	swait.ge [sflag:s23], $0x400  }
0x413: {  	[sflag:s23] =	ssyncset.done $0x0  }
0x414: {  	[sflag:s23] =	ssyncadd.s32 $0xFFFFFC00  }
0x415: {  	_ =	swait.ge [sflag:s23], $0x400  }
0x416: {  	[sflag:s23] =	ssyncset.done $0x0  }
0x417: {  	[sflag:s23] =	ssyncadd.s32 $0xFFFFFC00  }
0x418: {  	_ =	swait.ge [sflag:s23], $0x400  }
0x419: {  	[sflag:s23] =	ssyncset.done $0x0  }
0x41a: {  	[sflag:s23] =	ssyncadd.s32 $0xFFFFFC00  }
0x41b: {  	_ =	swait.ge [sflag:s23], $0x400  }
0x41c: {  	[sflag:s23] =	ssyncset.done $0x0  }
0x41d: {  	[sflag:s23] =	ssyncadd.s32 $0xFFFFFC00  }
0x41e: {  	_ =	swait.ge [sflag:s23], $0x400  }
0x41f: {  	[sflag:s23] =	ssyncset.done $0x0  }
0x420: {  	[sflag:s23] =	ssyncadd.s32 $0xFFFFFC00  }
0x421: {  	_ =	swait.ge [sflag:s23], $0x400  }
0x422: {  	[sflag:s23] =	ssyncset.done $0x0  }
0x423: {  	[sflag:s23] =	ssyncadd.s32 $0xFFFFFC00  }
0x424: {  	_ =	swait.ge [sflag:s16], $0x6400  }
0x425: {  	[sflag:s16] =	ssyncset.done $0x0  }
0x426: {  	s18 =	simm.s32 $0x6480;
	[sflag:s16] =	ssyncadd.s32 $0xFFFF9C00  }
0x427: {  	v16 =	vld [tilespmem:s18+$0x0];
	_ =	sdelay $0x1  }
0x428: {  	s24 =	simm.s32 $0x1  }
0x429: {  	v18 =	vadd.s32 s24, v0;
	v17 =	vld [tilespmem:s18+$0xFFFFFF80];
	_ =	sdelay $0x1  }
0x42a: {  	vm5 =	veq.s32 v16, v14  }
0x42b: {  	v19 =	vadd.s32 s17, v0;
	vm6 =	veq.s32 v16, v13;
	v16 =	vnsel vm5, $0xFFFFFFFF, v15  }
0x42c: {  	v16 =	vsel vm6, v12, v16  }
0x42d: {  	vm7 =	veq.s32 v17, v14;
	[tilespmem:v18+s29+$0x0] =	vst.idx.msk $0xffff, v16  }
0x42e: {  	vm8 =	veq.s32 v17, v13;
	v17 =	vnsel vm7, $0xFFFFFFFF, v15;
	v16 =	vld [tilespmem:s18+$0x10]  }
0x42f: {  	v17 =	vsel vm8, v12, v17  }
0x430: {  	[tilespmem:v19+s29+$0x0] =	vst.idx.msk $0xffff, v17  }
0x431: {  	v18 =	vadd.s32 s24, v5;
	v17 =	vld [tilespmem:s18+$0xFFFFFF90];
	_ =	sdelay $0x1  }
0x432: {  	vm9 =	veq.s32 v16, v14  }
0x433: {  	v19 =	vadd.s32 s17, v5;
	vm10 =	veq.s32 v16, v13;
	v16 =	vnsel vm9, $0xFFFFFFFF, v15  }
0x434: {  	v16 =	vsel vm10, v12, v16  }
0x435: {  	vm11 =	veq.s32 v17, v14;
	[tilespmem:v18+s29+$0x0] =	vst.idx.msk $0xffff, v16  }
0x436: {  	vm12 =	veq.s32 v17, v13;
	v16 =	vnsel vm11, $0xFFFFFFFF, v15;
	v17 =	vld [tilespmem:s18+$0x20]  }
0x437: {  	v16 =	vsel vm12, v12, v16  }
0x438: {  	[tilespmem:v19+s29+$0x0] =	vst.idx.msk $0xffff, v16  }
0x439: {  	v18 =	vadd.s32 s24, v6;
	v16 =	vld [tilespmem:s18+$0xFFFFFFA0];
	_ =	sdelay $0x1  }
0x43a: {  	vm13 =	veq.s32 v17, v14  }
0x43b: {  	s30 =	simm.s32 $0x6580;
	v19 =	vadd.s32 s17, v6;
	vm14 =	veq.s32 v17, v13;
	v17 =	vnsel vm13, $0xFFFFFFFF, v15  }
0x43c: {  	v20 =	vld [tilespmem:s30+$0x0];
	v17 =	vsel vm14, v12, v17  }
0x43d: {  	vm15 =	veq.s32 v16, v14;
	[tilespmem:v18+s29+$0x0] =	vst.idx.msk $0xffff, v17  }
0x43e: {  	s6 =	simm.s32 $0x3;
	vm4 =	veq.s32 v16, v13;
	v16 =	vnsel vm15, $0xFFFFFFFF, v15;
	v17 =	vld [tilespmem:s18+$0x30]  }
0x43f: {  	v21 =	vadd.s32 s6, v0;
	v16 =	vsel vm4, v12, v16  }
0x440: {  	v18 =	vld [tilespmem:s30+$0xFFFFFF80];
	[tilespmem:v19+s29+$0x0] =	vst.idx.msk $0xffff, v16  }
0x441: {  	vm5 =	veq.s32 v20, v14;
	v19 =	vadd.s32 s24, v7;
	v16 =	vld [tilespmem:s18+$0xFFFFFFB0]  }
0x442: {  	s19 =	simm.s32 $0x2;
	vm6 =	veq.s32 v20, v13;
	v20 =	vnsel vm5, $0xFFFFFFFF, v15  }
0x443: {  	v22 =	vadd.s32 s19, v0;
	v20 =	vsel vm6, v12, v20;
	vm7 =	veq.s32 v17, v14  }
0x444: {  	v23 =	vadd.s32 s17, v7;
	[tilespmem:v21+s29+$0x0] =	vst.idx.msk $0xffff, v20;
	vm8 =	veq.s32 v17, v13;
	v17 =	vnsel vm7, $0xFFFFFFFF, v15  }
0x445: {  	v20 =	vld [tilespmem:s30+$0x10];
	vm9 =	veq.s32 v18, v14;
	v17 =	vsel vm8, v12, v17  }
0x446: {  	vm10 =	veq.s32 v18, v13;
	v18 =	vnsel vm9, $0xFFFFFFFF, v15;
	vm11 =	veq.s32 v16, v14;
	[tilespmem:v19+s29+$0x0] =	vst.idx.msk $0xffff, v17  }
0x447: {  	vm12 =	veq.s32 v16, v13;
	v17 =	vsel vm10, v12, v18;
	v16 =	vnsel vm11, $0xFFFFFFFF, v15;
	v18 =	vld [tilespmem:s18+$0x40]  }
0x448: {  	[tilespmem:v22+s29+$0x0] =	vst.idx.msk $0xffff, v17;
	v16 =	vsel vm12, v12, v16  }
0x449: {  	v19 =	vadd.s32 s6, v5;
	v17 =	vld [tilespmem:s30+$0xFFFFFF90];
	[tilespmem:v23+s29+$0x0] =	vst.idx.msk $0xffff, v16  }
0x44a: {  	vm13 =	veq.s32 v20, v14;
	v16 =	vadd.s32 s24, v8;
	v21 =	vld [tilespmem:s18+$0xFFFFFFC0]  }
0x44b: {  	vm14 =	veq.s32 v20, v13;
	v20 =	vnsel vm13, $0xFFFFFFFF, v15  }
0x44c: {  	v20 =	vsel vm14, v12, v20;
	v23 =	vadd.s32 s19, v5;
	vm15 =	veq.s32 v18, v14  }
0x44d: {  	v22 =	vadd.s32 s17, v8;
	vm4 =	veq.s32 v18, v13;
	v18 =	vnsel vm15, $0xFFFFFFFF, v15  }
0x44e: {  	[tilespmem:v19+s29+$0x0] =	vst.idx.msk $0xffff, v20;
	vm5 =	veq.s32 v17, v14;
	v18 =	vsel vm4, v12, v18  }
0x44f: {  	vm6 =	veq.s32 v17, v13;
	v17 =	vld [tilespmem:s30+$0x20];
	vm7 =	veq.s32 v21, v14;
	[tilespmem:v16+s29+$0x0] =	vst.idx.msk $0xffff, v18;
	v16 =	vnsel vm5, $0xFFFFFFFF, v15  }
0x450: {  	vm8 =	veq.s32 v21, v13;
	v18 =	vnsel vm7, $0xFFFFFFFF, v15;
	v16 =	vsel vm6, v12, v16;
	v20 =	vld [tilespmem:s18+$0x50]  }
0x451: {  	[tilespmem:v23+s29+$0x0] =	vst.idx.msk $0xffff, v16;
	v16 =	vsel vm8, v12, v18  }
0x452: {  	v23 =	vadd.s32 s6, v6;
	v21 =	vld [tilespmem:s30+$0xFFFFFFA0];
	[tilespmem:v22+s29+$0x0] =	vst.idx.msk $0xffff, v16  }
0x453: {  	v26 =	vadd.s32 s24, v9;
	v18 =	vadd.s32 s17, v9;
	v19 =	vld [tilespmem:s18+$0xFFFFFFD0]  }
0x454: {  	v16 =	vadd.s32 s17, v10;
	v22 =	vadd.s32 s19, v6;
	vm9 =	veq.s32 v17, v14  }
0x455: {  	s20 =	simm.s32 $0x6680;
	vm10 =	veq.s32 v17, v13;
	v17 =	vnsel vm9, $0xFFFFFFFF, v15;
	vm11 =	veq.s32 v20, v14  }
0x456: {  	v25 =	vld [tilespmem:s20+$0x0];
	v27 =	vsel vm10, v12, v17;
	vm12 =	veq.s32 v20, v13;
	v20 =	vnsel vm11, $0xFFFFFFFF, v15  }
0x457: {  	v24 =	vld [tilespmem:s20+$0xFFFFFF80];
	v17 =	vadd.s32 s19, v8;
	[tilespmem:v23+s29+$0x0] =	vst.idx.msk $0xffff, v27;
	vm13 =	veq.s32 v21, v14;
	v20 =	vsel vm12, v12, v20  }
0x458: {  	s21 =	simm.s32 $0x5;
	vm14 =	veq.s32 v21, v13;
	v23 =	vld [tilespmem:s30+$0x30];
	v21 =	vnsel vm13, $0xFFFFFFFF, v15;
	vm15 =	veq.s32 v19, v14;
	[tilespmem:v26+s29+$0x0] =	vst.idx.msk $0xffff, v20  }
0x459: {  	s7 =	simm.s32 $0x4;
	s26 =	simm.s32 $0x6;
	v27 =	vadd.s32 s21, v0;
	v26 =	vsel vm14, v12, v21;
	v21 =	vnsel vm15, $0xFFFFFFFF, v15;
	v20 =	vld [tilespmem:s18+$0x60]  }
.LBB2_8:
0x45a: {  	p0 =	slt.u32 s26, $0xC6;
	v28 =	vadd.s32 s7, v0;
	[tilespmem:v22+s29+$0x0] =	vst.idx.msk $0xffff, v26;
	v22 =	vadd.s32 s19, v7;
	vm0 =	veq.s32 v19, v13  }
0x45b: {  	v26 =	vadd.s32 s6, v7;
	vm1 =	veq.s32 v25, v14;
	v19 =	vld [tilespmem:s30+$0xFFFFFFB0];
	v21 =	vsel vm0, v12, v21  }
0x45c: {  	vm0 =	veq.s32 v25, v13;
	v25 =	vnsel vm1, $0xFFFFFFFF, v15;
	[tilespmem:v18+s29+$0x0] =	vst.idx.msk $0xffff, v21;
	v18 =	vadd.s32 s24, v10  }
0x45d: {  	vm1 =	veq.s32 v24, v14;
	v21 =	vsel vm0, v12, v25;
	vm0 =	veq.s32 v23, v14;
	v25 =	vld [tilespmem:s18+$0xFFFFFFE0]  }
0x45e: {  	vm2 =	veq.s32 v23, v13;
	[tilespmem:v27+s29+$0x0] =	vst.idx.msk $0xffff, v21;
	v21 =	vnsel vm0, $0xFFFFFFFF, v15;
	vm0 =	veq.s32 v20, v14  }
0x45f: {  	v23 =	vld [tilespmem:s20+$0x10];
	v21 =	vsel vm2, v12, v21;
	vm2 =	veq.s32 v20, v13;
	v20 =	vnsel vm0, $0xFFFFFFFF, v15  }
0x460: {  	vm0 =	veq.s32 v24, v13;
	v24 =	vnsel vm1, $0xFFFFFFFF, v15;
	[tilespmem:v26+s29+$0x0] =	vst.idx.msk $0xffff, v21;
	v20 =	vsel vm2, v12, v20  }
0x461: {  	v21 =	vsel vm0, v12, v24;
	v24 =	vadd.s32 s7, v5;
	vm0 =	veq.s32 v19, v14;
	v26 =	vld [tilespmem:s30+$0x40];
	[tilespmem:v18+s29+$0x0] =	vst.idx.msk $0xffff, v20  }
0x462: {  	vm1 =	veq.s32 v19, v13;
	v18 =	vnsel vm0, $0xFFFFFFFF, v15;
	[tilespmem:v28+s29+$0x0] =	vst.idx.msk $0xffff, v21;
	vm0 =	veq.s32 v25, v14;
	v19 =	vld [tilespmem:s18+$0x70]  }
0x463: {  	v21 =	vadd.s32 s21, v5;
	v18 =	vsel vm1, v12, v18;
	v20 =	vld [tilespmem:s20+$0xFFFFFF90];
	v27 =	vnsel vm0, $0xFFFFFFFF, v15  }
0x464: {  	vm1 =	veq.s32 v25, v13;
	vm0 =	veq.s32 v23, v14;
	[tilespmem:v22+s29+$0x0] =	vst.idx.msk $0xffff, v18;
	v18 =	vadd.s32 s6, v8  }
0x465: {  	v25 =	vadd.s32 s24, v11;
	s24 =	smov.u32 s6;
	vm2 =	veq.s32 v23, v13;
	s6 =	smov.u32 s21;
	v22 =	vnsel vm0, $0xFFFFFFFF, v15;
	v23 =	vld [tilespmem:s30+$0xFFFFFFC0]  }
0x466: {  	v27 =	vsel vm1, v12, v27;
	v22 =	vsel vm2, v12, v22;
	vm0 =	veq.s32 v26, v14  }
0x467: {  	vm1 =	veq.s32 v26, v13;
	v26 =	vnsel vm0, $0xFFFFFFFF, v15;
	[tilespmem:v16+s29+$0x0] =	vst.idx.msk $0xffff, v27;
	vm0 =	veq.s32 v19, v14  }
0x468: {  	[tilespmem:v21+s29+$0x0] =	vst.idx.msk $0xffff, v22;
	v16 =	vsel vm1, v12, v26;
	v21 =	vld [tilespmem:s18+$0xFFFFFFF0];
	vm1 =	veq.s32 v19, v13;
	v19 =	vnsel vm0, $0xFFFFFFFF, v15;
	s18 =	smov.u32 s30;
	s30 =	smov.u32 s20  }
0x469: {  	vm0 =	veq.s32 v20, v14;
	v26 =	vadd.s32 s17, v11;
	s17 =	smov.u32 s19;
	s19 =	smov.u32 s7;
	s7 =	smov.u32 s26;
	[tilespmem:v18+s29+$0x0] =	vst.idx.msk $0xffff, v16;
	v16 =	vsel vm1, v12, v19  }
0x46a: {  	vm1 =	veq.s32 v20, v13;
	v18 =	vnsel vm0, $0xFFFFFFFF, v15;
	v20 =	vld [tilespmem:s20+$0x20];
	vm0 =	veq.s32 v23, v14;
	[tilespmem:v25+s29+$0x0] =	vst.idx.msk $0xffff, v16  }
0x46b: {  	v16 =	vsel vm1, v12, v18;
	vm1 =	veq.s32 v23, v13;
	v18 =	vnsel vm0, $0xFFFFFFFF, v15;
	v23 =	vld [tilespmem:s18+$0x50]  }
0x46c: {  	[tilespmem:v24+s29+$0x0] =	vst.idx.msk $0xffff, v16;
	v18 =	vsel vm1, v12, v18;
	v16 =	vadd.s32 s17, v10  }
0x46d: {  	v28 =	vadd.s32 s6, v6;
	v27 =	vld [tilespmem:s20+$0xFFFFFFA0];
	[tilespmem:v17+s29+$0x0] =	vst.idx.msk $0xffff, v18;
	vm0 =	veq.s32 v21, v13;
	vm1 =	veq.s32 v21, v14  }
0x46e: {  	v18 =	vadd.s32 s17, v9;
	v21 =	vadd.s32 s24, v9;
	v19 =	vld [tilespmem:s18+$0xFFFFFFD0];
	v17 =	vnsel vm1, $0xFFFFFFFF, v15  }
0x46f: {  	v22 =	vadd.s32 s19, v6;
	vm1 =	veq.s32 v20, v14;
	v17 =	vsel vm0, v12, v17  }
.Ltmp3:
0x470: {  	s20 =	sadd.s32 $0x100, s20;
	vm0 =	veq.s32 v20, v13;
	v20 =	vnsel vm1, $0xFFFFFFFF, v15;
	vm1 =	veq.s32 v23, v14;
	[tilespmem:v26+s29+$0x0] =	vst.idx.msk $0xffff, v17;
	(pc) =	sbr.rel @p0 .LBB2_8-.Ltmp3, $4  }
0x471: {  	v25 =	vld [tilespmem:s20+$0x0];
	v20 =	vsel vm0, v12, v20;
	vm0 =	veq.s32 v23, v13;
	v23 =	vnsel vm1, $0xFFFFFFFF, v15  }
0x472: {  	v17 =	vadd.s32 s19, v8;
	v24 =	vld [tilespmem:s20+$0xFFFFFF80];
	vm1 =	veq.s32 v27, v14;
	[tilespmem:v28+s29+$0x0] =	vst.idx.msk $0xffff, v20;
	v20 =	vsel vm0, v12, v23  }
0x473: {  	s21 =	sadd.s32 $0x1, s26;
	vm0 =	veq.s32 v27, v13;
	v26 =	vnsel vm1, $0xFFFFFFFF, v15;
	v23 =	vld [tilespmem:s30+$0x30];
	vm1 =	veq.s32 v19, v14;
	[tilespmem:v21+s29+$0x0] =	vst.idx.msk $0xffff, v20  }
0x474: {  	s26 =	sadd.s32 $0x2, s26;
	v27 =	vadd.s32 s21, v0;
	v26 =	vsel vm0, v12, v26;
	v21 =	vnsel vm1, $0xFFFFFFFF, v15;
	v20 =	vld [tilespmem:s18+$0x60]  }
0x475: {  	v28 =	vadd.s32 s7, v0  }
0x476: {  	vm0 =	veq.s32 v25, v14  }
0x477: {  	vm1 =	veq.s32 v25, v13;
	v52 =	vnsel vm0, $0xFFFFFFFF, v15;
	vm6 =	veq.s32 v24, v14  }
0x478: {  	vm7 =	veq.s32 v24, v13;
	v25 =	vsel vm1, v12, v52;
	v53 =	vnsel vm6, $0xFFFFFFFF, v15  }
0x479: {  	[tilespmem:v27+s29+$0x0] =	vst.idx.msk $0xffff, v25;
	v24 =	vsel vm7, v12, v53  }
0x47a: {  	v25 =	vld [tilespmem:s20+$0x10];
	[tilespmem:v28+s29+$0x0] =	vst.idx.msk $0xffff, v24  }
0x47b: {  	v24 =	vld [tilespmem:s20+$0xFFFFFF90];
	_ =	sdelay $0x1  }
0x47c: {  	v54 =	vadd.s32 s21, v5  }
0x47d: {  	v55 =	vadd.s32 s7, v5  }
0x47e: {  	vm8 =	veq.s32 v25, v14  }
0x47f: {  	vm9 =	veq.s32 v25, v13;
	v56 =	vnsel vm8, $0xFFFFFFFF, v15;
	vm10 =	veq.s32 v24, v14  }
0x480: {  	vm11 =	veq.s32 v24, v13;
	v25 =	vsel vm9, v12, v56;
	v57 =	vnsel vm10, $0xFFFFFFFF, v15  }
0x481: {  	[tilespmem:v54+s29+$0x0] =	vst.idx.msk $0xffff, v25;
	v24 =	vsel vm11, v12, v57  }
0x482: {  	v25 =	vld [tilespmem:s20+$0x20];
	[tilespmem:v55+s29+$0x0] =	vst.idx.msk $0xffff, v24  }
0x483: {  	v24 =	vld [tilespmem:s20+$0xFFFFFFA0];
	_ =	sdelay $0x1  }
0x484: {  	v58 =	vadd.s32 s21, v6  }
0x485: {  	v59 =	vadd.s32 s7, v6  }
0x486: {  	vm12 =	veq.s32 v25, v14  }
0x487: {  	[tilespmem:v22+s29+$0x0] =	vst.idx.msk $0xffff, v26;
	vm13 =	veq.s32 v25, v13;
	v60 =	vnsel vm12, $0xFFFFFFFF, v15;
	vm14 =	veq.s32 v24, v14  }
0x488: {  	v61 =	vld [tilespmem:s30+$0xFFFFFFB0];
	vm15 =	veq.s32 v24, v13;
	v22 =	vsel vm13, v12, v60;
	v62 =	vnsel vm14, $0xFFFFFFFF, v15  }
0x489: {  	[tilespmem:v58+s29+$0x0] =	vst.idx.msk $0xffff, v22;
	v22 =	vsel vm15, v12, v62  }
0x48a: {  	v63 =	vadd.s32 s6, v7;
	v32 =	vld [tilespmem:s20+$0x30];
	[tilespmem:v59+s29+$0x0] =	vst.idx.msk $0xffff, v22  }
0x48b: {  	v33 =	vadd.s32 s19, v7;
	v22 =	vld [tilespmem:s20+$0xFFFFFFB0]  }
0x48c: {  	v35 =	vadd.s32 s21, v7;
	v38 =	vadd.s32 s7, v7;
	vm4 =	veq.s32 v23, v14  }
0x48d: {  	vm5 =	veq.s32 v23, v13;
	v34 =	vnsel vm4, $0xFFFFFFFF, v15;
	vm6 =	veq.s32 v61, v14  }
0x48e: {  	v23 =	vsel vm5, v12, v34;
	vm7 =	veq.s32 v61, v13;
	v36 =	vnsel vm6, $0xFFFFFFFF, v15  }
0x48f: {  	[tilespmem:v63+s29+$0x0] =	vst.idx.msk $0xffff, v23;
	v37 =	vsel vm7, v12, v36;
	vm8 =	veq.s32 v32, v14  }
0x490: {  	v39 =	vld [tilespmem:s30+$0x40];
	[tilespmem:v33+s29+$0x0] =	vst.idx.msk $0xffff, v37;
	vm9 =	veq.s32 v32, v13;
	v40 =	vnsel vm8, $0xFFFFFFFF, v15;
	vm10 =	veq.s32 v22, v14  }
0x491: {  	v41 =	vld [tilespmem:s30+$0xFFFFFFC0];
	vm11 =	veq.s32 v22, v13;
	v23 =	vsel vm9, v12, v40;
	v42 =	vnsel vm10, $0xFFFFFFFF, v15  }
0x492: {  	[tilespmem:v35+s29+$0x0] =	vst.idx.msk $0xffff, v23;
	v22 =	vsel vm11, v12, v42  }
0x493: {  	v43 =	vadd.s32 s6, v8;
	v44 =	vld [tilespmem:s20+$0x40];
	[tilespmem:v38+s29+$0x0] =	vst.idx.msk $0xffff, v22  }
0x494: {  	v22 =	vld [tilespmem:s20+$0xFFFFFFC0]  }
0x495: {  	v46 =	vadd.s32 s21, v8;
	v49 =	vadd.s32 s7, v8;
	vm12 =	veq.s32 v39, v14  }
0x496: {  	vm13 =	veq.s32 v39, v13;
	v45 =	vnsel vm12, $0xFFFFFFFF, v15;
	vm14 =	veq.s32 v41, v14  }
0x497: {  	v24 =	vsel vm13, v12, v45;
	vm15 =	veq.s32 v41, v13;
	v47 =	vnsel vm14, $0xFFFFFFFF, v15  }
0x498: {  	v31 =	vadd.s32 s7, v9;
	[tilespmem:v43+s29+$0x0] =	vst.idx.msk $0xffff, v24;
	v48 =	vsel vm15, v12, v47;
	vm4 =	veq.s32 v44, v14  }
0x499: {  	v50 =	vld [tilespmem:s30+$0x50];
	[tilespmem:v17+s29+$0x0] =	vst.idx.msk $0xffff, v48;
	vm2 =	veq.s32 v44, v13;
	v51 =	vnsel vm4, $0xFFFFFFFF, v15;
	vm6 =	veq.s32 v22, v14  }
0x49a: {  	v23 =	vld [tilespmem:s30+$0xFFFFFFD0];
	vm7 =	veq.s32 v22, v13;
	v17 =	vsel vm2, v12, v51;
	v53 =	vnsel vm6, $0xFFFFFFFF, v15  }
0x49b: {  	v52 =	vadd.s32 s24, v10;
	vm5 =	veq.s32 v19, v13;
	[tilespmem:v46+s29+$0x0] =	vst.idx.msk $0xffff, v17;
	v17 =	vsel vm7, v12, v53  }
0x49c: {  	v21 =	vsel vm5, v12, v21;
	v54 =	vadd.s32 s6, v9;
	vm8 =	veq.s32 v20, v14;
	v55 =	vld [tilespmem:s20+$0x50];
	[tilespmem:v49+s29+$0x0] =	vst.idx.msk $0xffff, v17  }
0x49d: {  	v57 =	vadd.s32 s19, v9;
	vm9 =	veq.s32 v20, v13;
	v56 =	vnsel vm8, $0xFFFFFFFF, v15;
	v59 =	vld [tilespmem:s20+$0xFFFFFFD0]  }
0x49e: {  	[tilespmem:v18+s29+$0x0] =	vst.idx.msk $0xffff, v21;
	v62 =	vadd.s32 s21, v9;
	vm10 =	veq.s32 v50, v14;
	v58 =	vsel vm9, v12, v56  }
0x49f: {  	v60 =	vld [tilespmem:s18+$0xFFFFFFE0];
	vm11 =	veq.s32 v50, v13;
	v61 =	vnsel vm10, $0xFFFFFFFF, v15;
	vm12 =	veq.s32 v23, v14  }
0x4a0: {  	[tilespmem:v52+s29+$0x0] =	vst.idx.msk $0xffff, v58;
	v63 =	vsel vm11, v12, v61;
	vm13 =	veq.s32 v23, v13;
	v28 =	vnsel vm12, $0xFFFFFFFF, v15  }
0x4a1: {  	v39 =	vadd.s32 s19, v10;
	v29 =	vld [tilespmem:s18+$0x70];
	[tilespmem:v54+s29+$0x0] =	vst.idx.msk $0xffff, v63;
	v30 =	vsel vm13, v12, v28;
	vm14 =	veq.s32 v55, v14  }
0x4a2: {  	v32 =	vld [tilespmem:s30+$0x60];
	[tilespmem:v57+s29+$0x0] =	vst.idx.msk $0xffff, v30;
	vm15 =	veq.s32 v55, v13;
	v33 =	vnsel vm14, $0xFFFFFFFF, v15;
	vm4 =	veq.s32 v59, v14  }
0x4a3: {  	v34 =	vld [tilespmem:s30+$0xFFFFFFE0];
	vm6 =	veq.s32 v59, v13;
	v17 =	vsel vm15, v12, v33;
	v35 =	vnsel vm4, $0xFFFFFFFF, v15  }
0x4a4: {  	v43 =	vadd.s32 s7, v10;
	vm5 =	veq.s32 v60, v14;
	[tilespmem:v62+s29+$0x0] =	vst.idx.msk $0xffff, v17;
	v17 =	vsel vm6, v12, v35  }
0x4a5: {  	v36 =	vnsel vm5, $0xFFFFFFFF, v15;
	v42 =	vadd.s32 s21, v10;
	v38 =	vadd.s32 s6, v10;
	v37 =	vld [tilespmem:s20+$0x60];
	[tilespmem:v31+s29+$0x0] =	vst.idx.msk $0xffff, v17  }
0x4a6: {  	v50 =	vadd.s32 s17, v11;
	v54 =	vadd.s32 s6, v11;
	vm8 =	veq.s32 v29, v14;
	v18 =	vld [tilespmem:s20+$0xFFFFFFE0]  }
0x4a7: {  	vm9 =	veq.s32 v32, v14;
	vm10 =	veq.s32 v32, v13;
	vm7 =	veq.s32 v60, v13  }
0x4a8: {  	v40 =	vnsel vm9, $0xFFFFFFFF, v15;
	v19 =	vsel vm7, v12, v36;
	vm11 =	veq.s32 v34, v14  }
0x4a9: {  	[tilespmem:v16+s29+$0x0] =	vst.idx.msk $0xffff, v19;
	v16 =	vsel vm10, v12, v40;
	vm12 =	veq.s32 v34, v13;
	v41 =	vnsel vm11, $0xFFFFFFFF, v15  }
0x4aa: {  	v51 =	vnsel vm8, $0xFFFFFFFF, v15;
	v19 =	vld [tilespmem:s18+$0xFFFFFFF0];
	[tilespmem:v38+s29+$0x0] =	vst.idx.msk $0xffff, v16;
	v44 =	vsel vm12, v12, v41;
	vm13 =	veq.s32 v37, v14  }
0x4ab: {  	v47 =	vld [tilespmem:s30+$0x70];
	[tilespmem:v39+s29+$0x0] =	vst.idx.msk $0xffff, v44;
	vm14 =	veq.s32 v37, v13;
	v45 =	vnsel vm13, $0xFFFFFFFF, v15;
	vm15 =	veq.s32 v18, v14  }
0x4ac: {  	v17 =	vld [tilespmem:s30+$0xFFFFFFF0];
	vm5 =	veq.s32 v18, v13;
	v48 =	vsel vm14, v12, v45;
	v49 =	vnsel vm15, $0xFFFFFFFF, v15  }
0x4ad: {  	v57 =	vadd.s32 s21, v11;
	v46 =	vadd.s32 s24, v11;
	v20 =	vsel vm5, v12, v49;
	[tilespmem:v42+s29+$0x0] =	vst.idx.msk $0xffff, v48  }
0x4ae: {  	v55 =	vadd.s32 s19, v11;
	v59 =	vadd.s32 s7, v11;
	vm4 =	veq.s32 v29, v13;
	v53 =	vld [tilespmem:s20+$0x70];
	[tilespmem:v43+s29+$0x0] =	vst.idx.msk $0xffff, v20  }
0x4af: {  	vm7 =	veq.s32 v19, v13;
	vm6 =	veq.s32 v19, v14;
	v16 =	vsel vm4, v12, v51;
	v21 =	vld [tilespmem:s20+$0xFFFFFFF0]  }
0x4b0: {  	vm8 =	veq.s32 v47, v14;
	vm9 =	veq.s32 v47, v13;
	v52 =	vnsel vm6, $0xFFFFFFFF, v15  }
0x4b1: {  	v56 =	vnsel vm8, $0xFFFFFFFF, v15;
	v19 =	vsel vm7, v12, v52;
	vm10 =	veq.s32 v17, v14  }
0x4b2: {  	[tilespmem:v46+s29+$0x0] =	vst.idx.msk $0xffff, v16;
	v16 =	vsel vm9, v12, v56;
	vm11 =	veq.s32 v17, v13;
	v58 =	vnsel vm10, $0xFFFFFFFF, v15  }
0x4b3: {  	[tilespmem:v50+s29+$0x0] =	vst.idx.msk $0xffff, v19;
	v17 =	vsel vm11, v12, v58;
	vm12 =	veq.s32 v53, v14  }
0x4b4: {  	[tilespmem:v54+s29+$0x0] =	vst.idx.msk $0xffff, v16;
	vm13 =	veq.s32 v53, v13;
	v60 =	vnsel vm12, $0xFFFFFFFF, v15;
	vm14 =	veq.s32 v21, v14  }
0x4b5: {  	[tilespmem:v55+s29+$0x0] =	vst.idx.msk $0xffff, v17;
	vm15 =	veq.s32 v21, v13;
	v61 =	vsel vm13, v12, v60;
	v62 =	vnsel vm14, $0xFFFFFFFF, v15  }
0x4b6: {  	[tilespmem:v57+s29+$0x0] =	vst.idx.msk $0xffff, v61;
	v63 =	vsel vm15, v12, v62  }
0x4b7: {  	[tilespmem:v59+s29+$0x0] =	vst.idx.msk $0xffff, v63  }
0x4b8: {  	s26 =	rddreg [dreg:$0x16]  }
0x4b9: {  	[hbm4b:s26+s2] =	stream.linear.scatter [tilespmem:s29], [sflag:$0x2], $0x6400, $0x38;
	[tilespmem:$0x19080] =	vst v63  }
0x4ba: {  	_ =	swait.ge [sflag:s16], $0x6400  }
0x4bb: {  	[sflag:s16] =	ssyncset.done $0x0  }
0x4bc: {  	[sflag:s16] =	ssyncadd.s32 $0xFFFF9C00  }
0x4bd: {  	_ =	swait.ge [sflag:s16], $0x6400  }
0x4be: {  	s5 =	sadd.s32 $0x1, s5;
	s30 =	rddreg [dreg:$0x18]  }
0x4bf: {  	p0 =	sne.s32 s5, s30  }
.Ltmp4:
0x4c0: {  	_ = 	snop;
	(pc) =	sbr.rel @p0 .LBB2_1-.Ltmp4, $3  }
0x4c1: {  	_ =	sdelay $0x1  }
0x4c2: {  	[sflag:s16] =	ssyncset.done $0x0  }
0x4c3: {  	[sflag:s16] =	ssyncadd.s32 $0xFFFF9C00  }
0x4c4: {  	_ =	sfence.sel $0x180000  }
0x4c5: {  	[bflag:$0x0] =	sbarrier.arrive $0xFFFF  }
0x4c6: {  	_ =	strace $0x90000047  }
0x4c7: {  	s0 =	stileid.u32;
	[bflag:$0x2] =	sbarrier.arrive $0xFFFF  }
0x4c8: {  	p0 =	sne.s32 s0, $0x0;
	s0 =	rddreg [dreg:$0x2]  }
0x4c9: {  	s0 =	sadd.s32 @!p0 $0x100000, s0  }
0x4ca: {  	[sflag:s0] =	ssyncadd.tile.s32 @!p0 $0x1;
	_ =	shalt  }
.Lfunc_end2:
_tile_overlayer_lowered:
.L_overlay_start_2:
0x4cb: {  	(tag) =	ssettag $0x2  }
0x4cc: {  	s0 =	rddreg [dreg:$0x0];
	s2 =	stileid.u32  }
0x4cd: {  	s1 =	rddreg [dreg:$0x1];
	p0 =	sne.s32 s2, $0x0  }
0x4ce: {  	s3 =	rddreg [dreg:$0x2];
	[bflag:$0x3] =	sbarrier.arrive $0xFFFF;
	s2 =	simm.s32 @!p0 $0x1C03  }
0x4cf: {  	[timem:s3], [sflag:s2] =	dma.local @!p0 [hbm:s0], s1  }
0x4d0: {  	s0 =	simm.s32 @!p0 $0x3  }
0x4d1: {  	_ =	swait.ge @!p0 [sflag:s0], s1  }
0x4d2: {  	s1 =	ssub.s32 @!p0 $0x0, s1;
	[sflag:s0] =	ssyncset.done @!p0 $0x0  }
0x4d3: {  	[sflag:s0] =	ssyncadd.s32 @!p0 s1  }
0x4d4: {  	[bflag:$0x3] =	sbarrier.arrive $0xFFFF  }
0x4d5: {  	_ =	shalt  }

</sc_bundles>
